<compile_context>
chip_gen: v7x
topology: tpu7x:2x2x1
jax: 0.10.2.dev20260603
libtpu: 0.0.44.dev20260713+nightly
codegen_flags: <defaults>
</compile_context>

<pallas_src>
import functools

import jax
import jax.numpy as jnp
from jax import lax
from jax.experimental import pallas as pl
from jax.experimental.pallas import tpu as pltpu
from jax.experimental.pallas import tpu_sc as plsc

N = 10000
NP = 10112
E = 320000
EP = 327680
CH = 128
NCHUNK = EP // CH
D = 128
NC = 2
NS = 16
RPT = NP // NS
W0 = 96
W1 = (NCHUNK - NS * W0) // NS
PH = 2
PC0 = W0 // PH
PC1 = W1 // PH
PCM = max(PC0, PC1)
T_CHUNKS = NCHUNK // NS
RB = NP // 4
G = NP // RB

_mesh = plsc.VectorSubcoreMesh(
    core_axis_name="c", subcore_axis_name="s", num_cores=NC, num_subcores=NS)


@functools.partial(
    pl.kernel,
    out_type=jax.ShapeDtypeStruct((NC * NP, D), jnp.float32),
    mesh=_mesh,
    scratch_types=[
        pltpu.VMEM_SHARED((NP, D), jnp.float32),
        pltpu.VMEM((T_CHUNKS, CH), jnp.int32),
        pltpu.VMEM((CH, D), jnp.float32),
        pltpu.SemaphoreType.DMA,
    ],
)
def _deg_kernel(edges_hbm, out_hbm, acc, idx_v, ones_v, sem):
    c = lax.axis_index("c")
    s = lax.axis_index("s")

    def fill(val):
        def body(i, carry):
            for k in range(D // 16):
                ones_v[i, pl.ds(k * 16, 16)] = jnp.full((16,), val, jnp.float32)
            return carry
        lax.fori_loop(0, CH, body, 0)

    base = s * RPT
    fill(0.0)
    for k in range(RPT // CH):
        pltpu.sync_copy(ones_v, acc.at[pl.ds(base + k * CH, CH)])
    rem = RPT - (RPT // CH) * CH
    pltpu.sync_copy(ones_v.at[pl.ds(0, rem)],
                    acc.at[pl.ds(base + (RPT // CH) * CH, rem)])
    fill(1.0)
    start = c * NCHUNK + s * T_CHUNKS
    pltpu.sync_copy(edges_hbm.at[pl.ds(start, T_CHUNKS)], idx_v)
    plsc.subcore_barrier()

    depth = 8

    def fire(j):
        pltpu.async_copy(ones_v, acc.at[idx_v.at[j]], sem, add=True)

    def drain():
        pltpu.make_async_copy(ones_v, acc.at[idx_v.at[0]], sem).wait()

    for j in range(depth):
        fire(j)

    def body(j, carry):
        drain()
        fire(j + depth)
        return carry

    lax.fori_loop(0, T_CHUNKS - depth, body, 0)
    for _ in range(depth):
        drain()
    plsc.subcore_barrier()
    pltpu.sync_copy(acc.at[pl.ds(base, RPT)],
                    out_hbm.at[pl.ds(c * NP + base, RPT)])


@functools.partial(
    pl.kernel,
    out_type=jax.ShapeDtypeStruct((NC, NP, D), jnp.float32),
    mesh=_mesh,
    scratch_types=[
        pltpu.VMEM_SHARED((NP, D), jnp.float32),
        pltpu.VMEM((PCM, CH), jnp.int32),
        pltpu.VMEM((PCM, CH), jnp.int32),
        pltpu.VMEM((CH, D), jnp.float32),
        pltpu.VMEM((CH, D), jnp.float32),
        pltpu.SemaphoreType.DMA,
        pltpu.SemaphoreType.DMA,
        pltpu.SemaphoreType.DMA,
        pltpu.SemaphoreType.DMA,
    ],
)
def _spmm_kernel(y_hbm, srcs_hbm, dsts_hbm, out_hbm, acc, idx_s, idx_d,
                 r0, r1, sg0, sg1, ss0, ss1):
    c = lax.axis_index("c")
    s = lax.axis_index("s")
    rows = (r0, r1)
    semg = (sg0, sg1)
    sems = (ss0, ss1)

    def fill_zero(i, carry):
        for k in range(D // 16):
            r0[i, pl.ds(k * 16, 16)] = jnp.zeros((16,), jnp.float32)
        return carry

    lax.fori_loop(0, CH, fill_zero, 0)
    base = s * RPT
    for k in range(RPT // CH):
        pltpu.sync_copy(r0, acc.at[pl.ds(base + k * CH, CH)])
    rem = RPT - (RPT // CH) * CH
    pltpu.sync_copy(r0.at[pl.ds(0, rem)],
                    acc.at[pl.ds(base + (RPT // CH) * CH, rem)])

    plsc.subcore_barrier()

    def sgather(j, b, sem):
        pltpu.async_copy(y_hbm.at[idx_s.at[j]], rows[b], sem)

    def wgather(b, sem):
        pltpu.make_async_copy(y_hbm.at[idx_s.at[0]], rows[b], sem).wait()

    def sscatter(j, b, sem):
        pltpu.async_copy(rows[b], acc.at[idx_d.at[j]], sem, add=True)

    def wscatter(b, sem):
        pltpu.make_async_copy(rows[b], acc.at[idx_d.at[0]], sem).wait()

    def run(pc, start):
        for ph in range(PH):
            pltpu.sync_copy(srcs_hbm.at[pl.ds(start + ph * pc, pc)],
                            idx_s.at[pl.ds(0, pc)])
            pltpu.sync_copy(dsts_hbm.at[pl.ds(start + ph * pc, pc)],
                            idx_d.at[pl.ds(0, pc)])
            sgather(0, 0, sg0)
            sgather(1, 1, sg1)

            def body(t, carry):
                for p in range(2):
                    j = 2 * t + p
                    wgather(p, semg[p])
                    sscatter(j, p, sems[p])
                    wscatter(p, sems[p])
                    sgather(jnp.minimum(j + 2, pc - 1), p, semg[p])
                return carry

            lax.fori_loop(0, pc // 2, body, 0)
            wgather(0, sg0)
            wgather(1, sg1)

    @pl.when(c == 0)
    def _core0():
        run(PC0, s * W0)

    @pl.when(c == 1)
    def _core1():
        run(PC1, NS * W0 + s * W1)

    plsc.subcore_barrier()
    pltpu.sync_copy(acc.at[pl.ds(base, RPT)], out_hbm.at[c, pl.ds(base, RPT)])


def _norms(deg_blk):
    d_src = jnp.sum(deg_blk[0], axis=1) * (1.0 / D)
    d_dst = jnp.sum(deg_blk[1], axis=1) * (1.0 / D)
    n_src = lax.rsqrt(jnp.maximum(d_src, 1.0))
    n_dst = lax.rsqrt(jnp.maximum(d_dst, 1.0))
    return n_src, n_dst


def _tc0_body(f_ref, w_ref, o_ref):
    o_ref[...] = jnp.dot(f_ref[...], w_ref[...],
                         preferred_element_type=jnp.float32)


def _tcs_body(y_ref, deg_ref, o_ref):
    n_src, _ = _norms(deg_ref[...])
    o_ref[...] = n_src[:, None] * y_ref[...]


def _tc2_body(r_ref, deg_ref, b_ref, w_ref, o_ref):
    i = pl.program_id(0)
    n_src, n_dst = _norms(deg_ref[...])
    h = jnp.maximum(n_dst[:, None] * (r_ref[0] + r_ref[1]) + b_ref[...], 0.0)
    rowid = lax.broadcasted_iota(jnp.int32, (RB, 1), 0) + i * RB
    h = jnp.where(rowid < N, h, 0.0)
    y = jnp.dot(h, w_ref[...], preferred_element_type=jnp.float32)
    o_ref[...] = n_src[:, None] * y


def _tc3_body(r_ref, deg_ref, b_ref, wf1_ref, bf1_ref, wf2_ref, bf2_ref,
              o_ref, acc_ref):
    i = pl.program_id(0)
    _, n_dst = _norms(deg_ref[...])
    h = jnp.maximum(n_dst[:, None] * (r_ref[0] + r_ref[1]) + b_ref[...], 0.0)
    rowid = lax.broadcasted_iota(jnp.int32, (RB, 1), 0) + i * RB
    h = jnp.where(rowid < N, h, 0.0)
    part = jnp.sum(h, axis=0, keepdims=True)

    @pl.when(i == 0)
    def _init():
        acc_ref[...] = part

    @pl.when(i > 0)
    def _accum():
        acc_ref[...] = acc_ref[...] + part

    @pl.when(i == G - 1)
    def _head():
        g = acc_ref[...] * (1.0 / N)
        x = jnp.dot(g, wf1_ref[...], preferred_element_type=jnp.float32)
        x = jnp.maximum(x + bf1_ref[...], 0.0)
        z = jnp.dot(x, wf2_ref[...], preferred_element_type=jnp.float32)
        z = z + bf2_ref[...]
        lane = lax.broadcasted_iota(jnp.int32, (1, D), 1)
        zm = jnp.where(lane < 10, z, -1e30)
        zmax = jnp.max(zm, axis=1, keepdims=True)
        ez = jnp.exp(zm - zmax)
        o_ref[...] = ez / jnp.sum(ez, axis=1, keepdims=True)


def _tc0(feats_p, W1):
    return pl.pallas_call(
        _tc0_body,
        grid=(G,),
        in_specs=[
            pl.BlockSpec((RB, D), lambda i: (i, 0)),
            pl.BlockSpec((D, D), lambda i: (0, 0)),
        ],
        out_specs=pl.BlockSpec((RB, D), lambda i: (i, 0)),
        out_shape=jax.ShapeDtypeStruct((NP, D), jnp.float32),
    )(feats_p, W1)


def _tcs(yraw, degp):
    return pl.pallas_call(
        _tcs_body,
        grid=(G,),
        in_specs=[
            pl.BlockSpec((RB, D), lambda i: (i, 0)),
            pl.BlockSpec((2, RB, D), lambda i: (0, i, 0)),
        ],
        out_specs=pl.BlockSpec((RB, D), lambda i: (i, 0)),
        out_shape=jax.ShapeDtypeStruct((NP, D), jnp.float32),
    )(yraw, degp)


def _tc2(r1, degp, b1, W2):
    return pl.pallas_call(
        _tc2_body,
        grid=(G,),
        in_specs=[
            pl.BlockSpec((2, RB, D), lambda i: (0, i, 0)),
            pl.BlockSpec((2, RB, D), lambda i: (0, i, 0)),
            pl.BlockSpec((1, D), lambda i: (0, 0)),
            pl.BlockSpec((D, D), lambda i: (0, 0)),
        ],
        out_specs=pl.BlockSpec((RB, D), lambda i: (i, 0)),
        out_shape=jax.ShapeDtypeStruct((NP, D), jnp.float32),
    )(r1, degp, b1, W2)


def _tc3(r2, degp, b2, Wf1p, bf1p, Wf2p, bf2p):
    return pl.pallas_call(
        _tc3_body,
        grid=(G,),
        in_specs=[
            pl.BlockSpec((2, RB, D), lambda i: (0, i, 0)),
            pl.BlockSpec((2, RB, D), lambda i: (0, i, 0)),
            pl.BlockSpec((1, D), lambda i: (0, 0)),
            pl.BlockSpec((D, D), lambda i: (0, 0)),
            pl.BlockSpec((1, D), lambda i: (0, 0)),
            pl.BlockSpec((D, D), lambda i: (0, 0)),
            pl.BlockSpec((1, D), lambda i: (0, 0)),
        ],
        out_specs=pl.BlockSpec((1, D), lambda i: (0, 0)),
        out_shape=jax.ShapeDtypeStruct((1, D), jnp.float32),
        scratch_shapes=[pltpu.VMEM((1, D), jnp.float32)],
    )(r2, degp, b2, Wf1p, bf1p, Wf2p, bf2p)


def kernel(feats, edge_index, W1, b1, W2, b2, Wf1, bf1, Wf2, bf2):
    src = edge_index[0]
    dst = edge_index[1]
    pad = jnp.full((EP - E,), N, dtype=jnp.int32)
    srcs = jnp.concatenate([src, pad]).reshape(NCHUNK, CH)
    dsts = jnp.concatenate([dst, pad]).reshape(NCHUNK, CH)
    edges2d = jnp.concatenate([srcs, dsts], axis=0)
    degp = _deg_kernel(edges2d).reshape(NC, NP, D)

    feats_p = jnp.pad(feats, ((0, NP - N), (0, 0)))
    yraw = _tc0(feats_p, W1)
    y1 = _tcs(yraw, degp)
    r1 = _spmm_kernel(y1, srcs, dsts)
    y2 = _tc2(r1, degp, b1.reshape(1, D), W2)
    r2 = _spmm_kernel(y2, srcs, dsts)

    Wf1p = jnp.zeros((D, D), jnp.float32).at[:, :10].set(Wf1)
    bf1p = jnp.zeros((1, D), jnp.float32).at[0, :10].set(bf1)
    Wf2p = jnp.zeros((D, D), jnp.float32).at[:10, :10].set(Wf2)
    bf2p = jnp.zeros((1, D), jnp.float32).at[0, :10].set(bf2)
    out = _tc3(r2, degp, b2.reshape(1, D), Wf1p, bf1p, Wf2p, bf2p)
    return out[:, :10]

# --- scband reference (transcript-rebuilt; emitter-appended) ---
"""Pipeline reference for scband-model-16045997818200 (READ-ONLY COPY).

The authoritative reference and input builder live on the scoring server;
editing this copy changes nothing except your own understanding.
"""

import jax, jax.numpy as jnp
import numpy as np

N_NODES = 10000
N_EDGES = 320000
D_IN = 128
D_H = 128
D_OUT = 128
N_CLASS = 10


def graph_conv(x, src, dst, W, b):
    # DGL GraphConv with norm='both': symmetric degree normalization
    ones = jnp.ones((src.shape[0],), dtype=x.dtype)
    deg_out = jax.ops.segment_sum(ones, src, num_segments=N_NODES)
    deg_in = jax.ops.segment_sum(ones, dst, num_segments=N_NODES)
    norm_src = jnp.where(deg_out > 0, deg_out, 1.0) ** -0.5
    norm_dst = jnp.where(deg_in > 0, deg_in, 1.0) ** -0.5
    h = x * norm_src[:, None]
    msgs = jnp.take(h, src, axis=0)
    agg = jax.ops.segment_sum(msgs, dst, num_segments=N_NODES)
    h = agg * norm_dst[:, None]
    return h @ W + b


def setup_inputs(seed: int = 0) -> dict:
    key = jax.random.key(seed)
    ks = jax.random.split(key, 12)
    feats = jax.random.normal(ks[0], (N_NODES, D_IN), dtype=jnp.float32)
    edge_index = jax.random.randint(ks[1], (2, N_EDGES), 0, N_NODES, dtype=jnp.int32)
    W1 = jax.random.normal(ks[2], (D_IN, D_H), dtype=jnp.float32) * 0.05
    b1 = jnp.zeros((D_H,), dtype=jnp.float32)
    W2 = jax.random.normal(ks[3], (D_H, D_OUT), dtype=jnp.float32) * 0.05
    b2 = jnp.zeros((D_OUT,), dtype=jnp.float32)
    Wf1 = jax.random.normal(ks[4], (D_OUT, 10), dtype=jnp.float32) * 0.05
    bf1 = jnp.zeros((10,), dtype=jnp.float32)
    Wf2 = jax.random.normal(ks[5], (10, N_CLASS), dtype=jnp.float32) * 0.05
    bf2 = jnp.zeros((N_CLASS,), dtype=jnp.float32)
    return {"feats": feats, "edge_index": edge_index, "W1": W1, "b1": b1,
            "W2": W2, "b2": b2, "Wf1": Wf1, "bf1": bf1, "Wf2": Wf2, "bf2": bf2}


def reference(feats, edge_index, W1, b1, W2, b2, Wf1, bf1, Wf2, bf2):
    src = edge_index[0]
    dst = edge_index[1]
    # GCN: two GraphConv layers with ReLU, then mean over all nodes (dgl.mean_nodes, single graph)
    h = jax.nn.relu(graph_conv(feats, src, dst, W1, b1))
    h = jax.nn.relu(graph_conv(h, src, dst, W2, b2))
    g_readout = jnp.mean(h, axis=0, keepdims=True)  # [1, D_OUT]
    # MLP head
    x = jax.nn.relu(g_readout @ Wf1 + bf1)
    out = jax.nn.softmax(x @ Wf2 + bf2, axis=1)
    return out

if __name__ == "__main__":
    import jax
    _d = setup_inputs()
    print(jax.jit(kernel)(*tuple(_d.values())))

</pallas_src>

<mosaic_0001>
#map = affine_map<(d0, d1) -> (0, 0)>
#map1 = affine_map<(d0, d1) -> (0, 0, 0)>
module attributes {stable_mosaic.version = 14 : i64} {
  func.func @_spmm_kernel(%arg0: i32, %arg1: i32, %arg2: memref<10112x128xf32, #tpu.memory_space<hbm>>, %arg3: memref<2560x128xi32, #tpu.memory_space<hbm>>, %arg4: memref<2560x128xi32, #tpu.memory_space<hbm>>, %arg5: memref<2x10112x128xf32, #tpu.memory_space<hbm>>, %arg6: memref<10112x128xf32, #tpu.memory_space<vmem_shared>>, %arg7: memref<48x128xi32, #tpu.memory_space<vmem>>, %arg8: memref<48x128xi32, #tpu.memory_space<vmem>>, %arg9: memref<128x128xf32, #tpu.memory_space<vmem>>, %arg10: memref<128x128xf32, #tpu.memory_space<vmem>>, %arg11: memref<!tpu.dma_semaphore, #tpu.memory_space<semaphore_mem>>, %arg12: memref<!tpu.dma_semaphore, #tpu.memory_space<semaphore_mem>>, %arg13: memref<!tpu.dma_semaphore, #tpu.memory_space<semaphore_mem>>, %arg14: memref<!tpu.dma_semaphore, #tpu.memory_space<semaphore_mem>>) attributes {dimension_semantics = [#tpu.dimension_semantics<core_parallel>, #tpu.dimension_semantics<subcore_parallel>], iteration_bounds = array<i64: 2, 16>, scalar_prefetch = 0 : i64, scratch_operands = 9 : i64, tpu.core_type = #tpu.core_type<sc_vector_subcore>, window_params = [{transform_indices = #map}, {transform_indices = #map}, {transform_indices = #map}, {transform_indices = #map1}]} {
    %scan3A = arith.constant 0 : i32
    %scan3A_0 = arith.constant 0 : i32
    %scan3A_1 = arith.constant 128 : i32
    %scan3A_2 = arith.addi %scan3A_0, %scan3A_1 : i32
    %scan3A_3 = arith.constant 1 : i32
    scf.for %scan3A_23 = %scan3A_0 to %scan3A_2 step %scan3A_3  : i32 {
      %broadcast_in_dim3A = arith.constant 0.000000e+00 : f32
      %broadcast_in_dim3A_24 = vector.broadcast %broadcast_in_dim3A : f32 to vector<16xf32>
      %swap3A = arith.index_cast %scan3A_23 : i32 to index
      %swap3A_25 = arith.constant 0 : index
      %swap3A_26 = tpu.vector_load %arg9[%swap3A, %swap3A_25] {strides = array<i32>} : memref<128x128xf32, #tpu.memory_space<vmem>>, vector<1x16xf32>,
      %swap3A_27 = vector.shape_cast %swap3A_26 : vector<1x16xf32> to vector<16xf32>
      %swap3A_28 = vector.shape_cast %broadcast_in_dim3A_24 : vector<16xf32> to vector<1x16xf32>
      tpu.vector_store %arg9[%swap3A, %swap3A_25], %swap3A_28 {strides = array<i32>} : memref<128x128xf32, #tpu.memory_space<vmem>>, vector<1x16xf32>,
      %broadcast_in_dim3A_29 = arith.constant 0.000000e+00 : f32
      %broadcast_in_dim3A_30 = vector.broadcast %broadcast_in_dim3A_29 : f32 to vector<16xf32>
      %swap3A_31 = arith.index_cast %scan3A_23 : i32 to index
      %swap3A_32 = arith.constant 16 : index
      %swap3A_33 = tpu.vector_load %arg9[%swap3A_31, %swap3A_32] {strides = array<i32>} : memref<128x128xf32, #tpu.memory_space<vmem>>, vector<1x16xf32>,
      %swap3A_34 = vector.shape_cast %swap3A_33 : vector<1x16xf32> to vector<16xf32>
      %swap3A_35 = vector.shape_cast %broadcast_in_dim3A_30 : vector<16xf32> to vector<1x16xf32>
      tpu.vector_store %arg9[%swap3A_31, %swap3A_32], %swap3A_35 {strides = array<i32>} : memref<128x128xf32, #tpu.memory_space<vmem>>, vector<1x16xf32>,
      %broadcast_in_dim3A_36 = arith.constant 0.000000e+00 : f32
      %broadcast_in_dim3A_37 = vector.broadcast %broadcast_in_dim3A_36 : f32 to vector<16xf32>
      %swap3A_38 = arith.index_cast %scan3A_23 : i32 to index
      %swap3A_39 = arith.constant 32 : index
      %swap3A_40 = tpu.vector_load %arg9[%swap3A_38, %swap3A_39] {strides = array<i32>} : memref<128x128xf32, #tpu.memory_space<vmem>>, vector<1x16xf32>,
      %swap3A_41 = vector.shape_cast %swap3A_40 : vector<1x16xf32> to vector<16xf32>
      %swap3A_42 = vector.shape_cast %broadcast_in_dim3A_37 : vector<16xf32> to vector<1x16xf32>
      tpu.vector_store %arg9[%swap3A_38, %swap3A_39], %swap3A_42 {strides = array<i32>} : memref<128x128xf32, #tpu.memory_space<vmem>>, vector<1x16xf32>,
      %broadcast_in_dim3A_43 = arith.constant 0.000000e+00 : f32
      %broadcast_in_dim3A_44 = vector.broadcast %broadcast_in_dim3A_43 : f32 to vector<16xf32>
      %swap3A_45 = arith.index_cast %scan3A_23 : i32 to index
      %swap3A_46 = arith.constant 48 : index
      %swap3A_47 = tpu.vector_load %arg9[%swap3A_45, %swap3A_46] {strides = array<i32>} : memref<128x128xf32, #tpu.memory_space<vmem>>, vector<1x16xf32>,
      %swap3A_48 = vector.shape_cast %swap3A_47 : vector<1x16xf32> to vector<16xf32>
      %swap3A_49 = vector.shape_cast %broadcast_in_dim3A_44 : vector<16xf32> to vector<1x16xf32>
      tpu.vector_store %arg9[%swap3A_45, %swap3A_46], %swap3A_49 {strides = array<i32>} : memref<128x128xf32, #tpu.memory_space<vmem>>, vector<1x16xf32>,
      %broadcast_in_dim3A_50 = arith.constant 0.000000e+00 : f32
      %broadcast_in_dim3A_51 = vector.broadcast %broadcast_in_dim3A_50 : f32 to vector<16xf32>
      %swap3A_52 = arith.index_cast %scan3A_23 : i32 to index
      %swap3A_53 = arith.constant 64 : index
      %swap3A_54 = tpu.vector_load %arg9[%swap3A_52, %swap3A_53] {strides = array<i32>} : memref<128x128xf32, #tpu.memory_space<vmem>>, vector<1x16xf32>,
      %swap3A_55 = vector.shape_cast %swap3A_54 : vector<1x16xf32> to vector<16xf32>
      %swap3A_56 = vector.shape_cast %broadcast_in_dim3A_51 : vector<16xf32> to vector<1x16xf32>
      tpu.vector_store %arg9[%swap3A_52, %swap3A_53], %swap3A_56 {strides = array<i32>} : memref<128x128xf32, #tpu.memory_space<vmem>>, vector<1x16xf32>,
      %broadcast_in_dim3A_57 = arith.constant 0.000000e+00 : f32
      %broadcast_in_dim3A_58 = vector.broadcast %broadcast_in_dim3A_57 : f32 to vector<16xf32>
      %swap3A_59 = arith.index_cast %scan3A_23 : i32 to index
      %swap3A_60 = arith.constant 80 : index
      %swap3A_61 = tpu.vector_load %arg9[%swap3A_59, %swap3A_60] {strides = array<i32>} : memref<128x128xf32, #tpu.memory_space<vmem>>, vector<1x16xf32>,
      %swap3A_62 = vector.shape_cast %swap3A_61 : vector<1x16xf32> to vector<16xf32>
      %swap3A_63 = vector.shape_cast %broadcast_in_dim3A_58 : vector<16xf32> to vector<1x16xf32>
      tpu.vector_store %arg9[%swap3A_59, %swap3A_60], %swap3A_63 {strides = array<i32>} : memref<128x128xf32, #tpu.memory_space<vmem>>, vector<1x16xf32>,
      %broadcast_in_dim3A_64 = arith.constant 0.000000e+00 : f32
      %broadcast_in_dim3A_65 = vector.broadcast %broadcast_in_dim3A_64 : f32 to vector<16xf32>
      %swap3A_66 = arith.index_cast %scan3A_23 : i32 to index
      %swap3A_67 = arith.constant 96 : index
      %swap3A_68 = tpu.vector_load %arg9[%swap3A_66, %swap3A_67] {strides = array<i32>} : memref<128x128xf32, #tpu.memory_space<vmem>>, vector<1x16xf32>,
      %swap3A_69 = vector.shape_cast %swap3A_68 : vector<1x16xf32> to vector<16xf32>
      %swap3A_70 = vector.shape_cast %broadcast_in_dim3A_65 : vector<16xf32> to vector<1x16xf32>
      tpu.vector_store %arg9[%swap3A_66, %swap3A_67], %swap3A_70 {strides = array<i32>} : memref<128x128xf32, #tpu.memory_space<vmem>>, vector<1x16xf32>,
      %broadcast_in_dim3A_71 = arith.constant 0.000000e+00 : f32
      %broadcast_in_dim3A_72 = vector.broadcast %broadcast_in_dim3A_71 : f32 to vector<16xf32>
      %swap3A_73 = arith.index_cast %scan3A_23 : i32 to index
      %swap3A_74 = arith.constant 112 : index
      %swap3A_75 = tpu.vector_load %arg9[%swap3A_73, %swap3A_74] {strides = array<i32>} : memref<128x128xf32, #tpu.memory_space<vmem>>, vector<1x16xf32>,
      %swap3A_76 = vector.shape_cast %swap3A_75 : vector<1x16xf32> to vector<16xf32>
      %swap3A_77 = vector.shape_cast %broadcast_in_dim3A_72 : vector<16xf32> to vector<1x16xf32>
      tpu.vector_store %arg9[%swap3A_73, %swap3A_74], %swap3A_77 {strides = array<i32>} : memref<128x128xf32, #tpu.memory_space<vmem>>, vector<1x16xf32>,
    }
    %scan3A_4 = arith.constant 128 : i32
    %mul3A = arith.constant 632 : i32
    %mul3A_5 = arith.muli %arg1, %mul3A : i32
    %add3A = arith.constant 0 : i32
    %add3A_6 = arith.addi %mul3A_5, %add3A : i32
    "tpu.region"() ({
      %run_scoped3A = tpu.sem_alloc : memref<!tpu.dma_semaphore, #tpu.memory_space<semaphore_mem>>
      %dma_start3A = arith.constant 0 : i32
      %dma_start3A_23 = tpu.memref_slice %arg6[%add3A_6, %dma_start3A] : memref<10112x128xf32, #tpu.memory_space<vmem_shared>> -> memref<128x128xf32, #tpu.memory_space<vmem_shared>>
      %dma_start3A_24 = arith.constant 0 : i32
      %dma_start3A_25 = tpu.memref_slice %arg6[%add3A_6, %dma_start3A_24] : memref<10112x128xf32, #tpu.memory_space<vmem_shared>> -> memref<128x128xf32, #tpu.memory_space<vmem_shared>>
      tpu.enqueue_dma source(%arg9 : memref<128x128xf32, #tpu.memory_space<vmem>>) target(%dma_start3A_25 : memref<128x128xf32, #tpu.memory_space<vmem_shared>>) target_semaphore(%run_scoped3A : memref<!tpu.dma_semaphore, #tpu.memory_space<semaphore_mem>>)
      %dma_wait3A = arith.constant 0 : i32
      %dma_wait3A_26 = tpu.memref_slice %arg6[%add3A_6, %dma_wait3A] : memref<10112x128xf32, #tpu.memory_space<vmem_shared>> -> memref<128x128xf32, #tpu.memory_space<vmem_shared>>
      %dma_wait3A_27 = arith.constant 0 : i32
      %dma_wait3A_28 = tpu.memref_slice %arg6[%add3A_6, %dma_wait3A_27] : memref<10112x128xf32, #tpu.memory_space<vmem_shared>> -> memref<128x128xf32, #tpu.memory_space<vmem_shared>>
      tpu.wait_dma2 semaphore(%run_scoped3A : memref<!tpu.dma_semaphore, #tpu.memory_space<semaphore_mem>>) src(%arg9 : memref<128x128xf32, #tpu.memory_space<vmem>>) dst(%dma_wait3A_28 : memref<128x128xf32, #tpu.memory_space<vmem_shared>>)
      tpu.yield
    }) : () -> ()
    %add3A_7 = arith.constant 128 : i32
    %add3A_8 = arith.addi %mul3A_5, %add3A_7 : i32
    "tpu.region"() ({
      %run_scoped3A = tpu.sem_alloc : memref<!tpu.dma_semaphore, #tpu.memory_space<semaphore_mem>>
      %dma_start3A = arith.constant 0 : i32
      %dma_start3A_23 = tpu.memref_slice %arg6[%add3A_8, %dma_start3A] : memref<10112x128xf32, #tpu.memory_space<vmem_shared>> -> memref<128x128xf32, #tpu.memory_space<vmem_shared>>
      %dma_start3A_24 = arith.constant 0 : i32
      %dma_start3A_25 = tpu.memref_slice %arg6[%add3A_8, %dma_start3A_24] : memref<10112x128xf32, #tpu.memory_space<vmem_shared>> -> memref<128x128xf32, #tpu.memory_space<vmem_shared>>
      tpu.enqueue_dma source(%arg9 : memref<128x128xf32, #tpu.memory_space<vmem>>) target(%dma_start3A_25 : memref<128x128xf32, #tpu.memory_space<vmem_shared>>) target_semaphore(%run_scoped3A : memref<!tpu.dma_semaphore, #tpu.memory_space<semaphore_mem>>)
      %dma_wait3A = arith.constant 0 : i32
      %dma_wait3A_26 = tpu.memref_slice %arg6[%add3A_8, %dma_wait3A] : memref<10112x128xf32, #tpu.memory_space<vmem_shared>> -> memref<128x128xf32, #tpu.memory_space<vmem_shared>>
      %dma_wait3A_27 = arith.constant 0 : i32
      %dma_wait3A_28 = tpu.memref_slice %arg6[%add3A_8, %dma_wait3A_27] : memref<10112x128xf32, #tpu.memory_space<vmem_shared>> -> memref<128x128xf32, #tpu.memory_space<vmem_shared>>
      tpu.wait_dma2 semaphore(%run_scoped3A : memref<!tpu.dma_semaphore, #tpu.memory_space<semaphore_mem>>) src(%arg9 : memref<128x128xf32, #tpu.memory_space<vmem>>) dst(%dma_wait3A_28 : memref<128x128xf32, #tpu.memory_space<vmem_shared>>)
      tpu.yield
    }) : () -> ()
    %add3A_9 = arith.constant 256 : i32
    %add3A_10 = arith.addi %mul3A_5, %add3A_9 : i32
    "tpu.region"() ({
      %run_scoped3A = tpu.sem_alloc : memref<!tpu.dma_semaphore, #tpu.memory_space<semaphore_mem>>
      %dma_start3A = arith.constant 0 : i32
      %dma_start3A_23 = tpu.memref_slice %arg6[%add3A_10, %dma_start3A] : memref<10112x128xf32, #tpu.memory_space<vmem_shared>> -> memref<128x128xf32, #tpu.memory_space<vmem_shared>>
      %dma_start3A_24 = arith.constant 0 : i32
      %dma_start3A_25 = tpu.memref_slice %arg6[%add3A_10, %dma_start3A_24] : memref<10112x128xf32, #tpu.memory_space<vmem_shared>> -> memref<128x128xf32, #tpu.memory_space<vmem_shared>>
      tpu.enqueue_dma source(%arg9 : memref<128x128xf32, #tpu.memory_space<vmem>>) target(%dma_start3A_25 : memref<128x128xf32, #tpu.memory_space<vmem_shared>>) target_semaphore(%run_scoped3A : memref<!tpu.dma_semaphore, #tpu.memory_space<semaphore_mem>>)
      %dma_wait3A = arith.constant 0 : i32
      %dma_wait3A_26 = tpu.memref_slice %arg6[%add3A_10, %dma_wait3A] : memref<10112x128xf32, #tpu.memory_space<vmem_shared>> -> memref<128x128xf32, #tpu.memory_space<vmem_shared>>
      %dma_wait3A_27 = arith.constant 0 : i32
      %dma_wait3A_28 = tpu.memref_slice %arg6[%add3A_10, %dma_wait3A_27] : memref<10112x128xf32, #tpu.memory_space<vmem_shared>> -> memref<128x128xf32, #tpu.memory_space<vmem_shared>>
      tpu.wait_dma2 semaphore(%run_scoped3A : memref<!tpu.dma_semaphore, #tpu.memory_space<semaphore_mem>>) src(%arg9 : memref<128x128xf32, #tpu.memory_space<vmem>>) dst(%dma_wait3A_28 : memref<128x128xf32, #tpu.memory_space<vmem_shared>>)
      tpu.yield
    }) : () -> ()
    %add3A_11 = arith.constant 384 : i32
    %add3A_12 = arith.addi %mul3A_5, %add3A_11 : i32
    "tpu.region"() ({
      %run_scoped3A = tpu.sem_alloc : memref<!tpu.dma_semaphore, #tpu.memory_space<semaphore_mem>>
      %dma_start3A = arith.constant 0 : i32
      %dma_start3A_23 = tpu.memref_slice %arg6[%add3A_12, %dma_start3A] : memref<10112x128xf32, #tpu.memory_space<vmem_shared>> -> memref<128x128xf32, #tpu.memory_space<vmem_shared>>
      %dma_start3A_24 = arith.constant 0 : i32
      %dma_start3A_25 = tpu.memref_slice %arg6[%add3A_12, %dma_start3A_24] : memref<10112x128xf32, #tpu.memory_space<vmem_shared>> -> memref<128x128xf32, #tpu.memory_space<vmem_shared>>
      tpu.enqueue_dma source(%arg9 : memref<128x128xf32, #tpu.memory_space<vmem>>) target(%dma_start3A_25 : memref<128x128xf32, #tpu.memory_space<vmem_shared>>) target_semaphore(%run_scoped3A : memref<!tpu.dma_semaphore, #tpu.memory_space<semaphore_mem>>)
      %dma_wait3A = arith.constant 0 : i32
      %dma_wait3A_26 = tpu.memref_slice %arg6[%add3A_12, %dma_wait3A] : memref<10112x128xf32, #tpu.memory_space<vmem_shared>> -> memref<128x128xf32, #tpu.memory_space<vmem_shared>>
      %dma_wait3A_27 = arith.constant 0 : i32
      %dma_wait3A_28 = tpu.memref_slice %arg6[%add3A_12, %dma_wait3A_27] : memref<10112x128xf32, #tpu.memory_space<vmem_shared>> -> memref<128x128xf32, #tpu.memory_space<vmem_shared>>
      tpu.wait_dma2 semaphore(%run_scoped3A : memref<!tpu.dma_semaphore, #tpu.memory_space<semaphore_mem>>) src(%arg9 : memref<128x128xf32, #tpu.memory_space<vmem>>) dst(%dma_wait3A_28 : memref<128x128xf32, #tpu.memory_space<vmem_shared>>)
      tpu.yield
    }) : () -> ()
    %add3A_13 = arith.constant 512 : i32
    %add3A_14 = arith.addi %mul3A_5, %add3A_13 : i32
    "tpu.region"() ({
      %run_scoped3A = tpu.sem_alloc : memref<!tpu.dma_semaphore, #tpu.memory_space<semaphore_mem>>
      %dma_start3A = arith.constant 0 : i32
      %dma_start3A_23 = arith.constant 0 : i32
      %dma_start3A_24 = tpu.memref_slice %arg9[%dma_start3A, %dma_start3A_23] : memref<128x128xf32, #tpu.memory_space<vmem>> -> memref<120x128xf32, #tpu.memory_space<vmem>>
      %dma_start3A_25 = arith.constant 0 : i32
      %dma_start3A_26 = tpu.memref_slice %arg6[%add3A_14, %dma_start3A_25] : memref<10112x128xf32, #tpu.memory_space<vmem_shared>> -> memref<120x128xf32, #tpu.memory_space<vmem_shared>>
      %dma_start3A_27 = arith.constant 0 : i32
      %dma_start3A_28 = tpu.memref_slice %arg6[%add3A_14, %dma_start3A_27] : memref<10112x128xf32, #tpu.memory_space<vmem_shared>> -> memref<120x128xf32, #tpu.memory_space<vmem_shared>>
      %dma_start3A_29 = arith.constant 0 : i32
      %dma_start3A_30 = arith.constant 0 : i32
      %dma_start3A_31 = tpu.memref_slice %arg9[%dma_start3A_29, %dma_start3A_30] : memref<128x128xf32, #tpu.memory_space<vmem>> -> memref<120x128xf32, #tpu.memory_space<vmem>>
      tpu.enqueue_dma source(%dma_start3A_31 : memref<120x128xf32, #tpu.memory_space<vmem>>) target(%dma_start3A_28 : memref<120x128xf32, #tpu.memory_space<vmem_shared>>) target_semaphore(%run_scoped3A : memref<!tpu.dma_semaphore, #tpu.memory_space<semaphore_mem>>)
      %dma_wait3A = arith.constant 0 : i32
      %dma_wait3A_32 = arith.constant 0 : i32
      %dma_wait3A_33 = tpu.memref_slice %arg9[%dma_wait3A, %dma_wait3A_32] : memref<128x128xf32, #tpu.memory_space<vmem>> -> memref<120x128xf32, #tpu.memory_space<vmem>>
      %dma_wait3A_34 = arith.constant 0 : i32
      %dma_wait3A_35 = tpu.memref_slice %arg6[%add3A_14, %dma_wait3A_34] : memref<10112x128xf32, #tpu.memory_space<vmem_shared>> -> memref<120x128xf32, #tpu.memory_space<vmem_shared>>
      %dma_wait3A_36 = arith.constant 0 : i32
      %dma_wait3A_37 = tpu.memref_slice %arg6[%add3A_14, %dma_wait3A_36] : memref<10112x128xf32, #tpu.memory_space<vmem_shared>> -> memref<120x128xf32, #tpu.memory_space<vmem_shared>>
      %dma_wait3A_38 = arith.constant 0 : i32
      %dma_wait3A_39 = arith.constant 0 : i32
      %dma_wait3A_40 = tpu.memref_slice %arg9[%dma_wait3A_38, %dma_wait3A_39] : memref<128x128xf32, #tpu.memory_space<vmem>> -> memref<120x128xf32, #tpu.memory_space<vmem>>
      tpu.wait_dma2 semaphore(%run_scoped3A : memref<!tpu.dma_semaphore, #tpu.memory_space<semaphore_mem>>) src(%dma_wait3A_40 : memref<120x128xf32, #tpu.memory_space<vmem>>) dst(%dma_wait3A_37 : memref<120x128xf32, #tpu.memory_space<vmem_shared>>)
      tpu.yield
    }) : () -> ()
    %barrier3A = arith.constant 0 : index
    tpu.barrier barrier_id(%barrier3A)
    %eq3A = arith.constant 0 : i32
    %eq3A_15 = arith.cmpi eq, %arg0, %eq3A : i32
    %convert_element_type3A = arith.extui %eq3A_15 : i1 to i32
    %cond3A = arith.constant 0 : i32
    %cond3A_16 = arith.cmpi ne, %convert_element_type3A, %cond3A : i32
    scf.if %cond3A_16 {
      %mul3A_23 = arith.constant 96 : i32
      %mul3A_24 = arith.muli %arg1, %mul3A_23 : i32
      %add3A_25 = arith.constant 0 : i32
      %add3A_26 = arith.addi %mul3A_24, %add3A_25 : i32
      "tpu.region"() ({
        %run_scoped3A = tpu.sem_alloc : memref<!tpu.dma_semaphore, #tpu.memory_space<semaphore_mem>>
        %dma_start3A_99 = arith.constant 0 : i32
        %dma_start3A_100 = arith.constant 0 : i32
        %dma_start3A_101 = tpu.memref_slice %arg7[%dma_start3A_99, %dma_start3A_100] : memref<48x128xi32, #tpu.memory_space<vmem>> -> memref<48x128xi32, #tpu.memory_space<vmem>>
        %dma_start3A_102 = arith.constant 0 : i32
        %dma_start3A_103 = tpu.memref_slice %arg3[%add3A_26, %dma_start3A_102] : memref<2560x128xi32, #tpu.memory_space<hbm>> -> memref<48x128xi32, #tpu.memory_space<hbm>>
        %dma_start3A_104 = arith.constant 0 : i32
        %dma_start3A_105 = arith.constant 0 : i32
        %dma_start3A_106 = tpu.memref_slice %arg7[%dma_start3A_104, %dma_start3A_105] : memref<48x128xi32, #tpu.memory_space<vmem>> -> memref<48x128xi32, #tpu.memory_space<vmem>>
        %dma_start3A_107 = arith.constant 0 : i32
        %dma_start3A_108 = tpu.memref_slice %arg3[%add3A_26, %dma_start3A_107] : memref<2560x128xi32, #tpu.memory_space<hbm>> -> memref<48x128xi32, #tpu.memory_space<hbm>>
        tpu.enqueue_dma source(%dma_start3A_108 : memref<48x128xi32, #tpu.memory_space<hbm>>) target(%dma_start3A_106 : memref<48x128xi32, #tpu.memory_space<vmem>>) target_semaphore(%run_scoped3A : memref<!tpu.dma_semaphore, #tpu.memory_space<semaphore_mem>>)
        %dma_wait3A_109 = arith.constant 0 : i32
        %dma_wait3A_110 = arith.constant 0 : i32
        %dma_wait3A_111 = tpu.memref_slice %arg7[%dma_wait3A_109, %dma_wait3A_110] : memref<48x128xi32, #tpu.memory_space<vmem>> -> memref<48x128xi32, #tpu.memory_space<vmem>>
        %dma_wait3A_112 = arith.constant 0 : i32
        %dma_wait3A_113 = tpu.memref_slice %arg3[%add3A_26, %dma_wait3A_112] : memref<2560x128xi32, #tpu.memory_space<hbm>> -> memref<48x128xi32, #tpu.memory_space<hbm>>
        %dma_wait3A_114 = arith.constant 0 : i32
        %dma_wait3A_115 = arith.constant 0 : i32
        %dma_wait3A_116 = tpu.memref_slice %arg7[%dma_wait3A_114, %dma_wait3A_115] : memref<48x128xi32, #tpu.memory_space<vmem>> -> memref<48x128xi32, #tpu.memory_space<vmem>>
        %dma_wait3A_117 = arith.constant 0 : i32
        %dma_wait3A_118 = tpu.memref_slice %arg3[%add3A_26, %dma_wait3A_117] : memref<2560x128xi32, #tpu.memory_space<hbm>> -> memref<48x128xi32, #tpu.memory_space<hbm>>
        tpu.wait_dma2 semaphore(%run_scoped3A : memref<!tpu.dma_semaphore, #tpu.memory_space<semaphore_mem>>) src(%dma_wait3A_118 : memref<48x128xi32, #tpu.memory_space<hbm>>) dst(%dma_wait3A_116 : memref<48x128xi32, #tpu.memory_space<vmem>>)
        tpu.yield
      }) : () -> ()
      %add3A_27 = arith.constant 0 : i32
      %add3A_28 = arith.addi %mul3A_24, %add3A_27 : i32
      "tpu.region"() ({
        %run_scoped3A = tpu.sem_alloc : memref<!tpu.dma_semaphore, #tpu.memory_space<semaphore_mem>>
        %dma_start3A_99 = arith.constant 0 : i32
        %dma_start3A_100 = arith.constant 0 : i32
        %dma_start3A_101 = tpu.memref_slice %arg8[%dma_start3A_99, %dma_start3A_100] : memref<48x128xi32, #tpu.memory_space<vmem>> -> memref<48x128xi32, #tpu.memory_space<vmem>>
        %dma_start3A_102 = arith.constant 0 : i32
        %dma_start3A_103 = tpu.memref_slice %arg4[%add3A_28, %dma_start3A_102] : memref<2560x128xi32, #tpu.memory_space<hbm>> -> memref<48x128xi32, #tpu.memory_space<hbm>>
        %dma_start3A_104 = arith.constant 0 : i32
        %dma_start3A_105 = arith.constant 0 : i32
        %dma_start3A_106 = tpu.memref_slice %arg8[%dma_start3A_104, %dma_start3A_105] : memref<48x128xi32, #tpu.memory_space<vmem>> -> memref<48x128xi32, #tpu.memory_space<vmem>>
        %dma_start3A_107 = arith.constant 0 : i32
        %dma_start3A_108 = tpu.memref_slice %arg4[%add3A_28, %dma_start3A_107] : memref<2560x128xi32, #tpu.memory_space<hbm>> -> memref<48x128xi32, #tpu.memory_space<hbm>>
        tpu.enqueue_dma source(%dma_start3A_108 : memref<48x128xi32, #tpu.memory_space<hbm>>) target(%dma_start3A_106 : memref<48x128xi32, #tpu.memory_space<vmem>>) target_semaphore(%run_scoped3A : memref<!tpu.dma_semaphore, #tpu.memory_space<semaphore_mem>>)
        %dma_wait3A_109 = arith.constant 0 : i32
        %dma_wait3A_110 = arith.constant 0 : i32
        %dma_wait3A_111 = tpu.memref_slice %arg8[%dma_wait3A_109, %dma_wait3A_110] : memref<48x128xi32, #tpu.memory_space<vmem>> -> memref<48x128xi32, #tpu.memory_space<vmem>>
        %dma_wait3A_112 = arith.constant 0 : i32
        %dma_wait3A_113 = tpu.memref_slice %arg4[%add3A_28, %dma_wait3A_112] : memref<2560x128xi32, #tpu.memory_space<hbm>> -> memref<48x128xi32, #tpu.memory_space<hbm>>
        %dma_wait3A_114 = arith.constant 0 : i32
        %dma_wait3A_115 = arith.constant 0 : i32
        %dma_wait3A_116 = tpu.memref_slice %arg8[%dma_wait3A_114, %dma_wait3A_115] : memref<48x128xi32, #tpu.memory_space<vmem>> -> memref<48x128xi32, #tpu.memory_space<vmem>>
        %dma_wait3A_117 = arith.constant 0 : i32
        %dma_wait3A_118 = tpu.memref_slice %arg4[%add3A_28, %dma_wait3A_117] : memref<2560x128xi32, #tpu.memory_space<hbm>> -> memref<48x128xi32, #tpu.memory_space<hbm>>
        tpu.wait_dma2 semaphore(%run_scoped3A : memref<!tpu.dma_semaphore, #tpu.memory_space<semaphore_mem>>) src(%dma_wait3A_118 : memref<48x128xi32, #tpu.memory_space<hbm>>) dst(%dma_wait3A_116 : memref<48x128xi32, #tpu.memory_space<vmem>>)
        tpu.yield
      }) : () -> ()
      %dma_start3A = arith.constant 0 : i32
      %dma_start3A_29 = arith.constant 0 : i32
      %dma_start3A_30 = tpu.memref_slice %arg7[%dma_start3A, %dma_start3A_29] : memref<48x128xi32, #tpu.memory_space<vmem>> -> memref<1x128xi32, #tpu.memory_space<vmem>>
      %dma_start3A_31 = tpu.memref_squeeze %dma_start3A_30 : memref<1x128xi32, #tpu.memory_space<vmem>> -> memref<128xi32, #tpu.memory_space<vmem>>
      %dma_start3A_32 = arith.constant 0 : i32
      %dma_start3A_33 = arith.constant 0 : i32
      %dma_start3A_34 = tpu.memref_slice %arg2[%dma_start3A_32, %dma_start3A_33] : memref<10112x128xf32, #tpu.memory_space<hbm>> -> memref<10112x128xf32, #tpu.memory_space<hbm>>
      tpu.enqueue_indirect_dma source(%dma_start3A_34 : memref<10112x128xf32, #tpu.memory_space<hbm>>) target(%arg9 : memref<128x128xf32, #tpu.memory_space<vmem>>) offsets(%dma_start3A_31 : memref<128xi32, #tpu.memory_space<vmem>>) semaphore(%arg11 : memref<!tpu.dma_semaphore, #tpu.memory_space<semaphore_mem>>)
      %dma_start3A_35 = arith.constant 1 : i32
      %dma_start3A_36 = arith.constant 0 : i32
      %dma_start3A_37 = tpu.memref_slice %arg7[%dma_start3A_35, %dma_start3A_36] : memref<48x128xi32, #tpu.memory_space<vmem>> -> memref<1x128xi32, #tpu.memory_space<vmem>>
      %dma_start3A_38 = tpu.memref_squeeze %dma_start3A_37 : memref<1x128xi32, #tpu.memory_space<vmem>> -> memref<128xi32, #tpu.memory_space<vmem>>
      %dma_start3A_39 = arith.constant 0 : i32
      %dma_start3A_40 = arith.constant 0 : i32
      %dma_start3A_41 = tpu.memref_slice %arg2[%dma_start3A_39, %dma_start3A_40] : memref<10112x128xf32, #tpu.memory_space<hbm>> -> memref<10112x128xf32, #tpu.memory_space<hbm>>
      tpu.enqueue_indirect_dma source(%dma_start3A_41 : memref<10112x128xf32, #tpu.memory_space<hbm>>) target(%arg10 : memref<128x128xf32, #tpu.memory_space<vmem>>) offsets(%dma_start3A_38 : memref<128xi32, #tpu.memory_space<vmem>>) semaphore(%arg12 : memref<!tpu.dma_semaphore, #tpu.memory_space<semaphore_mem>>)
      %scan3A_42 = arith.constant 0 : i32
      %scan3A_43 = arith.constant 0 : i32
      %scan3A_44 = arith.constant 24 : i32
      %scan3A_45 = arith.addi %scan3A_43, %scan3A_44 : i32
      %scan3A_46 = arith.constant 1 : i32
      scf.for %scan3A_99 = %scan3A_43 to %scan3A_45 step %scan3A_46  : i32 {
        %mul3A_100 = arith.constant 2 : i32
        %mul3A_101 = arith.muli %mul3A_100, %scan3A_99 : i32
        %add3A_102 = arith.constant 0 : i32
        %add3A_103 = arith.addi %mul3A_101, %add3A_102 : i32
        %dma_wait3A_104 = arith.constant 0 : i32
        %dma_wait3A_105 = arith.constant 0 : i32
        %dma_wait3A_106 = tpu.memref_slice %arg7[%dma_wait3A_104, %dma_wait3A_105] : memref<48x128xi32, #tpu.memory_space<vmem>> -> memref<1x128xi32, #tpu.memory_space<vmem>>
        %dma_wait3A_107 = tpu.memref_squeeze %dma_wait3A_106 : memref<1x128xi32, #tpu.memory_space<vmem>> -> memref<128xi32, #tpu.memory_space<vmem>>
        %dma_wait3A_108 = arith.constant 0 : i32
        %dma_wait3A_109 = arith.constant 0 : i32
        %dma_wait3A_110 = tpu.memref_slice %arg2[%dma_wait3A_108, %dma_wait3A_109] : memref<10112x128xf32, #tpu.memory_space<hbm>> -> memref<10112x128xf32, #tpu.memory_space<hbm>>
        tpu.wait_indirect_dma semaphore(%arg11 : memref<!tpu.dma_semaphore, #tpu.memory_space<semaphore_mem>>) src(%dma_wait3A_110 : memref<10112x128xf32, #tpu.memory_space<hbm>>) dst(%arg9 : memref<128x128xf32, #tpu.memory_space<vmem>>)
        %dma_start3A_111 = arith.constant 0 : i32
        %dma_start3A_112 = tpu.memref_slice %arg8[%add3A_103, %dma_start3A_111] : memref<48x128xi32, #tpu.memory_space<vmem>> -> memref<1x128xi32, #tpu.memory_space<vmem>>
        %dma_start3A_113 = tpu.memref_squeeze %dma_start3A_112 : memref<1x128xi32, #tpu.memory_space<vmem>> -> memref<128xi32, #tpu.memory_space<vmem>>
        %dma_start3A_114 = arith.constant 0 : i32
        %dma_start3A_115 = arith.constant 0 : i32
        %dma_start3A_116 = tpu.memref_slice %arg6[%dma_start3A_114, %dma_start3A_115] : memref<10112x128xf32, #tpu.memory_space<vmem_shared>> -> memref<10112x128xf32, #tpu.memory_space<vmem_shared>>
        tpu.enqueue_indirect_dma source(%arg9 : memref<128x128xf32, #tpu.memory_space<vmem>>) target(%dma_start3A_116 : memref<10112x128xf32, #tpu.memory_space<vmem_shared>>) offsets(%dma_start3A_113 : memref<128xi32, #tpu.memory_space<vmem>>) semaphore(%arg13 : memref<!tpu.dma_semaphore, #tpu.memory_space<semaphore_mem>>) {add = true}
        %dma_wait3A_117 = arith.constant 0 : i32
        %dma_wait3A_118 = arith.constant 0 : i32
        %dma_wait3A_119 = tpu.memref_slice %arg8[%dma_wait3A_117, %dma_wait3A_118] : memref<48x128xi32, #tpu.memory_space<vmem>> -> memref<1x128xi32, #tpu.memory_space<vmem>>
        %dma_wait3A_120 = tpu.memref_squeeze %dma_wait3A_119 : memref<1x128xi32, #tpu.memory_space<vmem>> -> memref<128xi32, #tpu.memory_space<vmem>>
        %dma_wait3A_121 = arith.constant 0 : i32
        %dma_wait3A_122 = arith.constant 0 : i32
        %dma_wait3A_123 = tpu.memref_slice %arg6[%dma_wait3A_121, %dma_wait3A_122] : memref<10112x128xf32, #tpu.memory_space<vmem_shared>> -> memref<10112x128xf32, #tpu.memory_space<vmem_shared>>
        tpu.wait_indirect_dma semaphore(%arg13 : memref<!tpu.dma_semaphore, #tpu.memory_space<semaphore_mem>>) src(%arg9 : memref<128x128xf32, #tpu.memory_space<vmem>>) dst(%dma_wait3A_123 : memref<10112x128xf32, #tpu.memory_space<vmem_shared>>)
        %add3A_124 = arith.constant 2 : i32
        %add3A_125 = arith.addi %add3A_103, %add3A_124 : i32
        %min3A = arith.constant 47 : i32
        %min3A_126 = arith.minsi %add3A_125, %min3A : i32
        %dma_start3A_127 = arith.constant 0 : i32
        %dma_start3A_128 = tpu.memref_slice %arg7[%min3A_126, %dma_start3A_127] : memref<48x128xi32, #tpu.memory_space<vmem>> -> memref<1x128xi32, #tpu.memory_space<vmem>>
        %dma_start3A_129 = tpu.memref_squeeze %dma_start3A_128 : memref<1x128xi32, #tpu.memory_space<vmem>> -> memref<128xi32, #tpu.memory_space<vmem>>
        %dma_start3A_130 = arith.constant 0 : i32
        %dma_start3A_131 = arith.constant 0 : i32
        %dma_start3A_132 = tpu.memref_slice %arg2[%dma_start3A_130, %dma_start3A_131] : memref<10112x128xf32, #tpu.memory_space<hbm>> -> memref<10112x128xf32, #tpu.memory_space<hbm>>
        tpu.enqueue_indirect_dma source(%dma_start3A_132 : memref<10112x128xf32, #tpu.memory_space<hbm>>) target(%arg9 : memref<128x128xf32, #tpu.memory_space<vmem>>) offsets(%dma_start3A_129 : memref<128xi32, #tpu.memory_space<vmem>>) semaphore(%arg11 : memref<!tpu.dma_semaphore, #tpu.memory_space<semaphore_mem>>)
        %mul3A_133 = arith.constant 2 : i32
        %mul3A_134 = arith.muli %mul3A_133, %scan3A_99 : i32
        %add3A_135 = arith.constant 1 : i32
        %add3A_136 = arith.addi %mul3A_134, %add3A_135 : i32
        %dma_wait3A_137 = arith.constant 0 : i32
        %dma_wait3A_138 = arith.constant 0 : i32
        %dma_wait3A_139 = tpu.memref_slice %arg7[%dma_wait3A_137, %dma_wait3A_138] : memref<48x128xi32, #tpu.memory_space<vmem>> -> memref<1x128xi32, #tpu.memory_space<vmem>>
        %dma_wait3A_140 = tpu.memref_squeeze %dma_wait3A_139 : memref<1x128xi32, #tpu.memory_space<vmem>> -> memref<128xi32, #tpu.memory_space<vmem>>
        %dma_wait3A_141 = arith.constant 0 : i32
        %dma_wait3A_142 = arith.constant 0 : i32
        %dma_wait3A_143 = tpu.memref_slice %arg2[%dma_wait3A_141, %dma_wait3A_142] : memref<10112x128xf32, #tpu.memory_space<hbm>> -> memref<10112x128xf32, #tpu.memory_space<hbm>>
        tpu.wait_indirect_dma semaphore(%arg12 : memref<!tpu.dma_semaphore, #tpu.memory_space<semaphore_mem>>) src(%dma_wait3A_143 : memref<10112x128xf32, #tpu.memory_space<hbm>>) dst(%arg10 : memref<128x128xf32, #tpu.memory_space<vmem>>)
        %dma_start3A_144 = arith.constant 0 : i32
        %dma_start3A_145 = tpu.memref_slice %arg8[%add3A_136, %dma_start3A_144] : memref<48x128xi32, #tpu.memory_space<vmem>> -> memref<1x128xi32, #tpu.memory_space<vmem>>
        %dma_start3A_146 = tpu.memref_squeeze %dma_start3A_145 : memref<1x128xi32, #tpu.memory_space<vmem>> -> memref<128xi32, #tpu.memory_space<vmem>>
        %dma_start3A_147 = arith.constant 0 : i32
        %dma_start3A_148 = arith.constant 0 : i32
        %dma_start3A_149 = tpu.memref_slice %arg6[%dma_start3A_147, %dma_start3A_148] : memref<10112x128xf32, #tpu.memory_space<vmem_shared>> -> memref<10112x128xf32, #tpu.memory_space<vmem_shared>>
        tpu.enqueue_indirect_dma source(%arg10 : memref<128x128xf32, #tpu.memory_space<vmem>>) target(%dma_start3A_149 : memref<10112x128xf32, #tpu.memory_space<vmem_shared>>) offsets(%dma_start3A_146 : memref<128xi32, #tpu.memory_space<vmem>>) semaphore(%arg14 : memref<!tpu.dma_semaphore, #tpu.memory_space<semaphore_mem>>) {add = true}
        %dma_wait3A_150 = arith.constant 0 : i32
        %dma_wait3A_151 = arith.constant 0 : i32
        %dma_wait3A_152 = tpu.memref_slice %arg8[%dma_wait3A_150, %dma_wait3A_151] : memref<48x128xi32, #tpu.memory_space<vmem>> -> memref<1x128xi32, #tpu.memory_space<vmem>>
        %dma_wait3A_153 = tpu.memref_squeeze %dma_wait3A_152 : memref<1x128xi32, #tpu.memory_space<vmem>> -> memref<128xi32, #tpu.memory_space<vmem>>
        %dma_wait3A_154 = arith.constant 0 : i32
        %dma_wait3A_155 = arith.constant 0 : i32
        %dma_wait3A_156 = tpu.memref_slice %arg6[%dma_wait3A_154, %dma_wait3A_155] : memref<10112x128xf32, #tpu.memory_space<vmem_shared>> -> memref<10112x128xf32, #tpu.memory_space<vmem_shared>>
        tpu.wait_indirect_dma semaphore(%arg14 : memref<!tpu.dma_semaphore, #tpu.memory_space<semaphore_mem>>) src(%arg10 : memref<128x128xf32, #tpu.memory_space<vmem>>) dst(%dma_wait3A_156 : memref<10112x128xf32, #tpu.memory_space<vmem_shared>>)
        %add3A_157 = arith.constant 2 : i32
        %add3A_158 = arith.addi %add3A_136, %add3A_157 : i32
        %min3A_159 = arith.constant 47 : i32
        %min3A_160 = arith.minsi %add3A_158, %min3A_159 : i32
        %dma_start3A_161 = arith.constant 0 : i32
        %dma_start3A_162 = tpu.memref_slice %arg7[%min3A_160, %dma_start3A_161] : memref<48x128xi32, #tpu.memory_space<vmem>> -> memref<1x128xi32, #tpu.memory_space<vmem>>
        %dma_start3A_163 = tpu.memref_squeeze %dma_start3A_162 : memref<1x128xi32, #tpu.memory_space<vmem>> -> memref<128xi32, #tpu.memory_space<vmem>>
        %dma_start3A_164 = arith.constant 0 : i32
        %dma_start3A_165 = arith.constant 0 : i32
        %dma_start3A_166 = tpu.memref_slice %arg2[%dma_start3A_164, %dma_start3A_165] : memref<10112x128xf32, #tpu.memory_space<hbm>> -> memref<10112x128xf32, #tpu.memory_space<hbm>>
        tpu.enqueue_indirect_dma source(%dma_start3A_166 : memref<10112x128xf32, #tpu.memory_space<hbm>>) target(%arg10 : memref<128x128xf32, #tpu.memory_space<vmem>>) offsets(%dma_start3A_163 : memref<128xi32, #tpu.memory_space<vmem>>) semaphore(%arg12 : memref<!tpu.dma_semaphore, #tpu.memory_space<semaphore_mem>>)
      }
      %scan3A_47 = arith.constant 24 : i32
      %dma_wait3A = arith.constant 0 : i32
      %dma_wait3A_48 = arith.constant 0 : i32
      %dma_wait3A_49 = tpu.memref_slice %arg7[%dma_wait3A, %dma_wait3A_48] : memref<48x128xi32, #tpu.memory_space<vmem>> -> memref<1x128xi32, #tpu.memory_space<vmem>>
      %dma_wait3A_50 = tpu.memref_squeeze %dma_wait3A_49 : memref<1x128xi32, #tpu.memory_space<vmem>> -> memref<128xi32, #tpu.memory_space<vmem>>
      %dma_wait3A_51 = arith.constant 0 : i32
      %dma_wait3A_52 = arith.constant 0 : i32
      %dma_wait3A_53 = tpu.memref_slice %arg2[%dma_wait3A_51, %dma_wait3A_52] : memref<10112x128xf32, #tpu.memory_space<hbm>> -> memref<10112x128xf32, #tpu.memory_space<hbm>>
      tpu.wait_indirect_dma semaphore(%arg11 : memref<!tpu.dma_semaphore, #tpu.memory_space<semaphore_mem>>) src(%dma_wait3A_53 : memref<10112x128xf32, #tpu.memory_space<hbm>>) dst(%arg9 : memref<128x128xf32, #tpu.memory_space<vmem>>)
      %dma_wait3A_54 = arith.constant 0 : i32
      %dma_wait3A_55 = arith.constant 0 : i32
      %dma_wait3A_56 = tpu.memref_slice %arg7[%dma_wait3A_54, %dma_wait3A_55] : memref<48x128xi32, #tpu.memory_space<vmem>> -> memref<1x128xi32, #tpu.memory_space<vmem>>
      %dma_wait3A_57 = tpu.memref_squeeze %dma_wait3A_56 : memref<1x128xi32, #tpu.memory_space<vmem>> -> memref<128xi32, #tpu.memory_space<vmem>>
      %dma_wait3A_58 = arith.constant 0 : i32
      %dma_wait3A_59 = arith.constant 0 : i32
      %dma_wait3A_60 = tpu.memref_slice %arg2[%dma_wait3A_58, %dma_wait3A_59] : memref<10112x128xf32, #tpu.memory_space<hbm>> -> memref<10112x128xf32, #tpu.memory_space<hbm>>
      tpu.wait_indirect_dma semaphore(%arg12 : memref<!tpu.dma_semaphore, #tpu.memory_space<semaphore_mem>>) src(%dma_wait3A_60 : memref<10112x128xf32, #tpu.memory_space<hbm>>) dst(%arg10 : memref<128x128xf32, #tpu.memory_space<vmem>>)
      %add3A_61 = arith.constant 48 : i32
      %add3A_62 = arith.addi %mul3A_24, %add3A_61 : i32
      "tpu.region"() ({
        %run_scoped3A = tpu.sem_alloc : memref<!tpu.dma_semaphore, #tpu.memory_space<semaphore_mem>>
        %dma_start3A_99 = arith.constant 0 : i32
        %dma_start3A_100 = arith.constant 0 : i32
        %dma_start3A_101 = tpu.memref_slice %arg7[%dma_start3A_99, %dma_start3A_100] : memref<48x128xi32, #tpu.memory_space<vmem>> -> memref<48x128xi32, #tpu.memory_space<vmem>>
        %dma_start3A_102 = arith.constant 0 : i32
        %dma_start3A_103 = tpu.memref_slice %arg3[%add3A_62, %dma_start3A_102] : memref<2560x128xi32, #tpu.memory_space<hbm>> -> memref<48x128xi32, #tpu.memory_space<hbm>>
        %dma_start3A_104 = arith.constant 0 : i32
        %dma_start3A_105 = arith.constant 0 : i32
        %dma_start3A_106 = tpu.memref_slice %arg7[%dma_start3A_104, %dma_start3A_105] : memref<48x128xi32, #tpu.memory_space<vmem>> -> memref<48x128xi32, #tpu.memory_space<vmem>>
        %dma_start3A_107 = arith.constant 0 : i32
        %dma_start3A_108 = tpu.memref_slice %arg3[%add3A_62, %dma_start3A_107] : memref<2560x128xi32, #tpu.memory_space<hbm>> -> memref<48x128xi32, #tpu.memory_space<hbm>>
        tpu.enqueue_dma source(%dma_start3A_108 : memref<48x128xi32, #tpu.memory_space<hbm>>) target(%dma_start3A_106 : memref<48x128xi32, #tpu.memory_space<vmem>>) target_semaphore(%run_scoped3A : memref<!tpu.dma_semaphore, #tpu.memory_space<semaphore_mem>>)
        %dma_wait3A_109 = arith.constant 0 : i32
        %dma_wait3A_110 = arith.constant 0 : i32
        %dma_wait3A_111 = tpu.memref_slice %arg7[%dma_wait3A_109, %dma_wait3A_110] : memref<48x128xi32, #tpu.memory_space<vmem>> -> memref<48x128xi32, #tpu.memory_space<vmem>>
        %dma_wait3A_112 = arith.constant 0 : i32
        %dma_wait3A_113 = tpu.memref_slice %arg3[%add3A_62, %dma_wait3A_112] : memref<2560x128xi32, #tpu.memory_space<hbm>> -> memref<48x128xi32, #tpu.memory_space<hbm>>
        %dma_wait3A_114 = arith.constant 0 : i32
        %dma_wait3A_115 = arith.constant 0 : i32
        %dma_wait3A_116 = tpu.memref_slice %arg7[%dma_wait3A_114, %dma_wait3A_115] : memref<48x128xi32, #tpu.memory_space<vmem>> -> memref<48x128xi32, #tpu.memory_space<vmem>>
        %dma_wait3A_117 = arith.constant 0 : i32
        %dma_wait3A_118 = tpu.memref_slice %arg3[%add3A_62, %dma_wait3A_117] : memref<2560x128xi32, #tpu.memory_space<hbm>> -> memref<48x128xi32, #tpu.memory_space<hbm>>
        tpu.wait_dma2 semaphore(%run_scoped3A : memref<!tpu.dma_semaphore, #tpu.memory_space<semaphore_mem>>) src(%dma_wait3A_118 : memref<48x128xi32, #tpu.memory_space<hbm>>) dst(%dma_wait3A_116 : memref<48x128xi32, #tpu.memory_space<vmem>>)
        tpu.yield
      }) : () -> ()
      %add3A_63 = arith.constant 48 : i32
      %add3A_64 = arith.addi %mul3A_24, %add3A_63 : i32
      "tpu.region"() ({
        %run_scoped3A = tpu.sem_alloc : memref<!tpu.dma_semaphore, #tpu.memory_space<semaphore_mem>>
        %dma_start3A_99 = arith.constant 0 : i32
        %dma_start3A_100 = arith.constant 0 : i32
        %dma_start3A_101 = tpu.memref_slice %arg8[%dma_start3A_99, %dma_start3A_100] : memref<48x128xi32, #tpu.memory_space<vmem>> -> memref<48x128xi32, #tpu.memory_space<vmem>>
        %dma_start3A_102 = arith.constant 0 : i32
        %dma_start3A_103 = tpu.memref_slice %arg4[%add3A_64, %dma_start3A_102] : memref<2560x128xi32, #tpu.memory_space<hbm>> -> memref<48x128xi32, #tpu.memory_space<hbm>>
        %dma_start3A_104 = arith.constant 0 : i32
        %dma_start3A_105 = arith.constant 0 : i32
        %dma_start3A_106 = tpu.memref_slice %arg8[%dma_start3A_104, %dma_start3A_105] : memref<48x128xi32, #tpu.memory_space<vmem>> -> memref<48x128xi32, #tpu.memory_space<vmem>>
        %dma_start3A_107 = arith.constant 0 : i32
        %dma_start3A_108 = tpu.memref_slice %arg4[%add3A_64, %dma_start3A_107] : memref<2560x128xi32, #tpu.memory_space<hbm>> -> memref<48x128xi32, #tpu.memory_space<hbm>>
        tpu.enqueue_dma source(%dma_start3A_108 : memref<48x128xi32, #tpu.memory_space<hbm>>) target(%dma_start3A_106 : memref<48x128xi32, #tpu.memory_space<vmem>>) target_semaphore(%run_scoped3A : memref<!tpu.dma_semaphore, #tpu.memory_space<semaphore_mem>>)
        %dma_wait3A_109 = arith.constant 0 : i32
        %dma_wait3A_110 = arith.constant 0 : i32
        %dma_wait3A_111 = tpu.memref_slice %arg8[%dma_wait3A_109, %dma_wait3A_110] : memref<48x128xi32, #tpu.memory_space<vmem>> -> memref<48x128xi32, #tpu.memory_space<vmem>>
        %dma_wait3A_112 = arith.constant 0 : i32
        %dma_wait3A_113 = tpu.memref_slice %arg4[%add3A_64, %dma_wait3A_112] : memref<2560x128xi32, #tpu.memory_space<hbm>> -> memref<48x128xi32, #tpu.memory_space<hbm>>
        %dma_wait3A_114 = arith.constant 0 : i32
        %dma_wait3A_115 = arith.constant 0 : i32
        %dma_wait3A_116 = tpu.memref_slice %arg8[%dma_wait3A_114, %dma_wait3A_115] : memref<48x128xi32, #tpu.memory_space<vmem>> -> memref<48x128xi32, #tpu.memory_space<vmem>>
        %dma_wait3A_117 = arith.constant 0 : i32
        %dma_wait3A_118 = tpu.memref_slice %arg4[%add3A_64, %dma_wait3A_117] : memref<2560x128xi32, #tpu.memory_space<hbm>> -> memref<48x128xi32, #tpu.memory_space<hbm>>
        tpu.wait_dma2 semaphore(%run_scoped3A : memref<!tpu.dma_semaphore, #tpu.memory_space<semaphore_mem>>) src(%dma_wait3A_118 : memref<48x128xi32, #tpu.memory_space<hbm>>) dst(%dma_wait3A_116 : memref<48x128xi32, #tpu.memory_space<vmem>>)
        tpu.yield
      }) : () -> ()
      %dma_start3A_65 = arith.constant 0 : i32
      %dma_start3A_66 = arith.constant 0 : i32
      %dma_start3A_67 = tpu.memref_slice %arg7[%dma_start3A_65, %dma_start3A_66] : memref<48x128xi32, #tpu.memory_space<vmem>> -> memref<1x128xi32, #tpu.memory_space<vmem>>
      %dma_start3A_68 = tpu.memref_squeeze %dma_start3A_67 : memref<1x128xi32, #tpu.memory_space<vmem>> -> memref<128xi32, #tpu.memory_space<vmem>>
      %dma_start3A_69 = arith.constant 0 : i32
      %dma_start3A_70 = arith.constant 0 : i32
      %dma_start3A_71 = tpu.memref_slice %arg2[%dma_start3A_69, %dma_start3A_70] : memref<10112x128xf32, #tpu.memory_space<hbm>> -> memref<10112x128xf32, #tpu.memory_space<hbm>>
      tpu.enqueue_indirect_dma source(%dma_start3A_71 : memref<10112x128xf32, #tpu.memory_space<hbm>>) target(%arg9 : memref<128x128xf32, #tpu.memory_space<vmem>>) offsets(%dma_start3A_68 : memref<128xi32, #tpu.memory_space<vmem>>) semaphore(%arg11 : memref<!tpu.dma_semaphore, #tpu.memory_space<semaphore_mem>>)
      %dma_start3A_72 = arith.constant 1 : i32
      %dma_start3A_73 = arith.constant 0 : i32
      %dma_start3A_74 = tpu.memref_slice %arg7[%dma_start3A_72, %dma_start3A_73] : memref<48x128xi32, #tpu.memory_space<vmem>> -> memref<1x128xi32, #tpu.memory_space<vmem>>
      %dma_start3A_75 = tpu.memref_squeeze %dma_start3A_74 : memref<1x128xi32, #tpu.memory_space<vmem>> -> memref<128xi32, #tpu.memory_space<vmem>>
      %dma_start3A_76 = arith.constant 0 : i32
      %dma_start3A_77 = arith.constant 0 : i32
      %dma_start3A_78 = tpu.memref_slice %arg2[%dma_start3A_76, %dma_start3A_77] : memref<10112x128xf32, #tpu.memory_space<hbm>> -> memref<10112x128xf32, #tpu.memory_space<hbm>>
      tpu.enqueue_indirect_dma source(%dma_start3A_78 : memref<10112x128xf32, #tpu.memory_space<hbm>>) target(%arg10 : memref<128x128xf32, #tpu.memory_space<vmem>>) offsets(%dma_start3A_75 : memref<128xi32, #tpu.memory_space<vmem>>) semaphore(%arg12 : memref<!tpu.dma_semaphore, #tpu.memory_space<semaphore_mem>>)
      %scan3A_79 = arith.constant 0 : i32
      %scan3A_80 = arith.constant 0 : i32
      %scan3A_81 = arith.constant 24 : i32
      %scan3A_82 = arith.addi %scan3A_80, %scan3A_81 : i32
      %scan3A_83 = arith.constant 1 : i32
      scf.for %scan3A_99 = %scan3A_80 to %scan3A_82 step %scan3A_83  : i32 {
        %mul3A_100 = arith.constant 2 : i32
        %mul3A_101 = arith.muli %mul3A_100, %scan3A_99 : i32
        %add3A_102 = arith.constant 0 : i32
        %add3A_103 = arith.addi %mul3A_101, %add3A_102 : i32
        %dma_wait3A_104 = arith.constant 0 : i32
        %dma_wait3A_105 = arith.constant 0 : i32
        %dma_wait3A_106 = tpu.memref_slice %arg7[%dma_wait3A_104, %dma_wait3A_105] : memref<48x128xi32, #tpu.memory_space<vmem>> -> memref<1x128xi32, #tpu.memory_space<vmem>>
        %dma_wait3A_107 = tpu.memref_squeeze %dma_wait3A_106 : memref<1x128xi32, #tpu.memory_space<vmem>> -> memref<128xi32, #tpu.memory_space<vmem>>
        %dma_wait3A_108 = arith.constant 0 : i32
        %dma_wait3A_109 = arith.constant 0 : i32
        %dma_wait3A_110 = tpu.memref_slice %arg2[%dma_wait3A_108, %dma_wait3A_109] : memref<10112x128xf32, #tpu.memory_space<hbm>> -> memref<10112x128xf32, #tpu.memory_space<hbm>>
        tpu.wait_indirect_dma semaphore(%arg11 : memref<!tpu.dma_semaphore, #tpu.memory_space<semaphore_mem>>) src(%dma_wait3A_110 : memref<10112x128xf32, #tpu.memory_space<hbm>>) dst(%arg9 : memref<128x128xf32, #tpu.memory_space<vmem>>)
        %dma_start3A_111 = arith.constant 0 : i32
        %dma_start3A_112 = tpu.memref_slice %arg8[%add3A_103, %dma_start3A_111] : memref<48x128xi32, #tpu.memory_space<vmem>> -> memref<1x128xi32, #tpu.memory_space<vmem>>
        %dma_start3A_113 = tpu.memref_squeeze %dma_start3A_112 : memref<1x128xi32, #tpu.memory_space<vmem>> -> memref<128xi32, #tpu.memory_space<vmem>>
        %dma_start3A_114 = arith.constant 0 : i32
        %dma_start3A_115 = arith.constant 0 : i32
        %dma_start3A_116 = tpu.memref_slice %arg6[%dma_start3A_114, %dma_start3A_115] : memref<10112x128xf32, #tpu.memory_space<vmem_shared>> -> memref<10112x128xf32, #tpu.memory_space<vmem_shared>>
        tpu.enqueue_indirect_dma source(%arg9 : memref<128x128xf32, #tpu.memory_space<vmem>>) target(%dma_start3A_116 : memref<10112x128xf32, #tpu.memory_space<vmem_shared>>) offsets(%dma_start3A_113 : memref<128xi32, #tpu.memory_space<vmem>>) semaphore(%arg13 : memref<!tpu.dma_semaphore, #tpu.memory_space<semaphore_mem>>) {add = true}
        %dma_wait3A_117 = arith.constant 0 : i32
        %dma_wait3A_118 = arith.constant 0 : i32
        %dma_wait3A_119 = tpu.memref_slice %arg8[%dma_wait3A_117, %dma_wait3A_118] : memref<48x128xi32, #tpu.memory_space<vmem>> -> memref<1x128xi32, #tpu.memory_space<vmem>>
        %dma_wait3A_120 = tpu.memref_squeeze %dma_wait3A_119 : memref<1x128xi32, #tpu.memory_space<vmem>> -> memref<128xi32, #tpu.memory_space<vmem>>
        %dma_wait3A_121 = arith.constant 0 : i32
        %dma_wait3A_122 = arith.constant 0 : i32
        %dma_wait3A_123 = tpu.memref_slice %arg6[%dma_wait3A_121, %dma_wait3A_122] : memref<10112x128xf32, #tpu.memory_space<vmem_shared>> -> memref<10112x128xf32, #tpu.memory_space<vmem_shared>>
        tpu.wait_indirect_dma semaphore(%arg13 : memref<!tpu.dma_semaphore, #tpu.memory_space<semaphore_mem>>) src(%arg9 : memref<128x128xf32, #tpu.memory_space<vmem>>) dst(%dma_wait3A_123 : memref<10112x128xf32, #tpu.memory_space<vmem_shared>>)
        %add3A_124 = arith.constant 2 : i32
        %add3A_125 = arith.addi %add3A_103, %add3A_124 : i32
        %min3A = arith.constant 47 : i32
        %min3A_126 = arith.minsi %add3A_125, %min3A : i32
        %dma_start3A_127 = arith.constant 0 : i32
        %dma_start3A_128 = tpu.memref_slice %arg7[%min3A_126, %dma_start3A_127] : memref<48x128xi32, #tpu.memory_space<vmem>> -> memref<1x128xi32, #tpu.memory_space<vmem>>
        %dma_start3A_129 = tpu.memref_squeeze %dma_start3A_128 : memref<1x128xi32, #tpu.memory_space<vmem>> -> memref<128xi32, #tpu.memory_space<vmem>>
        %dma_start3A_130 = arith.constant 0 : i32
        %dma_start3A_131 = arith.constant 0 : i32
        %dma_start3A_132 = tpu.memref_slice %arg2[%dma_start3A_130, %dma_start3A_131] : memref<10112x128xf32, #tpu.memory_space<hbm>> -> memref<10112x128xf32, #tpu.memory_space<hbm>>
        tpu.enqueue_indirect_dma source(%dma_start3A_132 : memref<10112x128xf32, #tpu.memory_space<hbm>>) target(%arg9 : memref<128x128xf32, #tpu.memory_space<vmem>>) offsets(%dma_start3A_129 : memref<128xi32, #tpu.memory_space<vmem>>) semaphore(%arg11 : memref<!tpu.dma_semaphore, #tpu.memory_space<semaphore_mem>>)
        %mul3A_133 = arith.constant 2 : i32
        %mul3A_134 = arith.muli %mul3A_133, %scan3A_99 : i32
        %add3A_135 = arith.constant 1 : i32
        %add3A_136 = arith.addi %mul3A_134, %add3A_135 : i32
        %dma_wait3A_137 = arith.constant 0 : i32
        %dma_wait3A_138 = arith.constant 0 : i32
        %dma_wait3A_139 = tpu.memref_slice %arg7[%dma_wait3A_137, %dma_wait3A_138] : memref<48x128xi32, #tpu.memory_space<vmem>> -> memref<1x128xi32, #tpu.memory_space<vmem>>
        %dma_wait3A_140 = tpu.memref_squeeze %dma_wait3A_139 : memref<1x128xi32, #tpu.memory_space<vmem>> -> memref<128xi32, #tpu.memory_space<vmem>>
        %dma_wait3A_141 = arith.constant 0 : i32
        %dma_wait3A_142 = arith.constant 0 : i32
        %dma_wait3A_143 = tpu.memref_slice %arg2[%dma_wait3A_141, %dma_wait3A_142] : memref<10112x128xf32, #tpu.memory_space<hbm>> -> memref<10112x128xf32, #tpu.memory_space<hbm>>
        tpu.wait_indirect_dma semaphore(%arg12 : memref<!tpu.dma_semaphore, #tpu.memory_space<semaphore_mem>>) src(%dma_wait3A_143 : memref<10112x128xf32, #tpu.memory_space<hbm>>) dst(%arg10 : memref<128x128xf32, #tpu.memory_space<vmem>>)
        %dma_start3A_144 = arith.constant 0 : i32
        %dma_start3A_145 = tpu.memref_slice %arg8[%add3A_136, %dma_start3A_144] : memref<48x128xi32, #tpu.memory_space<vmem>> -> memref<1x128xi32, #tpu.memory_space<vmem>>
        %dma_start3A_146 = tpu.memref_squeeze %dma_start3A_145 : memref<1x128xi32, #tpu.memory_space<vmem>> -> memref<128xi32, #tpu.memory_space<vmem>>
        %dma_start3A_147 = arith.constant 0 : i32
        %dma_start3A_148 = arith.constant 0 : i32
        %dma_start3A_149 = tpu.memref_slice %arg6[%dma_start3A_147, %dma_start3A_148] : memref<10112x128xf32, #tpu.memory_space<vmem_shared>> -> memref<10112x128xf32, #tpu.memory_space<vmem_shared>>
        tpu.enqueue_indirect_dma source(%arg10 : memref<128x128xf32, #tpu.memory_space<vmem>>) target(%dma_start3A_149 : memref<10112x128xf32, #tpu.memory_space<vmem_shared>>) offsets(%dma_start3A_146 : memref<128xi32, #tpu.memory_space<vmem>>) semaphore(%arg14 : memref<!tpu.dma_semaphore, #tpu.memory_space<semaphore_mem>>) {add = true}
        %dma_wait3A_150 = arith.constant 0 : i32
        %dma_wait3A_151 = arith.constant 0 : i32
        %dma_wait3A_152 = tpu.memref_slice %arg8[%dma_wait3A_150, %dma_wait3A_151] : memref<48x128xi32, #tpu.memory_space<vmem>> -> memref<1x128xi32, #tpu.memory_space<vmem>>
        %dma_wait3A_153 = tpu.memref_squeeze %dma_wait3A_152 : memref<1x128xi32, #tpu.memory_space<vmem>> -> memref<128xi32, #tpu.memory_space<vmem>>
        %dma_wait3A_154 = arith.constant 0 : i32
        %dma_wait3A_155 = arith.constant 0 : i32
        %dma_wait3A_156 = tpu.memref_slice %arg6[%dma_wait3A_154, %dma_wait3A_155] : memref<10112x128xf32, #tpu.memory_space<vmem_shared>> -> memref<10112x128xf32, #tpu.memory_space<vmem_shared>>
        tpu.wait_indirect_dma semaphore(%arg14 : memref<!tpu.dma_semaphore, #tpu.memory_space<semaphore_mem>>) src(%arg10 : memref<128x128xf32, #tpu.memory_space<vmem>>) dst(%dma_wait3A_156 : memref<10112x128xf32, #tpu.memory_space<vmem_shared>>)
        %add3A_157 = arith.constant 2 : i32
        %add3A_158 = arith.addi %add3A_136, %add3A_157 : i32
        %min3A_159 = arith.constant 47 : i32
        %min3A_160 = arith.minsi %add3A_158, %min3A_159 : i32
        %dma_start3A_161 = arith.constant 0 : i32
        %dma_start3A_162 = tpu.memref_slice %arg7[%min3A_160, %dma_start3A_161] : memref<48x128xi32, #tpu.memory_space<vmem>> -> memref<1x128xi32, #tpu.memory_space<vmem>>
        %dma_start3A_163 = tpu.memref_squeeze %dma_start3A_162 : memref<1x128xi32, #tpu.memory_space<vmem>> -> memref<128xi32, #tpu.memory_space<vmem>>
        %dma_start3A_164 = arith.constant 0 : i32
        %dma_start3A_165 = arith.constant 0 : i32
        %dma_start3A_166 = tpu.memref_slice %arg2[%dma_start3A_164, %dma_start3A_165] : memref<10112x128xf32, #tpu.memory_space<hbm>> -> memref<10112x128xf32, #tpu.memory_space<hbm>>
        tpu.enqueue_indirect_dma source(%dma_start3A_166 : memref<10112x128xf32, #tpu.memory_space<hbm>>) target(%arg10 : memref<128x128xf32, #tpu.memory_space<vmem>>) offsets(%dma_start3A_163 : memref<128xi32, #tpu.memory_space<vmem>>) semaphore(%arg12 : memref<!tpu.dma_semaphore, #tpu.memory_space<semaphore_mem>>)
      }
      %scan3A_84 = arith.constant 24 : i32
      %dma_wait3A_85 = arith.constant 0 : i32
      %dma_wait3A_86 = arith.constant 0 : i32
      %dma_wait3A_87 = tpu.memref_slice %arg7[%dma_wait3A_85, %dma_wait3A_86] : memref<48x128xi32, #tpu.memory_space<vmem>> -> memref<1x128xi32, #tpu.memory_space<vmem>>
      %dma_wait3A_88 = tpu.memref_squeeze %dma_wait3A_87 : memref<1x128xi32, #tpu.memory_space<vmem>> -> memref<128xi32, #tpu.memory_space<vmem>>
      %dma_wait3A_89 = arith.constant 0 : i32
      %dma_wait3A_90 = arith.constant 0 : i32
      %dma_wait3A_91 = tpu.memref_slice %arg2[%dma_wait3A_89, %dma_wait3A_90] : memref<10112x128xf32, #tpu.memory_space<hbm>> -> memref<10112x128xf32, #tpu.memory_space<hbm>>
      tpu.wait_indirect_dma semaphore(%arg11 : memref<!tpu.dma_semaphore, #tpu.memory_space<semaphore_mem>>) src(%dma_wait3A_91 : memref<10112x128xf32, #tpu.memory_space<hbm>>) dst(%arg9 : memref<128x128xf32, #tpu.memory_space<vmem>>)
      %dma_wait3A_92 = arith.constant 0 : i32
      %dma_wait3A_93 = arith.constant 0 : i32
      %dma_wait3A_94 = tpu.memref_slice %arg7[%dma_wait3A_92, %dma_wait3A_93] : memref<48x128xi32, #tpu.memory_space<vmem>> -> memref<1x128xi32, #tpu.memory_space<vmem>>
      %dma_wait3A_95 = tpu.memref_squeeze %dma_wait3A_94 : memref<1x128xi32, #tpu.memory_space<vmem>> -> memref<128xi32, #tpu.memory_space<vmem>>
      %dma_wait3A_96 = arith.constant 0 : i32
      %dma_wait3A_97 = arith.constant 0 : i32
      %dma_wait3A_98 = tpu.memref_slice %arg2[%dma_wait3A_96, %dma_wait3A_97] : memref<10112x128xf32, #tpu.memory_space<hbm>> -> memref<10112x128xf32, #tpu.memory_space<hbm>>
      tpu.wait_indirect_dma semaphore(%arg12 : memref<!tpu.dma_semaphore, #tpu.memory_space<semaphore_mem>>) src(%dma_wait3A_98 : memref<10112x128xf32, #tpu.memory_space<hbm>>) dst(%arg10 : memref<128x128xf32, #tpu.memory_space<vmem>>)
    } else {
    }
    %eq3A_17 = arith.constant 1 : i32
    %eq3A_18 = arith.cmpi eq, %arg0, %eq3A_17 : i32
    %convert_element_type3A_19 = arith.extui %eq3A_18 : i1 to i32
    %cond3A_20 = arith.constant 0 : i32
    %cond3A_21 = arith.cmpi ne, %convert_element_type3A_19, %cond3A_20 : i32
    scf.if %cond3A_21 {
      %mul3A_23 = arith.constant 64 : i32
      %mul3A_24 = arith.muli %arg1, %mul3A_23 : i32
      %add3A_25 = arith.constant 1536 : i32
      %add3A_26 = arith.addi %add3A_25, %mul3A_24 : i32
      %add3A_27 = arith.constant 0 : i32
      %add3A_28 = arith.addi %add3A_26, %add3A_27 : i32
      "tpu.region"() ({
        %run_scoped3A = tpu.sem_alloc : memref<!tpu.dma_semaphore, #tpu.memory_space<semaphore_mem>>
        %dma_start3A_101 = arith.constant 0 : i32
        %dma_start3A_102 = arith.constant 0 : i32
        %dma_start3A_103 = tpu.memref_slice %arg7[%dma_start3A_101, %dma_start3A_102] : memref<48x128xi32, #tpu.memory_space<vmem>> -> memref<32x128xi32, #tpu.memory_space<vmem>>
        %dma_start3A_104 = arith.constant 0 : i32
        %dma_start3A_105 = tpu.memref_slice %arg3[%add3A_28, %dma_start3A_104] : memref<2560x128xi32, #tpu.memory_space<hbm>> -> memref<32x128xi32, #tpu.memory_space<hbm>>
        %dma_start3A_106 = arith.constant 0 : i32
        %dma_start3A_107 = arith.constant 0 : i32
        %dma_start3A_108 = tpu.memref_slice %arg7[%dma_start3A_106, %dma_start3A_107] : memref<48x128xi32, #tpu.memory_space<vmem>> -> memref<32x128xi32, #tpu.memory_space<vmem>>
        %dma_start3A_109 = arith.constant 0 : i32
        %dma_start3A_110 = tpu.memref_slice %arg3[%add3A_28, %dma_start3A_109] : memref<2560x128xi32, #tpu.memory_space<hbm>> -> memref<32x128xi32, #tpu.memory_space<hbm>>
        tpu.enqueue_dma source(%dma_start3A_110 : memref<32x128xi32, #tpu.memory_space<hbm>>) target(%dma_start3A_108 : memref<32x128xi32, #tpu.memory_space<vmem>>) target_semaphore(%run_scoped3A : memref<!tpu.dma_semaphore, #tpu.memory_space<semaphore_mem>>)
        %dma_wait3A_111 = arith.constant 0 : i32
        %dma_wait3A_112 = arith.constant 0 : i32
        %dma_wait3A_113 = tpu.memref_slice %arg7[%dma_wait3A_111, %dma_wait3A_112] : memref<48x128xi32, #tpu.memory_space<vmem>> -> memref<32x128xi32, #tpu.memory_space<vmem>>
        %dma_wait3A_114 = arith.constant 0 : i32
        %dma_wait3A_115 = tpu.memref_slice %arg3[%add3A_28, %dma_wait3A_114] : memref<2560x128xi32, #tpu.memory_space<hbm>> -> memref<32x128xi32, #tpu.memory_space<hbm>>
        %dma_wait3A_116 = arith.constant 0 : i32
        %dma_wait3A_117 = arith.constant 0 : i32
        %dma_wait3A_118 = tpu.memref_slice %arg7[%dma_wait3A_116, %dma_wait3A_117] : memref<48x128xi32, #tpu.memory_space<vmem>> -> memref<32x128xi32, #tpu.memory_space<vmem>>
        %dma_wait3A_119 = arith.constant 0 : i32
        %dma_wait3A_120 = tpu.memref_slice %arg3[%add3A_28, %dma_wait3A_119] : memref<2560x128xi32, #tpu.memory_space<hbm>> -> memref<32x128xi32, #tpu.memory_space<hbm>>
        tpu.wait_dma2 semaphore(%run_scoped3A : memref<!tpu.dma_semaphore, #tpu.memory_space<semaphore_mem>>) src(%dma_wait3A_120 : memref<32x128xi32, #tpu.memory_space<hbm>>) dst(%dma_wait3A_118 : memref<32x128xi32, #tpu.memory_space<vmem>>)
        tpu.yield
      }) : () -> ()
      %add3A_29 = arith.constant 0 : i32
      %add3A_30 = arith.addi %add3A_26, %add3A_29 : i32
      "tpu.region"() ({
        %run_scoped3A = tpu.sem_alloc : memref<!tpu.dma_semaphore, #tpu.memory_space<semaphore_mem>>
        %dma_start3A_101 = arith.constant 0 : i32
        %dma_start3A_102 = arith.constant 0 : i32
        %dma_start3A_103 = tpu.memref_slice %arg8[%dma_start3A_101, %dma_start3A_102] : memref<48x128xi32, #tpu.memory_space<vmem>> -> memref<32x128xi32, #tpu.memory_space<vmem>>
        %dma_start3A_104 = arith.constant 0 : i32
        %dma_start3A_105 = tpu.memref_slice %arg4[%add3A_30, %dma_start3A_104] : memref<2560x128xi32, #tpu.memory_space<hbm>> -> memref<32x128xi32, #tpu.memory_space<hbm>>
        %dma_start3A_106 = arith.constant 0 : i32
        %dma_start3A_107 = arith.constant 0 : i32
        %dma_start3A_108 = tpu.memref_slice %arg8[%dma_start3A_106, %dma_start3A_107] : memref<48x128xi32, #tpu.memory_space<vmem>> -> memref<32x128xi32, #tpu.memory_space<vmem>>
        %dma_start3A_109 = arith.constant 0 : i32
        %dma_start3A_110 = tpu.memref_slice %arg4[%add3A_30, %dma_start3A_109] : memref<2560x128xi32, #tpu.memory_space<hbm>> -> memref<32x128xi32, #tpu.memory_space<hbm>>
        tpu.enqueue_dma source(%dma_start3A_110 : memref<32x128xi32, #tpu.memory_space<hbm>>) target(%dma_start3A_108 : memref<32x128xi32, #tpu.memory_space<vmem>>) target_semaphore(%run_scoped3A : memref<!tpu.dma_semaphore, #tpu.memory_space<semaphore_mem>>)
        %dma_wait3A_111 = arith.constant 0 : i32
        %dma_wait3A_112 = arith.constant 0 : i32
        %dma_wait3A_113 = tpu.memref_slice %arg8[%dma_wait3A_111, %dma_wait3A_112] : memref<48x128xi32, #tpu.memory_space<vmem>> -> memref<32x128xi32, #tpu.memory_space<vmem>>
        %dma_wait3A_114 = arith.constant 0 : i32
        %dma_wait3A_115 = tpu.memref_slice %arg4[%add3A_30, %dma_wait3A_114] : memref<2560x128xi32, #tpu.memory_space<hbm>> -> memref<32x128xi32, #tpu.memory_space<hbm>>
        %dma_wait3A_116 = arith.constant 0 : i32
        %dma_wait3A_117 = arith.constant 0 : i32
        %dma_wait3A_118 = tpu.memref_slice %arg8[%dma_wait3A_116, %dma_wait3A_117] : memref<48x128xi32, #tpu.memory_space<vmem>> -> memref<32x128xi32, #tpu.memory_space<vmem>>
        %dma_wait3A_119 = arith.constant 0 : i32
        %dma_wait3A_120 = tpu.memref_slice %arg4[%add3A_30, %dma_wait3A_119] : memref<2560x128xi32, #tpu.memory_space<hbm>> -> memref<32x128xi32, #tpu.memory_space<hbm>>
        tpu.wait_dma2 semaphore(%run_scoped3A : memref<!tpu.dma_semaphore, #tpu.memory_space<semaphore_mem>>) src(%dma_wait3A_120 : memref<32x128xi32, #tpu.memory_space<hbm>>) dst(%dma_wait3A_118 : memref<32x128xi32, #tpu.memory_space<vmem>>)
        tpu.yield
      }) : () -> ()
      %dma_start3A = arith.constant 0 : i32
      %dma_start3A_31 = arith.constant 0 : i32
      %dma_start3A_32 = tpu.memref_slice %arg7[%dma_start3A, %dma_start3A_31] : memref<48x128xi32, #tpu.memory_space<vmem>> -> memref<1x128xi32, #tpu.memory_space<vmem>>
      %dma_start3A_33 = tpu.memref_squeeze %dma_start3A_32 : memref<1x128xi32, #tpu.memory_space<vmem>> -> memref<128xi32, #tpu.memory_space<vmem>>
      %dma_start3A_34 = arith.constant 0 : i32
      %dma_start3A_35 = arith.constant 0 : i32
      %dma_start3A_36 = tpu.memref_slice %arg2[%dma_start3A_34, %dma_start3A_35] : memref<10112x128xf32, #tpu.memory_space<hbm>> -> memref<10112x128xf32, #tpu.memory_space<hbm>>
      tpu.enqueue_indirect_dma source(%dma_start3A_36 : memref<10112x128xf32, #tpu.memory_space<hbm>>) target(%arg9 : memref<128x128xf32, #tpu.memory_space<vmem>>) offsets(%dma_start3A_33 : memref<128xi32, #tpu.memory_space<vmem>>) semaphore(%arg11 : memref<!tpu.dma_semaphore, #tpu.memory_space<semaphore_mem>>)
      %dma_start3A_37 = arith.constant 1 : i32
      %dma_start3A_38 = arith.constant 0 : i32
      %dma_start3A_39 = tpu.memref_slice %arg7[%dma_start3A_37, %dma_start3A_38] : memref<48x128xi32, #tpu.memory_space<vmem>> -> memref<1x128xi32, #tpu.memory_space<vmem>>
      %dma_start3A_40 = tpu.memref_squeeze %dma_start3A_39 : memref<1x128xi32, #tpu.memory_space<vmem>> -> memref<128xi32, #tpu.memory_space<vmem>>
      %dma_start3A_41 = arith.constant 0 : i32
      %dma_start3A_42 = arith.constant 0 : i32
      %dma_start3A_43 = tpu.memref_slice %arg2[%dma_start3A_41, %dma_start3A_42] : memref<10112x128xf32, #tpu.memory_space<hbm>> -> memref<10112x128xf32, #tpu.memory_space<hbm>>
      tpu.enqueue_indirect_dma source(%dma_start3A_43 : memref<10112x128xf32, #tpu.memory_space<hbm>>) target(%arg10 : memref<128x128xf32, #tpu.memory_space<vmem>>) offsets(%dma_start3A_40 : memref<128xi32, #tpu.memory_space<vmem>>) semaphore(%arg12 : memref<!tpu.dma_semaphore, #tpu.memory_space<semaphore_mem>>)
      %scan3A_44 = arith.constant 0 : i32
      %scan3A_45 = arith.constant 0 : i32
      %scan3A_46 = arith.constant 16 : i32
      %scan3A_47 = arith.addi %scan3A_45, %scan3A_46 : i32
      %scan3A_48 = arith.constant 1 : i32
      scf.for %scan3A_101 = %scan3A_45 to %scan3A_47 step %scan3A_48  : i32 {
        %mul3A_102 = arith.constant 2 : i32
        %mul3A_103 = arith.muli %mul3A_102, %scan3A_101 : i32
        %add3A_104 = arith.constant 0 : i32
        %add3A_105 = arith.addi %mul3A_103, %add3A_104 : i32
        %dma_wait3A_106 = arith.constant 0 : i32
        %dma_wait3A_107 = arith.constant 0 : i32
        %dma_wait3A_108 = tpu.memref_slice %arg7[%dma_wait3A_106, %dma_wait3A_107] : memref<48x128xi32, #tpu.memory_space<vmem>> -> memref<1x128xi32, #tpu.memory_space<vmem>>
        %dma_wait3A_109 = tpu.memref_squeeze %dma_wait3A_108 : memref<1x128xi32, #tpu.memory_space<vmem>> -> memref<128xi32, #tpu.memory_space<vmem>>
        %dma_wait3A_110 = arith.constant 0 : i32
        %dma_wait3A_111 = arith.constant 0 : i32
        %dma_wait3A_112 = tpu.memref_slice %arg2[%dma_wait3A_110, %dma_wait3A_111] : memref<10112x128xf32, #tpu.memory_space<hbm>> -> memref<10112x128xf32, #tpu.memory_space<hbm>>
        tpu.wait_indirect_dma semaphore(%arg11 : memref<!tpu.dma_semaphore, #tpu.memory_space<semaphore_mem>>) src(%dma_wait3A_112 : memref<10112x128xf32, #tpu.memory_space<hbm>>) dst(%arg9 : memref<128x128xf32, #tpu.memory_space<vmem>>)
        %dma_start3A_113 = arith.constant 0 : i32
        %dma_start3A_114 = tpu.memref_slice %arg8[%add3A_105, %dma_start3A_113] : memref<48x128xi32, #tpu.memory_space<vmem>> -> memref<1x128xi32, #tpu.memory_space<vmem>>
        %dma_start3A_115 = tpu.memref_squeeze %dma_start3A_114 : memref<1x128xi32, #tpu.memory_space<vmem>> -> memref<128xi32, #tpu.memory_space<vmem>>
        %dma_start3A_116 = arith.constant 0 : i32
        %dma_start3A_117 = arith.constant 0 : i32
        %dma_start3A_118 = tpu.memref_slice %arg6[%dma_start3A_116, %dma_start3A_117] : memref<10112x128xf32, #tpu.memory_space<vmem_shared>> -> memref<10112x128xf32, #tpu.memory_space<vmem_shared>>
        tpu.enqueue_indirect_dma source(%arg9 : memref<128x128xf32, #tpu.memory_space<vmem>>) target(%dma_start3A_118 : memref<10112x128xf32, #tpu.memory_space<vmem_shared>>) offsets(%dma_start3A_115 : memref<128xi32, #tpu.memory_space<vmem>>) semaphore(%arg13 : memref<!tpu.dma_semaphore, #tpu.memory_space<semaphore_mem>>) {add = true}
        %dma_wait3A_119 = arith.constant 0 : i32
        %dma_wait3A_120 = arith.constant 0 : i32
        %dma_wait3A_121 = tpu.memref_slice %arg8[%dma_wait3A_119, %dma_wait3A_120] : memref<48x128xi32, #tpu.memory_space<vmem>> -> memref<1x128xi32, #tpu.memory_space<vmem>>
        %dma_wait3A_122 = tpu.memref_squeeze %dma_wait3A_121 : memref<1x128xi32, #tpu.memory_space<vmem>> -> memref<128xi32, #tpu.memory_space<vmem>>
        %dma_wait3A_123 = arith.constant 0 : i32
        %dma_wait3A_124 = arith.constant 0 : i32
        %dma_wait3A_125 = tpu.memref_slice %arg6[%dma_wait3A_123, %dma_wait3A_124] : memref<10112x128xf32, #tpu.memory_space<vmem_shared>> -> memref<10112x128xf32, #tpu.memory_space<vmem_shared>>
        tpu.wait_indirect_dma semaphore(%arg13 : memref<!tpu.dma_semaphore, #tpu.memory_space<semaphore_mem>>) src(%arg9 : memref<128x128xf32, #tpu.memory_space<vmem>>) dst(%dma_wait3A_125 : memref<10112x128xf32, #tpu.memory_space<vmem_shared>>)
        %add3A_126 = arith.constant 2 : i32
        %add3A_127 = arith.addi %add3A_105, %add3A_126 : i32
        %min3A = arith.constant 31 : i32
        %min3A_128 = arith.minsi %add3A_127, %min3A : i32
        %dma_start3A_129 = arith.constant 0 : i32
        %dma_start3A_130 = tpu.memref_slice %arg7[%min3A_128, %dma_start3A_129] : memref<48x128xi32, #tpu.memory_space<vmem>> -> memref<1x128xi32, #tpu.memory_space<vmem>>
        %dma_start3A_131 = tpu.memref_squeeze %dma_start3A_130 : memref<1x128xi32, #tpu.memory_space<vmem>> -> memref<128xi32, #tpu.memory_space<vmem>>
        %dma_start3A_132 = arith.constant 0 : i32
        %dma_start3A_133 = arith.constant 0 : i32
        %dma_start3A_134 = tpu.memref_slice %arg2[%dma_start3A_132, %dma_start3A_133] : memref<10112x128xf32, #tpu.memory_space<hbm>> -> memref<10112x128xf32, #tpu.memory_space<hbm>>
        tpu.enqueue_indirect_dma source(%dma_start3A_134 : memref<10112x128xf32, #tpu.memory_space<hbm>>) target(%arg9 : memref<128x128xf32, #tpu.memory_space<vmem>>) offsets(%dma_start3A_131 : memref<128xi32, #tpu.memory_space<vmem>>) semaphore(%arg11 : memref<!tpu.dma_semaphore, #tpu.memory_space<semaphore_mem>>)
        %mul3A_135 = arith.constant 2 : i32
        %mul3A_136 = arith.muli %mul3A_135, %scan3A_101 : i32
        %add3A_137 = arith.constant 1 : i32
        %add3A_138 = arith.addi %mul3A_136, %add3A_137 : i32
        %dma_wait3A_139 = arith.constant 0 : i32
        %dma_wait3A_140 = arith.constant 0 : i32
        %dma_wait3A_141 = tpu.memref_slice %arg7[%dma_wait3A_139, %dma_wait3A_140] : memref<48x128xi32, #tpu.memory_space<vmem>> -> memref<1x128xi32, #tpu.memory_space<vmem>>
        %dma_wait3A_142 = tpu.memref_squeeze %dma_wait3A_141 : memref<1x128xi32, #tpu.memory_space<vmem>> -> memref<128xi32, #tpu.memory_space<vmem>>
        %dma_wait3A_143 = arith.constant 0 : i32
        %dma_wait3A_144 = arith.constant 0 : i32
        %dma_wait3A_145 = tpu.memref_slice %arg2[%dma_wait3A_143, %dma_wait3A_144] : memref<10112x128xf32, #tpu.memory_space<hbm>> -> memref<10112x128xf32, #tpu.memory_space<hbm>>
        tpu.wait_indirect_dma semaphore(%arg12 : memref<!tpu.dma_semaphore, #tpu.memory_space<semaphore_mem>>) src(%dma_wait3A_145 : memref<10112x128xf32, #tpu.memory_space<hbm>>) dst(%arg10 : memref<128x128xf32, #tpu.memory_space<vmem>>)
        %dma_start3A_146 = arith.constant 0 : i32
        %dma_start3A_147 = tpu.memref_slice %arg8[%add3A_138, %dma_start3A_146] : memref<48x128xi32, #tpu.memory_space<vmem>> -> memref<1x128xi32, #tpu.memory_space<vmem>>
        %dma_start3A_148 = tpu.memref_squeeze %dma_start3A_147 : memref<1x128xi32, #tpu.memory_space<vmem>> -> memref<128xi32, #tpu.memory_space<vmem>>
        %dma_start3A_149 = arith.constant 0 : i32
        %dma_start3A_150 = arith.constant 0 : i32
        %dma_start3A_151 = tpu.memref_slice %arg6[%dma_start3A_149, %dma_start3A_150] : memref<10112x128xf32, #tpu.memory_space<vmem_shared>> -> memref<10112x128xf32, #tpu.memory_space<vmem_shared>>
        tpu.enqueue_indirect_dma source(%arg10 : memref<128x128xf32, #tpu.memory_space<vmem>>) target(%dma_start3A_151 : memref<10112x128xf32, #tpu.memory_space<vmem_shared>>) offsets(%dma_start3A_148 : memref<128xi32, #tpu.memory_space<vmem>>) semaphore(%arg14 : memref<!tpu.dma_semaphore, #tpu.memory_space<semaphore_mem>>) {add = true}
        %dma_wait3A_152 = arith.constant 0 : i32
        %dma_wait3A_153 = arith.constant 0 : i32
        %dma_wait3A_154 = tpu.memref_slice %arg8[%dma_wait3A_152, %dma_wait3A_153] : memref<48x128xi32, #tpu.memory_space<vmem>> -> memref<1x128xi32, #tpu.memory_space<vmem>>
        %dma_wait3A_155 = tpu.memref_squeeze %dma_wait3A_154 : memref<1x128xi32, #tpu.memory_space<vmem>> -> memref<128xi32, #tpu.memory_space<vmem>>
        %dma_wait3A_156 = arith.constant 0 : i32
        %dma_wait3A_157 = arith.constant 0 : i32
        %dma_wait3A_158 = tpu.memref_slice %arg6[%dma_wait3A_156, %dma_wait3A_157] : memref<10112x128xf32, #tpu.memory_space<vmem_shared>> -> memref<10112x128xf32, #tpu.memory_space<vmem_shared>>
        tpu.wait_indirect_dma semaphore(%arg14 : memref<!tpu.dma_semaphore, #tpu.memory_space<semaphore_mem>>) src(%arg10 : memref<128x128xf32, #tpu.memory_space<vmem>>) dst(%dma_wait3A_158 : memref<10112x128xf32, #tpu.memory_space<vmem_shared>>)
        %add3A_159 = arith.constant 2 : i32
        %add3A_160 = arith.addi %add3A_138, %add3A_159 : i32
        %min3A_161 = arith.constant 31 : i32
        %min3A_162 = arith.minsi %add3A_160, %min3A_161 : i32
        %dma_start3A_163 = arith.constant 0 : i32
        %dma_start3A_164 = tpu.memref_slice %arg7[%min3A_162, %dma_start3A_163] : memref<48x128xi32, #tpu.memory_space<vmem>> -> memref<1x128xi32, #tpu.memory_space<vmem>>
        %dma_start3A_165 = tpu.memref_squeeze %dma_start3A_164 : memref<1x128xi32, #tpu.memory_space<vmem>> -> memref<128xi32, #tpu.memory_space<vmem>>
        %dma_start3A_166 = arith.constant 0 : i32
        %dma_start3A_167 = arith.constant 0 : i32
        %dma_start3A_168 = tpu.memref_slice %arg2[%dma_start3A_166, %dma_start3A_167] : memref<10112x128xf32, #tpu.memory_space<hbm>> -> memref<10112x128xf32, #tpu.memory_space<hbm>>
        tpu.enqueue_indirect_dma source(%dma_start3A_168 : memref<10112x128xf32, #tpu.memory_space<hbm>>) target(%arg10 : memref<128x128xf32, #tpu.memory_space<vmem>>) offsets(%dma_start3A_165 : memref<128xi32, #tpu.memory_space<vmem>>) semaphore(%arg12 : memref<!tpu.dma_semaphore, #tpu.memory_space<semaphore_mem>>)
      }
      %scan3A_49 = arith.constant 16 : i32
      %dma_wait3A = arith.constant 0 : i32
      %dma_wait3A_50 = arith.constant 0 : i32
      %dma_wait3A_51 = tpu.memref_slice %arg7[%dma_wait3A, %dma_wait3A_50] : memref<48x128xi32, #tpu.memory_space<vmem>> -> memref<1x128xi32, #tpu.memory_space<vmem>>
      %dma_wait3A_52 = tpu.memref_squeeze %dma_wait3A_51 : memref<1x128xi32, #tpu.memory_space<vmem>> -> memref<128xi32, #tpu.memory_space<vmem>>
      %dma_wait3A_53 = arith.constant 0 : i32
      %dma_wait3A_54 = arith.constant 0 : i32
      %dma_wait3A_55 = tpu.memref_slice %arg2[%dma_wait3A_53, %dma_wait3A_54] : memref<10112x128xf32, #tpu.memory_space<hbm>> -> memref<10112x128xf32, #tpu.memory_space<hbm>>
      tpu.wait_indirect_dma semaphore(%arg11 : memref<!tpu.dma_semaphore, #tpu.memory_space<semaphore_mem>>) src(%dma_wait3A_55 : memref<10112x128xf32, #tpu.memory_space<hbm>>) dst(%arg9 : memref<128x128xf32, #tpu.memory_space<vmem>>)
      %dma_wait3A_56 = arith.constant 0 : i32
      %dma_wait3A_57 = arith.constant 0 : i32
      %dma_wait3A_58 = tpu.memref_slice %arg7[%dma_wait3A_56, %dma_wait3A_57] : memref<48x128xi32, #tpu.memory_space<vmem>> -> memref<1x128xi32, #tpu.memory_space<vmem>>
      %dma_wait3A_59 = tpu.memref_squeeze %dma_wait3A_58 : memref<1x128xi32, #tpu.memory_space<vmem>> -> memref<128xi32, #tpu.memory_space<vmem>>
      %dma_wait3A_60 = arith.constant 0 : i32
      %dma_wait3A_61 = arith.constant 0 : i32
      %dma_wait3A_62 = tpu.memref_slice %arg2[%dma_wait3A_60, %dma_wait3A_61] : memref<10112x128xf32, #tpu.memory_space<hbm>> -> memref<10112x128xf32, #tpu.memory_space<hbm>>
      tpu.wait_indirect_dma semaphore(%arg12 : memref<!tpu.dma_semaphore, #tpu.memory_space<semaphore_mem>>) src(%dma_wait3A_62 : memref<10112x128xf32, #tpu.memory_space<hbm>>) dst(%arg10 : memref<128x128xf32, #tpu.memory_space<vmem>>)
      %add3A_63 = arith.constant 32 : i32
      %add3A_64 = arith.addi %add3A_26, %add3A_63 : i32
      "tpu.region"() ({
        %run_scoped3A = tpu.sem_alloc : memref<!tpu.dma_semaphore, #tpu.memory_space<semaphore_mem>>
        %dma_start3A_101 = arith.constant 0 : i32
        %dma_start3A_102 = arith.constant 0 : i32
        %dma_start3A_103 = tpu.memref_slice %arg7[%dma_start3A_101, %dma_start3A_102] : memref<48x128xi32, #tpu.memory_space<vmem>> -> memref<32x128xi32, #tpu.memory_space<vmem>>
        %dma_start3A_104 = arith.constant 0 : i32
        %dma_start3A_105 = tpu.memref_slice %arg3[%add3A_64, %dma_start3A_104] : memref<2560x128xi32, #tpu.memory_space<hbm>> -> memref<32x128xi32, #tpu.memory_space<hbm>>
        %dma_start3A_106 = arith.constant 0 : i32
        %dma_start3A_107 = arith.constant 0 : i32
        %dma_start3A_108 = tpu.memref_slice %arg7[%dma_start3A_106, %dma_start3A_107] : memref<48x128xi32, #tpu.memory_space<vmem>> -> memref<32x128xi32, #tpu.memory_space<vmem>>
        %dma_start3A_109 = arith.constant 0 : i32
        %dma_start3A_110 = tpu.memref_slice %arg3[%add3A_64, %dma_start3A_109] : memref<2560x128xi32, #tpu.memory_space<hbm>> -> memref<32x128xi32, #tpu.memory_space<hbm>>
        tpu.enqueue_dma source(%dma_start3A_110 : memref<32x128xi32, #tpu.memory_space<hbm>>) target(%dma_start3A_108 : memref<32x128xi32, #tpu.memory_space<vmem>>) target_semaphore(%run_scoped3A : memref<!tpu.dma_semaphore, #tpu.memory_space<semaphore_mem>>)
        %dma_wait3A_111 = arith.constant 0 : i32
        %dma_wait3A_112 = arith.constant 0 : i32
        %dma_wait3A_113 = tpu.memref_slice %arg7[%dma_wait3A_111, %dma_wait3A_112] : memref<48x128xi32, #tpu.memory_space<vmem>> -> memref<32x128xi32, #tpu.memory_space<vmem>>
        %dma_wait3A_114 = arith.constant 0 : i32
        %dma_wait3A_115 = tpu.memref_slice %arg3[%add3A_64, %dma_wait3A_114] : memref<2560x128xi32, #tpu.memory_space<hbm>> -> memref<32x128xi32, #tpu.memory_space<hbm>>
        %dma_wait3A_116 = arith.constant 0 : i32
        %dma_wait3A_117 = arith.constant 0 : i32
        %dma_wait3A_118 = tpu.memref_slice %arg7[%dma_wait3A_116, %dma_wait3A_117] : memref<48x128xi32, #tpu.memory_space<vmem>> -> memref<32x128xi32, #tpu.memory_space<vmem>>
        %dma_wait3A_119 = arith.constant 0 : i32
        %dma_wait3A_120 = tpu.memref_slice %arg3[%add3A_64, %dma_wait3A_119] : memref<2560x128xi32, #tpu.memory_space<hbm>> -> memref<32x128xi32, #tpu.memory_space<hbm>>
        tpu.wait_dma2 semaphore(%run_scoped3A : memref<!tpu.dma_semaphore, #tpu.memory_space<semaphore_mem>>) src(%dma_wait3A_120 : memref<32x128xi32, #tpu.memory_space<hbm>>) dst(%dma_wait3A_118 : memref<32x128xi32, #tpu.memory_space<vmem>>)
        tpu.yield
      }) : () -> ()
      %add3A_65 = arith.constant 32 : i32
      %add3A_66 = arith.addi %add3A_26, %add3A_65 : i32
      "tpu.region"() ({
        %run_scoped3A = tpu.sem_alloc : memref<!tpu.dma_semaphore, #tpu.memory_space<semaphore_mem>>
        %dma_start3A_101 = arith.constant 0 : i32
        %dma_start3A_102 = arith.constant 0 : i32
        %dma_start3A_103 = tpu.memref_slice %arg8[%dma_start3A_101, %dma_start3A_102] : memref<48x128xi32, #tpu.memory_space<vmem>> -> memref<32x128xi32, #tpu.memory_space<vmem>>
        %dma_start3A_104 = arith.constant 0 : i32
        %dma_start3A_105 = tpu.memref_slice %arg4[%add3A_66, %dma_start3A_104] : memref<2560x128xi32, #tpu.memory_space<hbm>> -> memref<32x128xi32, #tpu.memory_space<hbm>>
        %dma_start3A_106 = arith.constant 0 : i32
        %dma_start3A_107 = arith.constant 0 : i32
        %dma_start3A_108 = tpu.memref_slice %arg8[%dma_start3A_106, %dma_start3A_107] : memref<48x128xi32, #tpu.memory_space<vmem>> -> memref<32x128xi32, #tpu.memory_space<vmem>>
        %dma_start3A_109 = arith.constant 0 : i32
        %dma_start3A_110 = tpu.memref_slice %arg4[%add3A_66, %dma_start3A_109] : memref<2560x128xi32, #tpu.memory_space<hbm>> -> memref<32x128xi32, #tpu.memory_space<hbm>>
        tpu.enqueue_dma source(%dma_start3A_110 : memref<32x128xi32, #tpu.memory_space<hbm>>) target(%dma_start3A_108 : memref<32x128xi32, #tpu.memory_space<vmem>>) target_semaphore(%run_scoped3A : memref<!tpu.dma_semaphore, #tpu.memory_space<semaphore_mem>>)
        %dma_wait3A_111 = arith.constant 0 : i32
        %dma_wait3A_112 = arith.constant 0 : i32
        %dma_wait3A_113 = tpu.memref_slice %arg8[%dma_wait3A_111, %dma_wait3A_112] : memref<48x128xi32, #tpu.memory_space<vmem>> -> memref<32x128xi32, #tpu.memory_space<vmem>>
        %dma_wait3A_114 = arith.constant 0 : i32
        %dma_wait3A_115 = tpu.memref_slice %arg4[%add3A_66, %dma_wait3A_114] : memref<2560x128xi32, #tpu.memory_space<hbm>> -> memref<32x128xi32, #tpu.memory_space<hbm>>
        %dma_wait3A_116 = arith.constant 0 : i32
        %dma_wait3A_117 = arith.constant 0 : i32
        %dma_wait3A_118 = tpu.memref_slice %arg8[%dma_wait3A_116, %dma_wait3A_117] : memref<48x128xi32, #tpu.memory_space<vmem>> -> memref<32x128xi32, #tpu.memory_space<vmem>>
        %dma_wait3A_119 = arith.constant 0 : i32
        %dma_wait3A_120 = tpu.memref_slice %arg4[%add3A_66, %dma_wait3A_119] : memref<2560x128xi32, #tpu.memory_space<hbm>> -> memref<32x128xi32, #tpu.memory_space<hbm>>
        tpu.wait_dma2 semaphore(%run_scoped3A : memref<!tpu.dma_semaphore, #tpu.memory_space<semaphore_mem>>) src(%dma_wait3A_120 : memref<32x128xi32, #tpu.memory_space<hbm>>) dst(%dma_wait3A_118 : memref<32x128xi32, #tpu.memory_space<vmem>>)
        tpu.yield
      }) : () -> ()
      %dma_start3A_67 = arith.constant 0 : i32
      %dma_start3A_68 = arith.constant 0 : i32
      %dma_start3A_69 = tpu.memref_slice %arg7[%dma_start3A_67, %dma_start3A_68] : memref<48x128xi32, #tpu.memory_space<vmem>> -> memref<1x128xi32, #tpu.memory_space<vmem>>
      %dma_start3A_70 = tpu.memref_squeeze %dma_start3A_69 : memref<1x128xi32, #tpu.memory_space<vmem>> -> memref<128xi32, #tpu.memory_space<vmem>>
      %dma_start3A_71 = arith.constant 0 : i32
      %dma_start3A_72 = arith.constant 0 : i32
      %dma_start3A_73 = tpu.memref_slice %arg2[%dma_start3A_71, %dma_start3A_72] : memref<10112x128xf32, #tpu.memory_space<hbm>> -> memref<10112x128xf32, #tpu.memory_space<hbm>>
      tpu.enqueue_indirect_dma source(%dma_start3A_73 : memref<10112x128xf32, #tpu.memory_space<hbm>>) target(%arg9 : memref<128x128xf32, #tpu.memory_space<vmem>>) offsets(%dma_start3A_70 : memref<128xi32, #tpu.memory_space<vmem>>) semaphore(%arg11 : memref<!tpu.dma_semaphore, #tpu.memory_space<semaphore_mem>>)
      %dma_start3A_74 = arith.constant 1 : i32
      %dma_start3A_75 = arith.constant 0 : i32
      %dma_start3A_76 = tpu.memref_slice %arg7[%dma_start3A_74, %dma_start3A_75] : memref<48x128xi32, #tpu.memory_space<vmem>> -> memref<1x128xi32, #tpu.memory_space<vmem>>
      %dma_start3A_77 = tpu.memref_squeeze %dma_start3A_76 : memref<1x128xi32, #tpu.memory_space<vmem>> -> memref<128xi32, #tpu.memory_space<vmem>>
      %dma_start3A_78 = arith.constant 0 : i32
      %dma_start3A_79 = arith.constant 0 : i32
      %dma_start3A_80 = tpu.memref_slice %arg2[%dma_start3A_78, %dma_start3A_79] : memref<10112x128xf32, #tpu.memory_space<hbm>> -> memref<10112x128xf32, #tpu.memory_space<hbm>>
      tpu.enqueue_indirect_dma source(%dma_start3A_80 : memref<10112x128xf32, #tpu.memory_space<hbm>>) target(%arg10 : memref<128x128xf32, #tpu.memory_space<vmem>>) offsets(%dma_start3A_77 : memref<128xi32, #tpu.memory_space<vmem>>) semaphore(%arg12 : memref<!tpu.dma_semaphore, #tpu.memory_space<semaphore_mem>>)
      %scan3A_81 = arith.constant 0 : i32
      %scan3A_82 = arith.constant 0 : i32
      %scan3A_83 = arith.constant 16 : i32
      %scan3A_84 = arith.addi %scan3A_82, %scan3A_83 : i32
      %scan3A_85 = arith.constant 1 : i32
      scf.for %scan3A_101 = %scan3A_82 to %scan3A_84 step %scan3A_85  : i32 {
        %mul3A_102 = arith.constant 2 : i32
        %mul3A_103 = arith.muli %mul3A_102, %scan3A_101 : i32
        %add3A_104 = arith.constant 0 : i32
        %add3A_105 = arith.addi %mul3A_103, %add3A_104 : i32
        %dma_wait3A_106 = arith.constant 0 : i32
        %dma_wait3A_107 = arith.constant 0 : i32
        %dma_wait3A_108 = tpu.memref_slice %arg7[%dma_wait3A_106, %dma_wait3A_107] : memref<48x128xi32, #tpu.memory_space<vmem>> -> memref<1x128xi32, #tpu.memory_space<vmem>>
        %dma_wait3A_109 = tpu.memref_squeeze %dma_wait3A_108 : memref<1x128xi32, #tpu.memory_space<vmem>> -> memref<128xi32, #tpu.memory_space<vmem>>
        %dma_wait3A_110 = arith.constant 0 : i32
        %dma_wait3A_111 = arith.constant 0 : i32
        %dma_wait3A_112 = tpu.memref_slice %arg2[%dma_wait3A_110, %dma_wait3A_111] : memref<10112x128xf32, #tpu.memory_space<hbm>> -> memref<10112x128xf32, #tpu.memory_space<hbm>>
        tpu.wait_indirect_dma semaphore(%arg11 : memref<!tpu.dma_semaphore, #tpu.memory_space<semaphore_mem>>) src(%dma_wait3A_112 : memref<10112x128xf32, #tpu.memory_space<hbm>>) dst(%arg9 : memref<128x128xf32, #tpu.memory_space<vmem>>)
        %dma_start3A_113 = arith.constant 0 : i32
        %dma_start3A_114 = tpu.memref_slice %arg8[%add3A_105, %dma_start3A_113] : memref<48x128xi32, #tpu.memory_space<vmem>> -> memref<1x128xi32, #tpu.memory_space<vmem>>
        %dma_start3A_115 = tpu.memref_squeeze %dma_start3A_114 : memref<1x128xi32, #tpu.memory_space<vmem>> -> memref<128xi32, #tpu.memory_space<vmem>>
        %dma_start3A_116 = arith.constant 0 : i32
        %dma_start3A_117 = arith.constant 0 : i32
        %dma_start3A_118 = tpu.memref_slice %arg6[%dma_start3A_116, %dma_start3A_117] : memref<10112x128xf32, #tpu.memory_space<vmem_shared>> -> memref<10112x128xf32, #tpu.memory_space<vmem_shared>>
        tpu.enqueue_indirect_dma source(%arg9 : memref<128x128xf32, #tpu.memory_space<vmem>>) target(%dma_start3A_118 : memref<10112x128xf32, #tpu.memory_space<vmem_shared>>) offsets(%dma_start3A_115 : memref<128xi32, #tpu.memory_space<vmem>>) semaphore(%arg13 : memref<!tpu.dma_semaphore, #tpu.memory_space<semaphore_mem>>) {add = true}
        %dma_wait3A_119 = arith.constant 0 : i32
        %dma_wait3A_120 = arith.constant 0 : i32
        %dma_wait3A_121 = tpu.memref_slice %arg8[%dma_wait3A_119, %dma_wait3A_120] : memref<48x128xi32, #tpu.memory_space<vmem>> -> memref<1x128xi32, #tpu.memory_space<vmem>>
        %dma_wait3A_122 = tpu.memref_squeeze %dma_wait3A_121 : memref<1x128xi32, #tpu.memory_space<vmem>> -> memref<128xi32, #tpu.memory_space<vmem>>
        %dma_wait3A_123 = arith.constant 0 : i32
        %dma_wait3A_124 = arith.constant 0 : i32
        %dma_wait3A_125 = tpu.memref_slice %arg6[%dma_wait3A_123, %dma_wait3A_124] : memref<10112x128xf32, #tpu.memory_space<vmem_shared>> -> memref<10112x128xf32, #tpu.memory_space<vmem_shared>>
        tpu.wait_indirect_dma semaphore(%arg13 : memref<!tpu.dma_semaphore, #tpu.memory_space<semaphore_mem>>) src(%arg9 : memref<128x128xf32, #tpu.memory_space<vmem>>) dst(%dma_wait3A_125 : memref<10112x128xf32, #tpu.memory_space<vmem_shared>>)
        %add3A_126 = arith.constant 2 : i32
        %add3A_127 = arith.addi %add3A_105, %add3A_126 : i32
        %min3A = arith.constant 31 : i32
        %min3A_128 = arith.minsi %add3A_127, %min3A : i32
        %dma_start3A_129 = arith.constant 0 : i32
        %dma_start3A_130 = tpu.memref_slice %arg7[%min3A_128, %dma_start3A_129] : memref<48x128xi32, #tpu.memory_space<vmem>> -> memref<1x128xi32, #tpu.memory_space<vmem>>
        %dma_start3A_131 = tpu.memref_squeeze %dma_start3A_130 : memref<1x128xi32, #tpu.memory_space<vmem>> -> memref<128xi32, #tpu.memory_space<vmem>>
        %dma_start3A_132 = arith.constant 0 : i32
        %dma_start3A_133 = arith.constant 0 : i32
        %dma_start3A_134 = tpu.memref_slice %arg2[%dma_start3A_132, %dma_start3A_133] : memref<10112x128xf32, #tpu.memory_space<hbm>> -> memref<10112x128xf32, #tpu.memory_space<hbm>>
        tpu.enqueue_indirect_dma source(%dma_start3A_134 : memref<10112x128xf32, #tpu.memory_space<hbm>>) target(%arg9 : memref<128x128xf32, #tpu.memory_space<vmem>>) offsets(%dma_start3A_131 : memref<128xi32, #tpu.memory_space<vmem>>) semaphore(%arg11 : memref<!tpu.dma_semaphore, #tpu.memory_space<semaphore_mem>>)
        %mul3A_135 = arith.constant 2 : i32
        %mul3A_136 = arith.muli %mul3A_135, %scan3A_101 : i32
        %add3A_137 = arith.constant 1 : i32
        %add3A_138 = arith.addi %mul3A_136, %add3A_137 : i32
        %dma_wait3A_139 = arith.constant 0 : i32
        %dma_wait3A_140 = arith.constant 0 : i32
        %dma_wait3A_141 = tpu.memref_slice %arg7[%dma_wait3A_139, %dma_wait3A_140] : memref<48x128xi32, #tpu.memory_space<vmem>> -> memref<1x128xi32, #tpu.memory_space<vmem>>
        %dma_wait3A_142 = tpu.memref_squeeze %dma_wait3A_141 : memref<1x128xi32, #tpu.memory_space<vmem>> -> memref<128xi32, #tpu.memory_space<vmem>>
        %dma_wait3A_143 = arith.constant 0 : i32
        %dma_wait3A_144 = arith.constant 0 : i32
        %dma_wait3A_145 = tpu.memref_slice %arg2[%dma_wait3A_143, %dma_wait3A_144] : memref<10112x128xf32, #tpu.memory_space<hbm>> -> memref<10112x128xf32, #tpu.memory_space<hbm>>
        tpu.wait_indirect_dma semaphore(%arg12 : memref<!tpu.dma_semaphore, #tpu.memory_space<semaphore_mem>>) src(%dma_wait3A_145 : memref<10112x128xf32, #tpu.memory_space<hbm>>) dst(%arg10 : memref<128x128xf32, #tpu.memory_space<vmem>>)
        %dma_start3A_146 = arith.constant 0 : i32
        %dma_start3A_147 = tpu.memref_slice %arg8[%add3A_138, %dma_start3A_146] : memref<48x128xi32, #tpu.memory_space<vmem>> -> memref<1x128xi32, #tpu.memory_space<vmem>>
        %dma_start3A_148 = tpu.memref_squeeze %dma_start3A_147 : memref<1x128xi32, #tpu.memory_space<vmem>> -> memref<128xi32, #tpu.memory_space<vmem>>
        %dma_start3A_149 = arith.constant 0 : i32
        %dma_start3A_150 = arith.constant 0 : i32
        %dma_start3A_151 = tpu.memref_slice %arg6[%dma_start3A_149, %dma_start3A_150] : memref<10112x128xf32, #tpu.memory_space<vmem_shared>> -> memref<10112x128xf32, #tpu.memory_space<vmem_shared>>
        tpu.enqueue_indirect_dma source(%arg10 : memref<128x128xf32, #tpu.memory_space<vmem>>) target(%dma_start3A_151 : memref<10112x128xf32, #tpu.memory_space<vmem_shared>>) offsets(%dma_start3A_148 : memref<128xi32, #tpu.memory_space<vmem>>) semaphore(%arg14 : memref<!tpu.dma_semaphore, #tpu.memory_space<semaphore_mem>>) {add = true}
        %dma_wait3A_152 = arith.constant 0 : i32
        %dma_wait3A_153 = arith.constant 0 : i32
        %dma_wait3A_154 = tpu.memref_slice %arg8[%dma_wait3A_152, %dma_wait3A_153] : memref<48x128xi32, #tpu.memory_space<vmem>> -> memref<1x128xi32, #tpu.memory_space<vmem>>
        %dma_wait3A_155 = tpu.memref_squeeze %dma_wait3A_154 : memref<1x128xi32, #tpu.memory_space<vmem>> -> memref<128xi32, #tpu.memory_space<vmem>>
        %dma_wait3A_156 = arith.constant 0 : i32
        %dma_wait3A_157 = arith.constant 0 : i32
        %dma_wait3A_158 = tpu.memref_slice %arg6[%dma_wait3A_156, %dma_wait3A_157] : memref<10112x128xf32, #tpu.memory_space<vmem_shared>> -> memref<10112x128xf32, #tpu.memory_space<vmem_shared>>
        tpu.wait_indirect_dma semaphore(%arg14 : memref<!tpu.dma_semaphore, #tpu.memory_space<semaphore_mem>>) src(%arg10 : memref<128x128xf32, #tpu.memory_space<vmem>>) dst(%dma_wait3A_158 : memref<10112x128xf32, #tpu.memory_space<vmem_shared>>)
        %add3A_159 = arith.constant 2 : i32
        %add3A_160 = arith.addi %add3A_138, %add3A_159 : i32
        %min3A_161 = arith.constant 31 : i32
        %min3A_162 = arith.minsi %add3A_160, %min3A_161 : i32
        %dma_start3A_163 = arith.constant 0 : i32
        %dma_start3A_164 = tpu.memref_slice %arg7[%min3A_162, %dma_start3A_163] : memref<48x128xi32, #tpu.memory_space<vmem>> -> memref<1x128xi32, #tpu.memory_space<vmem>>
        %dma_start3A_165 = tpu.memref_squeeze %dma_start3A_164 : memref<1x128xi32, #tpu.memory_space<vmem>> -> memref<128xi32, #tpu.memory_space<vmem>>
        %dma_start3A_166 = arith.constant 0 : i32
        %dma_start3A_167 = arith.constant 0 : i32
        %dma_start3A_168 = tpu.memref_slice %arg2[%dma_start3A_166, %dma_start3A_167] : memref<10112x128xf32, #tpu.memory_space<hbm>> -> memref<10112x128xf32, #tpu.memory_space<hbm>>
        tpu.enqueue_indirect_dma source(%dma_start3A_168 : memref<10112x128xf32, #tpu.memory_space<hbm>>) target(%arg10 : memref<128x128xf32, #tpu.memory_space<vmem>>) offsets(%dma_start3A_165 : memref<128xi32, #tpu.memory_space<vmem>>) semaphore(%arg12 : memref<!tpu.dma_semaphore, #tpu.memory_space<semaphore_mem>>)
      }
      %scan3A_86 = arith.constant 16 : i32
      %dma_wait3A_87 = arith.constant 0 : i32
      %dma_wait3A_88 = arith.constant 0 : i32
      %dma_wait3A_89 = tpu.memref_slice %arg7[%dma_wait3A_87, %dma_wait3A_88] : memref<48x128xi32, #tpu.memory_space<vmem>> -> memref<1x128xi32, #tpu.memory_space<vmem>>
      %dma_wait3A_90 = tpu.memref_squeeze %dma_wait3A_89 : memref<1x128xi32, #tpu.memory_space<vmem>> -> memref<128xi32, #tpu.memory_space<vmem>>
      %dma_wait3A_91 = arith.constant 0 : i32
      %dma_wait3A_92 = arith.constant 0 : i32
      %dma_wait3A_93 = tpu.memref_slice %arg2[%dma_wait3A_91, %dma_wait3A_92] : memref<10112x128xf32, #tpu.memory_space<hbm>> -> memref<10112x128xf32, #tpu.memory_space<hbm>>
      tpu.wait_indirect_dma semaphore(%arg11 : memref<!tpu.dma_semaphore, #tpu.memory_space<semaphore_mem>>) src(%dma_wait3A_93 : memref<10112x128xf32, #tpu.memory_space<hbm>>) dst(%arg9 : memref<128x128xf32, #tpu.memory_space<vmem>>)
      %dma_wait3A_94 = arith.constant 0 : i32
      %dma_wait3A_95 = arith.constant 0 : i32
      %dma_wait3A_96 = tpu.memref_slice %arg7[%dma_wait3A_94, %dma_wait3A_95] : memref<48x128xi32, #tpu.memory_space<vmem>> -> memref<1x128xi32, #tpu.memory_space<vmem>>
      %dma_wait3A_97 = tpu.memref_squeeze %dma_wait3A_96 : memref<1x128xi32, #tpu.memory_space<vmem>> -> memref<128xi32, #tpu.memory_space<vmem>>
      %dma_wait3A_98 = arith.constant 0 : i32
      %dma_wait3A_99 = arith.constant 0 : i32
      %dma_wait3A_100 = tpu.memref_slice %arg2[%dma_wait3A_98, %dma_wait3A_99] : memref<10112x128xf32, #tpu.memory_space<hbm>> -> memref<10112x128xf32, #tpu.memory_space<hbm>>
      tpu.wait_indirect_dma semaphore(%arg12 : memref<!tpu.dma_semaphore, #tpu.memory_space<semaphore_mem>>) src(%dma_wait3A_100 : memref<10112x128xf32, #tpu.memory_space<hbm>>) dst(%arg10 : memref<128x128xf32, #tpu.memory_space<vmem>>)
    } else {
    }
    %barrier3A_22 = arith.constant 0 : index
    tpu.barrier barrier_id(%barrier3A_22)
    "tpu.region"() ({
      %run_scoped3A = tpu.sem_alloc : memref<!tpu.dma_semaphore, #tpu.memory_space<semaphore_mem>>
      %dma_start3A = arith.constant 0 : i32
      %dma_start3A_23 = tpu.memref_slice %arg5[%arg0, %mul3A_5, %dma_start3A] : memref<2x10112x128xf32, #tpu.memory_space<hbm>> -> memref<1x632x128xf32, #tpu.memory_space<hbm>>
      %dma_start3A_24 = tpu.memref_squeeze %dma_start3A_23 : memref<1x632x128xf32, #tpu.memory_space<hbm>> -> memref<632x128xf32, #tpu.memory_space<hbm>>
      %dma_start3A_25 = arith.constant 0 : i32
      %dma_start3A_26 = tpu.memref_slice %arg6[%mul3A_5, %dma_start3A_25] : memref<10112x128xf32, #tpu.memory_space<vmem_shared>> -> memref<632x128xf32, #tpu.memory_space<vmem_shared>>
      tpu.enqueue_dma source(%dma_start3A_26 : memref<632x128xf32, #tpu.memory_space<vmem_shared>>) target(%dma_start3A_24 : memref<632x128xf32, #tpu.memory_space<hbm>>) target_semaphore(%run_scoped3A : memref<!tpu.dma_semaphore, #tpu.memory_space<semaphore_mem>>)
      %dma_wait3A = arith.constant 0 : i32
      %dma_wait3A_27 = tpu.memref_slice %arg5[%arg0, %mul3A_5, %dma_wait3A] : memref<2x10112x128xf32, #tpu.memory_space<hbm>> -> memref<1x632x128xf32, #tpu.memory_space<hbm>>
      %dma_wait3A_28 = tpu.memref_squeeze %dma_wait3A_27 : memref<1x632x128xf32, #tpu.memory_space<hbm>> -> memref<632x128xf32, #tpu.memory_space<hbm>>
      %dma_wait3A_29 = arith.constant 0 : i32
      %dma_wait3A_30 = tpu.memref_slice %arg6[%mul3A_5, %dma_wait3A_29] : memref<10112x128xf32, #tpu.memory_space<vmem_shared>> -> memref<632x128xf32, #tpu.memory_space<vmem_shared>>
      tpu.wait_dma2 semaphore(%run_scoped3A : memref<!tpu.dma_semaphore, #tpu.memory_space<semaphore_mem>>) src(%dma_wait3A_30 : memref<632x128xf32, #tpu.memory_space<vmem_shared>>) dst(%dma_wait3A_28 : memref<632x128xf32, #tpu.memory_space<hbm>>)
      tpu.yield
    }) : () -> ()
    return
  }
}

#map = affine_map<(d0, d1) -> (0, 0)>
#map1 = affine_map<(d0, d1) -> (0, 0, 0)>
module attributes {stable_mosaic.version = 14 : i64} {
  func.func @_spmm_kernel(%arg0: i32, %arg1: i32, %arg2: memref<10112x128xf32, #tpu.memory_space<hbm>>, %arg3: memref<2560x128xi32, #tpu.memory_space<hbm>>, %arg4: memref<2560x128xi32, #tpu.memory_space<hbm>>, %arg5: memref<2x10112x128xf32, #tpu.memory_space<hbm>>, %arg6: memref<10112x128xf32, #tpu.memory_space<vmem_shared>>, %arg7: memref<48x128xi32, #tpu.memory_space<vmem>>, %arg8: memref<48x128xi32, #tpu.memory_space<vmem>>, %arg9: memref<128x128xf32, #tpu.memory_space<vmem>>, %arg10: memref<128x128xf32, #tpu.memory_space<vmem>>, %arg11: memref<!tpu.dma_semaphore, #tpu.memory_space<semaphore_mem>>, %arg12: memref<!tpu.dma_semaphore, #tpu.memory_space<semaphore_mem>>, %arg13: memref<!tpu.dma_semaphore, #tpu.memory_space<semaphore_mem>>, %arg14: memref<!tpu.dma_semaphore, #tpu.memory_space<semaphore_mem>>) attributes {dimension_semantics = [#tpu.dimension_semantics<core_parallel>, #tpu.dimension_semantics<subcore_parallel>], iteration_bounds = array<i64: 2, 16>, scalar_prefetch = 0 : i64, scratch_operands = 9 : i64, tpu.core_type = #tpu.core_type<sc_vector_subcore>, window_params = [{transform_indices = #map}, {transform_indices = #map}, {transform_indices = #map}, {transform_indices = #map1}]} {
    %scan3A = arith.constant 0 : i32
    %scan3A_0 = arith.constant 0 : i32
    %scan3A_1 = arith.constant 128 : i32
    %scan3A_2 = arith.addi %scan3A_0, %scan3A_1 : i32
    %scan3A_3 = arith.constant 1 : i32
    scf.for %scan3A_23 = %scan3A_0 to %scan3A_2 step %scan3A_3  : i32 {
      %broadcast_in_dim3A = arith.constant 0.000000e+00 : f32
      %broadcast_in_dim3A_24 = vector.broadcast %broadcast_in_dim3A : f32 to vector<16xf32>
      %swap3A = arith.index_cast %scan3A_23 : i32 to index
      %swap3A_25 = arith.constant 0 : index
      %swap3A_26 = tpu.vector_load %arg9[%swap3A, %swap3A_25] {strides = array<i32>} : memref<128x128xf32, #tpu.memory_space<vmem>>, vector<1x16xf32>,
      %swap3A_27 = vector.shape_cast %swap3A_26 : vector<1x16xf32> to vector<16xf32>
      %swap3A_28 = vector.shape_cast %broadcast_in_dim3A_24 : vector<16xf32> to vector<1x16xf32>
      tpu.vector_store %arg9[%swap3A, %swap3A_25], %swap3A_28 {strides = array<i32>} : memref<128x128xf32, #tpu.memory_space<vmem>>, vector<1x16xf32>,
      %broadcast_in_dim3A_29 = arith.constant 0.000000e+00 : f32
      %broadcast_in_dim3A_30 = vector.broadcast %broadcast_in_dim3A_29 : f32 to vector<16xf32>
      %swap3A_31 = arith.index_cast %scan3A_23 : i32 to index
      %swap3A_32 = arith.constant 16 : index
      %swap3A_33 = tpu.vector_load %arg9[%swap3A_31, %swap3A_32] {strides = array<i32>} : memref<128x128xf32, #tpu.memory_space<vmem>>, vector<1x16xf32>,
      %swap3A_34 = vector.shape_cast %swap3A_33 : vector<1x16xf32> to vector<16xf32>
      %swap3A_35 = vector.shape_cast %broadcast_in_dim3A_30 : vector<16xf32> to vector<1x16xf32>
      tpu.vector_store %arg9[%swap3A_31, %swap3A_32], %swap3A_35 {strides = array<i32>} : memref<128x128xf32, #tpu.memory_space<vmem>>, vector<1x16xf32>,
      %broadcast_in_dim3A_36 = arith.constant 0.000000e+00 : f32
      %broadcast_in_dim3A_37 = vector.broadcast %broadcast_in_dim3A_36 : f32 to vector<16xf32>
      %swap3A_38 = arith.index_cast %scan3A_23 : i32 to index
      %swap3A_39 = arith.constant 32 : index
      %swap3A_40 = tpu.vector_load %arg9[%swap3A_38, %swap3A_39] {strides = array<i32>} : memref<128x128xf32, #tpu.memory_space<vmem>>, vector<1x16xf32>,
      %swap3A_41 = vector.shape_cast %swap3A_40 : vector<1x16xf32> to vector<16xf32>
      %swap3A_42 = vector.shape_cast %broadcast_in_dim3A_37 : vector<16xf32> to vector<1x16xf32>
      tpu.vector_store %arg9[%swap3A_38, %swap3A_39], %swap3A_42 {strides = array<i32>} : memref<128x128xf32, #tpu.memory_space<vmem>>, vector<1x16xf32>,
      %broadcast_in_dim3A_43 = arith.constant 0.000000e+00 : f32
      %broadcast_in_dim3A_44 = vector.broadcast %broadcast_in_dim3A_43 : f32 to vector<16xf32>
      %swap3A_45 = arith.index_cast %scan3A_23 : i32 to index
      %swap3A_46 = arith.constant 48 : index
      %swap3A_47 = tpu.vector_load %arg9[%swap3A_45, %swap3A_46] {strides = array<i32>} : memref<128x128xf32, #tpu.memory_space<vmem>>, vector<1x16xf32>,
      %swap3A_48 = vector.shape_cast %swap3A_47 : vector<1x16xf32> to vector<16xf32>
      %swap3A_49 = vector.shape_cast %broadcast_in_dim3A_44 : vector<16xf32> to vector<1x16xf32>
      tpu.vector_store %arg9[%swap3A_45, %swap3A_46], %swap3A_49 {strides = array<i32>} : memref<128x128xf32, #tpu.memory_space<vmem>>, vector<1x16xf32>,
      %broadcast_in_dim3A_50 = arith.constant 0.000000e+00 : f32
      %broadcast_in_dim3A_51 = vector.broadcast %broadcast_in_dim3A_50 : f32 to vector<16xf32>
      %swap3A_52 = arith.index_cast %scan3A_23 : i32 to index
      %swap3A_53 = arith.constant 64 : index
      %swap3A_54 = tpu.vector_load %arg9[%swap3A_52, %swap3A_53] {strides = array<i32>} : memref<128x128xf32, #tpu.memory_space<vmem>>, vector<1x16xf32>,
      %swap3A_55 = vector.shape_cast %swap3A_54 : vector<1x16xf32> to vector<16xf32>
      %swap3A_56 = vector.shape_cast %broadcast_in_dim3A_51 : vector<16xf32> to vector<1x16xf32>
      tpu.vector_store %arg9[%swap3A_52, %swap3A_53], %swap3A_56 {strides = array<i32>} : memref<128x128xf32, #tpu.memory_space<vmem>>, vector<1x16xf32>,
      %broadcast_in_dim3A_57 = arith.constant 0.000000e+00 : f32
      %broadcast_in_dim3A_58 = vector.broadcast %broadcast_in_dim3A_57 : f32 to vector<16xf32>
      %swap3A_59 = arith.index_cast %scan3A_23 : i32 to index
      %swap3A_60 = arith.constant 80 : index
      %swap3A_61 = tpu.vector_load %arg9[%swap3A_59, %swap3A_60] {strides = array<i32>} : memref<128x128xf32, #tpu.memory_space<vmem>>, vector<1x16xf32>,
      %swap3A_62 = vector.shape_cast %swap3A_61 : vector<1x16xf32> to vector<16xf32>
      %swap3A_63 = vector.shape_cast %broadcast_in_dim3A_58 : vector<16xf32> to vector<1x16xf32>
      tpu.vector_store %arg9[%swap3A_59, %swap3A_60], %swap3A_63 {strides = array<i32>} : memref<128x128xf32, #tpu.memory_space<vmem>>, vector<1x16xf32>,
      %broadcast_in_dim3A_64 = arith.constant 0.000000e+00 : f32
      %broadcast_in_dim3A_65 = vector.broadcast %broadcast_in_dim3A_64 : f32 to vector<16xf32>
      %swap3A_66 = arith.index_cast %scan3A_23 : i32 to index
      %swap3A_67 = arith.constant 96 : index
      %swap3A_68 = tpu.vector_load %arg9[%swap3A_66, %swap3A_67] {strides = array<i32>} : memref<128x128xf32, #tpu.memory_space<vmem>>, vector<1x16xf32>,
      %swap3A_69 = vector.shape_cast %swap3A_68 : vector<1x16xf32> to vector<16xf32>
      %swap3A_70 = vector.shape_cast %broadcast_in_dim3A_65 : vector<16xf32> to vector<1x16xf32>
      tpu.vector_store %arg9[%swap3A_66, %swap3A_67], %swap3A_70 {strides = array<i32>} : memref<128x128xf32, #tpu.memory_space<vmem>>, vector<1x16xf32>,
      %broadcast_in_dim3A_71 = arith.constant 0.000000e+00 : f32
      %broadcast_in_dim3A_72 = vector.broadcast %broadcast_in_dim3A_71 : f32 to vector<16xf32>
      %swap3A_73 = arith.index_cast %scan3A_23 : i32 to index
      %swap3A_74 = arith.constant 112 : index
      %swap3A_75 = tpu.vector_load %arg9[%swap3A_73, %swap3A_74] {strides = array<i32>} : memref<128x128xf32, #tpu.memory_space<vmem>>, vector<1x16xf32>,
      %swap3A_76 = vector.shape_cast %swap3A_75 : vector<1x16xf32> to vector<16xf32>
      %swap3A_77 = vector.shape_cast %broadcast_in_dim3A_72 : vector<16xf32> to vector<1x16xf32>
      tpu.vector_store %arg9[%swap3A_73, %swap3A_74], %swap3A_77 {strides = array<i32>} : memref<128x128xf32, #tpu.memory_space<vmem>>, vector<1x16xf32>,
    }
    %scan3A_4 = arith.constant 128 : i32
    %mul3A = arith.constant 632 : i32
    %mul3A_5 = arith.muli %arg1, %mul3A : i32
    %add3A = arith.constant 0 : i32
    %add3A_6 = arith.addi %mul3A_5, %add3A : i32
    "tpu.region"() ({
      %run_scoped3A = tpu.sem_alloc : memref<!tpu.dma_semaphore, #tpu.memory_space<semaphore_mem>>
      %dma_start3A = arith.constant 0 : i32
      %dma_start3A_23 = tpu.memref_slice %arg6[%add3A_6, %dma_start3A] : memref<10112x128xf32, #tpu.memory_space<vmem_shared>> -> memref<128x128xf32, #tpu.memory_space<vmem_shared>>
      %dma_start3A_24 = arith.constant 0 : i32
      %dma_start3A_25 = tpu.memref_slice %arg6[%add3A_6, %dma_start3A_24] : memref<10112x128xf32, #tpu.memory_space<vmem_shared>> -> memref<128x128xf32, #tpu.memory_space<vmem_shared>>
      tpu.enqueue_dma source(%arg9 : memref<128x128xf32, #tpu.memory_space<vmem>>) target(%dma_start3A_25 : memref<128x128xf32, #tpu.memory_space<vmem_shared>>) target_semaphore(%run_scoped3A : memref<!tpu.dma_semaphore, #tpu.memory_space<semaphore_mem>>)
      %dma_wait3A = arith.constant 0 : i32
      %dma_wait3A_26 = tpu.memref_slice %arg6[%add3A_6, %dma_wait3A] : memref<10112x128xf32, #tpu.memory_space<vmem_shared>> -> memref<128x128xf32, #tpu.memory_space<vmem_shared>>
      %dma_wait3A_27 = arith.constant 0 : i32
      %dma_wait3A_28 = tpu.memref_slice %arg6[%add3A_6, %dma_wait3A_27] : memref<10112x128xf32, #tpu.memory_space<vmem_shared>> -> memref<128x128xf32, #tpu.memory_space<vmem_shared>>
      tpu.wait_dma2 semaphore(%run_scoped3A : memref<!tpu.dma_semaphore, #tpu.memory_space<semaphore_mem>>) src(%arg9 : memref<128x128xf32, #tpu.memory_space<vmem>>) dst(%dma_wait3A_28 : memref<128x128xf32, #tpu.memory_space<vmem_shared>>)
      tpu.yield
    }) : () -> ()
    %add3A_7 = arith.constant 128 : i32
    %add3A_8 = arith.addi %mul3A_5, %add3A_7 : i32
    "tpu.region"() ({
      %run_scoped3A = tpu.sem_alloc : memref<!tpu.dma_semaphore, #tpu.memory_space<semaphore_mem>>
      %dma_start3A = arith.constant 0 : i32
      %dma_start3A_23 = tpu.memref_slice %arg6[%add3A_8, %dma_start3A] : memref<10112x128xf32, #tpu.memory_space<vmem_shared>> -> memref<128x128xf32, #tpu.memory_space<vmem_shared>>
      %dma_start3A_24 = arith.constant 0 : i32
      %dma_start3A_25 = tpu.memref_slice %arg6[%add3A_8, %dma_start3A_24] : memref<10112x128xf32, #tpu.memory_space<vmem_shared>> -> memref<128x128xf32, #tpu.memory_space<vmem_shared>>
      tpu.enqueue_dma source(%arg9 : memref<128x128xf32, #tpu.memory_space<vmem>>) target(%dma_start3A_25 : memref<128x128xf32, #tpu.memory_space<vmem_shared>>) target_semaphore(%run_scoped3A : memref<!tpu.dma_semaphore, #tpu.memory_space<semaphore_mem>>)
      %dma_wait3A = arith.constant 0 : i32
      %dma_wait3A_26 = tpu.memref_slice %arg6[%add3A_8, %dma_wait3A] : memref<10112x128xf32, #tpu.memory_space<vmem_shared>> -> memref<128x128xf32, #tpu.memory_space<vmem_shared>>
      %dma_wait3A_27 = arith.constant 0 : i32
      %dma_wait3A_28 = tpu.memref_slice %arg6[%add3A_8, %dma_wait3A_27] : memref<10112x128xf32, #tpu.memory_space<vmem_shared>> -> memref<128x128xf32, #tpu.memory_space<vmem_shared>>
      tpu.wait_dma2 semaphore(%run_scoped3A : memref<!tpu.dma_semaphore, #tpu.memory_space<semaphore_mem>>) src(%arg9 : memref<128x128xf32, #tpu.memory_space<vmem>>) dst(%dma_wait3A_28 : memref<128x128xf32, #tpu.memory_space<vmem_shared>>)
      tpu.yield
    }) : () -> ()
    %add3A_9 = arith.constant 256 : i32
    %add3A_10 = arith.addi %mul3A_5, %add3A_9 : i32
    "tpu.region"() ({
      %run_scoped3A = tpu.sem_alloc : memref<!tpu.dma_semaphore, #tpu.memory_space<semaphore_mem>>
      %dma_start3A = arith.constant 0 : i32
      %dma_start3A_23 = tpu.memref_slice %arg6[%add3A_10, %dma_start3A] : memref<10112x128xf32, #tpu.memory_space<vmem_shared>> -> memref<128x128xf32, #tpu.memory_space<vmem_shared>>
      %dma_start3A_24 = arith.constant 0 : i32
      %dma_start3A_25 = tpu.memref_slice %arg6[%add3A_10, %dma_start3A_24] : memref<10112x128xf32, #tpu.memory_space<vmem_shared>> -> memref<128x128xf32, #tpu.memory_space<vmem_shared>>
      tpu.enqueue_dma source(%arg9 : memref<128x128xf32, #tpu.memory_space<vmem>>) target(%dma_start3A_25 : memref<128x128xf32, #tpu.memory_space<vmem_shared>>) target_semaphore(%run_scoped3A : memref<!tpu.dma_semaphore, #tpu.memory_space<semaphore_mem>>)
      %dma_wait3A = arith.constant 0 : i32
      %dma_wait3A_26 = tpu.memref_slice %arg6[%add3A_10, %dma_wait3A] : memref<10112x128xf32, #tpu.memory_space<vmem_shared>> -> memref<128x128xf32, #tpu.memory_space<vmem_shared>>
      %dma_wait3A_27 = arith.constant 0 : i32
      %dma_wait3A_28 = tpu.memref_slice %arg6[%add3A_10, %dma_wait3A_27] : memref<10112x128xf32, #tpu.memory_space<vmem_shared>> -> memref<128x128xf32, #tpu.memory_space<vmem_shared>>
      tpu.wait_dma2 semaphore(%run_scoped3A : memref<!tpu.dma_semaphore, #tpu.memory_space<semaphore_mem>>) src(%arg9 : memref<128x128xf32, #tpu.memory_space<vmem>>) dst(%dma_wait3A_28 : memref<128x128xf32, #tpu.memory_space<vmem_shared>>)
      tpu.yield
    }) : () -> ()
    %add3A_11 = arith.constant 384 : i32
    %add3A_12 = arith.addi %mul3A_5, %add3A_11 : i32
    "tpu.region"() ({
      %run_scoped3A = tpu.sem_alloc : memref<!tpu.dma_semaphore, #tpu.memory_space<semaphore_mem>>
      %dma_start3A = arith.constant 0 : i32
      %dma_start3A_23 = tpu.memref_slice %arg6[%add3A_12, %dma_start3A] : memref<10112x128xf32, #tpu.memory_space<vmem_shared>> -> memref<128x128xf32, #tpu.memory_space<vmem_shared>>
      %dma_start3A_24 = arith.constant 0 : i32
      %dma_start3A_25 = tpu.memref_slice %arg6[%add3A_12, %dma_start3A_24] : memref<10112x128xf32, #tpu.memory_space<vmem_shared>> -> memref<128x128xf32, #tpu.memory_space<vmem_shared>>
      tpu.enqueue_dma source(%arg9 : memref<128x128xf32, #tpu.memory_space<vmem>>) target(%dma_start3A_25 : memref<128x128xf32, #tpu.memory_space<vmem_shared>>) target_semaphore(%run_scoped3A : memref<!tpu.dma_semaphore, #tpu.memory_space<semaphore_mem>>)
      %dma_wait3A = arith.constant 0 : i32
      %dma_wait3A_26 = tpu.memref_slice %arg6[%add3A_12, %dma_wait3A] : memref<10112x128xf32, #tpu.memory_space<vmem_shared>> -> memref<128x128xf32, #tpu.memory_space<vmem_shared>>
      %dma_wait3A_27 = arith.constant 0 : i32
      %dma_wait3A_28 = tpu.memref_slice %arg6[%add3A_12, %dma_wait3A_27] : memref<10112x128xf32, #tpu.memory_space<vmem_shared>> -> memref<128x128xf32, #tpu.memory_space<vmem_shared>>
      tpu.wait_dma2 semaphore(%run_scoped3A : memref<!tpu.dma_semaphore, #tpu.memory_space<semaphore_mem>>) src(%arg9 : memref<128x128xf32, #tpu.memory_space<vmem>>) dst(%dma_wait3A_28 : memref<128x128xf32, #tpu.memory_space<vmem_shared>>)
      tpu.yield
    }) : () -> ()
    %add3A_13 = arith.constant 512 : i32
    %add3A_14 = arith.addi %mul3A_5, %add3A_13 : i32
    "tpu.region"() ({
      %run_scoped3A = tpu.sem_alloc : memref<!tpu.dma_semaphore, #tpu.memory_space<semaphore_mem>>
      %dma_start3A = arith.constant 0 : i32
      %dma_start3A_23 = arith.constant 0 : i32
      %dma_start3A_24 = tpu.memref_slice %arg9[%dma_start3A, %dma_start3A_23] : memref<128x128xf32, #tpu.memory_space<vmem>> -> memref<120x128xf32, #tpu.memory_space<vmem>>
      %dma_start3A_25 = arith.constant 0 : i32
      %dma_start3A_26 = tpu.memref_slice %arg6[%add3A_14, %dma_start3A_25] : memref<10112x128xf32, #tpu.memory_space<vmem_shared>> -> memref<120x128xf32, #tpu.memory_space<vmem_shared>>
      %dma_start3A_27 = arith.constant 0 : i32
      %dma_start3A_28 = tpu.memref_slice %arg6[%add3A_14, %dma_start3A_27] : memref<10112x128xf32, #tpu.memory_space<vmem_shared>> -> memref<120x128xf32, #tpu.memory_space<vmem_shared>>
      %dma_start3A_29 = arith.constant 0 : i32
      %dma_start3A_30 = arith.constant 0 : i32
      %dma_start3A_31 = tpu.memref_slice %arg9[%dma_start3A_29, %dma_start3A_30] : memref<128x128xf32, #tpu.memory_space<vmem>> -> memref<120x128xf32, #tpu.memory_space<vmem>>
      tpu.enqueue_dma source(%dma_start3A_31 : memref<120x128xf32, #tpu.memory_space<vmem>>) target(%dma_start3A_28 : memref<120x128xf32, #tpu.memory_space<vmem_shared>>) target_semaphore(%run_scoped3A : memref<!tpu.dma_semaphore, #tpu.memory_space<semaphore_mem>>)
      %dma_wait3A = arith.constant 0 : i32
      %dma_wait3A_32 = arith.constant 0 : i32
      %dma_wait3A_33 = tpu.memref_slice %arg9[%dma_wait3A, %dma_wait3A_32] : memref<128x128xf32, #tpu.memory_space<vmem>> -> memref<120x128xf32, #tpu.memory_space<vmem>>
      %dma_wait3A_34 = arith.constant 0 : i32
      %dma_wait3A_35 = tpu.memref_slice %arg6[%add3A_14, %dma_wait3A_34] : memref<10112x128xf32, #tpu.memory_space<vmem_shared>> -> memref<120x128xf32, #tpu.memory_space<vmem_shared>>
      %dma_wait3A_36 = arith.constant 0 : i32
      %dma_wait3A_37 = tpu.memref_slice %arg6[%add3A_14, %dma_wait3A_36] : memref<10112x128xf32, #tpu.memory_space<vmem_shared>> -> memref<120x128xf32, #tpu.memory_space<vmem_shared>>
      %dma_wait3A_38 = arith.constant 0 : i32
      %dma_wait3A_39 = arith.constant 0 : i32
      %dma_wait3A_40 = tpu.memref_slice %arg9[%dma_wait3A_38, %dma_wait3A_39] : memref<128x128xf32, #tpu.memory_space<vmem>> -> memref<120x128xf32, #tpu.memory_space<vmem>>
      tpu.wait_dma2 semaphore(%run_scoped3A : memref<!tpu.dma_semaphore, #tpu.memory_space<semaphore_mem>>) src(%dma_wait3A_40 : memref<120x128xf32, #tpu.memory_space<vmem>>) dst(%dma_wait3A_37 : memref<120x128xf32, #tpu.memory_space<vmem_shared>>)
      tpu.yield
    }) : () -> ()
    %barrier3A = arith.constant 0 : index
    tpu.barrier barrier_id(%barrier3A)
    %eq3A = arith.constant 0 : i32
    %eq3A_15 = arith.cmpi eq, %arg0, %eq3A : i32
    %convert_element_type3A = arith.extui %eq3A_15 : i1 to i32
    %cond3A = arith.constant 0 : i32
    %cond3A_16 = arith.cmpi ne, %convert_element_type3A, %cond3A : i32
    scf.if %cond3A_16 {
      %mul3A_23 = arith.constant 96 : i32
      %mul3A_24 = arith.muli %arg1, %mul3A_23 : i32
      %add3A_25 = arith.constant 0 : i32
      %add3A_26 = arith.addi %mul3A_24, %add3A_25 : i32
      "tpu.region"() ({
        %run_scoped3A = tpu.sem_alloc : memref<!tpu.dma_semaphore, #tpu.memory_space<semaphore_mem>>
        %dma_start3A_99 = arith.constant 0 : i32
        %dma_start3A_100 = arith.constant 0 : i32
        %dma_start3A_101 = tpu.memref_slice %arg7[%dma_start3A_99, %dma_start3A_100] : memref<48x128xi32, #tpu.memory_space<vmem>> -> memref<48x128xi32, #tpu.memory_space<vmem>>
        %dma_start3A_102 = arith.constant 0 : i32
        %dma_start3A_103 = tpu.memref_slice %arg3[%add3A_26, %dma_start3A_102] : memref<2560x128xi32, #tpu.memory_space<hbm>> -> memref<48x128xi32, #tpu.memory_space<hbm>>
        %dma_start3A_104 = arith.constant 0 : i32
        %dma_start3A_105 = arith.constant 0 : i32
        %dma_start3A_106 = tpu.memref_slice %arg7[%dma_start3A_104, %dma_start3A_105] : memref<48x128xi32, #tpu.memory_space<vmem>> -> memref<48x128xi32, #tpu.memory_space<vmem>>
        %dma_start3A_107 = arith.constant 0 : i32
        %dma_start3A_108 = tpu.memref_slice %arg3[%add3A_26, %dma_start3A_107] : memref<2560x128xi32, #tpu.memory_space<hbm>> -> memref<48x128xi32, #tpu.memory_space<hbm>>
        tpu.enqueue_dma source(%dma_start3A_108 : memref<48x128xi32, #tpu.memory_space<hbm>>) target(%dma_start3A_106 : memref<48x128xi32, #tpu.memory_space<vmem>>) target_semaphore(%run_scoped3A : memref<!tpu.dma_semaphore, #tpu.memory_space<semaphore_mem>>)
        %dma_wait3A_109 = arith.constant 0 : i32
        %dma_wait3A_110 = arith.constant 0 : i32
        %dma_wait3A_111 = tpu.memref_slice %arg7[%dma_wait3A_109, %dma_wait3A_110] : memref<48x128xi32, #tpu.memory_space<vmem>> -> memref<48x128xi32, #tpu.memory_space<vmem>>
        %dma_wait3A_112 = arith.constant 0 : i32
        %dma_wait3A_113 = tpu.memref_slice %arg3[%add3A_26, %dma_wait3A_112] : memref<2560x128xi32, #tpu.memory_space<hbm>> -> memref<48x128xi32, #tpu.memory_space<hbm>>
        %dma_wait3A_114 = arith.constant 0 : i32
        %dma_wait3A_115 = arith.constant 0 : i32
        %dma_wait3A_116 = tpu.memref_slice %arg7[%dma_wait3A_114, %dma_wait3A_115] : memref<48x128xi32, #tpu.memory_space<vmem>> -> memref<48x128xi32, #tpu.memory_space<vmem>>
        %dma_wait3A_117 = arith.constant 0 : i32
        %dma_wait3A_118 = tpu.memref_slice %arg3[%add3A_26, %dma_wait3A_117] : memref<2560x128xi32, #tpu.memory_space<hbm>> -> memref<48x128xi32, #tpu.memory_space<hbm>>
        tpu.wait_dma2 semaphore(%run_scoped3A : memref<!tpu.dma_semaphore, #tpu.memory_space<semaphore_mem>>) src(%dma_wait3A_118 : memref<48x128xi32, #tpu.memory_space<hbm>>) dst(%dma_wait3A_116 : memref<48x128xi32, #tpu.memory_space<vmem>>)
        tpu.yield
      }) : () -> ()
      %add3A_27 = arith.constant 0 : i32
      %add3A_28 = arith.addi %mul3A_24, %add3A_27 : i32
      "tpu.region"() ({
        %run_scoped3A = tpu.sem_alloc : memref<!tpu.dma_semaphore, #tpu.memory_space<semaphore_mem>>
        %dma_start3A_99 = arith.constant 0 : i32
        %dma_start3A_100 = arith.constant 0 : i32
        %dma_start3A_101 = tpu.memref_slice %arg8[%dma_start3A_99, %dma_start3A_100] : memref<48x128xi32, #tpu.memory_space<vmem>> -> memref<48x128xi32, #tpu.memory_space<vmem>>
        %dma_start3A_102 = arith.constant 0 : i32
        %dma_start3A_103 = tpu.memref_slice %arg4[%add3A_28, %dma_start3A_102] : memref<2560x128xi32, #tpu.memory_space<hbm>> -> memref<48x128xi32, #tpu.memory_space<hbm>>
        %dma_start3A_104 = arith.constant 0 : i32
        %dma_start3A_105 = arith.constant 0 : i32
        %dma_start3A_106 = tpu.memref_slice %arg8[%dma_start3A_104, %dma_start3A_105] : memref<48x128xi32, #tpu.memory_space<vmem>> -> memref<48x128xi32, #tpu.memory_space<vmem>>
        %dma_start3A_107 = arith.constant 0 : i32
        %dma_start3A_108 = tpu.memref_slice %arg4[%add3A_28, %dma_start3A_107] : memref<2560x128xi32, #tpu.memory_space<hbm>> -> memref<48x128xi32, #tpu.memory_space<hbm>>
        tpu.enqueue_dma source(%dma_start3A_108 : memref<48x128xi32, #tpu.memory_space<hbm>>) target(%dma_start3A_106 : memref<48x128xi32, #tpu.memory_space<vmem>>) target_semaphore(%run_scoped3A : memref<!tpu.dma_semaphore, #tpu.memory_space<semaphore_mem>>)
        %dma_wait3A_109 = arith.constant 0 : i32
        %dma_wait3A_110 = arith.constant 0 : i32
        %dma_wait3A_111 = tpu.memref_slice %arg8[%dma_wait3A_109, %dma_wait3A_110] : memref<48x128xi32, #tpu.memory_space<vmem>> -> memref<48x128xi32, #tpu.memory_space<vmem>>
        %dma_wait3A_112 = arith.constant 0 : i32
        %dma_wait3A_113 = tpu.memref_slice %arg4[%add3A_28, %dma_wait3A_112] : memref<2560x128xi32, #tpu.memory_space<hbm>> -> memref<48x128xi32, #tpu.memory_space<hbm>>
        %dma_wait3A_114 = arith.constant 0 : i32
        %dma_wait3A_115 = arith.constant 0 : i32
        %dma_wait3A_116 = tpu.memref_slice %arg8[%dma_wait3A_114, %dma_wait3A_115] : memref<48x128xi32, #tpu.memory_space<vmem>> -> memref<48x128xi32, #tpu.memory_space<vmem>>
        %dma_wait3A_117 = arith.constant 0 : i32
        %dma_wait3A_118 = tpu.memref_slice %arg4[%add3A_28, %dma_wait3A_117] : memref<2560x128xi32, #tpu.memory_space<hbm>> -> memref<48x128xi32, #tpu.memory_space<hbm>>
        tpu.wait_dma2 semaphore(%run_scoped3A : memref<!tpu.dma_semaphore, #tpu.memory_space<semaphore_mem>>) src(%dma_wait3A_118 : memref<48x128xi32, #tpu.memory_space<hbm>>) dst(%dma_wait3A_116 : memref<48x128xi32, #tpu.memory_space<vmem>>)
        tpu.yield
      }) : () -> ()
      %dma_start3A = arith.constant 0 : i32
      %dma_start3A_29 = arith.constant 0 : i32
      %dma_start3A_30 = tpu.memref_slice %arg7[%dma_start3A, %dma_start3A_29] : memref<48x128xi32, #tpu.memory_space<vmem>> -> memref<1x128xi32, #tpu.memory_space<vmem>>
      %dma_start3A_31 = tpu.memref_squeeze %dma_start3A_30 : memref<1x128xi32, #tpu.memory_space<vmem>> -> memref<128xi32, #tpu.memory_space<vmem>>
      %dma_start3A_32 = arith.constant 0 : i32
      %dma_start3A_33 = arith.constant 0 : i32
      %dma_start3A_34 = tpu.memref_slice %arg2[%dma_start3A_32, %dma_start3A_33] : memref<10112x128xf32, #tpu.memory_space<hbm>> -> memref<10112x128xf32, #tpu.memory_space<hbm>>
      tpu.enqueue_indirect_dma source(%dma_start3A_34 : memref<10112x128xf32, #tpu.memory_space<hbm>>) target(%arg9 : memref<128x128xf32, #tpu.memory_space<vmem>>) offsets(%dma_start3A_31 : memref<128xi32, #tpu.memory_space<vmem>>) semaphore(%arg11 : memref<!tpu.dma_semaphore, #tpu.memory_space<semaphore_mem>>)
      %dma_start3A_35 = arith.constant 1 : i32
      %dma_start3A_36 = arith.constant 0 : i32
      %dma_start3A_37 = tpu.memref_slice %arg7[%dma_start3A_35, %dma_start3A_36] : memref<48x128xi32, #tpu.memory_space<vmem>> -> memref<1x128xi32, #tpu.memory_space<vmem>>
      %dma_start3A_38 = tpu.memref_squeeze %dma_start3A_37 : memref<1x128xi32, #tpu.memory_space<vmem>> -> memref<128xi32, #tpu.memory_space<vmem>>
      %dma_start3A_39 = arith.constant 0 : i32
      %dma_start3A_40 = arith.constant 0 : i32
      %dma_start3A_41 = tpu.memref_slice %arg2[%dma_start3A_39, %dma_start3A_40] : memref<10112x128xf32, #tpu.memory_space<hbm>> -> memref<10112x128xf32, #tpu.memory_space<hbm>>
      tpu.enqueue_indirect_dma source(%dma_start3A_41 : memref<10112x128xf32, #tpu.memory_space<hbm>>) target(%arg10 : memref<128x128xf32, #tpu.memory_space<vmem>>) offsets(%dma_start3A_38 : memref<128xi32, #tpu.memory_space<vmem>>) semaphore(%arg12 : memref<!tpu.dma_semaphore, #tpu.memory_space<semaphore_mem>>)
      %scan3A_42 = arith.constant 0 : i32
      %scan3A_43 = arith.constant 0 : i32
      %scan3A_44 = arith.constant 24 : i32
      %scan3A_45 = arith.addi %scan3A_43, %scan3A_44 : i32
      %scan3A_46 = arith.constant 1 : i32
      scf.for %scan3A_99 = %scan3A_43 to %scan3A_45 step %scan3A_46  : i32 {
        %mul3A_100 = arith.constant 2 : i32
        %mul3A_101 = arith.muli %mul3A_100, %scan3A_99 : i32
        %add3A_102 = arith.constant 0 : i32
        %add3A_103 = arith.addi %mul3A_101, %add3A_102 : i32
        %dma_wait3A_104 = arith.constant 0 : i32
        %dma_wait3A_105 = arith.constant 0 : i32
        %dma_wait3A_106 = tpu.memref_slice %arg7[%dma_wait3A_104, %dma_wait3A_105] : memref<48x128xi32, #tpu.memory_space<vmem>> -> memref<1x128xi32, #tpu.memory_space<vmem>>
        %dma_wait3A_107 = tpu.memref_squeeze %dma_wait3A_106 : memref<1x128xi32, #tpu.memory_space<vmem>> -> memref<128xi32, #tpu.memory_space<vmem>>
        %dma_wait3A_108 = arith.constant 0 : i32
        %dma_wait3A_109 = arith.constant 0 : i32
        %dma_wait3A_110 = tpu.memref_slice %arg2[%dma_wait3A_108, %dma_wait3A_109] : memref<10112x128xf32, #tpu.memory_space<hbm>> -> memref<10112x128xf32, #tpu.memory_space<hbm>>
        tpu.wait_indirect_dma semaphore(%arg11 : memref<!tpu.dma_semaphore, #tpu.memory_space<semaphore_mem>>) src(%dma_wait3A_110 : memref<10112x128xf32, #tpu.memory_space<hbm>>) dst(%arg9 : memref<128x128xf32, #tpu.memory_space<vmem>>)
        %dma_start3A_111 = arith.constant 0 : i32
        %dma_start3A_112 = tpu.memref_slice %arg8[%add3A_103, %dma_start3A_111] : memref<48x128xi32, #tpu.memory_space<vmem>> -> memref<1x128xi32, #tpu.memory_space<vmem>>
        %dma_start3A_113 = tpu.memref_squeeze %dma_start3A_112 : memref<1x128xi32, #tpu.memory_space<vmem>> -> memref<128xi32, #tpu.memory_space<vmem>>
        %dma_start3A_114 = arith.constant 0 : i32
        %dma_start3A_115 = arith.constant 0 : i32
        %dma_start3A_116 = tpu.memref_slice %arg6[%dma_start3A_114, %dma_start3A_115] : memref<10112x128xf32, #tpu.memory_space<vmem_shared>> -> memref<10112x128xf32, #tpu.memory_space<vmem_shared>>
        tpu.enqueue_indirect_dma source(%arg9 : memref<128x128xf32, #tpu.memory_space<vmem>>) target(%dma_start3A_116 : memref<10112x128xf32, #tpu.memory_space<vmem_shared>>) offsets(%dma_start3A_113 : memref<128xi32, #tpu.memory_space<vmem>>) semaphore(%arg13 : memref<!tpu.dma_semaphore, #tpu.memory_space<semaphore_mem>>) {add = true}
        %dma_wait3A_117 = arith.constant 0 : i32
        %dma_wait3A_118 = arith.constant 0 : i32
        %dma_wait3A_119 = tpu.memref_slice %arg8[%dma_wait3A_117, %dma_wait3A_118] : memref<48x128xi32, #tpu.memory_space<vmem>> -> memref<1x128xi32, #tpu.memory_space<vmem>>
        %dma_wait3A_120 = tpu.memref_squeeze %dma_wait3A_119 : memref<1x128xi32, #tpu.memory_space<vmem>> -> memref<128xi32, #tpu.memory_space<vmem>>
        %dma_wait3A_121 = arith.constant 0 : i32
        %dma_wait3A_122 = arith.constant 0 : i32
        %dma_wait3A_123 = tpu.memref_slice %arg6[%dma_wait3A_121, %dma_wait3A_122] : memref<10112x128xf32, #tpu.memory_space<vmem_shared>> -> memref<10112x128xf32, #tpu.memory_space<vmem_shared>>
        tpu.wait_indirect_dma semaphore(%arg13 : memref<!tpu.dma_semaphore, #tpu.memory_space<semaphore_mem>>) src(%arg9 : memref<128x128xf32, #tpu.memory_space<vmem>>) dst(%dma_wait3A_123 : memref<10112x128xf32, #tpu.memory_space<vmem_shared>>)
        %add3A_124 = arith.constant 2 : i32
        %add3A_125 = arith.addi %add3A_103, %add3A_124 : i32
        %min3A = arith.constant 47 : i32
        %min3A_126 = arith.minsi %add3A_125, %min3A : i32
        %dma_start3A_127 = arith.constant 0 : i32
        %dma_start3A_128 = tpu.memref_slice %arg7[%min3A_126, %dma_start3A_127] : memref<48x128xi32, #tpu.memory_space<vmem>> -> memref<1x128xi32, #tpu.memory_space<vmem>>
        %dma_start3A_129 = tpu.memref_squeeze %dma_start3A_128 : memref<1x128xi32, #tpu.memory_space<vmem>> -> memref<128xi32, #tpu.memory_space<vmem>>
        %dma_start3A_130 = arith.constant 0 : i32
        %dma_start3A_131 = arith.constant 0 : i32
        %dma_start3A_132 = tpu.memref_slice %arg2[%dma_start3A_130, %dma_start3A_131] : memref<10112x128xf32, #tpu.memory_space<hbm>> -> memref<10112x128xf32, #tpu.memory_space<hbm>>
        tpu.enqueue_indirect_dma source(%dma_start3A_132 : memref<10112x128xf32, #tpu.memory_space<hbm>>) target(%arg9 : memref<128x128xf32, #tpu.memory_space<vmem>>) offsets(%dma_start3A_129 : memref<128xi32, #tpu.memory_space<vmem>>) semaphore(%arg11 : memref<!tpu.dma_semaphore, #tpu.memory_space<semaphore_mem>>)
        %mul3A_133 = arith.constant 2 : i32
        %mul3A_134 = arith.muli %mul3A_133, %scan3A_99 : i32
        %add3A_135 = arith.constant 1 : i32
        %add3A_136 = arith.addi %mul3A_134, %add3A_135 : i32
        %dma_wait3A_137 = arith.constant 0 : i32
        %dma_wait3A_138 = arith.constant 0 : i32
        %dma_wait3A_139 = tpu.memref_slice %arg7[%dma_wait3A_137, %dma_wait3A_138] : memref<48x128xi32, #tpu.memory_space<vmem>> -> memref<1x128xi32, #tpu.memory_space<vmem>>
        %dma_wait3A_140 = tpu.memref_squeeze %dma_wait3A_139 : memref<1x128xi32, #tpu.memory_space<vmem>> -> memref<128xi32, #tpu.memory_space<vmem>>
        %dma_wait3A_141 = arith.constant 0 : i32
        %dma_wait3A_142 = arith.constant 0 : i32
        %dma_wait3A_143 = tpu.memref_slice %arg2[%dma_wait3A_141, %dma_wait3A_142] : memref<10112x128xf32, #tpu.memory_space<hbm>> -> memref<10112x128xf32, #tpu.memory_space<hbm>>
        tpu.wait_indirect_dma semaphore(%arg12 : memref<!tpu.dma_semaphore, #tpu.memory_space<semaphore_mem>>) src(%dma_wait3A_143 : memref<10112x128xf32, #tpu.memory_space<hbm>>) dst(%arg10 : memref<128x128xf32, #tpu.memory_space<vmem>>)
        %dma_start3A_144 = arith.constant 0 : i32
        %dma_start3A_145 = tpu.memref_slice %arg8[%add3A_136, %dma_start3A_144] : memref<48x128xi32, #tpu.memory_space<vmem>> -> memref<1x128xi32, #tpu.memory_space<vmem>>
        %dma_start3A_146 = tpu.memref_squeeze %dma_start3A_145 : memref<1x128xi32, #tpu.memory_space<vmem>> -> memref<128xi32, #tpu.memory_space<vmem>>
        %dma_start3A_147 = arith.constant 0 : i32
        %dma_start3A_148 = arith.constant 0 : i32
        %dma_start3A_149 = tpu.memref_slice %arg6[%dma_start3A_147, %dma_start3A_148] : memref<10112x128xf32, #tpu.memory_space<vmem_shared>> -> memref<10112x128xf32, #tpu.memory_space<vmem_shared>>
        tpu.enqueue_indirect_dma source(%arg10 : memref<128x128xf32, #tpu.memory_space<vmem>>) target(%dma_start3A_149 : memref<10112x128xf32, #tpu.memory_space<vmem_shared>>) offsets(%dma_start3A_146 : memref<128xi32, #tpu.memory_space<vmem>>) semaphore(%arg14 : memref<!tpu.dma_semaphore, #tpu.memory_space<semaphore_mem>>) {add = true}
        %dma_wait3A_150 = arith.constant 0 : i32
        %dma_wait3A_151 = arith.constant 0 : i32
        %dma_wait3A_152 = tpu.memref_slice %arg8[%dma_wait3A_150, %dma_wait3A_151] : memref<48x128xi32, #tpu.memory_space<vmem>> -> memref<1x128xi32, #tpu.memory_space<vmem>>
        %dma_wait3A_153 = tpu.memref_squeeze %dma_wait3A_152 : memref<1x128xi32, #tpu.memory_space<vmem>> -> memref<128xi32, #tpu.memory_space<vmem>>
        %dma_wait3A_154 = arith.constant 0 : i32
        %dma_wait3A_155 = arith.constant 0 : i32
        %dma_wait3A_156 = tpu.memref_slice %arg6[%dma_wait3A_154, %dma_wait3A_155] : memref<10112x128xf32, #tpu.memory_space<vmem_shared>> -> memref<10112x128xf32, #tpu.memory_space<vmem_shared>>
        tpu.wait_indirect_dma semaphore(%arg14 : memref<!tpu.dma_semaphore, #tpu.memory_space<semaphore_mem>>) src(%arg10 : memref<128x128xf32, #tpu.memory_space<vmem>>) dst(%dma_wait3A_156 : memref<10112x128xf32, #tpu.memory_space<vmem_shared>>)
        %add3A_157 = arith.constant 2 : i32
        %add3A_158 = arith.addi %add3A_136, %add3A_157 : i32
        %min3A_159 = arith.constant 47 : i32
        %min3A_160 = arith.minsi %add3A_158, %min3A_159 : i32
        %dma_start3A_161 = arith.constant 0 : i32
        %dma_start3A_162 = tpu.memref_slice %arg7[%min3A_160, %dma_start3A_161] : memref<48x128xi32, #tpu.memory_space<vmem>> -> memref<1x128xi32, #tpu.memory_space<vmem>>
        %dma_start3A_163 = tpu.memref_squeeze %dma_start3A_162 : memref<1x128xi32, #tpu.memory_space<vmem>> -> memref<128xi32, #tpu.memory_space<vmem>>
        %dma_start3A_164 = arith.constant 0 : i32
        %dma_start3A_165 = arith.constant 0 : i32
        %dma_start3A_166 = tpu.memref_slice %arg2[%dma_start3A_164, %dma_start3A_165] : memref<10112x128xf32, #tpu.memory_space<hbm>> -> memref<10112x128xf32, #tpu.memory_space<hbm>>
        tpu.enqueue_indirect_dma source(%dma_start3A_166 : memref<10112x128xf32, #tpu.memory_space<hbm>>) target(%arg10 : memref<128x128xf32, #tpu.memory_space<vmem>>) offsets(%dma_start3A_163 : memref<128xi32, #tpu.memory_space<vmem>>) semaphore(%arg12 : memref<!tpu.dma_semaphore, #tpu.memory_space<semaphore_mem>>)
      }
      %scan3A_47 = arith.constant 24 : i32
      %dma_wait3A = arith.constant 0 : i32
      %dma_wait3A_48 = arith.constant 0 : i32
      %dma_wait3A_49 = tpu.memref_slice %arg7[%dma_wait3A, %dma_wait3A_48] : memref<48x128xi32, #tpu.memory_space<vmem>> -> memref<1x128xi32, #tpu.memory_space<vmem>>
      %dma_wait3A_50 = tpu.memref_squeeze %dma_wait3A_49 : memref<1x128xi32, #tpu.memory_space<vmem>> -> memref<128xi32, #tpu.memory_space<vmem>>
      %dma_wait3A_51 = arith.constant 0 : i32
      %dma_wait3A_52 = arith.constant 0 : i32
      %dma_wait3A_53 = tpu.memref_slice %arg2[%dma_wait3A_51, %dma_wait3A_52] : memref<10112x128xf32, #tpu.memory_space<hbm>> -> memref<10112x128xf32, #tpu.memory_space<hbm>>
      tpu.wait_indirect_dma semaphore(%arg11 : memref<!tpu.dma_semaphore, #tpu.memory_space<semaphore_mem>>) src(%dma_wait3A_53 : memref<10112x128xf32, #tpu.memory_space<hbm>>) dst(%arg9 : memref<128x128xf32, #tpu.memory_space<vmem>>)
      %dma_wait3A_54 = arith.constant 0 : i32
      %dma_wait3A_55 = arith.constant 0 : i32
      %dma_wait3A_56 = tpu.memref_slice %arg7[%dma_wait3A_54, %dma_wait3A_55] : memref<48x128xi32, #tpu.memory_space<vmem>> -> memref<1x128xi32, #tpu.memory_space<vmem>>
      %dma_wait3A_57 = tpu.memref_squeeze %dma_wait3A_56 : memref<1x128xi32, #tpu.memory_space<vmem>> -> memref<128xi32, #tpu.memory_space<vmem>>
      %dma_wait3A_58 = arith.constant 0 : i32
      %dma_wait3A_59 = arith.constant 0 : i32
      %dma_wait3A_60 = tpu.memref_slice %arg2[%dma_wait3A_58, %dma_wait3A_59] : memref<10112x128xf32, #tpu.memory_space<hbm>> -> memref<10112x128xf32, #tpu.memory_space<hbm>>
      tpu.wait_indirect_dma semaphore(%arg12 : memref<!tpu.dma_semaphore, #tpu.memory_space<semaphore_mem>>) src(%dma_wait3A_60 : memref<10112x128xf32, #tpu.memory_space<hbm>>) dst(%arg10 : memref<128x128xf32, #tpu.memory_space<vmem>>)
      %add3A_61 = arith.constant 48 : i32
      %add3A_62 = arith.addi %mul3A_24, %add3A_61 : i32
      "tpu.region"() ({
        %run_scoped3A = tpu.sem_alloc : memref<!tpu.dma_semaphore, #tpu.memory_space<semaphore_mem>>
        %dma_start3A_99 = arith.constant 0 : i32
        %dma_start3A_100 = arith.constant 0 : i32
        %dma_start3A_101 = tpu.memref_slice %arg7[%dma_start3A_99, %dma_start3A_100] : memref<48x128xi32, #tpu.memory_space<vmem>> -> memref<48x128xi32, #tpu.memory_space<vmem>>
        %dma_start3A_102 = arith.constant 0 : i32
        %dma_start3A_103 = tpu.memref_slice %arg3[%add3A_62, %dma_start3A_102] : memref<2560x128xi32, #tpu.memory_space<hbm>> -> memref<48x128xi32, #tpu.memory_space<hbm>>
        %dma_start3A_104 = arith.constant 0 : i32
        %dma_start3A_105 = arith.constant 0 : i32
        %dma_start3A_106 = tpu.memref_slice %arg7[%dma_start3A_104, %dma_start3A_105] : memref<48x128xi32, #tpu.memory_space<vmem>> -> memref<48x128xi32, #tpu.memory_space<vmem>>
        %dma_start3A_107 = arith.constant 0 : i32
        %dma_start3A_108 = tpu.memref_slice %arg3[%add3A_62, %dma_start3A_107] : memref<2560x128xi32, #tpu.memory_space<hbm>> -> memref<48x128xi32, #tpu.memory_space<hbm>>
        tpu.enqueue_dma source(%dma_start3A_108 : memref<48x128xi32, #tpu.memory_space<hbm>>) target(%dma_start3A_106 : memref<48x128xi32, #tpu.memory_space<vmem>>) target_semaphore(%run_scoped3A : memref<!tpu.dma_semaphore, #tpu.memory_space<semaphore_mem>>)
        %dma_wait3A_109 = arith.constant 0 : i32
        %dma_wait3A_110 = arith.constant 0 : i32
        %dma_wait3A_111 = tpu.memref_slice %arg7[%dma_wait3A_109, %dma_wait3A_110] : memref<48x128xi32, #tpu.memory_space<vmem>> -> memref<48x128xi32, #tpu.memory_space<vmem>>
        %dma_wait3A_112 = arith.constant 0 : i32
        %dma_wait3A_113 = tpu.memref_slice %arg3[%add3A_62, %dma_wait3A_112] : memref<2560x128xi32, #tpu.memory_space<hbm>> -> memref<48x128xi32, #tpu.memory_space<hbm>>
        %dma_wait3A_114 = arith.constant 0 : i32
        %dma_wait3A_115 = arith.constant 0 : i32
        %dma_wait3A_116 = tpu.memref_slice %arg7[%dma_wait3A_114, %dma_wait3A_115] : memref<48x128xi32, #tpu.memory_space<vmem>> -> memref<48x128xi32, #tpu.memory_space<vmem>>
        %dma_wait3A_117 = arith.constant 0 : i32
        %dma_wait3A_118 = tpu.memref_slice %arg3[%add3A_62, %dma_wait3A_117] : memref<2560x128xi32, #tpu.memory_space<hbm>> -> memref<48x128xi32, #tpu.memory_space<hbm>>
        tpu.wait_dma2 semaphore(%run_scoped3A : memref<!tpu.dma_semaphore, #tpu.memory_space<semaphore_mem>>) src(%dma_wait3A_118 : memref<48x128xi32, #tpu.memory_space<hbm>>) dst(%dma_wait3A_116 : memref<48x128xi32, #tpu.memory_space<vmem>>)
        tpu.yield
      }) : () -> ()
      %add3A_63 = arith.constant 48 : i32
      %add3A_64 = arith.addi %mul3A_24, %add3A_63 : i32
      "tpu.region"() ({
        %run_scoped3A = tpu.sem_alloc : memref<!tpu.dma_semaphore, #tpu.memory_space<semaphore_mem>>
        %dma_start3A_99 = arith.constant 0 : i32
        %dma_start3A_100 = arith.constant 0 : i32
        %dma_start3A_101 = tpu.memref_slice %arg8[%dma_start3A_99, %dma_start3A_100] : memref<48x128xi32, #tpu.memory_space<vmem>> -> memref<48x128xi32, #tpu.memory_space<vmem>>
        %dma_start3A_102 = arith.constant 0 : i32
        %dma_start3A_103 = tpu.memref_slice %arg4[%add3A_64, %dma_start3A_102] : memref<2560x128xi32, #tpu.memory_space<hbm>> -> memref<48x128xi32, #tpu.memory_space<hbm>>
        %dma_start3A_104 = arith.constant 0 : i32
        %dma_start3A_105 = arith.constant 0 : i32
        %dma_start3A_106 = tpu.memref_slice %arg8[%dma_start3A_104, %dma_start3A_105] : memref<48x128xi32, #tpu.memory_space<vmem>> -> memref<48x128xi32, #tpu.memory_space<vmem>>
        %dma_start3A_107 = arith.constant 0 : i32
        %dma_start3A_108 = tpu.memref_slice %arg4[%add3A_64, %dma_start3A_107] : memref<2560x128xi32, #tpu.memory_space<hbm>> -> memref<48x128xi32, #tpu.memory_space<hbm>>
        tpu.enqueue_dma source(%dma_start3A_108 : memref<48x128xi32, #tpu.memory_space<hbm>>) target(%dma_start3A_106 : memref<48x128xi32, #tpu.memory_space<vmem>>) target_semaphore(%run_scoped3A : memref<!tpu.dma_semaphore, #tpu.memory_space<semaphore_mem>>)
        %dma_wait3A_109 = arith.constant 0 : i32
        %dma_wait3A_110 = arith.constant 0 : i32
        %dma_wait3A_111 = tpu.memref_slice %arg8[%dma_wait3A_109, %dma_wait3A_110] : memref<48x128xi32, #tpu.memory_space<vmem>> -> memref<48x128xi32, #tpu.memory_space<vmem>>
        %dma_wait3A_112 = arith.constant 0 : i32
        %dma_wait3A_113 = tpu.memref_slice %arg4[%add3A_64, %dma_wait3A_112] : memref<2560x128xi32, #tpu.memory_space<hbm>> -> memref<48x128xi32, #tpu.memory_space<hbm>>
        %dma_wait3A_114 = arith.constant 0 : i32
        %dma_wait3A_115 = arith.constant 0 : i32
        %dma_wait3A_116 = tpu.memref_slice %arg8[%dma_wait3A_114, %dma_wait3A_115] : memref<48x128xi32, #tpu.memory_space<vmem>> -> memref<48x128xi32, #tpu.memory_space<vmem>>
        %dma_wait3A_117 = arith.constant 0 : i32
        %dma_wait3A_118 = tpu.memref_slice %arg4[%add3A_64, %dma_wait3A_117] : memref<2560x128xi32, #tpu.memory_space<hbm>> -> memref<48x128xi32, #tpu.memory_space<hbm>>
        tpu.wait_dma2 semaphore(%run_scoped3A : memref<!tpu.dma_semaphore, #tpu.memory_space<semaphore_mem>>) src(%dma_wait3A_118 : memref<48x128xi32, #tpu.memory_space<hbm>>) dst(%dma_wait3A_116 : memref<48x128xi32, #tpu.memory_space<vmem>>)
        tpu.yield
      }) : () -> ()
      %dma_start3A_65 = arith.constant 0 : i32
      %dma_start3A_66 = arith.constant 0 : i32
      %dma_start3A_67 = tpu.memref_slice %arg7[%dma_start3A_65, %dma_start3A_66] : memref<48x128xi32, #tpu.memory_space<vmem>> -> memref<1x128xi32, #tpu.memory_space<vmem>>
      %dma_start3A_68 = tpu.memref_squeeze %dma_start3A_67 : memref<1x128xi32, #tpu.memory_space<vmem>> -> memref<128xi32, #tpu.memory_space<vmem>>
      %dma_start3A_69 = arith.constant 0 : i32
      %dma_start3A_70 = arith.constant 0 : i32
      %dma_start3A_71 = tpu.memref_slice %arg2[%dma_start3A_69, %dma_start3A_70] : memref<10112x128xf32, #tpu.memory_space<hbm>> -> memref<10112x128xf32, #tpu.memory_space<hbm>>
      tpu.enqueue_indirect_dma source(%dma_start3A_71 : memref<10112x128xf32, #tpu.memory_space<hbm>>) target(%arg9 : memref<128x128xf32, #tpu.memory_space<vmem>>) offsets(%dma_start3A_68 : memref<128xi32, #tpu.memory_space<vmem>>) semaphore(%arg11 : memref<!tpu.dma_semaphore, #tpu.memory_space<semaphore_mem>>)
      %dma_start3A_72 = arith.constant 1 : i32
      %dma_start3A_73 = arith.constant 0 : i32
      %dma_start3A_74 = tpu.memref_slice %arg7[%dma_start3A_72, %dma_start3A_73] : memref<48x128xi32, #tpu.memory_space<vmem>> -> memref<1x128xi32, #tpu.memory_space<vmem>>
      %dma_start3A_75 = tpu.memref_squeeze %dma_start3A_74 : memref<1x128xi32, #tpu.memory_space<vmem>> -> memref<128xi32, #tpu.memory_space<vmem>>
      %dma_start3A_76 = arith.constant 0 : i32
      %dma_start3A_77 = arith.constant 0 : i32
      %dma_start3A_78 = tpu.memref_slice %arg2[%dma_start3A_76, %dma_start3A_77] : memref<10112x128xf32, #tpu.memory_space<hbm>> -> memref<10112x128xf32, #tpu.memory_space<hbm>>
      tpu.enqueue_indirect_dma source(%dma_start3A_78 : memref<10112x128xf32, #tpu.memory_space<hbm>>) target(%arg10 : memref<128x128xf32, #tpu.memory_space<vmem>>) offsets(%dma_start3A_75 : memref<128xi32, #tpu.memory_space<vmem>>) semaphore(%arg12 : memref<!tpu.dma_semaphore, #tpu.memory_space<semaphore_mem>>)
      %scan3A_79 = arith.constant 0 : i32
      %scan3A_80 = arith.constant 0 : i32
      %scan3A_81 = arith.constant 24 : i32
      %scan3A_82 = arith.addi %scan3A_80, %scan3A_81 : i32
      %scan3A_83 = arith.constant 1 : i32
      scf.for %scan3A_99 = %scan3A_80 to %scan3A_82 step %scan3A_83  : i32 {
        %mul3A_100 = arith.constant 2 : i32
        %mul3A_101 = arith.muli %mul3A_100, %scan3A_99 : i32
        %add3A_102 = arith.constant 0 : i32
        %add3A_103 = arith.addi %mul3A_101, %add3A_102 : i32
        %dma_wait3A_104 = arith.constant 0 : i32
        %dma_wait3A_105 = arith.constant 0 : i32
        %dma_wait3A_106 = tpu.memref_slice %arg7[%dma_wait3A_104, %dma_wait3A_105] : memref<48x128xi32, #tpu.memory_space<vmem>> -> memref<1x128xi32, #tpu.memory_space<vmem>>
        %dma_wait3A_107 = tpu.memref_squeeze %dma_wait3A_106 : memref<1x128xi32, #tpu.memory_space<vmem>> -> memref<128xi32, #tpu.memory_space<vmem>>
        %dma_wait3A_108 = arith.constant 0 : i32
        %dma_wait3A_109 = arith.constant 0 : i32
        %dma_wait3A_110 = tpu.memref_slice %arg2[%dma_wait3A_108, %dma_wait3A_109] : memref<10112x128xf32, #tpu.memory_space<hbm>> -> memref<10112x128xf32, #tpu.memory_space<hbm>>
        tpu.wait_indirect_dma semaphore(%arg11 : memref<!tpu.dma_semaphore, #tpu.memory_space<semaphore_mem>>) src(%dma_wait3A_110 : memref<10112x128xf32, #tpu.memory_space<hbm>>) dst(%arg9 : memref<128x128xf32, #tpu.memory_space<vmem>>)
        %dma_start3A_111 = arith.constant 0 : i32
        %dma_start3A_112 = tpu.memref_slice %arg8[%add3A_103, %dma_start3A_111] : memref<48x128xi32, #tpu.memory_space<vmem>> -> memref<1x128xi32, #tpu.memory_space<vmem>>
        %dma_start3A_113 = tpu.memref_squeeze %dma_start3A_112 : memref<1x128xi32, #tpu.memory_space<vmem>> -> memref<128xi32, #tpu.memory_space<vmem>>
        %dma_start3A_114 = arith.constant 0 : i32
        %dma_start3A_115 = arith.constant 0 : i32
        %dma_start3A_116 = tpu.memref_slice %arg6[%dma_start3A_114, %dma_start3A_115] : memref<10112x128xf32, #tpu.memory_space<vmem_shared>> -> memref<10112x128xf32, #tpu.memory_space<vmem_shared>>
        tpu.enqueue_indirect_dma source(%arg9 : memref<128x128xf32, #tpu.memory_space<vmem>>) target(%dma_start3A_116 : memref<10112x128xf32, #tpu.memory_space<vmem_shared>>) offsets(%dma_start3A_113 : memref<128xi32, #tpu.memory_space<vmem>>) semaphore(%arg13 : memref<!tpu.dma_semaphore, #tpu.memory_space<semaphore_mem>>) {add = true}
        %dma_wait3A_117 = arith.constant 0 : i32
        %dma_wait3A_118 = arith.constant 0 : i32
        %dma_wait3A_119 = tpu.memref_slice %arg8[%dma_wait3A_117, %dma_wait3A_118] : memref<48x128xi32, #tpu.memory_space<vmem>> -> memref<1x128xi32, #tpu.memory_space<vmem>>
        %dma_wait3A_120 = tpu.memref_squeeze %dma_wait3A_119 : memref<1x128xi32, #tpu.memory_space<vmem>> -> memref<128xi32, #tpu.memory_space<vmem>>
        %dma_wait3A_121 = arith.constant 0 : i32
        %dma_wait3A_122 = arith.constant 0 : i32
        %dma_wait3A_123 = tpu.memref_slice %arg6[%dma_wait3A_121, %dma_wait3A_122] : memref<10112x128xf32, #tpu.memory_space<vmem_shared>> -> memref<10112x128xf32, #tpu.memory_space<vmem_shared>>
        tpu.wait_indirect_dma semaphore(%arg13 : memref<!tpu.dma_semaphore, #tpu.memory_space<semaphore_mem>>) src(%arg9 : memref<128x128xf32, #tpu.memory_space<vmem>>) dst(%dma_wait3A_123 : memref<10112x128xf32, #tpu.memory_space<vmem_shared>>)
        %add3A_124 = arith.constant 2 : i32
        %add3A_125 = arith.addi %add3A_103, %add3A_124 : i32
        %min3A = arith.constant 47 : i32
        %min3A_126 = arith.minsi %add3A_125, %min3A : i32
        %dma_start3A_127 = arith.constant 0 : i32
        %dma_start3A_128 = tpu.memref_slice %arg7[%min3A_126, %dma_start3A_127] : memref<48x128xi32, #tpu.memory_space<vmem>> -> memref<1x128xi32, #tpu.memory_space<vmem>>
        %dma_start3A_129 = tpu.memref_squeeze %dma_start3A_128 : memref<1x128xi32, #tpu.memory_space<vmem>> -> memref<128xi32, #tpu.memory_space<vmem>>
        %dma_start3A_130 = arith.constant 0 : i32
        %dma_start3A_131 = arith.constant 0 : i32
        %dma_start3A_132 = tpu.memref_slice %arg2[%dma_start3A_130, %dma_start3A_131] : memref<10112x128xf32, #tpu.memory_space<hbm>> -> memref<10112x128xf32, #tpu.memory_space<hbm>>
        tpu.enqueue_indirect_dma source(%dma_start3A_132 : memref<10112x128xf32, #tpu.memory_space<hbm>>) target(%arg9 : memref<128x128xf32, #tpu.memory_space<vmem>>) offsets(%dma_start3A_129 : memref<128xi32, #tpu.memory_space<vmem>>) semaphore(%arg11 : memref<!tpu.dma_semaphore, #tpu.memory_space<semaphore_mem>>)
        %mul3A_133 = arith.constant 2 : i32
        %mul3A_134 = arith.muli %mul3A_133, %scan3A_99 : i32
        %add3A_135 = arith.constant 1 : i32
        %add3A_136 = arith.addi %mul3A_134, %add3A_135 : i32
        %dma_wait3A_137 = arith.constant 0 : i32
        %dma_wait3A_138 = arith.constant 0 : i32
        %dma_wait3A_139 = tpu.memref_slice %arg7[%dma_wait3A_137, %dma_wait3A_138] : memref<48x128xi32, #tpu.memory_space<vmem>> -> memref<1x128xi32, #tpu.memory_space<vmem>>
        %dma_wait3A_140 = tpu.memref_squeeze %dma_wait3A_139 : memref<1x128xi32, #tpu.memory_space<vmem>> -> memref<128xi32, #tpu.memory_space<vmem>>
        %dma_wait3A_141 = arith.constant 0 : i32
        %dma_wait3A_142 = arith.constant 0 : i32
        %dma_wait3A_143 = tpu.memref_slice %arg2[%dma_wait3A_141, %dma_wait3A_142] : memref<10112x128xf32, #tpu.memory_space<hbm>> -> memref<10112x128xf32, #tpu.memory_space<hbm>>
        tpu.wait_indirect_dma semaphore(%arg12 : memref<!tpu.dma_semaphore, #tpu.memory_space<semaphore_mem>>) src(%dma_wait3A_143 : memref<10112x128xf32, #tpu.memory_space<hbm>>) dst(%arg10 : memref<128x128xf32, #tpu.memory_space<vmem>>)
        %dma_start3A_144 = arith.constant 0 : i32
        %dma_start3A_145 = tpu.memref_slice %arg8[%add3A_136, %dma_start3A_144] : memref<48x128xi32, #tpu.memory_space<vmem>> -> memref<1x128xi32, #tpu.memory_space<vmem>>
        %dma_start3A_146 = tpu.memref_squeeze %dma_start3A_145 : memref<1x128xi32, #tpu.memory_space<vmem>> -> memref<128xi32, #tpu.memory_space<vmem>>
        %dma_start3A_147 = arith.constant 0 : i32
        %dma_start3A_148 = arith.constant 0 : i32
        %dma_start3A_149 = tpu.memref_slice %arg6[%dma_start3A_147, %dma_start3A_148] : memref<10112x128xf32, #tpu.memory_space<vmem_shared>> -> memref<10112x128xf32, #tpu.memory_space<vmem_shared>>
        tpu.enqueue_indirect_dma source(%arg10 : memref<128x128xf32, #tpu.memory_space<vmem>>) target(%dma_start3A_149 : memref<10112x128xf32, #tpu.memory_space<vmem_shared>>) offsets(%dma_start3A_146 : memref<128xi32, #tpu.memory_space<vmem>>) semaphore(%arg14 : memref<!tpu.dma_semaphore, #tpu.memory_space<semaphore_mem>>) {add = true}
        %dma_wait3A_150 = arith.constant 0 : i32
        %dma_wait3A_151 = arith.constant 0 : i32
        %dma_wait3A_152 = tpu.memref_slice %arg8[%dma_wait3A_150, %dma_wait3A_151] : memref<48x128xi32, #tpu.memory_space<vmem>> -> memref<1x128xi32, #tpu.memory_space<vmem>>
        %dma_wait3A_153 = tpu.memref_squeeze %dma_wait3A_152 : memref<1x128xi32, #tpu.memory_space<vmem>> -> memref<128xi32, #tpu.memory_space<vmem>>
        %dma_wait3A_154 = arith.constant 0 : i32
        %dma_wait3A_155 = arith.constant 0 : i32
        %dma_wait3A_156 = tpu.memref_slice %arg6[%dma_wait3A_154, %dma_wait3A_155] : memref<10112x128xf32, #tpu.memory_space<vmem_shared>> -> memref<10112x128xf32, #tpu.memory_space<vmem_shared>>
        tpu.wait_indirect_dma semaphore(%arg14 : memref<!tpu.dma_semaphore, #tpu.memory_space<semaphore_mem>>) src(%arg10 : memref<128x128xf32, #tpu.memory_space<vmem>>) dst(%dma_wait3A_156 : memref<10112x128xf32, #tpu.memory_space<vmem_shared>>)
        %add3A_157 = arith.constant 2 : i32
        %add3A_158 = arith.addi %add3A_136, %add3A_157 : i32
        %min3A_159 = arith.constant 47 : i32
        %min3A_160 = arith.minsi %add3A_158, %min3A_159 : i32
        %dma_start3A_161 = arith.constant 0 : i32
        %dma_start3A_162 = tpu.memref_slice %arg7[%min3A_160, %dma_start3A_161] : memref<48x128xi32, #tpu.memory_space<vmem>> -> memref<1x128xi32, #tpu.memory_space<vmem>>
        %dma_start3A_163 = tpu.memref_squeeze %dma_start3A_162 : memref<1x128xi32, #tpu.memory_space<vmem>> -> memref<128xi32, #tpu.memory_space<vmem>>
        %dma_start3A_164 = arith.constant 0 : i32
        %dma_start3A_165 = arith.constant 0 : i32
        %dma_start3A_166 = tpu.memref_slice %arg2[%dma_start3A_164, %dma_start3A_165] : memref<10112x128xf32, #tpu.memory_space<hbm>> -> memref<10112x128xf32, #tpu.memory_space<hbm>>
        tpu.enqueue_indirect_dma source(%dma_start3A_166 : memref<10112x128xf32, #tpu.memory_space<hbm>>) target(%arg10 : memref<128x128xf32, #tpu.memory_space<vmem>>) offsets(%dma_start3A_163 : memref<128xi32, #tpu.memory_space<vmem>>) semaphore(%arg12 : memref<!tpu.dma_semaphore, #tpu.memory_space<semaphore_mem>>)
      }
      %scan3A_84 = arith.constant 24 : i32
      %dma_wait3A_85 = arith.constant 0 : i32
      %dma_wait3A_86 = arith.constant 0 : i32
      %dma_wait3A_87 = tpu.memref_slice %arg7[%dma_wait3A_85, %dma_wait3A_86] : memref<48x128xi32, #tpu.memory_space<vmem>> -> memref<1x128xi32, #tpu.memory_space<vmem>>
      %dma_wait3A_88 = tpu.memref_squeeze %dma_wait3A_87 : memref<1x128xi32, #tpu.memory_space<vmem>> -> memref<128xi32, #tpu.memory_space<vmem>>
      %dma_wait3A_89 = arith.constant 0 : i32
      %dma_wait3A_90 = arith.constant 0 : i32
      %dma_wait3A_91 = tpu.memref_slice %arg2[%dma_wait3A_89, %dma_wait3A_90] : memref<10112x128xf32, #tpu.memory_space<hbm>> -> memref<10112x128xf32, #tpu.memory_space<hbm>>
      tpu.wait_indirect_dma semaphore(%arg11 : memref<!tpu.dma_semaphore, #tpu.memory_space<semaphore_mem>>) src(%dma_wait3A_91 : memref<10112x128xf32, #tpu.memory_space<hbm>>) dst(%arg9 : memref<128x128xf32, #tpu.memory_space<vmem>>)
      %dma_wait3A_92 = arith.constant 0 : i32
      %dma_wait3A_93 = arith.constant 0 : i32
      %dma_wait3A_94 = tpu.memref_slice %arg7[%dma_wait3A_92, %dma_wait3A_93] : memref<48x128xi32, #tpu.memory_space<vmem>> -> memref<1x128xi32, #tpu.memory_space<vmem>>
      %dma_wait3A_95 = tpu.memref_squeeze %dma_wait3A_94 : memref<1x128xi32, #tpu.memory_space<vmem>> -> memref<128xi32, #tpu.memory_space<vmem>>
      %dma_wait3A_96 = arith.constant 0 : i32
      %dma_wait3A_97 = arith.constant 0 : i32
      %dma_wait3A_98 = tpu.memref_slice %arg2[%dma_wait3A_96, %dma_wait3A_97] : memref<10112x128xf32, #tpu.memory_space<hbm>> -> memref<10112x128xf32, #tpu.memory_space<hbm>>
      tpu.wait_indirect_dma semaphore(%arg12 : memref<!tpu.dma_semaphore, #tpu.memory_space<semaphore_mem>>) src(%dma_wait3A_98 : memref<10112x128xf32, #tpu.memory_space<hbm>>) dst(%arg10 : memref<128x128xf32, #tpu.memory_space<vmem>>)
    } else {
    }
    %eq3A_17 = arith.constant 1 : i32
    %eq3A_18 = arith.cmpi eq, %arg0, %eq3A_17 : i32
    %convert_element_type3A_19 = arith.extui %eq3A_18 : i1 to i32
    %cond3A_20 = arith.constant 0 : i32
    %cond3A_21 = arith.cmpi ne, %convert_element_type3A_19, %cond3A_20 : i32
    scf.if %cond3A_21 {
      %mul3A_23 = arith.constant 64 : i32
      %mul3A_24 = arith.muli %arg1, %mul3A_23 : i32
      %add3A_25 = arith.constant 1536 : i32
      %add3A_26 = arith.addi %add3A_25, %mul3A_24 : i32
      %add3A_27 = arith.constant 0 : i32
      %add3A_28 = arith.addi %add3A_26, %add3A_27 : i32
      "tpu.region"() ({
        %run_scoped3A = tpu.sem_alloc : memref<!tpu.dma_semaphore, #tpu.memory_space<semaphore_mem>>
        %dma_start3A_101 = arith.constant 0 : i32
        %dma_start3A_102 = arith.constant 0 : i32
        %dma_start3A_103 = tpu.memref_slice %arg7[%dma_start3A_101, %dma_start3A_102] : memref<48x128xi32, #tpu.memory_space<vmem>> -> memref<32x128xi32, #tpu.memory_space<vmem>>
        %dma_start3A_104 = arith.constant 0 : i32
        %dma_start3A_105 = tpu.memref_slice %arg3[%add3A_28, %dma_start3A_104] : memref<2560x128xi32, #tpu.memory_space<hbm>> -> memref<32x128xi32, #tpu.memory_space<hbm>>
        %dma_start3A_106 = arith.constant 0 : i32
        %dma_start3A_107 = arith.constant 0 : i32
        %dma_start3A_108 = tpu.memref_slice %arg7[%dma_start3A_106, %dma_start3A_107] : memref<48x128xi32, #tpu.memory_space<vmem>> -> memref<32x128xi32, #tpu.memory_space<vmem>>
        %dma_start3A_109 = arith.constant 0 : i32
        %dma_start3A_110 = tpu.memref_slice %arg3[%add3A_28, %dma_start3A_109] : memref<2560x128xi32, #tpu.memory_space<hbm>> -> memref<32x128xi32, #tpu.memory_space<hbm>>
        tpu.enqueue_dma source(%dma_start3A_110 : memref<32x128xi32, #tpu.memory_space<hbm>>) target(%dma_start3A_108 : memref<32x128xi32, #tpu.memory_space<vmem>>) target_semaphore(%run_scoped3A : memref<!tpu.dma_semaphore, #tpu.memory_space<semaphore_mem>>)
        %dma_wait3A_111 = arith.constant 0 : i32
        %dma_wait3A_112 = arith.constant 0 : i32
        %dma_wait3A_113 = tpu.memref_slice %arg7[%dma_wait3A_111, %dma_wait3A_112] : memref<48x128xi32, #tpu.memory_space<vmem>> -> memref<32x128xi32, #tpu.memory_space<vmem>>
        %dma_wait3A_114 = arith.constant 0 : i32
        %dma_wait3A_115 = tpu.memref_slice %arg3[%add3A_28, %dma_wait3A_114] : memref<2560x128xi32, #tpu.memory_space<hbm>> -> memref<32x128xi32, #tpu.memory_space<hbm>>
        %dma_wait3A_116 = arith.constant 0 : i32
        %dma_wait3A_117 = arith.constant 0 : i32
        %dma_wait3A_118 = tpu.memref_slice %arg7[%dma_wait3A_116, %dma_wait3A_117] : memref<48x128xi32, #tpu.memory_space<vmem>> -> memref<32x128xi32, #tpu.memory_space<vmem>>
        %dma_wait3A_119 = arith.constant 0 : i32
        %dma_wait3A_120 = tpu.memref_slice %arg3[%add3A_28, %dma_wait3A_119] : memref<2560x128xi32, #tpu.memory_space<hbm>> -> memref<32x128xi32, #tpu.memory_space<hbm>>
        tpu.wait_dma2 semaphore(%run_scoped3A : memref<!tpu.dma_semaphore, #tpu.memory_space<semaphore_mem>>) src(%dma_wait3A_120 : memref<32x128xi32, #tpu.memory_space<hbm>>) dst(%dma_wait3A_118 : memref<32x128xi32, #tpu.memory_space<vmem>>)
        tpu.yield
      }) : () -> ()
      %add3A_29 = arith.constant 0 : i32
      %add3A_30 = arith.addi %add3A_26, %add3A_29 : i32
      "tpu.region"() ({
        %run_scoped3A = tpu.sem_alloc : memref<!tpu.dma_semaphore, #tpu.memory_space<semaphore_mem>>
        %dma_start3A_101 = arith.constant 0 : i32
        %dma_start3A_102 = arith.constant 0 : i32
        %dma_start3A_103 = tpu.memref_slice %arg8[%dma_start3A_101, %dma_start3A_102] : memref<48x128xi32, #tpu.memory_space<vmem>> -> memref<32x128xi32, #tpu.memory_space<vmem>>
        %dma_start3A_104 = arith.constant 0 : i32
        %dma_start3A_105 = tpu.memref_slice %arg4[%add3A_30, %dma_start3A_104] : memref<2560x128xi32, #tpu.memory_space<hbm>> -> memref<32x128xi32, #tpu.memory_space<hbm>>
        %dma_start3A_106 = arith.constant 0 : i32
        %dma_start3A_107 = arith.constant 0 : i32
        %dma_start3A_108 = tpu.memref_slice %arg8[%dma_start3A_106, %dma_start3A_107] : memref<48x128xi32, #tpu.memory_space<vmem>> -> memref<32x128xi32, #tpu.memory_space<vmem>>
        %dma_start3A_109 = arith.constant 0 : i32
        %dma_start3A_110 = tpu.memref_slice %arg4[%add3A_30, %dma_start3A_109] : memref<2560x128xi32, #tpu.memory_space<hbm>> -> memref<32x128xi32, #tpu.memory_space<hbm>>
        tpu.enqueue_dma source(%dma_start3A_110 : memref<32x128xi32, #tpu.memory_space<hbm>>) target(%dma_start3A_108 : memref<32x128xi32, #tpu.memory_space<vmem>>) target_semaphore(%run_scoped3A : memref<!tpu.dma_semaphore, #tpu.memory_space<semaphore_mem>>)
        %dma_wait3A_111 = arith.constant 0 : i32
        %dma_wait3A_112 = arith.constant 0 : i32
        %dma_wait3A_113 = tpu.memref_slice %arg8[%dma_wait3A_111, %dma_wait3A_112] : memref<48x128xi32, #tpu.memory_space<vmem>> -> memref<32x128xi32, #tpu.memory_space<vmem>>
        %dma_wait3A_114 = arith.constant 0 : i32
        %dma_wait3A_115 = tpu.memref_slice %arg4[%add3A_30, %dma_wait3A_114] : memref<2560x128xi32, #tpu.memory_space<hbm>> -> memref<32x128xi32, #tpu.memory_space<hbm>>
        %dma_wait3A_116 = arith.constant 0 : i32
        %dma_wait3A_117 = arith.constant 0 : i32
        %dma_wait3A_118 = tpu.memref_slice %arg8[%dma_wait3A_116, %dma_wait3A_117] : memref<48x128xi32, #tpu.memory_space<vmem>> -> memref<32x128xi32, #tpu.memory_space<vmem>>
        %dma_wait3A_119 = arith.constant 0 : i32
        %dma_wait3A_120 = tpu.memref_slice %arg4[%add3A_30, %dma_wait3A_119] : memref<2560x128xi32, #tpu.memory_space<hbm>> -> memref<32x128xi32, #tpu.memory_space<hbm>>
        tpu.wait_dma2 semaphore(%run_scoped3A : memref<!tpu.dma_semaphore, #tpu.memory_space<semaphore_mem>>) src(%dma_wait3A_120 : memref<32x128xi32, #tpu.memory_space<hbm>>) dst(%dma_wait3A_118 : memref<32x128xi32, #tpu.memory_space<vmem>>)
        tpu.yield
      }) : () -> ()
      %dma_start3A = arith.constant 0 : i32
      %dma_start3A_31 = arith.constant 0 : i32
      %dma_start3A_32 = tpu.memref_slice %arg7[%dma_start3A, %dma_start3A_31] : memref<48x128xi32, #tpu.memory_space<vmem>> -> memref<1x128xi32, #tpu.memory_space<vmem>>
      %dma_start3A_33 = tpu.memref_squeeze %dma_start3A_32 : memref<1x128xi32, #tpu.memory_space<vmem>> -> memref<128xi32, #tpu.memory_space<vmem>>
      %dma_start3A_34 = arith.constant 0 : i32
      %dma_start3A_35 = arith.constant 0 : i32
      %dma_start3A_36 = tpu.memref_slice %arg2[%dma_start3A_34, %dma_start3A_35] : memref<10112x128xf32, #tpu.memory_space<hbm>> -> memref<10112x128xf32, #tpu.memory_space<hbm>>
      tpu.enqueue_indirect_dma source(%dma_start3A_36 : memref<10112x128xf32, #tpu.memory_space<hbm>>) target(%arg9 : memref<128x128xf32, #tpu.memory_space<vmem>>) offsets(%dma_start3A_33 : memref<128xi32, #tpu.memory_space<vmem>>) semaphore(%arg11 : memref<!tpu.dma_semaphore, #tpu.memory_space<semaphore_mem>>)
      %dma_start3A_37 = arith.constant 1 : i32
      %dma_start3A_38 = arith.constant 0 : i32
      %dma_start3A_39 = tpu.memref_slice %arg7[%dma_start3A_37, %dma_start3A_38] : memref<48x128xi32, #tpu.memory_space<vmem>> -> memref<1x128xi32, #tpu.memory_space<vmem>>
      %dma_start3A_40 = tpu.memref_squeeze %dma_start3A_39 : memref<1x128xi32, #tpu.memory_space<vmem>> -> memref<128xi32, #tpu.memory_space<vmem>>
      %dma_start3A_41 = arith.constant 0 : i32
      %dma_start3A_42 = arith.constant 0 : i32
      %dma_start3A_43 = tpu.memref_slice %arg2[%dma_start3A_41, %dma_start3A_42] : memref<10112x128xf32, #tpu.memory_space<hbm>> -> memref<10112x128xf32, #tpu.memory_space<hbm>>
      tpu.enqueue_indirect_dma source(%dma_start3A_43 : memref<10112x128xf32, #tpu.memory_space<hbm>>) target(%arg10 : memref<128x128xf32, #tpu.memory_space<vmem>>) offsets(%dma_start3A_40 : memref<128xi32, #tpu.memory_space<vmem>>) semaphore(%arg12 : memref<!tpu.dma_semaphore, #tpu.memory_space<semaphore_mem>>)
      %scan3A_44 = arith.constant 0 : i32
      %scan3A_45 = arith.constant 0 : i32
      %scan3A_46 = arith.constant 16 : i32
      %scan3A_47 = arith.addi %scan3A_45, %scan3A_46 : i32
      %scan3A_48 = arith.constant 1 : i32
      scf.for %scan3A_101 = %scan3A_45 to %scan3A_47 step %scan3A_48  : i32 {
        %mul3A_102 = arith.constant 2 : i32
        %mul3A_103 = arith.muli %mul3A_102, %scan3A_101 : i32
        %add3A_104 = arith.constant 0 : i32
        %add3A_105 = arith.addi %mul3A_103, %add3A_104 : i32
        %dma_wait3A_106 = arith.constant 0 : i32
        %dma_wait3A_107 = arith.constant 0 : i32
        %dma_wait3A_108 = tpu.memref_slice %arg7[%dma_wait3A_106, %dma_wait3A_107] : memref<48x128xi32, #tpu.memory_space<vmem>> -> memref<1x128xi32, #tpu.memory_space<vmem>>
        %dma_wait3A_109 = tpu.memref_squeeze %dma_wait3A_108 : memref<1x128xi32, #tpu.memory_space<vmem>> -> memref<128xi32, #tpu.memory_space<vmem>>
        %dma_wait3A_110 = arith.constant 0 : i32
        %dma_wait3A_111 = arith.constant 0 : i32
        %dma_wait3A_112 = tpu.memref_slice %arg2[%dma_wait3A_110, %dma_wait3A_111] : memref<10112x128xf32, #tpu.memory_space<hbm>> -> memref<10112x128xf32, #tpu.memory_space<hbm>>
        tpu.wait_indirect_dma semaphore(%arg11 : memref<!tpu.dma_semaphore, #tpu.memory_space<semaphore_mem>>) src(%dma_wait3A_112 : memref<10112x128xf32, #tpu.memory_space<hbm>>) dst(%arg9 : memref<128x128xf32, #tpu.memory_space<vmem>>)
        %dma_start3A_113 = arith.constant 0 : i32
        %dma_start3A_114 = tpu.memref_slice %arg8[%add3A_105, %dma_start3A_113] : memref<48x128xi32, #tpu.memory_space<vmem>> -> memref<1x128xi32, #tpu.memory_space<vmem>>
        %dma_start3A_115 = tpu.memref_squeeze %dma_start3A_114 : memref<1x128xi32, #tpu.memory_space<vmem>> -> memref<128xi32, #tpu.memory_space<vmem>>
        %dma_start3A_116 = arith.constant 0 : i32
        %dma_start3A_117 = arith.constant 0 : i32
        %dma_start3A_118 = tpu.memref_slice %arg6[%dma_start3A_116, %dma_start3A_117] : memref<10112x128xf32, #tpu.memory_space<vmem_shared>> -> memref<10112x128xf32, #tpu.memory_space<vmem_shared>>
        tpu.enqueue_indirect_dma source(%arg9 : memref<128x128xf32, #tpu.memory_space<vmem>>) target(%dma_start3A_118 : memref<10112x128xf32, #tpu.memory_space<vmem_shared>>) offsets(%dma_start3A_115 : memref<128xi32, #tpu.memory_space<vmem>>) semaphore(%arg13 : memref<!tpu.dma_semaphore, #tpu.memory_space<semaphore_mem>>) {add = true}
        %dma_wait3A_119 = arith.constant 0 : i32
        %dma_wait3A_120 = arith.constant 0 : i32
        %dma_wait3A_121 = tpu.memref_slice %arg8[%dma_wait3A_119, %dma_wait3A_120] : memref<48x128xi32, #tpu.memory_space<vmem>> -> memref<1x128xi32, #tpu.memory_space<vmem>>
        %dma_wait3A_122 = tpu.memref_squeeze %dma_wait3A_121 : memref<1x128xi32, #tpu.memory_space<vmem>> -> memref<128xi32, #tpu.memory_space<vmem>>
        %dma_wait3A_123 = arith.constant 0 : i32
        %dma_wait3A_124 = arith.constant 0 : i32
        %dma_wait3A_125 = tpu.memref_slice %arg6[%dma_wait3A_123, %dma_wait3A_124] : memref<10112x128xf32, #tpu.memory_space<vmem_shared>> -> memref<10112x128xf32, #tpu.memory_space<vmem_shared>>
        tpu.wait_indirect_dma semaphore(%arg13 : memref<!tpu.dma_semaphore, #tpu.memory_space<semaphore_mem>>) src(%arg9 : memref<128x128xf32, #tpu.memory_space<vmem>>) dst(%dma_wait3A_125 : memref<10112x128xf32, #tpu.memory_space<vmem_shared>>)
        %add3A_126 = arith.constant 2 : i32
        %add3A_127 = arith.addi %add3A_105, %add3A_126 : i32
        %min3A = arith.constant 31 : i32
        %min3A_128 = arith.minsi %add3A_127, %min3A : i32
        %dma_start3A_129 = arith.constant 0 : i32
        %dma_start3A_130 = tpu.memref_slice %arg7[%min3A_128, %dma_start3A_129] : memref<48x128xi32, #tpu.memory_space<vmem>> -> memref<1x128xi32, #tpu.memory_space<vmem>>
        %dma_start3A_131 = tpu.memref_squeeze %dma_start3A_130 : memref<1x128xi32, #tpu.memory_space<vmem>> -> memref<128xi32, #tpu.memory_space<vmem>>
        %dma_start3A_132 = arith.constant 0 : i32
        %dma_start3A_133 = arith.constant 0 : i32
        %dma_start3A_134 = tpu.memref_slice %arg2[%dma_start3A_132, %dma_start3A_133] : memref<10112x128xf32, #tpu.memory_space<hbm>> -> memref<10112x128xf32, #tpu.memory_space<hbm>>
        tpu.enqueue_indirect_dma source(%dma_start3A_134 : memref<10112x128xf32, #tpu.memory_space<hbm>>) target(%arg9 : memref<128x128xf32, #tpu.memory_space<vmem>>) offsets(%dma_start3A_131 : memref<128xi32, #tpu.memory_space<vmem>>) semaphore(%arg11 : memref<!tpu.dma_semaphore, #tpu.memory_space<semaphore_mem>>)
        %mul3A_135 = arith.constant 2 : i32
        %mul3A_136 = arith.muli %mul3A_135, %scan3A_101 : i32
        %add3A_137 = arith.constant 1 : i32
        %add3A_138 = arith.addi %mul3A_136, %add3A_137 : i32
        %dma_wait3A_139 = arith.constant 0 : i32
        %dma_wait3A_140 = arith.constant 0 : i32
        %dma_wait3A_141 = tpu.memref_slice %arg7[%dma_wait3A_139, %dma_wait3A_140] : memref<48x128xi32, #tpu.memory_space<vmem>> -> memref<1x128xi32, #tpu.memory_space<vmem>>
        %dma_wait3A_142 = tpu.memref_squeeze %dma_wait3A_141 : memref<1x128xi32, #tpu.memory_space<vmem>> -> memref<128xi32, #tpu.memory_space<vmem>>
        %dma_wait3A_143 = arith.constant 0 : i32
        %dma_wait3A_144 = arith.constant 0 : i32
        %dma_wait3A_145 = tpu.memref_slice %arg2[%dma_wait3A_143, %dma_wait3A_144] : memref<10112x128xf32, #tpu.memory_space<hbm>> -> memref<10112x128xf32, #tpu.memory_space<hbm>>
        tpu.wait_indirect_dma semaphore(%arg12 : memref<!tpu.dma_semaphore, #tpu.memory_space<semaphore_mem>>) src(%dma_wait3A_145 : memref<10112x128xf32, #tpu.memory_space<hbm>>) dst(%arg10 : memref<128x128xf32, #tpu.memory_space<vmem>>)
        %dma_start3A_146 = arith.constant 0 : i32
        %dma_start3A_147 = tpu.memref_slice %arg8[%add3A_138, %dma_start3A_146] : memref<48x128xi32, #tpu.memory_space<vmem>> -> memref<1x128xi32, #tpu.memory_space<vmem>>
        %dma_start3A_148 = tpu.memref_squeeze %dma_start3A_147 : memref<1x128xi32, #tpu.memory_space<vmem>> -> memref<128xi32, #tpu.memory_space<vmem>>
        %dma_start3A_149 = arith.constant 0 : i32
        %dma_start3A_150 = arith.constant 0 : i32
        %dma_start3A_151 = tpu.memref_slice %arg6[%dma_start3A_149, %dma_start3A_150] : memref<10112x128xf32, #tpu.memory_space<vmem_shared>> -> memref<10112x128xf32, #tpu.memory_space<vmem_shared>>
        tpu.enqueue_indirect_dma source(%arg10 : memref<128x128xf32, #tpu.memory_space<vmem>>) target(%dma_start3A_151 : memref<10112x128xf32, #tpu.memory_space<vmem_shared>>) offsets(%dma_start3A_148 : memref<128xi32, #tpu.memory_space<vmem>>) semaphore(%arg14 : memref<!tpu.dma_semaphore, #tpu.memory_space<semaphore_mem>>) {add = true}
        %dma_wait3A_152 = arith.constant 0 : i32
        %dma_wait3A_153 = arith.constant 0 : i32
        %dma_wait3A_154 = tpu.memref_slice %arg8[%dma_wait3A_152, %dma_wait3A_153] : memref<48x128xi32, #tpu.memory_space<vmem>> -> memref<1x128xi32, #tpu.memory_space<vmem>>
        %dma_wait3A_155 = tpu.memref_squeeze %dma_wait3A_154 : memref<1x128xi32, #tpu.memory_space<vmem>> -> memref<128xi32, #tpu.memory_space<vmem>>
        %dma_wait3A_156 = arith.constant 0 : i32
        %dma_wait3A_157 = arith.constant 0 : i32
        %dma_wait3A_158 = tpu.memref_slice %arg6[%dma_wait3A_156, %dma_wait3A_157] : memref<10112x128xf32, #tpu.memory_space<vmem_shared>> -> memref<10112x128xf32, #tpu.memory_space<vmem_shared>>
        tpu.wait_indirect_dma semaphore(%arg14 : memref<!tpu.dma_semaphore, #tpu.memory_space<semaphore_mem>>) src(%arg10 : memref<128x128xf32, #tpu.memory_space<vmem>>) dst(%dma_wait3A_158 : memref<10112x128xf32, #tpu.memory_space<vmem_shared>>)
        %add3A_159 = arith.constant 2 : i32
        %add3A_160 = arith.addi %add3A_138, %add3A_159 : i32
        %min3A_161 = arith.constant 31 : i32
        %min3A_162 = arith.minsi %add3A_160, %min3A_161 : i32
        %dma_start3A_163 = arith.constant 0 : i32
        %dma_start3A_164 = tpu.memref_slice %arg7[%min3A_162, %dma_start3A_163] : memref<48x128xi32, #tpu.memory_space<vmem>> -> memref<1x128xi32, #tpu.memory_space<vmem>>
        %dma_start3A_165 = tpu.memref_squeeze %dma_start3A_164 : memref<1x128xi32, #tpu.memory_space<vmem>> -> memref<128xi32, #tpu.memory_space<vmem>>
        %dma_start3A_166 = arith.constant 0 : i32
        %dma_start3A_167 = arith.constant 0 : i32
        %dma_start3A_168 = tpu.memref_slice %arg2[%dma_start3A_166, %dma_start3A_167] : memref<10112x128xf32, #tpu.memory_space<hbm>> -> memref<10112x128xf32, #tpu.memory_space<hbm>>
        tpu.enqueue_indirect_dma source(%dma_start3A_168 : memref<10112x128xf32, #tpu.memory_space<hbm>>) target(%arg10 : memref<128x128xf32, #tpu.memory_space<vmem>>) offsets(%dma_start3A_165 : memref<128xi32, #tpu.memory_space<vmem>>) semaphore(%arg12 : memref<!tpu.dma_semaphore, #tpu.memory_space<semaphore_mem>>)
      }
      %scan3A_49 = arith.constant 16 : i32
      %dma_wait3A = arith.constant 0 : i32
      %dma_wait3A_50 = arith.constant 0 : i32
      %dma_wait3A_51 = tpu.memref_slice %arg7[%dma_wait3A, %dma_wait3A_50] : memref<48x128xi32, #tpu.memory_space<vmem>> -> memref<1x128xi32, #tpu.memory_space<vmem>>
      %dma_wait3A_52 = tpu.memref_squeeze %dma_wait3A_51 : memref<1x128xi32, #tpu.memory_space<vmem>> -> memref<128xi32, #tpu.memory_space<vmem>>
      %dma_wait3A_53 = arith.constant 0 : i32
      %dma_wait3A_54 = arith.constant 0 : i32
      %dma_wait3A_55 = tpu.memref_slice %arg2[%dma_wait3A_53, %dma_wait3A_54] : memref<10112x128xf32, #tpu.memory_space<hbm>> -> memref<10112x128xf32, #tpu.memory_space<hbm>>
      tpu.wait_indirect_dma semaphore(%arg11 : memref<!tpu.dma_semaphore, #tpu.memory_space<semaphore_mem>>) src(%dma_wait3A_55 : memref<10112x128xf32, #tpu.memory_space<hbm>>) dst(%arg9 : memref<128x128xf32, #tpu.memory_space<vmem>>)
      %dma_wait3A_56 = arith.constant 0 : i32
      %dma_wait3A_57 = arith.constant 0 : i32
      %dma_wait3A_58 = tpu.memref_slice %arg7[%dma_wait3A_56, %dma_wait3A_57] : memref<48x128xi32, #tpu.memory_space<vmem>> -> memref<1x128xi32, #tpu.memory_space<vmem>>
      %dma_wait3A_59 = tpu.memref_squeeze %dma_wait3A_58 : memref<1x128xi32, #tpu.memory_space<vmem>> -> memref<128xi32, #tpu.memory_space<vmem>>
      %dma_wait3A_60 = arith.constant 0 : i32
      %dma_wait3A_61 = arith.constant 0 : i32
      %dma_wait3A_62 = tpu.memref_slice %arg2[%dma_wait3A_60, %dma_wait3A_61] : memref<10112x128xf32, #tpu.memory_space<hbm>> -> memref<10112x128xf32, #tpu.memory_space<hbm>>
      tpu.wait_indirect_dma semaphore(%arg12 : memref<!tpu.dma_semaphore, #tpu.memory_space<semaphore_mem>>) src(%dma_wait3A_62 : memref<10112x128xf32, #tpu.memory_space<hbm>>) dst(%arg10 : memref<128x128xf32, #tpu.memory_space<vmem>>)
      %add3A_63 = arith.constant 32 : i32
      %add3A_64 = arith.addi %add3A_26, %add3A_63 : i32
      "tpu.region"() ({
        %run_scoped3A = tpu.sem_alloc : memref<!tpu.dma_semaphore, #tpu.memory_space<semaphore_mem>>
        %dma_start3A_101 = arith.constant 0 : i32
        %dma_start3A_102 = arith.constant 0 : i32
        %dma_start3A_103 = tpu.memref_slice %arg7[%dma_start3A_101, %dma_start3A_102] : memref<48x128xi32, #tpu.memory_space<vmem>> -> memref<32x128xi32, #tpu.memory_space<vmem>>
        %dma_start3A_104 = arith.constant 0 : i32
        %dma_start3A_105 = tpu.memref_slice %arg3[%add3A_64, %dma_start3A_104] : memref<2560x128xi32, #tpu.memory_space<hbm>> -> memref<32x128xi32, #tpu.memory_space<hbm>>
        %dma_start3A_106 = arith.constant 0 : i32
        %dma_start3A_107 = arith.constant 0 : i32
        %dma_start3A_108 = tpu.memref_slice %arg7[%dma_start3A_106, %dma_start3A_107] : memref<48x128xi32, #tpu.memory_space<vmem>> -> memref<32x128xi32, #tpu.memory_space<vmem>>
        %dma_start3A_109 = arith.constant 0 : i32
        %dma_start3A_110 = tpu.memref_slice %arg3[%add3A_64, %dma_start3A_109] : memref<2560x128xi32, #tpu.memory_space<hbm>> -> memref<32x128xi32, #tpu.memory_space<hbm>>
        tpu.enqueue_dma source(%dma_start3A_110 : memref<32x128xi32, #tpu.memory_space<hbm>>) target(%dma_start3A_108 : memref<32x128xi32, #tpu.memory_space<vmem>>) target_semaphore(%run_scoped3A : memref<!tpu.dma_semaphore, #tpu.memory_space<semaphore_mem>>)
        %dma_wait3A_111 = arith.constant 0 : i32
        %dma_wait3A_112 = arith.constant 0 : i32
        %dma_wait3A_113 = tpu.memref_slice %arg7[%dma_wait3A_111, %dma_wait3A_112] : memref<48x128xi32, #tpu.memory_space<vmem>> -> memref<32x128xi32, #tpu.memory_space<vmem>>
        %dma_wait3A_114 = arith.constant 0 : i32
        %dma_wait3A_115 = tpu.memref_slice %arg3[%add3A_64, %dma_wait3A_114] : memref<2560x128xi32, #tpu.memory_space<hbm>> -> memref<32x128xi32, #tpu.memory_space<hbm>>
        %dma_wait3A_116 = arith.constant 0 : i32
        %dma_wait3A_117 = arith.constant 0 : i32
        %dma_wait3A_118 = tpu.memref_slice %arg7[%dma_wait3A_116, %dma_wait3A_117] : memref<48x128xi32, #tpu.memory_space<vmem>> -> memref<32x128xi32, #tpu.memory_space<vmem>>
        %dma_wait3A_119 = arith.constant 0 : i32
        %dma_wait3A_120 = tpu.memref_slice %arg3[%add3A_64, %dma_wait3A_119] : memref<2560x128xi32, #tpu.memory_space<hbm>> -> memref<32x128xi32, #tpu.memory_space<hbm>>
        tpu.wait_dma2 semaphore(%run_scoped3A : memref<!tpu.dma_semaphore, #tpu.memory_space<semaphore_mem>>) src(%dma_wait3A_120 : memref<32x128xi32, #tpu.memory_space<hbm>>) dst(%dma_wait3A_118 : memref<32x128xi32, #tpu.memory_space<vmem>>)
        tpu.yield
      }) : () -> ()
      %add3A_65 = arith.constant 32 : i32
      %add3A_66 = arith.addi %add3A_26, %add3A_65 : i32
      "tpu.region"() ({
        %run_scoped3A = tpu.sem_alloc : memref<!tpu.dma_semaphore, #tpu.memory_space<semaphore_mem>>
        %dma_start3A_101 = arith.constant 0 : i32
        %dma_start3A_102 = arith.constant 0 : i32
        %dma_start3A_103 = tpu.memref_slice %arg8[%dma_start3A_101, %dma_start3A_102] : memref<48x128xi32, #tpu.memory_space<vmem>> -> memref<32x128xi32, #tpu.memory_space<vmem>>
        %dma_start3A_104 = arith.constant 0 : i32
        %dma_start3A_105 = tpu.memref_slice %arg4[%add3A_66, %dma_start3A_104] : memref<2560x128xi32, #tpu.memory_space<hbm>> -> memref<32x128xi32, #tpu.memory_space<hbm>>
        %dma_start3A_106 = arith.constant 0 : i32
        %dma_start3A_107 = arith.constant 0 : i32
        %dma_start3A_108 = tpu.memref_slice %arg8[%dma_start3A_106, %dma_start3A_107] : memref<48x128xi32, #tpu.memory_space<vmem>> -> memref<32x128xi32, #tpu.memory_space<vmem>>
        %dma_start3A_109 = arith.constant 0 : i32
        %dma_start3A_110 = tpu.memref_slice %arg4[%add3A_66, %dma_start3A_109] : memref<2560x128xi32, #tpu.memory_space<hbm>> -> memref<32x128xi32, #tpu.memory_space<hbm>>
        tpu.enqueue_dma source(%dma_start3A_110 : memref<32x128xi32, #tpu.memory_space<hbm>>) target(%dma_start3A_108 : memref<32x128xi32, #tpu.memory_space<vmem>>) target_semaphore(%run_scoped3A : memref<!tpu.dma_semaphore, #tpu.memory_space<semaphore_mem>>)
        %dma_wait3A_111 = arith.constant 0 : i32
        %dma_wait3A_112 = arith.constant 0 : i32
        %dma_wait3A_113 = tpu.memref_slice %arg8[%dma_wait3A_111, %dma_wait3A_112] : memref<48x128xi32, #tpu.memory_space<vmem>> -> memref<32x128xi32, #tpu.memory_space<vmem>>
        %dma_wait3A_114 = arith.constant 0 : i32
        %dma_wait3A_115 = tpu.memref_slice %arg4[%add3A_66, %dma_wait3A_114] : memref<2560x128xi32, #tpu.memory_space<hbm>> -> memref<32x128xi32, #tpu.memory_space<hbm>>
        %dma_wait3A_116 = arith.constant 0 : i32
        %dma_wait3A_117 = arith.constant 0 : i32
        %dma_wait3A_118 = tpu.memref_slice %arg8[%dma_wait3A_116, %dma_wait3A_117] : memref<48x128xi32, #tpu.memory_space<vmem>> -> memref<32x128xi32, #tpu.memory_space<vmem>>
        %dma_wait3A_119 = arith.constant 0 : i32
        %dma_wait3A_120 = tpu.memref_slice %arg4[%add3A_66, %dma_wait3A_119] : memref<2560x128xi32, #tpu.memory_space<hbm>> -> memref<32x128xi32, #tpu.memory_space<hbm>>
        tpu.wait_dma2 semaphore(%run_scoped3A : memref<!tpu.dma_semaphore, #tpu.memory_space<semaphore_mem>>) src(%dma_wait3A_120 : memref<32x128xi32, #tpu.memory_space<hbm>>) dst(%dma_wait3A_118 : memref<32x128xi32, #tpu.memory_space<vmem>>)
        tpu.yield
      }) : () -> ()
      %dma_start3A_67 = arith.constant 0 : i32
      %dma_start3A_68 = arith.constant 0 : i32
      %dma_start3A_69 = tpu.memref_slice %arg7[%dma_start3A_67, %dma_start3A_68] : memref<48x128xi32, #tpu.memory_space<vmem>> -> memref<1x128xi32, #tpu.memory_space<vmem>>
      %dma_start3A_70 = tpu.memref_squeeze %dma_start3A_69 : memref<1x128xi32, #tpu.memory_space<vmem>> -> memref<128xi32, #tpu.memory_space<vmem>>
      %dma_start3A_71 = arith.constant 0 : i32
      %dma_start3A_72 = arith.constant 0 : i32
      %dma_start3A_73 = tpu.memref_slice %arg2[%dma_start3A_71, %dma_start3A_72] : memref<10112x128xf32, #tpu.memory_space<hbm>> -> memref<10112x128xf32, #tpu.memory_space<hbm>>
      tpu.enqueue_indirect_dma source(%dma_start3A_73 : memref<10112x128xf32, #tpu.memory_space<hbm>>) target(%arg9 : memref<128x128xf32, #tpu.memory_space<vmem>>) offsets(%dma_start3A_70 : memref<128xi32, #tpu.memory_space<vmem>>) semaphore(%arg11 : memref<!tpu.dma_semaphore, #tpu.memory_space<semaphore_mem>>)
      %dma_start3A_74 = arith.constant 1 : i32
      %dma_start3A_75 = arith.constant 0 : i32
      %dma_start3A_76 = tpu.memref_slice %arg7[%dma_start3A_74, %dma_start3A_75] : memref<48x128xi32, #tpu.memory_space<vmem>> -> memref<1x128xi32, #tpu.memory_space<vmem>>
      %dma_start3A_77 = tpu.memref_squeeze %dma_start3A_76 : memref<1x128xi32, #tpu.memory_space<vmem>> -> memref<128xi32, #tpu.memory_space<vmem>>
      %dma_start3A_78 = arith.constant 0 : i32
      %dma_start3A_79 = arith.constant 0 : i32
      %dma_start3A_80 = tpu.memref_slice %arg2[%dma_start3A_78, %dma_start3A_79] : memref<10112x128xf32, #tpu.memory_space<hbm>> -> memref<10112x128xf32, #tpu.memory_space<hbm>>
      tpu.enqueue_indirect_dma source(%dma_start3A_80 : memref<10112x128xf32, #tpu.memory_space<hbm>>) target(%arg10 : memref<128x128xf32, #tpu.memory_space<vmem>>) offsets(%dma_start3A_77 : memref<128xi32, #tpu.memory_space<vmem>>) semaphore(%arg12 : memref<!tpu.dma_semaphore, #tpu.memory_space<semaphore_mem>>)
      %scan3A_81 = arith.constant 0 : i32
      %scan3A_82 = arith.constant 0 : i32
      %scan3A_83 = arith.constant 16 : i32
      %scan3A_84 = arith.addi %scan3A_82, %scan3A_83 : i32
      %scan3A_85 = arith.constant 1 : i32
      scf.for %scan3A_101 = %scan3A_82 to %scan3A_84 step %scan3A_85  : i32 {
        %mul3A_102 = arith.constant 2 : i32
        %mul3A_103 = arith.muli %mul3A_102, %scan3A_101 : i32
        %add3A_104 = arith.constant 0 : i32
        %add3A_105 = arith.addi %mul3A_103, %add3A_104 : i32
        %dma_wait3A_106 = arith.constant 0 : i32
        %dma_wait3A_107 = arith.constant 0 : i32
        %dma_wait3A_108 = tpu.memref_slice %arg7[%dma_wait3A_106, %dma_wait3A_107] : memref<48x128xi32, #tpu.memory_space<vmem>> -> memref<1x128xi32, #tpu.memory_space<vmem>>
        %dma_wait3A_109 = tpu.memref_squeeze %dma_wait3A_108 : memref<1x128xi32, #tpu.memory_space<vmem>> -> memref<128xi32, #tpu.memory_space<vmem>>
        %dma_wait3A_110 = arith.constant 0 : i32
        %dma_wait3A_111 = arith.constant 0 : i32
        %dma_wait3A_112 = tpu.memref_slice %arg2[%dma_wait3A_110, %dma_wait3A_111] : memref<10112x128xf32, #tpu.memory_space<hbm>> -> memref<10112x128xf32, #tpu.memory_space<hbm>>
        tpu.wait_indirect_dma semaphore(%arg11 : memref<!tpu.dma_semaphore, #tpu.memory_space<semaphore_mem>>) src(%dma_wait3A_112 : memref<10112x128xf32, #tpu.memory_space<hbm>>) dst(%arg9 : memref<128x128xf32, #tpu.memory_space<vmem>>)
        %dma_start3A_113 = arith.constant 0 : i32
        %dma_start3A_114 = tpu.memref_slice %arg8[%add3A_105, %dma_start3A_113] : memref<48x128xi32, #tpu.memory_space<vmem>> -> memref<1x128xi32, #tpu.memory_space<vmem>>
        %dma_start3A_115 = tpu.memref_squeeze %dma_start3A_114 : memref<1x128xi32, #tpu.memory_space<vmem>> -> memref<128xi32, #tpu.memory_space<vmem>>
        %dma_start3A_116 = arith.constant 0 : i32
        %dma_start3A_117 = arith.constant 0 : i32
        %dma_start3A_118 = tpu.memref_slice %arg6[%dma_start3A_116, %dma_start3A_117] : memref<10112x128xf32, #tpu.memory_space<vmem_shared>> -> memref<10112x128xf32, #tpu.memory_space<vmem_shared>>
        tpu.enqueue_indirect_dma source(%arg9 : memref<128x128xf32, #tpu.memory_space<vmem>>) target(%dma_start3A_118 : memref<10112x128xf32, #tpu.memory_space<vmem_shared>>) offsets(%dma_start3A_115 : memref<128xi32, #tpu.memory_space<vmem>>) semaphore(%arg13 : memref<!tpu.dma_semaphore, #tpu.memory_space<semaphore_mem>>) {add = true}
        %dma_wait3A_119 = arith.constant 0 : i32
        %dma_wait3A_120 = arith.constant 0 : i32
        %dma_wait3A_121 = tpu.memref_slice %arg8[%dma_wait3A_119, %dma_wait3A_120] : memref<48x128xi32, #tpu.memory_space<vmem>> -> memref<1x128xi32, #tpu.memory_space<vmem>>
        %dma_wait3A_122 = tpu.memref_squeeze %dma_wait3A_121 : memref<1x128xi32, #tpu.memory_space<vmem>> -> memref<128xi32, #tpu.memory_space<vmem>>
        %dma_wait3A_123 = arith.constant 0 : i32
        %dma_wait3A_124 = arith.constant 0 : i32
        %dma_wait3A_125 = tpu.memref_slice %arg6[%dma_wait3A_123, %dma_wait3A_124] : memref<10112x128xf32, #tpu.memory_space<vmem_shared>> -> memref<10112x128xf32, #tpu.memory_space<vmem_shared>>
        tpu.wait_indirect_dma semaphore(%arg13 : memref<!tpu.dma_semaphore, #tpu.memory_space<semaphore_mem>>) src(%arg9 : memref<128x128xf32, #tpu.memory_space<vmem>>) dst(%dma_wait3A_125 : memref<10112x128xf32, #tpu.memory_space<vmem_shared>>)
        %add3A_126 = arith.constant 2 : i32
        %add3A_127 = arith.addi %add3A_105, %add3A_126 : i32
        %min3A = arith.constant 31 : i32
        %min3A_128 = arith.minsi %add3A_127, %min3A : i32
        %dma_start3A_129 = arith.constant 0 : i32
        %dma_start3A_130 = tpu.memref_slice %arg7[%min3A_128, %dma_start3A_129] : memref<48x128xi32, #tpu.memory_space<vmem>> -> memref<1x128xi32, #tpu.memory_space<vmem>>
        %dma_start3A_131 = tpu.memref_squeeze %dma_start3A_130 : memref<1x128xi32, #tpu.memory_space<vmem>> -> memref<128xi32, #tpu.memory_space<vmem>>
        %dma_start3A_132 = arith.constant 0 : i32
        %dma_start3A_133 = arith.constant 0 : i32
        %dma_start3A_134 = tpu.memref_slice %arg2[%dma_start3A_132, %dma_start3A_133] : memref<10112x128xf32, #tpu.memory_space<hbm>> -> memref<10112x128xf32, #tpu.memory_space<hbm>>
        tpu.enqueue_indirect_dma source(%dma_start3A_134 : memref<10112x128xf32, #tpu.memory_space<hbm>>) target(%arg9 : memref<128x128xf32, #tpu.memory_space<vmem>>) offsets(%dma_start3A_131 : memref<128xi32, #tpu.memory_space<vmem>>) semaphore(%arg11 : memref<!tpu.dma_semaphore, #tpu.memory_space<semaphore_mem>>)
        %mul3A_135 = arith.constant 2 : i32
        %mul3A_136 = arith.muli %mul3A_135, %scan3A_101 : i32
        %add3A_137 = arith.constant 1 : i32
        %add3A_138 = arith.addi %mul3A_136, %add3A_137 : i32
        %dma_wait3A_139 = arith.constant 0 : i32
        %dma_wait3A_140 = arith.constant 0 : i32
        %dma_wait3A_141 = tpu.memref_slice %arg7[%dma_wait3A_139, %dma_wait3A_140] : memref<48x128xi32, #tpu.memory_space<vmem>> -> memref<1x128xi32, #tpu.memory_space<vmem>>
        %dma_wait3A_142 = tpu.memref_squeeze %dma_wait3A_141 : memref<1x128xi32, #tpu.memory_space<vmem>> -> memref<128xi32, #tpu.memory_space<vmem>>
        %dma_wait3A_143 = arith.constant 0 : i32
        %dma_wait3A_144 = arith.constant 0 : i32
        %dma_wait3A_145 = tpu.memref_slice %arg2[%dma_wait3A_143, %dma_wait3A_144] : memref<10112x128xf32, #tpu.memory_space<hbm>> -> memref<10112x128xf32, #tpu.memory_space<hbm>>
        tpu.wait_indirect_dma semaphore(%arg12 : memref<!tpu.dma_semaphore, #tpu.memory_space<semaphore_mem>>) src(%dma_wait3A_145 : memref<10112x128xf32, #tpu.memory_space<hbm>>) dst(%arg10 : memref<128x128xf32, #tpu.memory_space<vmem>>)
        %dma_start3A_146 = arith.constant 0 : i32
        %dma_start3A_147 = tpu.memref_slice %arg8[%add3A_138, %dma_start3A_146] : memref<48x128xi32, #tpu.memory_space<vmem>> -> memref<1x128xi32, #tpu.memory_space<vmem>>
        %dma_start3A_148 = tpu.memref_squeeze %dma_start3A_147 : memref<1x128xi32, #tpu.memory_space<vmem>> -> memref<128xi32, #tpu.memory_space<vmem>>
        %dma_start3A_149 = arith.constant 0 : i32
        %dma_start3A_150 = arith.constant 0 : i32
        %dma_start3A_151 = tpu.memref_slice %arg6[%dma_start3A_149, %dma_start3A_150] : memref<10112x128xf32, #tpu.memory_space<vmem_shared>> -> memref<10112x128xf32, #tpu.memory_space<vmem_shared>>
        tpu.enqueue_indirect_dma source(%arg10 : memref<128x128xf32, #tpu.memory_space<vmem>>) target(%dma_start3A_151 : memref<10112x128xf32, #tpu.memory_space<vmem_shared>>) offsets(%dma_start3A_148 : memref<128xi32, #tpu.memory_space<vmem>>) semaphore(%arg14 : memref<!tpu.dma_semaphore, #tpu.memory_space<semaphore_mem>>) {add = true}
        %dma_wait3A_152 = arith.constant 0 : i32
        %dma_wait3A_153 = arith.constant 0 : i32
        %dma_wait3A_154 = tpu.memref_slice %arg8[%dma_wait3A_152, %dma_wait3A_153] : memref<48x128xi32, #tpu.memory_space<vmem>> -> memref<1x128xi32, #tpu.memory_space<vmem>>
        %dma_wait3A_155 = tpu.memref_squeeze %dma_wait3A_154 : memref<1x128xi32, #tpu.memory_space<vmem>> -> memref<128xi32, #tpu.memory_space<vmem>>
        %dma_wait3A_156 = arith.constant 0 : i32
        %dma_wait3A_157 = arith.constant 0 : i32
        %dma_wait3A_158 = tpu.memref_slice %arg6[%dma_wait3A_156, %dma_wait3A_157] : memref<10112x128xf32, #tpu.memory_space<vmem_shared>> -> memref<10112x128xf32, #tpu.memory_space<vmem_shared>>
        tpu.wait_indirect_dma semaphore(%arg14 : memref<!tpu.dma_semaphore, #tpu.memory_space<semaphore_mem>>) src(%arg10 : memref<128x128xf32, #tpu.memory_space<vmem>>) dst(%dma_wait3A_158 : memref<10112x128xf32, #tpu.memory_space<vmem_shared>>)
        %add3A_159 = arith.constant 2 : i32
        %add3A_160 = arith.addi %add3A_138, %add3A_159 : i32
        %min3A_161 = arith.constant 31 : i32
        %min3A_162 = arith.minsi %add3A_160, %min3A_161 : i32
        %dma_start3A_163 = arith.constant 0 : i32
        %dma_start3A_164 = tpu.memref_slice %arg7[%min3A_162, %dma_start3A_163] : memref<48x128xi32, #tpu.memory_space<vmem>> -> memref<1x128xi32, #tpu.memory_space<vmem>>
        %dma_start3A_165 = tpu.memref_squeeze %dma_start3A_164 : memref<1x128xi32, #tpu.memory_space<vmem>> -> memref<128xi32, #tpu.memory_space<vmem>>
        %dma_start3A_166 = arith.constant 0 : i32
        %dma_start3A_167 = arith.constant 0 : i32
        %dma_start3A_168 = tpu.memref_slice %arg2[%dma_start3A_166, %dma_start3A_167] : memref<10112x128xf32, #tpu.memory_space<hbm>> -> memref<10112x128xf32, #tpu.memory_space<hbm>>
        tpu.enqueue_indirect_dma source(%dma_start3A_168 : memref<10112x128xf32, #tpu.memory_space<hbm>>) target(%arg10 : memref<128x128xf32, #tpu.memory_space<vmem>>) offsets(%dma_start3A_165 : memref<128xi32, #tpu.memory_space<vmem>>) semaphore(%arg12 : memref<!tpu.dma_semaphore, #tpu.memory_space<semaphore_mem>>)
      }
      %scan3A_86 = arith.constant 16 : i32
      %dma_wait3A_87 = arith.constant 0 : i32
      %dma_wait3A_88 = arith.constant 0 : i32
      %dma_wait3A_89 = tpu.memref_slice %arg7[%dma_wait3A_87, %dma_wait3A_88] : memref<48x128xi32, #tpu.memory_space<vmem>> -> memref<1x128xi32, #tpu.memory_space<vmem>>
      %dma_wait3A_90 = tpu.memref_squeeze %dma_wait3A_89 : memref<1x128xi32, #tpu.memory_space<vmem>> -> memref<128xi32, #tpu.memory_space<vmem>>
      %dma_wait3A_91 = arith.constant 0 : i32
      %dma_wait3A_92 = arith.constant 0 : i32
      %dma_wait3A_93 = tpu.memref_slice %arg2[%dma_wait3A_91, %dma_wait3A_92] : memref<10112x128xf32, #tpu.memory_space<hbm>> -> memref<10112x128xf32, #tpu.memory_space<hbm>>
      tpu.wait_indirect_dma semaphore(%arg11 : memref<!tpu.dma_semaphore, #tpu.memory_space<semaphore_mem>>) src(%dma_wait3A_93 : memref<10112x128xf32, #tpu.memory_space<hbm>>) dst(%arg9 : memref<128x128xf32, #tpu.memory_space<vmem>>)
      %dma_wait3A_94 = arith.constant 0 : i32
      %dma_wait3A_95 = arith.constant 0 : i32
      %dma_wait3A_96 = tpu.memref_slice %arg7[%dma_wait3A_94, %dma_wait3A_95] : memref<48x128xi32, #tpu.memory_space<vmem>> -> memref<1x128xi32, #tpu.memory_space<vmem>>
      %dma_wait3A_97 = tpu.memref_squeeze %dma_wait3A_96 : memref<1x128xi32, #tpu.memory_space<vmem>> -> memref<128xi32, #tpu.memory_space<vmem>>
      %dma_wait3A_98 = arith.constant 0 : i32
      %dma_wait3A_99 = arith.constant 0 : i32
      %dma_wait3A_100 = tpu.memref_slice %arg2[%dma_wait3A_98, %dma_wait3A_99] : memref<10112x128xf32, #tpu.memory_space<hbm>> -> memref<10112x128xf32, #tpu.memory_space<hbm>>
      tpu.wait_indirect_dma semaphore(%arg12 : memref<!tpu.dma_semaphore, #tpu.memory_space<semaphore_mem>>) src(%dma_wait3A_100 : memref<10112x128xf32, #tpu.memory_space<hbm>>) dst(%arg10 : memref<128x128xf32, #tpu.memory_space<vmem>>)
    } else {
    }
    %barrier3A_22 = arith.constant 0 : index
    tpu.barrier barrier_id(%barrier3A_22)
    "tpu.region"() ({
      %run_scoped3A = tpu.sem_alloc : memref<!tpu.dma_semaphore, #tpu.memory_space<semaphore_mem>>
      %dma_start3A = arith.constant 0 : i32
      %dma_start3A_23 = tpu.memref_slice %arg5[%arg0, %mul3A_5, %dma_start3A] : memref<2x10112x128xf32, #tpu.memory_space<hbm>> -> memref<1x632x128xf32, #tpu.memory_space<hbm>>
      %dma_start3A_24 = tpu.memref_squeeze %dma_start3A_23 : memref<1x632x128xf32, #tpu.memory_space<hbm>> -> memref<632x128xf32, #tpu.memory_space<hbm>>
      %dma_start3A_25 = arith.constant 0 : i32
      %dma_start3A_26 = tpu.memref_slice %arg6[%mul3A_5, %dma_start3A_25] : memref<10112x128xf32, #tpu.memory_space<vmem_shared>> -> memref<632x128xf32, #tpu.memory_space<vmem_shared>>
      tpu.enqueue_dma source(%dma_start3A_26 : memref<632x128xf32, #tpu.memory_space<vmem_shared>>) target(%dma_start3A_24 : memref<632x128xf32, #tpu.memory_space<hbm>>) target_semaphore(%run_scoped3A : memref<!tpu.dma_semaphore, #tpu.memory_space<semaphore_mem>>)
      %dma_wait3A = arith.constant 0 : i32
      %dma_wait3A_27 = tpu.memref_slice %arg5[%arg0, %mul3A_5, %dma_wait3A] : memref<2x10112x128xf32, #tpu.memory_space<hbm>> -> memref<1x632x128xf32, #tpu.memory_space<hbm>>
      %dma_wait3A_28 = tpu.memref_squeeze %dma_wait3A_27 : memref<1x632x128xf32, #tpu.memory_space<hbm>> -> memref<632x128xf32, #tpu.memory_space<hbm>>
      %dma_wait3A_29 = arith.constant 0 : i32
      %dma_wait3A_30 = tpu.memref_slice %arg6[%mul3A_5, %dma_wait3A_29] : memref<10112x128xf32, #tpu.memory_space<vmem_shared>> -> memref<632x128xf32, #tpu.memory_space<vmem_shared>>
      tpu.wait_dma2 semaphore(%run_scoped3A : memref<!tpu.dma_semaphore, #tpu.memory_space<semaphore_mem>>) src(%dma_wait3A_30 : memref<632x128xf32, #tpu.memory_space<vmem_shared>>) dst(%dma_wait3A_28 : memref<632x128xf32, #tpu.memory_space<hbm>>)
      tpu.yield
    }) : () -> ()
    return
  }
}

#map = affine_map<(d0, d1) -> (0, 0)>
module attributes {stable_mosaic.version = 14 : i64} {
  func.func @_deg_kernel(%arg0: i32, %arg1: i32, %arg2: memref<5120x128xi32, #tpu.memory_space<hbm>>, %arg3: memref<20224x128xf32, #tpu.memory_space<hbm>>, %arg4: memref<10112x128xf32, #tpu.memory_space<vmem_shared>>, %arg5: memref<160x128xi32, #tpu.memory_space<vmem>>, %arg6: memref<128x128xf32, #tpu.memory_space<vmem>>, %arg7: memref<!tpu.dma_semaphore, #tpu.memory_space<semaphore_mem>>) attributes {dimension_semantics = [#tpu.dimension_semantics<core_parallel>, #tpu.dimension_semantics<subcore_parallel>], iteration_bounds = array<i64: 2, 16>, scalar_prefetch = 0 : i64, scratch_operands = 4 : i64, tpu.core_type = #tpu.core_type<sc_vector_subcore>, window_params = [{transform_indices = #map}, {transform_indices = #map}]} {
    %mul3A = arith.constant 632 : i32
    %mul3A_0 = arith.muli %arg1, %mul3A : i32
    %scan3A = arith.constant 0 : i32
    %scan3A_1 = arith.constant 0 : i32
    %scan3A_2 = arith.constant 128 : i32
    %scan3A_3 = arith.addi %scan3A_1, %scan3A_2 : i32
    %scan3A_4 = arith.constant 1 : i32
    scf.for %scan3A_146 = %scan3A_1 to %scan3A_3 step %scan3A_4  : i32 {
      %broadcast_in_dim3A = arith.constant 0.000000e+00 : f32
      %broadcast_in_dim3A_147 = vector.broadcast %broadcast_in_dim3A : f32 to vector<16xf32>
      %swap3A = arith.index_cast %scan3A_146 : i32 to index
      %swap3A_148 = arith.constant 0 : index
      %swap3A_149 = tpu.vector_load %arg6[%swap3A, %swap3A_148] {strides = array<i32>} : memref<128x128xf32, #tpu.memory_space<vmem>>, vector<1x16xf32>,
      %swap3A_150 = vector.shape_cast %swap3A_149 : vector<1x16xf32> to vector<16xf32>
      %swap3A_151 = vector.shape_cast %broadcast_in_dim3A_147 : vector<16xf32> to vector<1x16xf32>
      tpu.vector_store %arg6[%swap3A, %swap3A_148], %swap3A_151 {strides = array<i32>} : memref<128x128xf32, #tpu.memory_space<vmem>>, vector<1x16xf32>,
      %broadcast_in_dim3A_152 = arith.constant 0.000000e+00 : f32
      %broadcast_in_dim3A_153 = vector.broadcast %broadcast_in_dim3A_152 : f32 to vector<16xf32>
      %swap3A_154 = arith.index_cast %scan3A_146 : i32 to index
      %swap3A_155 = arith.constant 16 : index
      %swap3A_156 = tpu.vector_load %arg6[%swap3A_154, %swap3A_155] {strides = array<i32>} : memref<128x128xf32, #tpu.memory_space<vmem>>, vector<1x16xf32>,
      %swap3A_157 = vector.shape_cast %swap3A_156 : vector<1x16xf32> to vector<16xf32>
      %swap3A_158 = vector.shape_cast %broadcast_in_dim3A_153 : vector<16xf32> to vector<1x16xf32>
      tpu.vector_store %arg6[%swap3A_154, %swap3A_155], %swap3A_158 {strides = array<i32>} : memref<128x128xf32, #tpu.memory_space<vmem>>, vector<1x16xf32>,
      %broadcast_in_dim3A_159 = arith.constant 0.000000e+00 : f32
      %broadcast_in_dim3A_160 = vector.broadcast %broadcast_in_dim3A_159 : f32 to vector<16xf32>
      %swap3A_161 = arith.index_cast %scan3A_146 : i32 to index
      %swap3A_162 = arith.constant 32 : index
      %swap3A_163 = tpu.vector_load %arg6[%swap3A_161, %swap3A_162] {strides = array<i32>} : memref<128x128xf32, #tpu.memory_space<vmem>>, vector<1x16xf32>,
      %swap3A_164 = vector.shape_cast %swap3A_163 : vector<1x16xf32> to vector<16xf32>
      %swap3A_165 = vector.shape_cast %broadcast_in_dim3A_160 : vector<16xf32> to vector<1x16xf32>
      tpu.vector_store %arg6[%swap3A_161, %swap3A_162], %swap3A_165 {strides = array<i32>} : memref<128x128xf32, #tpu.memory_space<vmem>>, vector<1x16xf32>,
      %broadcast_in_dim3A_166 = arith.constant 0.000000e+00 : f32
      %broadcast_in_dim3A_167 = vector.broadcast %broadcast_in_dim3A_166 : f32 to vector<16xf32>
      %swap3A_168 = arith.index_cast %scan3A_146 : i32 to index
      %swap3A_169 = arith.constant 48 : index
      %swap3A_170 = tpu.vector_load %arg6[%swap3A_168, %swap3A_169] {strides = array<i32>} : memref<128x128xf32, #tpu.memory_space<vmem>>, vector<1x16xf32>,
      %swap3A_171 = vector.shape_cast %swap3A_170 : vector<1x16xf32> to vector<16xf32>
      %swap3A_172 = vector.shape_cast %broadcast_in_dim3A_167 : vector<16xf32> to vector<1x16xf32>
      tpu.vector_store %arg6[%swap3A_168, %swap3A_169], %swap3A_172 {strides = array<i32>} : memref<128x128xf32, #tpu.memory_space<vmem>>, vector<1x16xf32>,
      %broadcast_in_dim3A_173 = arith.constant 0.000000e+00 : f32
      %broadcast_in_dim3A_174 = vector.broadcast %broadcast_in_dim3A_173 : f32 to vector<16xf32>
      %swap3A_175 = arith.index_cast %scan3A_146 : i32 to index
      %swap3A_176 = arith.constant 64 : index
      %swap3A_177 = tpu.vector_load %arg6[%swap3A_175, %swap3A_176] {strides = array<i32>} : memref<128x128xf32, #tpu.memory_space<vmem>>, vector<1x16xf32>,
      %swap3A_178 = vector.shape_cast %swap3A_177 : vector<1x16xf32> to vector<16xf32>
      %swap3A_179 = vector.shape_cast %broadcast_in_dim3A_174 : vector<16xf32> to vector<1x16xf32>
      tpu.vector_store %arg6[%swap3A_175, %swap3A_176], %swap3A_179 {strides = array<i32>} : memref<128x128xf32, #tpu.memory_space<vmem>>, vector<1x16xf32>,
      %broadcast_in_dim3A_180 = arith.constant 0.000000e+00 : f32
      %broadcast_in_dim3A_181 = vector.broadcast %broadcast_in_dim3A_180 : f32 to vector<16xf32>
      %swap3A_182 = arith.index_cast %scan3A_146 : i32 to index
      %swap3A_183 = arith.constant 80 : index
      %swap3A_184 = tpu.vector_load %arg6[%swap3A_182, %swap3A_183] {strides = array<i32>} : memref<128x128xf32, #tpu.memory_space<vmem>>, vector<1x16xf32>,
      %swap3A_185 = vector.shape_cast %swap3A_184 : vector<1x16xf32> to vector<16xf32>
      %swap3A_186 = vector.shape_cast %broadcast_in_dim3A_181 : vector<16xf32> to vector<1x16xf32>
      tpu.vector_store %arg6[%swap3A_182, %swap3A_183], %swap3A_186 {strides = array<i32>} : memref<128x128xf32, #tpu.memory_space<vmem>>, vector<1x16xf32>,
      %broadcast_in_dim3A_187 = arith.constant 0.000000e+00 : f32
      %broadcast_in_dim3A_188 = vector.broadcast %broadcast_in_dim3A_187 : f32 to vector<16xf32>
      %swap3A_189 = arith.index_cast %scan3A_146 : i32 to index
      %swap3A_190 = arith.constant 96 : index
      %swap3A_191 = tpu.vector_load %arg6[%swap3A_189, %swap3A_190] {strides = array<i32>} : memref<128x128xf32, #tpu.memory_space<vmem>>, vector<1x16xf32>,
      %swap3A_192 = vector.shape_cast %swap3A_191 : vector<1x16xf32> to vector<16xf32>
      %swap3A_193 = vector.shape_cast %broadcast_in_dim3A_188 : vector<16xf32> to vector<1x16xf32>
      tpu.vector_store %arg6[%swap3A_189, %swap3A_190], %swap3A_193 {strides = array<i32>} : memref<128x128xf32, #tpu.memory_space<vmem>>, vector<1x16xf32>,
      %broadcast_in_dim3A_194 = arith.constant 0.000000e+00 : f32
      %broadcast_in_dim3A_195 = vector.broadcast %broadcast_in_dim3A_194 : f32 to vector<16xf32>
      %swap3A_196 = arith.index_cast %scan3A_146 : i32 to index
      %swap3A_197 = arith.constant 112 : index
      %swap3A_198 = tpu.vector_load %arg6[%swap3A_196, %swap3A_197] {strides = array<i32>} : memref<128x128xf32, #tpu.memory_space<vmem>>, vector<1x16xf32>,
      %swap3A_199 = vector.shape_cast %swap3A_198 : vector<1x16xf32> to vector<16xf32>
      %swap3A_200 = vector.shape_cast %broadcast_in_dim3A_195 : vector<16xf32> to vector<1x16xf32>
      tpu.vector_store %arg6[%swap3A_196, %swap3A_197], %swap3A_200 {strides = array<i32>} : memref<128x128xf32, #tpu.memory_space<vmem>>, vector<1x16xf32>,
    }
    %scan3A_5 = arith.constant 128 : i32
    %add3A = arith.constant 0 : i32
    %add3A_6 = arith.addi %mul3A_0, %add3A : i32
    "tpu.region"() ({
      %run_scoped3A = tpu.sem_alloc : memref<!tpu.dma_semaphore, #tpu.memory_space<semaphore_mem>>
      %dma_start3A_146 = arith.constant 0 : i32
      %dma_start3A_147 = tpu.memref_slice %arg4[%add3A_6, %dma_start3A_146] : memref<10112x128xf32, #tpu.memory_space<vmem_shared>> -> memref<128x128xf32, #tpu.memory_space<vmem_shared>>
      %dma_start3A_148 = arith.constant 0 : i32
      %dma_start3A_149 = tpu.memref_slice %arg4[%add3A_6, %dma_start3A_148] : memref<10112x128xf32, #tpu.memory_space<vmem_shared>> -> memref<128x128xf32, #tpu.memory_space<vmem_shared>>
      tpu.enqueue_dma source(%arg6 : memref<128x128xf32, #tpu.memory_space<vmem>>) target(%dma_start3A_149 : memref<128x128xf32, #tpu.memory_space<vmem_shared>>) target_semaphore(%run_scoped3A : memref<!tpu.dma_semaphore, #tpu.memory_space<semaphore_mem>>)
      %dma_wait3A_150 = arith.constant 0 : i32
      %dma_wait3A_151 = tpu.memref_slice %arg4[%add3A_6, %dma_wait3A_150] : memref<10112x128xf32, #tpu.memory_space<vmem_shared>> -> memref<128x128xf32, #tpu.memory_space<vmem_shared>>
      %dma_wait3A_152 = arith.constant 0 : i32
      %dma_wait3A_153 = tpu.memref_slice %arg4[%add3A_6, %dma_wait3A_152] : memref<10112x128xf32, #tpu.memory_space<vmem_shared>> -> memref<128x128xf32, #tpu.memory_space<vmem_shared>>
      tpu.wait_dma2 semaphore(%run_scoped3A : memref<!tpu.dma_semaphore, #tpu.memory_space<semaphore_mem>>) src(%arg6 : memref<128x128xf32, #tpu.memory_space<vmem>>) dst(%dma_wait3A_153 : memref<128x128xf32, #tpu.memory_space<vmem_shared>>)
      tpu.yield
    }) : () -> ()
    %add3A_7 = arith.constant 128 : i32
    %add3A_8 = arith.addi %mul3A_0, %add3A_7 : i32
    "tpu.region"() ({
      %run_scoped3A = tpu.sem_alloc : memref<!tpu.dma_semaphore, #tpu.memory_space<semaphore_mem>>
      %dma_start3A_146 = arith.constant 0 : i32
      %dma_start3A_147 = tpu.memref_slice %arg4[%add3A_8, %dma_start3A_146] : memref<10112x128xf32, #tpu.memory_space<vmem_shared>> -> memref<128x128xf32, #tpu.memory_space<vmem_shared>>
      %dma_start3A_148 = arith.constant 0 : i32
      %dma_start3A_149 = tpu.memref_slice %arg4[%add3A_8, %dma_start3A_148] : memref<10112x128xf32, #tpu.memory_space<vmem_shared>> -> memref<128x128xf32, #tpu.memory_space<vmem_shared>>
      tpu.enqueue_dma source(%arg6 : memref<128x128xf32, #tpu.memory_space<vmem>>) target(%dma_start3A_149 : memref<128x128xf32, #tpu.memory_space<vmem_shared>>) target_semaphore(%run_scoped3A : memref<!tpu.dma_semaphore, #tpu.memory_space<semaphore_mem>>)
      %dma_wait3A_150 = arith.constant 0 : i32
      %dma_wait3A_151 = tpu.memref_slice %arg4[%add3A_8, %dma_wait3A_150] : memref<10112x128xf32, #tpu.memory_space<vmem_shared>> -> memref<128x128xf32, #tpu.memory_space<vmem_shared>>
      %dma_wait3A_152 = arith.constant 0 : i32
      %dma_wait3A_153 = tpu.memref_slice %arg4[%add3A_8, %dma_wait3A_152] : memref<10112x128xf32, #tpu.memory_space<vmem_shared>> -> memref<128x128xf32, #tpu.memory_space<vmem_shared>>
      tpu.wait_dma2 semaphore(%run_scoped3A : memref<!tpu.dma_semaphore, #tpu.memory_space<semaphore_mem>>) src(%arg6 : memref<128x128xf32, #tpu.memory_space<vmem>>) dst(%dma_wait3A_153 : memref<128x128xf32, #tpu.memory_space<vmem_shared>>)
      tpu.yield
    }) : () -> ()
    %add3A_9 = arith.constant 256 : i32
    %add3A_10 = arith.addi %mul3A_0, %add3A_9 : i32
    "tpu.region"() ({
      %run_scoped3A = tpu.sem_alloc : memref<!tpu.dma_semaphore, #tpu.memory_space<semaphore_mem>>
      %dma_start3A_146 = arith.constant 0 : i32
      %dma_start3A_147 = tpu.memref_slice %arg4[%add3A_10, %dma_start3A_146] : memref<10112x128xf32, #tpu.memory_space<vmem_shared>> -> memref<128x128xf32, #tpu.memory_space<vmem_shared>>
      %dma_start3A_148 = arith.constant 0 : i32
      %dma_start3A_149 = tpu.memref_slice %arg4[%add3A_10, %dma_start3A_148] : memref<10112x128xf32, #tpu.memory_space<vmem_shared>> -> memref<128x128xf32, #tpu.memory_space<vmem_shared>>
      tpu.enqueue_dma source(%arg6 : memref<128x128xf32, #tpu.memory_space<vmem>>) target(%dma_start3A_149 : memref<128x128xf32, #tpu.memory_space<vmem_shared>>) target_semaphore(%run_scoped3A : memref<!tpu.dma_semaphore, #tpu.memory_space<semaphore_mem>>)
      %dma_wait3A_150 = arith.constant 0 : i32
      %dma_wait3A_151 = tpu.memref_slice %arg4[%add3A_10, %dma_wait3A_150] : memref<10112x128xf32, #tpu.memory_space<vmem_shared>> -> memref<128x128xf32, #tpu.memory_space<vmem_shared>>
      %dma_wait3A_152 = arith.constant 0 : i32
      %dma_wait3A_153 = tpu.memref_slice %arg4[%add3A_10, %dma_wait3A_152] : memref<10112x128xf32, #tpu.memory_space<vmem_shared>> -> memref<128x128xf32, #tpu.memory_space<vmem_shared>>
      tpu.wait_dma2 semaphore(%run_scoped3A : memref<!tpu.dma_semaphore, #tpu.memory_space<semaphore_mem>>) src(%arg6 : memref<128x128xf32, #tpu.memory_space<vmem>>) dst(%dma_wait3A_153 : memref<128x128xf32, #tpu.memory_space<vmem_shared>>)
      tpu.yield
    }) : () -> ()
    %add3A_11 = arith.constant 384 : i32
    %add3A_12 = arith.addi %mul3A_0, %add3A_11 : i32
    "tpu.region"() ({
      %run_scoped3A = tpu.sem_alloc : memref<!tpu.dma_semaphore, #tpu.memory_space<semaphore_mem>>
      %dma_start3A_146 = arith.constant 0 : i32
      %dma_start3A_147 = tpu.memref_slice %arg4[%add3A_12, %dma_start3A_146] : memref<10112x128xf32, #tpu.memory_space<vmem_shared>> -> memref<128x128xf32, #tpu.memory_space<vmem_shared>>
      %dma_start3A_148 = arith.constant 0 : i32
      %dma_start3A_149 = tpu.memref_slice %arg4[%add3A_12, %dma_start3A_148] : memref<10112x128xf32, #tpu.memory_space<vmem_shared>> -> memref<128x128xf32, #tpu.memory_space<vmem_shared>>
      tpu.enqueue_dma source(%arg6 : memref<128x128xf32, #tpu.memory_space<vmem>>) target(%dma_start3A_149 : memref<128x128xf32, #tpu.memory_space<vmem_shared>>) target_semaphore(%run_scoped3A : memref<!tpu.dma_semaphore, #tpu.memory_space<semaphore_mem>>)
      %dma_wait3A_150 = arith.constant 0 : i32
      %dma_wait3A_151 = tpu.memref_slice %arg4[%add3A_12, %dma_wait3A_150] : memref<10112x128xf32, #tpu.memory_space<vmem_shared>> -> memref<128x128xf32, #tpu.memory_space<vmem_shared>>
      %dma_wait3A_152 = arith.constant 0 : i32
      %dma_wait3A_153 = tpu.memref_slice %arg4[%add3A_12, %dma_wait3A_152] : memref<10112x128xf32, #tpu.memory_space<vmem_shared>> -> memref<128x128xf32, #tpu.memory_space<vmem_shared>>
      tpu.wait_dma2 semaphore(%run_scoped3A : memref<!tpu.dma_semaphore, #tpu.memory_space<semaphore_mem>>) src(%arg6 : memref<128x128xf32, #tpu.memory_space<vmem>>) dst(%dma_wait3A_153 : memref<128x128xf32, #tpu.memory_space<vmem_shared>>)
      tpu.yield
    }) : () -> ()
    %add3A_13 = arith.constant 512 : i32
    %add3A_14 = arith.addi %mul3A_0, %add3A_13 : i32
    "tpu.region"() ({
      %run_scoped3A = tpu.sem_alloc : memref<!tpu.dma_semaphore, #tpu.memory_space<semaphore_mem>>
      %dma_start3A_146 = arith.constant 0 : i32
      %dma_start3A_147 = arith.constant 0 : i32
      %dma_start3A_148 = tpu.memref_slice %arg6[%dma_start3A_146, %dma_start3A_147] : memref<128x128xf32, #tpu.memory_space<vmem>> -> memref<120x128xf32, #tpu.memory_space<vmem>>
      %dma_start3A_149 = arith.constant 0 : i32
      %dma_start3A_150 = tpu.memref_slice %arg4[%add3A_14, %dma_start3A_149] : memref<10112x128xf32, #tpu.memory_space<vmem_shared>> -> memref<120x128xf32, #tpu.memory_space<vmem_shared>>
      %dma_start3A_151 = arith.constant 0 : i32
      %dma_start3A_152 = tpu.memref_slice %arg4[%add3A_14, %dma_start3A_151] : memref<10112x128xf32, #tpu.memory_space<vmem_shared>> -> memref<120x128xf32, #tpu.memory_space<vmem_shared>>
      %dma_start3A_153 = arith.constant 0 : i32
      %dma_start3A_154 = arith.constant 0 : i32
      %dma_start3A_155 = tpu.memref_slice %arg6[%dma_start3A_153, %dma_start3A_154] : memref<128x128xf32, #tpu.memory_space<vmem>> -> memref<120x128xf32, #tpu.memory_space<vmem>>
      tpu.enqueue_dma source(%dma_start3A_155 : memref<120x128xf32, #tpu.memory_space<vmem>>) target(%dma_start3A_152 : memref<120x128xf32, #tpu.memory_space<vmem_shared>>) target_semaphore(%run_scoped3A : memref<!tpu.dma_semaphore, #tpu.memory_space<semaphore_mem>>)
      %dma_wait3A_156 = arith.constant 0 : i32
      %dma_wait3A_157 = arith.constant 0 : i32
      %dma_wait3A_158 = tpu.memref_slice %arg6[%dma_wait3A_156, %dma_wait3A_157] : memref<128x128xf32, #tpu.memory_space<vmem>> -> memref<120x128xf32, #tpu.memory_space<vmem>>
      %dma_wait3A_159 = arith.constant 0 : i32
      %dma_wait3A_160 = tpu.memref_slice %arg4[%add3A_14, %dma_wait3A_159] : memref<10112x128xf32, #tpu.memory_space<vmem_shared>> -> memref<120x128xf32, #tpu.memory_space<vmem_shared>>
      %dma_wait3A_161 = arith.constant 0 : i32
      %dma_wait3A_162 = tpu.memref_slice %arg4[%add3A_14, %dma_wait3A_161] : memref<10112x128xf32, #tpu.memory_space<vmem_shared>> -> memref<120x128xf32, #tpu.memory_space<vmem_shared>>
      %dma_wait3A_163 = arith.constant 0 : i32
      %dma_wait3A_164 = arith.constant 0 : i32
      %dma_wait3A_165 = tpu.memref_slice %arg6[%dma_wait3A_163, %dma_wait3A_164] : memref<128x128xf32, #tpu.memory_space<vmem>> -> memref<120x128xf32, #tpu.memory_space<vmem>>
      tpu.wait_dma2 semaphore(%run_scoped3A : memref<!tpu.dma_semaphore, #tpu.memory_space<semaphore_mem>>) src(%dma_wait3A_165 : memref<120x128xf32, #tpu.memory_space<vmem>>) dst(%dma_wait3A_162 : memref<120x128xf32, #tpu.memory_space<vmem_shared>>)
      tpu.yield
    }) : () -> ()
    %scan3A_15 = arith.constant 0 : i32
    %scan3A_16 = arith.constant 0 : i32
    %scan3A_17 = arith.constant 128 : i32
    %scan3A_18 = arith.addi %scan3A_16, %scan3A_17 : i32
    %scan3A_19 = arith.constant 1 : i32
    scf.for %scan3A_146 = %scan3A_16 to %scan3A_18 step %scan3A_19  : i32 {
      %broadcast_in_dim3A = arith.constant 1.000000e+00 : f32
      %broadcast_in_dim3A_147 = vector.broadcast %broadcast_in_dim3A : f32 to vector<16xf32>
      %swap3A = arith.index_cast %scan3A_146 : i32 to index
      %swap3A_148 = arith.constant 0 : index
      %swap3A_149 = tpu.vector_load %arg6[%swap3A, %swap3A_148] {strides = array<i32>} : memref<128x128xf32, #tpu.memory_space<vmem>>, vector<1x16xf32>,
      %swap3A_150 = vector.shape_cast %swap3A_149 : vector<1x16xf32> to vector<16xf32>
      %swap3A_151 = vector.shape_cast %broadcast_in_dim3A_147 : vector<16xf32> to vector<1x16xf32>
      tpu.vector_store %arg6[%swap3A, %swap3A_148], %swap3A_151 {strides = array<i32>} : memref<128x128xf32, #tpu.memory_space<vmem>>, vector<1x16xf32>,
      %broadcast_in_dim3A_152 = arith.constant 1.000000e+00 : f32
      %broadcast_in_dim3A_153 = vector.broadcast %broadcast_in_dim3A_152 : f32 to vector<16xf32>
      %swap3A_154 = arith.index_cast %scan3A_146 : i32 to index
      %swap3A_155 = arith.constant 16 : index
      %swap3A_156 = tpu.vector_load %arg6[%swap3A_154, %swap3A_155] {strides = array<i32>} : memref<128x128xf32, #tpu.memory_space<vmem>>, vector<1x16xf32>,
      %swap3A_157 = vector.shape_cast %swap3A_156 : vector<1x16xf32> to vector<16xf32>
      %swap3A_158 = vector.shape_cast %broadcast_in_dim3A_153 : vector<16xf32> to vector<1x16xf32>
      tpu.vector_store %arg6[%swap3A_154, %swap3A_155], %swap3A_158 {strides = array<i32>} : memref<128x128xf32, #tpu.memory_space<vmem>>, vector<1x16xf32>,
      %broadcast_in_dim3A_159 = arith.constant 1.000000e+00 : f32
      %broadcast_in_dim3A_160 = vector.broadcast %broadcast_in_dim3A_159 : f32 to vector<16xf32>
      %swap3A_161 = arith.index_cast %scan3A_146 : i32 to index
      %swap3A_162 = arith.constant 32 : index
      %swap3A_163 = tpu.vector_load %arg6[%swap3A_161, %swap3A_162] {strides = array<i32>} : memref<128x128xf32, #tpu.memory_space<vmem>>, vector<1x16xf32>,
      %swap3A_164 = vector.shape_cast %swap3A_163 : vector<1x16xf32> to vector<16xf32>
      %swap3A_165 = vector.shape_cast %broadcast_in_dim3A_160 : vector<16xf32> to vector<1x16xf32>
      tpu.vector_store %arg6[%swap3A_161, %swap3A_162], %swap3A_165 {strides = array<i32>} : memref<128x128xf32, #tpu.memory_space<vmem>>, vector<1x16xf32>,
      %broadcast_in_dim3A_166 = arith.constant 1.000000e+00 : f32
      %broadcast_in_dim3A_167 = vector.broadcast %broadcast_in_dim3A_166 : f32 to vector<16xf32>
      %swap3A_168 = arith.index_cast %scan3A_146 : i32 to index
      %swap3A_169 = arith.constant 48 : index
      %swap3A_170 = tpu.vector_load %arg6[%swap3A_168, %swap3A_169] {strides = array<i32>} : memref<128x128xf32, #tpu.memory_space<vmem>>, vector<1x16xf32>,
      %swap3A_171 = vector.shape_cast %swap3A_170 : vector<1x16xf32> to vector<16xf32>
      %swap3A_172 = vector.shape_cast %broadcast_in_dim3A_167 : vector<16xf32> to vector<1x16xf32>
      tpu.vector_store %arg6[%swap3A_168, %swap3A_169], %swap3A_172 {strides = array<i32>} : memref<128x128xf32, #tpu.memory_space<vmem>>, vector<1x16xf32>,
      %broadcast_in_dim3A_173 = arith.constant 1.000000e+00 : f32
      %broadcast_in_dim3A_174 = vector.broadcast %broadcast_in_dim3A_173 : f32 to vector<16xf32>
      %swap3A_175 = arith.index_cast %scan3A_146 : i32 to index
      %swap3A_176 = arith.constant 64 : index
      %swap3A_177 = tpu.vector_load %arg6[%swap3A_175, %swap3A_176] {strides = array<i32>} : memref<128x128xf32, #tpu.memory_space<vmem>>, vector<1x16xf32>,
      %swap3A_178 = vector.shape_cast %swap3A_177 : vector<1x16xf32> to vector<16xf32>
      %swap3A_179 = vector.shape_cast %broadcast_in_dim3A_174 : vector<16xf32> to vector<1x16xf32>
      tpu.vector_store %arg6[%swap3A_175, %swap3A_176], %swap3A_179 {strides = array<i32>} : memref<128x128xf32, #tpu.memory_space<vmem>>, vector<1x16xf32>,
      %broadcast_in_dim3A_180 = arith.constant 1.000000e+00 : f32
      %broadcast_in_dim3A_181 = vector.broadcast %broadcast_in_dim3A_180 : f32 to vector<16xf32>
      %swap3A_182 = arith.index_cast %scan3A_146 : i32 to index
      %swap3A_183 = arith.constant 80 : index
      %swap3A_184 = tpu.vector_load %arg6[%swap3A_182, %swap3A_183] {strides = array<i32>} : memref<128x128xf32, #tpu.memory_space<vmem>>, vector<1x16xf32>,
      %swap3A_185 = vector.shape_cast %swap3A_184 : vector<1x16xf32> to vector<16xf32>
      %swap3A_186 = vector.shape_cast %broadcast_in_dim3A_181 : vector<16xf32> to vector<1x16xf32>
      tpu.vector_store %arg6[%swap3A_182, %swap3A_183], %swap3A_186 {strides = array<i32>} : memref<128x128xf32, #tpu.memory_space<vmem>>, vector<1x16xf32>,
      %broadcast_in_dim3A_187 = arith.constant 1.000000e+00 : f32
      %broadcast_in_dim3A_188 = vector.broadcast %broadcast_in_dim3A_187 : f32 to vector<16xf32>
      %swap3A_189 = arith.index_cast %scan3A_146 : i32 to index
      %swap3A_190 = arith.constant 96 : index
      %swap3A_191 = tpu.vector_load %arg6[%swap3A_189, %swap3A_190] {strides = array<i32>} : memref<128x128xf32, #tpu.memory_space<vmem>>, vector<1x16xf32>,
      %swap3A_192 = vector.shape_cast %swap3A_191 : vector<1x16xf32> to vector<16xf32>
      %swap3A_193 = vector.shape_cast %broadcast_in_dim3A_188 : vector<16xf32> to vector<1x16xf32>
      tpu.vector_store %arg6[%swap3A_189, %swap3A_190], %swap3A_193 {strides = array<i32>} : memref<128x128xf32, #tpu.memory_space<vmem>>, vector<1x16xf32>,
      %broadcast_in_dim3A_194 = arith.constant 1.000000e+00 : f32
      %broadcast_in_dim3A_195 = vector.broadcast %broadcast_in_dim3A_194 : f32 to vector<16xf32>
      %swap3A_196 = arith.index_cast %scan3A_146 : i32 to index
      %swap3A_197 = arith.constant 112 : index
      %swap3A_198 = tpu.vector_load %arg6[%swap3A_196, %swap3A_197] {strides = array<i32>} : memref<128x128xf32, #tpu.memory_space<vmem>>, vector<1x16xf32>,
      %swap3A_199 = vector.shape_cast %swap3A_198 : vector<1x16xf32> to vector<16xf32>
      %swap3A_200 = vector.shape_cast %broadcast_in_dim3A_195 : vector<16xf32> to vector<1x16xf32>
      tpu.vector_store %arg6[%swap3A_196, %swap3A_197], %swap3A_200 {strides = array<i32>} : memref<128x128xf32, #tpu.memory_space<vmem>>, vector<1x16xf32>,
    }
    %scan3A_20 = arith.constant 128 : i32
    %mul3A_21 = arith.constant 2560 : i32
    %mul3A_22 = arith.muli %arg0, %mul3A_21 : i32
    %mul3A_23 = arith.constant 160 : i32
    %mul3A_24 = arith.muli %arg1, %mul3A_23 : i32
    %add3A_25 = arith.addi %mul3A_22, %mul3A_24 : i32
    "tpu.region"() ({
      %run_scoped3A = tpu.sem_alloc : memref<!tpu.dma_semaphore, #tpu.memory_space<semaphore_mem>>
      %dma_start3A_146 = arith.constant 0 : i32
      %dma_start3A_147 = tpu.memref_slice %arg2[%add3A_25, %dma_start3A_146] : memref<5120x128xi32, #tpu.memory_space<hbm>> -> memref<160x128xi32, #tpu.memory_space<hbm>>
      %dma_start3A_148 = arith.constant 0 : i32
      %dma_start3A_149 = tpu.memref_slice %arg2[%add3A_25, %dma_start3A_148] : memref<5120x128xi32, #tpu.memory_space<hbm>> -> memref<160x128xi32, #tpu.memory_space<hbm>>
      tpu.enqueue_dma source(%dma_start3A_149 : memref<160x128xi32, #tpu.memory_space<hbm>>) target(%arg5 : memref<160x128xi32, #tpu.memory_space<vmem>>) target_semaphore(%run_scoped3A : memref<!tpu.dma_semaphore, #tpu.memory_space<semaphore_mem>>)
      %dma_wait3A_150 = arith.constant 0 : i32
      %dma_wait3A_151 = tpu.memref_slice %arg2[%add3A_25, %dma_wait3A_150] : memref<5120x128xi32, #tpu.memory_space<hbm>> -> memref<160x128xi32, #tpu.memory_space<hbm>>
      %dma_wait3A_152 = arith.constant 0 : i32
      %dma_wait3A_153 = tpu.memref_slice %arg2[%add3A_25, %dma_wait3A_152] : memref<5120x128xi32, #tpu.memory_space<hbm>> -> memref<160x128xi32, #tpu.memory_space<hbm>>
      tpu.wait_dma2 semaphore(%run_scoped3A : memref<!tpu.dma_semaphore, #tpu.memory_space<semaphore_mem>>) src(%dma_wait3A_153 : memref<160x128xi32, #tpu.memory_space<hbm>>) dst(%arg5 : memref<160x128xi32, #tpu.memory_space<vmem>>)
      tpu.yield
    }) : () -> ()
    %barrier3A = arith.constant 0 : index
    tpu.barrier barrier_id(%barrier3A)
    %dma_start3A = arith.constant 0 : i32
    %dma_start3A_26 = arith.constant 0 : i32
    %dma_start3A_27 = tpu.memref_slice %arg5[%dma_start3A, %dma_start3A_26] : memref<160x128xi32, #tpu.memory_space<vmem>> -> memref<1x128xi32, #tpu.memory_space<vmem>>
    %dma_start3A_28 = tpu.memref_squeeze %dma_start3A_27 : memref<1x128xi32, #tpu.memory_space<vmem>> -> memref<128xi32, #tpu.memory_space<vmem>>
    %dma_start3A_29 = arith.constant 0 : i32
    %dma_start3A_30 = arith.constant 0 : i32
    %dma_start3A_31 = tpu.memref_slice %arg4[%dma_start3A_29, %dma_start3A_30] : memref<10112x128xf32, #tpu.memory_space<vmem_shared>> -> memref<10112x128xf32, #tpu.memory_space<vmem_shared>>
    tpu.enqueue_indirect_dma source(%arg6 : memref<128x128xf32, #tpu.memory_space<vmem>>) target(%dma_start3A_31 : memref<10112x128xf32, #tpu.memory_space<vmem_shared>>) offsets(%dma_start3A_28 : memref<128xi32, #tpu.memory_space<vmem>>) semaphore(%arg7 : memref<!tpu.dma_semaphore, #tpu.memory_space<semaphore_mem>>) {add = true}
    %dma_start3A_32 = arith.constant 1 : i32
    %dma_start3A_33 = arith.constant 0 : i32
    %dma_start3A_34 = tpu.memref_slice %arg5[%dma_start3A_32, %dma_start3A_33] : memref<160x128xi32, #tpu.memory_space<vmem>> -> memref<1x128xi32, #tpu.memory_space<vmem>>
    %dma_start3A_35 = tpu.memref_squeeze %dma_start3A_34 : memref<1x128xi32, #tpu.memory_space<vmem>> -> memref<128xi32, #tpu.memory_space<vmem>>
    %dma_start3A_36 = arith.constant 0 : i32
    %dma_start3A_37 = arith.constant 0 : i32
    %dma_start3A_38 = tpu.memref_slice %arg4[%dma_start3A_36, %dma_start3A_37] : memref<10112x128xf32, #tpu.memory_space<vmem_shared>> -> memref<10112x128xf32, #tpu.memory_space<vmem_shared>>
    tpu.enqueue_indirect_dma source(%arg6 : memref<128x128xf32, #tpu.memory_space<vmem>>) target(%dma_start3A_38 : memref<10112x128xf32, #tpu.memory_space<vmem_shared>>) offsets(%dma_start3A_35 : memref<128xi32, #tpu.memory_space<vmem>>) semaphore(%arg7 : memref<!tpu.dma_semaphore, #tpu.memory_space<semaphore_mem>>) {add = true}
    %dma_start3A_39 = arith.constant 2 : i32
    %dma_start3A_40 = arith.constant 0 : i32
    %dma_start3A_41 = tpu.memref_slice %arg5[%dma_start3A_39, %dma_start3A_40] : memref<160x128xi32, #tpu.memory_space<vmem>> -> memref<1x128xi32, #tpu.memory_space<vmem>>
    %dma_start3A_42 = tpu.memref_squeeze %dma_start3A_41 : memref<1x128xi32, #tpu.memory_space<vmem>> -> memref<128xi32, #tpu.memory_space<vmem>>
    %dma_start3A_43 = arith.constant 0 : i32
    %dma_start3A_44 = arith.constant 0 : i32
    %dma_start3A_45 = tpu.memref_slice %arg4[%dma_start3A_43, %dma_start3A_44] : memref<10112x128xf32, #tpu.memory_space<vmem_shared>> -> memref<10112x128xf32, #tpu.memory_space<vmem_shared>>
    tpu.enqueue_indirect_dma source(%arg6 : memref<128x128xf32, #tpu.memory_space<vmem>>) target(%dma_start3A_45 : memref<10112x128xf32, #tpu.memory_space<vmem_shared>>) offsets(%dma_start3A_42 : memref<128xi32, #tpu.memory_space<vmem>>) semaphore(%arg7 : memref<!tpu.dma_semaphore, #tpu.memory_space<semaphore_mem>>) {add = true}
    %dma_start3A_46 = arith.constant 3 : i32
    %dma_start3A_47 = arith.constant 0 : i32
    %dma_start3A_48 = tpu.memref_slice %arg5[%dma_start3A_46, %dma_start3A_47] : memref<160x128xi32, #tpu.memory_space<vmem>> -> memref<1x128xi32, #tpu.memory_space<vmem>>
    %dma_start3A_49 = tpu.memref_squeeze %dma_start3A_48 : memref<1x128xi32, #tpu.memory_space<vmem>> -> memref<128xi32, #tpu.memory_space<vmem>>
    %dma_start3A_50 = arith.constant 0 : i32
    %dma_start3A_51 = arith.constant 0 : i32
    %dma_start3A_52 = tpu.memref_slice %arg4[%dma_start3A_50, %dma_start3A_51] : memref<10112x128xf32, #tpu.memory_space<vmem_shared>> -> memref<10112x128xf32, #tpu.memory_space<vmem_shared>>
    tpu.enqueue_indirect_dma source(%arg6 : memref<128x128xf32, #tpu.memory_space<vmem>>) target(%dma_start3A_52 : memref<10112x128xf32, #tpu.memory_space<vmem_shared>>) offsets(%dma_start3A_49 : memref<128xi32, #tpu.memory_space<vmem>>) semaphore(%arg7 : memref<!tpu.dma_semaphore, #tpu.memory_space<semaphore_mem>>) {add = true}
    %dma_start3A_53 = arith.constant 4 : i32
    %dma_start3A_54 = arith.constant 0 : i32
    %dma_start3A_55 = tpu.memref_slice %arg5[%dma_start3A_53, %dma_start3A_54] : memref<160x128xi32, #tpu.memory_space<vmem>> -> memref<1x128xi32, #tpu.memory_space<vmem>>
    %dma_start3A_56 = tpu.memref_squeeze %dma_start3A_55 : memref<1x128xi32, #tpu.memory_space<vmem>> -> memref<128xi32, #tpu.memory_space<vmem>>
    %dma_start3A_57 = arith.constant 0 : i32
    %dma_start3A_58 = arith.constant 0 : i32
    %dma_start3A_59 = tpu.memref_slice %arg4[%dma_start3A_57, %dma_start3A_58] : memref<10112x128xf32, #tpu.memory_space<vmem_shared>> -> memref<10112x128xf32, #tpu.memory_space<vmem_shared>>
    tpu.enqueue_indirect_dma source(%arg6 : memref<128x128xf32, #tpu.memory_space<vmem>>) target(%dma_start3A_59 : memref<10112x128xf32, #tpu.memory_space<vmem_shared>>) offsets(%dma_start3A_56 : memref<128xi32, #tpu.memory_space<vmem>>) semaphore(%arg7 : memref<!tpu.dma_semaphore, #tpu.memory_space<semaphore_mem>>) {add = true}
    %dma_start3A_60 = arith.constant 5 : i32
    %dma_start3A_61 = arith.constant 0 : i32
    %dma_start3A_62 = tpu.memref_slice %arg5[%dma_start3A_60, %dma_start3A_61] : memref<160x128xi32, #tpu.memory_space<vmem>> -> memref<1x128xi32, #tpu.memory_space<vmem>>
    %dma_start3A_63 = tpu.memref_squeeze %dma_start3A_62 : memref<1x128xi32, #tpu.memory_space<vmem>> -> memref<128xi32, #tpu.memory_space<vmem>>
    %dma_start3A_64 = arith.constant 0 : i32
    %dma_start3A_65 = arith.constant 0 : i32
    %dma_start3A_66 = tpu.memref_slice %arg4[%dma_start3A_64, %dma_start3A_65] : memref<10112x128xf32, #tpu.memory_space<vmem_shared>> -> memref<10112x128xf32, #tpu.memory_space<vmem_shared>>
    tpu.enqueue_indirect_dma source(%arg6 : memref<128x128xf32, #tpu.memory_space<vmem>>) target(%dma_start3A_66 : memref<10112x128xf32, #tpu.memory_space<vmem_shared>>) offsets(%dma_start3A_63 : memref<128xi32, #tpu.memory_space<vmem>>) semaphore(%arg7 : memref<!tpu.dma_semaphore, #tpu.memory_space<semaphore_mem>>) {add = true}
    %dma_start3A_67 = arith.constant 6 : i32
    %dma_start3A_68 = arith.constant 0 : i32
    %dma_start3A_69 = tpu.memref_slice %arg5[%dma_start3A_67, %dma_start3A_68] : memref<160x128xi32, #tpu.memory_space<vmem>> -> memref<1x128xi32, #tpu.memory_space<vmem>>
    %dma_start3A_70 = tpu.memref_squeeze %dma_start3A_69 : memref<1x128xi32, #tpu.memory_space<vmem>> -> memref<128xi32, #tpu.memory_space<vmem>>
    %dma_start3A_71 = arith.constant 0 : i32
    %dma_start3A_72 = arith.constant 0 : i32
    %dma_start3A_73 = tpu.memref_slice %arg4[%dma_start3A_71, %dma_start3A_72] : memref<10112x128xf32, #tpu.memory_space<vmem_shared>> -> memref<10112x128xf32, #tpu.memory_space<vmem_shared>>
    tpu.enqueue_indirect_dma source(%arg6 : memref<128x128xf32, #tpu.memory_space<vmem>>) target(%dma_start3A_73 : memref<10112x128xf32, #tpu.memory_space<vmem_shared>>) offsets(%dma_start3A_70 : memref<128xi32, #tpu.memory_space<vmem>>) semaphore(%arg7 : memref<!tpu.dma_semaphore, #tpu.memory_space<semaphore_mem>>) {add = true}
    %dma_start3A_74 = arith.constant 7 : i32
    %dma_start3A_75 = arith.constant 0 : i32
    %dma_start3A_76 = tpu.memref_slice %arg5[%dma_start3A_74, %dma_start3A_75] : memref<160x128xi32, #tpu.memory_space<vmem>> -> memref<1x128xi32, #tpu.memory_space<vmem>>
    %dma_start3A_77 = tpu.memref_squeeze %dma_start3A_76 : memref<1x128xi32, #tpu.memory_space<vmem>> -> memref<128xi32, #tpu.memory_space<vmem>>
    %dma_start3A_78 = arith.constant 0 : i32
    %dma_start3A_79 = arith.constant 0 : i32
    %dma_start3A_80 = tpu.memref_slice %arg4[%dma_start3A_78, %dma_start3A_79] : memref<10112x128xf32, #tpu.memory_space<vmem_shared>> -> memref<10112x128xf32, #tpu.memory_space<vmem_shared>>
    tpu.enqueue_indirect_dma source(%arg6 : memref<128x128xf32, #tpu.memory_space<vmem>>) target(%dma_start3A_80 : memref<10112x128xf32, #tpu.memory_space<vmem_shared>>) offsets(%dma_start3A_77 : memref<128xi32, #tpu.memory_space<vmem>>) semaphore(%arg7 : memref<!tpu.dma_semaphore, #tpu.memory_space<semaphore_mem>>) {add = true}
    %scan3A_81 = arith.constant 0 : i32
    %scan3A_82 = arith.constant 0 : i32
    %scan3A_83 = arith.constant 152 : i32
    %scan3A_84 = arith.addi %scan3A_82, %scan3A_83 : i32
    %scan3A_85 = arith.constant 1 : i32
    scf.for %scan3A_146 = %scan3A_82 to %scan3A_84 step %scan3A_85  : i32 {
      %dma_wait3A_147 = arith.constant 0 : i32
      %dma_wait3A_148 = arith.constant 0 : i32
      %dma_wait3A_149 = tpu.memref_slice %arg5[%dma_wait3A_147, %dma_wait3A_148] : memref<160x128xi32, #tpu.memory_space<vmem>> -> memref<1x128xi32, #tpu.memory_space<vmem>>
      %dma_wait3A_150 = tpu.memref_squeeze %dma_wait3A_149 : memref<1x128xi32, #tpu.memory_space<vmem>> -> memref<128xi32, #tpu.memory_space<vmem>>
      %dma_wait3A_151 = arith.constant 0 : i32
      %dma_wait3A_152 = arith.constant 0 : i32
      %dma_wait3A_153 = tpu.memref_slice %arg4[%dma_wait3A_151, %dma_wait3A_152] : memref<10112x128xf32, #tpu.memory_space<vmem_shared>> -> memref<10112x128xf32, #tpu.memory_space<vmem_shared>>
      tpu.wait_indirect_dma semaphore(%arg7 : memref<!tpu.dma_semaphore, #tpu.memory_space<semaphore_mem>>) src(%arg6 : memref<128x128xf32, #tpu.memory_space<vmem>>) dst(%dma_wait3A_153 : memref<10112x128xf32, #tpu.memory_space<vmem_shared>>)
      %add3A_154 = arith.constant 8 : i32
      %add3A_155 = arith.addi %scan3A_146, %add3A_154 : i32
      %dma_start3A_156 = arith.constant 0 : i32
      %dma_start3A_157 = tpu.memref_slice %arg5[%add3A_155, %dma_start3A_156] : memref<160x128xi32, #tpu.memory_space<vmem>> -> memref<1x128xi32, #tpu.memory_space<vmem>>
      %dma_start3A_158 = tpu.memref_squeeze %dma_start3A_157 : memref<1x128xi32, #tpu.memory_space<vmem>> -> memref<128xi32, #tpu.memory_space<vmem>>
      %dma_start3A_159 = arith.constant 0 : i32
      %dma_start3A_160 = arith.constant 0 : i32
      %dma_start3A_161 = tpu.memref_slice %arg4[%dma_start3A_159, %dma_start3A_160] : memref<10112x128xf32, #tpu.memory_space<vmem_shared>> -> memref<10112x128xf32, #tpu.memory_space<vmem_shared>>
      tpu.enqueue_indirect_dma source(%arg6 : memref<128x128xf32, #tpu.memory_space<vmem>>) target(%dma_start3A_161 : memref<10112x128xf32, #tpu.memory_space<vmem_shared>>) offsets(%dma_start3A_158 : memref<128xi32, #tpu.memory_space<vmem>>) semaphore(%arg7 : memref<!tpu.dma_semaphore, #tpu.memory_space<semaphore_mem>>) {add = true}
    }
    %scan3A_86 = arith.constant 152 : i32
    %dma_wait3A = arith.constant 0 : i32
    %dma_wait3A_87 = arith.constant 0 : i32
    %dma_wait3A_88 = tpu.memref_slice %arg5[%dma_wait3A, %dma_wait3A_87] : memref<160x128xi32, #tpu.memory_space<vmem>> -> memref<1x128xi32, #tpu.memory_space<vmem>>
    %dma_wait3A_89 = tpu.memref_squeeze %dma_wait3A_88 : memref<1x128xi32, #tpu.memory_space<vmem>> -> memref<128xi32, #tpu.memory_space<vmem>>
    %dma_wait3A_90 = arith.constant 0 : i32
    %dma_wait3A_91 = arith.constant 0 : i32
    %dma_wait3A_92 = tpu.memref_slice %arg4[%dma_wait3A_90, %dma_wait3A_91] : memref<10112x128xf32, #tpu.memory_space<vmem_shared>> -> memref<10112x128xf32, #tpu.memory_space<vmem_shared>>
    tpu.wait_indirect_dma semaphore(%arg7 : memref<!tpu.dma_semaphore, #tpu.memory_space<semaphore_mem>>) src(%arg6 : memref<128x128xf32, #tpu.memory_space<vmem>>) dst(%dma_wait3A_92 : memref<10112x128xf32, #tpu.memory_space<vmem_shared>>)
    %dma_wait3A_93 = arith.constant 0 : i32
    %dma_wait3A_94 = arith.constant 0 : i32
    %dma_wait3A_95 = tpu.memref_slice %arg5[%dma_wait3A_93, %dma_wait3A_94] : memref<160x128xi32, #tpu.memory_space<vmem>> -> memref<1x128xi32, #tpu.memory_space<vmem>>
    %dma_wait3A_96 = tpu.memref_squeeze %dma_wait3A_95 : memref<1x128xi32, #tpu.memory_space<vmem>> -> memref<128xi32, #tpu.memory_space<vmem>>
    %dma_wait3A_97 = arith.constant 0 : i32
    %dma_wait3A_98 = arith.constant 0 : i32
    %dma_wait3A_99 = tpu.memref_slice %arg4[%dma_wait3A_97, %dma_wait3A_98] : memref<10112x128xf32, #tpu.memory_space<vmem_shared>> -> memref<10112x128xf32, #tpu.memory_space<vmem_shared>>
    tpu.wait_indirect_dma semaphore(%arg7 : memref<!tpu.dma_semaphore, #tpu.memory_space<semaphore_mem>>) src(%arg6 : memref<128x128xf32, #tpu.memory_space<vmem>>) dst(%dma_wait3A_99 : memref<10112x128xf32, #tpu.memory_space<vmem_shared>>)
    %dma_wait3A_100 = arith.constant 0 : i32
    %dma_wait3A_101 = arith.constant 0 : i32
    %dma_wait3A_102 = tpu.memref_slice %arg5[%dma_wait3A_100, %dma_wait3A_101] : memref<160x128xi32, #tpu.memory_space<vmem>> -> memref<1x128xi32, #tpu.memory_space<vmem>>
    %dma_wait3A_103 = tpu.memref_squeeze %dma_wait3A_102 : memref<1x128xi32, #tpu.memory_space<vmem>> -> memref<128xi32, #tpu.memory_space<vmem>>
    %dma_wait3A_104 = arith.constant 0 : i32
    %dma_wait3A_105 = arith.constant 0 : i32
    %dma_wait3A_106 = tpu.memref_slice %arg4[%dma_wait3A_104, %dma_wait3A_105] : memref<10112x128xf32, #tpu.memory_space<vmem_shared>> -> memref<10112x128xf32, #tpu.memory_space<vmem_shared>>
    tpu.wait_indirect_dma semaphore(%arg7 : memref<!tpu.dma_semaphore, #tpu.memory_space<semaphore_mem>>) src(%arg6 : memref<128x128xf32, #tpu.memory_space<vmem>>) dst(%dma_wait3A_106 : memref<10112x128xf32, #tpu.memory_space<vmem_shared>>)
    %dma_wait3A_107 = arith.constant 0 : i32
    %dma_wait3A_108 = arith.constant 0 : i32
    %dma_wait3A_109 = tpu.memref_slice %arg5[%dma_wait3A_107, %dma_wait3A_108] : memref<160x128xi32, #tpu.memory_space<vmem>> -> memref<1x128xi32, #tpu.memory_space<vmem>>
    %dma_wait3A_110 = tpu.memref_squeeze %dma_wait3A_109 : memref<1x128xi32, #tpu.memory_space<vmem>> -> memref<128xi32, #tpu.memory_space<vmem>>
    %dma_wait3A_111 = arith.constant 0 : i32
    %dma_wait3A_112 = arith.constant 0 : i32
    %dma_wait3A_113 = tpu.memref_slice %arg4[%dma_wait3A_111, %dma_wait3A_112] : memref<10112x128xf32, #tpu.memory_space<vmem_shared>> -> memref<10112x128xf32, #tpu.memory_space<vmem_shared>>
    tpu.wait_indirect_dma semaphore(%arg7 : memref<!tpu.dma_semaphore, #tpu.memory_space<semaphore_mem>>) src(%arg6 : memref<128x128xf32, #tpu.memory_space<vmem>>) dst(%dma_wait3A_113 : memref<10112x128xf32, #tpu.memory_space<vmem_shared>>)
    %dma_wait3A_114 = arith.constant 0 : i32
    %dma_wait3A_115 = arith.constant 0 : i32
    %dma_wait3A_116 = tpu.memref_slice %arg5[%dma_wait3A_114, %dma_wait3A_115] : memref<160x128xi32, #tpu.memory_space<vmem>> -> memref<1x128xi32, #tpu.memory_space<vmem>>
    %dma_wait3A_117 = tpu.memref_squeeze %dma_wait3A_116 : memref<1x128xi32, #tpu.memory_space<vmem>> -> memref<128xi32, #tpu.memory_space<vmem>>
    %dma_wait3A_118 = arith.constant 0 : i32
    %dma_wait3A_119 = arith.constant 0 : i32
    %dma_wait3A_120 = tpu.memref_slice %arg4[%dma_wait3A_118, %dma_wait3A_119] : memref<10112x128xf32, #tpu.memory_space<vmem_shared>> -> memref<10112x128xf32, #tpu.memory_space<vmem_shared>>
    tpu.wait_indirect_dma semaphore(%arg7 : memref<!tpu.dma_semaphore, #tpu.memory_space<semaphore_mem>>) src(%arg6 : memref<128x128xf32, #tpu.memory_space<vmem>>) dst(%dma_wait3A_120 : memref<10112x128xf32, #tpu.memory_space<vmem_shared>>)
    %dma_wait3A_121 = arith.constant 0 : i32
    %dma_wait3A_122 = arith.constant 0 : i32
    %dma_wait3A_123 = tpu.memref_slice %arg5[%dma_wait3A_121, %dma_wait3A_122] : memref<160x128xi32, #tpu.memory_space<vmem>> -> memref<1x128xi32, #tpu.memory_space<vmem>>
    %dma_wait3A_124 = tpu.memref_squeeze %dma_wait3A_123 : memref<1x128xi32, #tpu.memory_space<vmem>> -> memref<128xi32, #tpu.memory_space<vmem>>
    %dma_wait3A_125 = arith.constant 0 : i32
    %dma_wait3A_126 = arith.constant 0 : i32
    %dma_wait3A_127 = tpu.memref_slice %arg4[%dma_wait3A_125, %dma_wait3A_126] : memref<10112x128xf32, #tpu.memory_space<vmem_shared>> -> memref<10112x128xf32, #tpu.memory_space<vmem_shared>>
    tpu.wait_indirect_dma semaphore(%arg7 : memref<!tpu.dma_semaphore, #tpu.memory_space<semaphore_mem>>) src(%arg6 : memref<128x128xf32, #tpu.memory_space<vmem>>) dst(%dma_wait3A_127 : memref<10112x128xf32, #tpu.memory_space<vmem_shared>>)
    %dma_wait3A_128 = arith.constant 0 : i32
    %dma_wait3A_129 = arith.constant 0 : i32
    %dma_wait3A_130 = tpu.memref_slice %arg5[%dma_wait3A_128, %dma_wait3A_129] : memref<160x128xi32, #tpu.memory_space<vmem>> -> memref<1x128xi32, #tpu.memory_space<vmem>>
    %dma_wait3A_131 = tpu.memref_squeeze %dma_wait3A_130 : memref<1x128xi32, #tpu.memory_space<vmem>> -> memref<128xi32, #tpu.memory_space<vmem>>
    %dma_wait3A_132 = arith.constant 0 : i32
    %dma_wait3A_133 = arith.constant 0 : i32
    %dma_wait3A_134 = tpu.memref_slice %arg4[%dma_wait3A_132, %dma_wait3A_133] : memref<10112x128xf32, #tpu.memory_space<vmem_shared>> -> memref<10112x128xf32, #tpu.memory_space<vmem_shared>>
    tpu.wait_indirect_dma semaphore(%arg7 : memref<!tpu.dma_semaphore, #tpu.memory_space<semaphore_mem>>) src(%arg6 : memref<128x128xf32, #tpu.memory_space<vmem>>) dst(%dma_wait3A_134 : memref<10112x128xf32, #tpu.memory_space<vmem_shared>>)
    %dma_wait3A_135 = arith.constant 0 : i32
    %dma_wait3A_136 = arith.constant 0 : i32
    %dma_wait3A_137 = tpu.memref_slice %arg5[%dma_wait3A_135, %dma_wait3A_136] : memref<160x128xi32, #tpu.memory_space<vmem>> -> memref<1x128xi32, #tpu.memory_space<vmem>>
    %dma_wait3A_138 = tpu.memref_squeeze %dma_wait3A_137 : memref<1x128xi32, #tpu.memory_space<vmem>> -> memref<128xi32, #tpu.memory_space<vmem>>
    %dma_wait3A_139 = arith.constant 0 : i32
    %dma_wait3A_140 = arith.constant 0 : i32
    %dma_wait3A_141 = tpu.memref_slice %arg4[%dma_wait3A_139, %dma_wait3A_140] : memref<10112x128xf32, #tpu.memory_space<vmem_shared>> -> memref<10112x128xf32, #tpu.memory_space<vmem_shared>>
    tpu.wait_indirect_dma semaphore(%arg7 : memref<!tpu.dma_semaphore, #tpu.memory_space<semaphore_mem>>) src(%arg6 : memref<128x128xf32, #tpu.memory_space<vmem>>) dst(%dma_wait3A_141 : memref<10112x128xf32, #tpu.memory_space<vmem_shared>>)
    %barrier3A_142 = arith.constant 0 : index
    tpu.barrier barrier_id(%barrier3A_142)
    %mul3A_143 = arith.constant 10112 : i32
    %mul3A_144 = arith.muli %arg0, %mul3A_143 : i32
    %add3A_145 = arith.addi %mul3A_144, %mul3A_0 : i32
    "tpu.region"() ({
      %run_scoped3A = tpu.sem_alloc : memref<!tpu.dma_semaphore, #tpu.memory_space<semaphore_mem>>
      %dma_start3A_146 = arith.constant 0 : i32
      %dma_start3A_147 = tpu.memref_slice %arg3[%add3A_145, %dma_start3A_146] : memref<20224x128xf32, #tpu.memory_space<hbm>> -> memref<632x128xf32, #tpu.memory_space<hbm>>
      %dma_start3A_148 = arith.constant 0 : i32
      %dma_start3A_149 = tpu.memref_slice %arg4[%mul3A_0, %dma_start3A_148] : memref<10112x128xf32, #tpu.memory_space<vmem_shared>> -> memref<632x128xf32, #tpu.memory_space<vmem_shared>>
      tpu.enqueue_dma source(%dma_start3A_149 : memref<632x128xf32, #tpu.memory_space<vmem_shared>>) target(%dma_start3A_147 : memref<632x128xf32, #tpu.memory_space<hbm>>) target_semaphore(%run_scoped3A : memref<!tpu.dma_semaphore, #tpu.memory_space<semaphore_mem>>)
      %dma_wait3A_150 = arith.constant 0 : i32
      %dma_wait3A_151 = tpu.memref_slice %arg3[%add3A_145, %dma_wait3A_150] : memref<20224x128xf32, #tpu.memory_space<hbm>> -> memref<632x128xf32, #tpu.memory_space<hbm>>
      %dma_wait3A_152 = arith.constant 0 : i32
      %dma_wait3A_153 = tpu.memref_slice %arg4[%mul3A_0, %dma_wait3A_152] : memref<10112x128xf32, #tpu.memory_space<vmem_shared>> -> memref<632x128xf32, #tpu.memory_space<vmem_shared>>
      tpu.wait_dma2 semaphore(%run_scoped3A : memref<!tpu.dma_semaphore, #tpu.memory_space<semaphore_mem>>) src(%dma_wait3A_153 : memref<632x128xf32, #tpu.memory_space<vmem_shared>>) dst(%dma_wait3A_151 : memref<632x128xf32, #tpu.memory_space<hbm>>)
      tpu.yield
    }) : () -> ()
    return
  }
}

module attributes {stable_mosaic.version = 14 : i64} {
  func.func @_tc0_body(%arg0: i32, %arg1: memref<2528x128xf32, #tpu.memory_space<vmem>>, %arg2: memref<128x128xf32, #tpu.memory_space<vmem>>, %arg3: memref<2528x128xf32, #tpu.memory_space<vmem>>) attributes {dimension_semantics = [#tpu.dimension_semantics<arbitrary>], iteration_bounds = array<i64: 4>, scalar_prefetch = 0 : i64, scratch_operands = 0 : i64, tpu.core_type = #tpu.core_type<tc>, window_params = [{transform_indices = @transform_0, window_bounds = array<i64: 2528, 128>}, {pipeline_mode = #tpu.pipeline_mode<synchronous>, transform_indices = @transform_1, window_bounds = array<i64: 128, 128>}, {transform_indices = @transform_2, window_bounds = array<i64: 2528, 128>}]} {
    %get3A = arith.constant 0 : index
    %get3A_0 = arith.constant 0 : index
    %get3A_1 = vector.load %arg1[%get3A, %get3A_0] : memref<2528x128xf32, #tpu.memory_space<vmem>>, vector<2528x128xf32>
    %get3A_2 = arith.constant 0 : index
    %get3A_3 = arith.constant 0 : index
    %get3A_4 = vector.load %arg2[%get3A_2, %get3A_3] : memref<128x128xf32, #tpu.memory_space<vmem>>, vector<128x128xf32>
    %dot_general3A = arith.constant dense<0.000000e+00> : vector<2528x128xf32>
    %dot_general3A_5 = tpu.matmul %get3A_1, %get3A_4, %dot_general3A {dimension_numbers = #tpu.dot_dimension_numbers<[1], [0], [0], [1], [0, 0, 1, 1], [], []>, transpose_lhs_hint = false} : vector<2528x128xf32>, vector<128x128xf32>, vector<2528x128xf32> -> vector<2528x128xf32>
    %swap3A = arith.constant 0 : index
    %swap3A_6 = arith.constant 0 : index
    %swap3A_7 = vector.load %arg3[%swap3A, %swap3A_6] : memref<2528x128xf32, #tpu.memory_space<vmem>>, vector<2528x128xf32>
    tpu.vector_store %arg3[%swap3A, %swap3A_6], %dot_general3A_5 {strides = array<i32>} : memref<2528x128xf32, #tpu.memory_space<vmem>>, vector<2528x128xf32>,
    return
  }
  func.func @transform_0(%arg0: i32) -> (i32, i32) {
    %c0_i32 = arith.constant 0 : i32
    %c0_i32_0 = arith.constant 0 : i32
    return %arg0, %c0_i32 : i32, i32
  }
  func.func @transform_1(%arg0: i32) -> (i32, i32) {
    %c0_i32 = arith.constant 0 : i32
    %c0_i32_0 = arith.constant 0 : i32
    %c0_i32_1 = arith.constant 0 : i32
    return %c0_i32, %c0_i32_0 : i32, i32
  }
  func.func @transform_2(%arg0: i32) -> (i32, i32) {
    %c0_i32 = arith.constant 0 : i32
    %c0_i32_0 = arith.constant 0 : i32
    return %arg0, %c0_i32 : i32, i32
  }
}

module attributes {stable_mosaic.version = 14 : i64} {
  func.func @_tcs_body(%arg0: i32, %arg1: memref<2528x128xf32, #tpu.memory_space<vmem>>, %arg2: memref<2x2528x128xf32, #tpu.memory_space<vmem>>, %arg3: memref<2528x128xf32, #tpu.memory_space<vmem>>) attributes {dimension_semantics = [#tpu.dimension_semantics<arbitrary>], iteration_bounds = array<i64: 4>, scalar_prefetch = 0 : i64, scratch_operands = 0 : i64, tpu.core_type = #tpu.core_type<tc>, window_params = [{transform_indices = @transform_0, window_bounds = array<i64: 2528, 128>}, {transform_indices = @transform_1, window_bounds = array<i64: 2, 2528, 128>}, {transform_indices = @transform_2, window_bounds = array<i64: 2528, 128>}]} {
    %get3A = arith.constant 0 : index
    %get3A_0 = arith.constant 0 : index
    %get3A_1 = arith.constant 0 : index
    %get3A_2 = vector.load %arg2[%get3A, %get3A_0, %get3A_1] : memref<2x2528x128xf32, #tpu.memory_space<vmem>>, vector<2x2528x128xf32>
    %slice3A = vector.extract_strided_slice %get3A_2 {offsets = [0, 0, 0], sizes = [1, 2528, 128], strides = [1, 1, 1]} : vector<2x2528x128xf32> to vector<1x2528x128xf32>
    %squeeze3A = vector.shape_cast %slice3A : vector<1x2528x128xf32> to vector<2528x128xf32>
    %reduce_sum3A = arith.constant dense<0.000000e+00> : vector<2528xf32>
    %reduce_sum3A_3 = vector.multi_reduction <add>, %squeeze3A, %reduce_sum3A [1] : vector<2528x128xf32> to vector<2528xf32>
    %mul3A = arith.constant 7.812500e-03 : f32
    %mul3A_4 = vector.broadcast %mul3A : f32 to vector<2528xf32>
    %mul3A_5 = arith.mulf %reduce_sum3A_3, %mul3A_4 : vector<2528xf32>
    %max3A = arith.constant 1.000000e+00 : f32
    %max3A_6 = vector.broadcast %max3A : f32 to vector<2528xf32>
    %max3A_7 = arith.maximumf %mul3A_5, %max3A_6 : vector<2528xf32>
    %rsqrt3A = math.rsqrt %max3A_7 : vector<2528xf32>
    %broadcast_in_dim3A = vector.shape_cast %rsqrt3A : vector<2528xf32> to vector<2528x1xf32>
    %get3A_8 = arith.constant 0 : index
    %get3A_9 = arith.constant 0 : index
    %get3A_10 = vector.load %arg1[%get3A_8, %get3A_9] : memref<2528x128xf32, #tpu.memory_space<vmem>>, vector<2528x128xf32>
    %mul3A_11 = vector.broadcast %broadcast_in_dim3A : vector<2528x1xf32> to vector<2528x128xf32>
    %mul3A_12 = arith.mulf %mul3A_11, %get3A_10 : vector<2528x128xf32>
    %swap3A = arith.constant 0 : index
    %swap3A_13 = arith.constant 0 : index
    %swap3A_14 = vector.load %arg3[%swap3A, %swap3A_13] : memref<2528x128xf32, #tpu.memory_space<vmem>>, vector<2528x128xf32>
    tpu.vector_store %arg3[%swap3A, %swap3A_13], %mul3A_12 {strides = array<i32>} : memref<2528x128xf32, #tpu.memory_space<vmem>>, vector<2528x128xf32>,
    return
  }
  func.func @transform_0(%arg0: i32) -> (i32, i32) {
    %c0_i32 = arith.constant 0 : i32
    %c0_i32_0 = arith.constant 0 : i32
    return %arg0, %c0_i32 : i32, i32
  }
  func.func @transform_1(%arg0: i32) -> (i32, i32, i32) {
    %c0_i32 = arith.constant 0 : i32
    %c0_i32_0 = arith.constant 0 : i32
    %c0_i32_1 = arith.constant 0 : i32
    return %c0_i32, %arg0, %c0_i32_0 : i32, i32, i32
  }
  func.func @transform_2(%arg0: i32) -> (i32, i32) {
    %c0_i32 = arith.constant 0 : i32
    %c0_i32_0 = arith.constant 0 : i32
    return %arg0, %c0_i32 : i32, i32
  }
}

module attributes {stable_mosaic.version = 14 : i64} {
  func.func @_tc2_body(%arg0: i32, %arg1: memref<2x2528x128xf32, #tpu.memory_space<vmem>>, %arg2: memref<2x2528x128xf32, #tpu.memory_space<vmem>>, %arg3: memref<1x128xf32, #tpu.memory_space<vmem>>, %arg4: memref<128x128xf32, #tpu.memory_space<vmem>>, %arg5: memref<2528x128xf32, #tpu.memory_space<vmem>>) attributes {dimension_semantics = [#tpu.dimension_semantics<arbitrary>], iteration_bounds = array<i64: 4>, scalar_prefetch = 0 : i64, scratch_operands = 0 : i64, tpu.core_type = #tpu.core_type<tc>, window_params = [{transform_indices = @transform_0, window_bounds = array<i64: 2, 2528, 128>}, {transform_indices = @transform_1, window_bounds = array<i64: 2, 2528, 128>}, {pipeline_mode = #tpu.pipeline_mode<synchronous>, transform_indices = @transform_2, window_bounds = array<i64: 1, 128>}, {pipeline_mode = #tpu.pipeline_mode<synchronous>, transform_indices = @transform_3, window_bounds = array<i64: 128, 128>}, {transform_indices = @transform_4, window_bounds = array<i64: 2528, 128>}]} {
    %get3A = arith.constant 0 : index
    %get3A_0 = arith.constant 0 : index
    %get3A_1 = arith.constant 0 : index
    %get3A_2 = vector.load %arg2[%get3A, %get3A_0, %get3A_1] : memref<2x2528x128xf32, #tpu.memory_space<vmem>>, vector<2x2528x128xf32>
    %slice3A = vector.extract_strided_slice %get3A_2 {offsets = [0, 0, 0], sizes = [1, 2528, 128], strides = [1, 1, 1]} : vector<2x2528x128xf32> to vector<1x2528x128xf32>
    %squeeze3A = vector.shape_cast %slice3A : vector<1x2528x128xf32> to vector<2528x128xf32>
    %reduce_sum3A = arith.constant dense<0.000000e+00> : vector<2528xf32>
    %reduce_sum3A_3 = vector.multi_reduction <add>, %squeeze3A, %reduce_sum3A [1] : vector<2528x128xf32> to vector<2528xf32>
    %mul3A = arith.constant 7.812500e-03 : f32
    %mul3A_4 = vector.broadcast %mul3A : f32 to vector<2528xf32>
    %mul3A_5 = arith.mulf %reduce_sum3A_3, %mul3A_4 : vector<2528xf32>
    %slice3A_6 = vector.extract_strided_slice %get3A_2 {offsets = [1, 0, 0], sizes = [1, 2528, 128], strides = [1, 1, 1]} : vector<2x2528x128xf32> to vector<1x2528x128xf32>
    %squeeze3A_7 = vector.shape_cast %slice3A_6 : vector<1x2528x128xf32> to vector<2528x128xf32>
    %reduce_sum3A_8 = arith.constant dense<0.000000e+00> : vector<2528xf32>
    %reduce_sum3A_9 = vector.multi_reduction <add>, %squeeze3A_7, %reduce_sum3A_8 [1] : vector<2528x128xf32> to vector<2528xf32>
    %mul3A_10 = arith.constant 7.812500e-03 : f32
    %mul3A_11 = vector.broadcast %mul3A_10 : f32 to vector<2528xf32>
    %mul3A_12 = arith.mulf %reduce_sum3A_9, %mul3A_11 : vector<2528xf32>
    %max3A = arith.constant 1.000000e+00 : f32
    %max3A_13 = vector.broadcast %max3A : f32 to vector<2528xf32>
    %max3A_14 = arith.maximumf %mul3A_5, %max3A_13 : vector<2528xf32>
    %rsqrt3A = math.rsqrt %max3A_14 : vector<2528xf32>
    %max3A_15 = arith.constant 1.000000e+00 : f32
    %max3A_16 = vector.broadcast %max3A_15 : f32 to vector<2528xf32>
    %max3A_17 = arith.maximumf %mul3A_12, %max3A_16 : vector<2528xf32>
    %rsqrt3A_18 = math.rsqrt %max3A_17 : vector<2528xf32>
    %broadcast_in_dim3A = vector.shape_cast %rsqrt3A_18 : vector<2528xf32> to vector<2528x1xf32>
    %get3A_19 = arith.constant 0 : index
    %get3A_20 = arith.constant 0 : index
    %get3A_21 = arith.constant 0 : index
    %get3A_22 = vector.load %arg1[%get3A_19, %get3A_20, %get3A_21] : memref<2x2528x128xf32, #tpu.memory_space<vmem>>, vector<1x2528x128xf32>
    %get3A_23 = vector.shape_cast %get3A_22 : vector<1x2528x128xf32> to vector<2528x128xf32>
    %get3A_24 = arith.constant 1 : index
    %get3A_25 = arith.constant 0 : index
    %get3A_26 = arith.constant 0 : index
    %get3A_27 = vector.load %arg1[%get3A_24, %get3A_25, %get3A_26] : memref<2x2528x128xf32, #tpu.memory_space<vmem>>, vector<1x2528x128xf32>
    %get3A_28 = vector.shape_cast %get3A_27 : vector<1x2528x128xf32> to vector<2528x128xf32>
    %add3A = arith.addf %get3A_23, %get3A_28 : vector<2528x128xf32>
    %mul3A_29 = vector.broadcast %broadcast_in_dim3A : vector<2528x1xf32> to vector<2528x128xf32>
    %mul3A_30 = arith.mulf %mul3A_29, %add3A : vector<2528x128xf32>
    %get3A_31 = arith.constant 0 : index
    %get3A_32 = arith.constant 0 : index
    %get3A_33 = vector.load %arg3[%get3A_31, %get3A_32] : memref<1x128xf32, #tpu.memory_space<vmem>>, vector<1x128xf32>
    %add3A_34 = vector.broadcast %get3A_33 : vector<1x128xf32> to vector<2528x128xf32>
    %add3A_35 = arith.addf %mul3A_30, %add3A_34 : vector<2528x128xf32>
    %max3A_36 = arith.constant 0.000000e+00 : f32
    %max3A_37 = vector.broadcast %max3A_36 : f32 to vector<2528x128xf32>
    %max3A_38 = arith.maximumf %add3A_35, %max3A_37 : vector<2528x128xf32>
    %iota3A = tpu.iota {dimensions = array<i32: 0>} : vector<2528x1xi32>
    %mul3A_39 = arith.constant 2528 : i32
    %mul3A_40 = arith.muli %arg0, %mul3A_39 : i32
    %add3A_41 = vector.broadcast %mul3A_40 : i32 to vector<2528x1xi32>
    %add3A_42 = arith.addi %iota3A, %add3A_41 : vector<2528x1xi32>
    %lt3A = arith.constant 10000 : i32
    %lt3A_43 = vector.broadcast %lt3A : i32 to vector<2528x1xi32>
    %lt3A_44 = arith.cmpi slt, %add3A_42, %lt3A_43 : vector<2528x1xi32>
    %jit3A = arith.constant 0.000000e+00 : f32
    %broadcast_in_dim3A_45 = vector.shape_cast %lt3A_44 : vector<2528x1xi1> to vector<2528x1xi1>
    %broadcast_in_dim3A_46 = vector.broadcast %broadcast_in_dim3A_45 : vector<2528x1xi1> to vector<2528x128xi1>
    %broadcast_in_dim3A_47 = vector.broadcast %jit3A : f32 to vector<2528x128xf32>
    %select_n3A = arith.select %broadcast_in_dim3A_46, %max3A_38, %broadcast_in_dim3A_47 : vector<2528x128xi1>, vector<2528x128xf32>
    %get3A_48 = arith.constant 0 : index
    %get3A_49 = arith.constant 0 : index
    %get3A_50 = vector.load %arg4[%get3A_48, %get3A_49] : memref<128x128xf32, #tpu.memory_space<vmem>>, vector<128x128xf32>
    %dot_general3A = arith.constant dense<0.000000e+00> : vector<2528x128xf32>
    %dot_general3A_51 = tpu.matmul %select_n3A, %get3A_50, %dot_general3A {dimension_numbers = #tpu.dot_dimension_numbers<[1], [0], [0], [1], [0, 0, 1, 1], [], []>, transpose_lhs_hint = false} : vector<2528x128xf32>, vector<128x128xf32>, vector<2528x128xf32> -> vector<2528x128xf32>
    %broadcast_in_dim3A_52 = vector.shape_cast %rsqrt3A : vector<2528xf32> to vector<2528x1xf32>
    %mul3A_53 = vector.broadcast %broadcast_in_dim3A_52 : vector<2528x1xf32> to vector<2528x128xf32>
    %mul3A_54 = arith.mulf %mul3A_53, %dot_general3A_51 : vector<2528x128xf32>
    %swap3A = arith.constant 0 : index
    %swap3A_55 = arith.constant 0 : index
    %swap3A_56 = vector.load %arg5[%swap3A, %swap3A_55] : memref<2528x128xf32, #tpu.memory_space<vmem>>, vector<2528x128xf32>
    tpu.vector_store %arg5[%swap3A, %swap3A_55], %mul3A_54 {strides = array<i32>} : memref<2528x128xf32, #tpu.memory_space<vmem>>, vector<2528x128xf32>,
    return
  }
  func.func @transform_0(%arg0: i32) -> (i32, i32, i32) {
    %c0_i32 = arith.constant 0 : i32
    %c0_i32_0 = arith.constant 0 : i32
    %c0_i32_1 = arith.constant 0 : i32
    return %c0_i32, %arg0, %c0_i32_0 : i32, i32, i32
  }
  func.func @transform_1(%arg0: i32) -> (i32, i32, i32) {
    %c0_i32 = arith.constant 0 : i32
    %c0_i32_0 = arith.constant 0 : i32
    %c0_i32_1 = arith.constant 0 : i32
    return %c0_i32, %arg0, %c0_i32_0 : i32, i32, i32
  }
  func.func @transform_2(%arg0: i32) -> (i32, i32) {
    %c0_i32 = arith.constant 0 : i32
    %c0_i32_0 = arith.constant 0 : i32
    %c0_i32_1 = arith.constant 0 : i32
    return %c0_i32, %c0_i32_0 : i32, i32
  }
  func.func @transform_3(%arg0: i32) -> (i32, i32) {
    %c0_i32 = arith.constant 0 : i32
    %c0_i32_0 = arith.constant 0 : i32
    %c0_i32_1 = arith.constant 0 : i32
    return %c0_i32, %c0_i32_0 : i32, i32
  }
  func.func @transform_4(%arg0: i32) -> (i32, i32) {
    %c0_i32 = arith.constant 0 : i32
    %c0_i32_0 = arith.constant 0 : i32
    return %arg0, %c0_i32 : i32, i32
  }
}

module attributes {stable_mosaic.version = 14 : i64} {
  func.func @_tc3_body(%arg0: i32, %arg1: memref<2x2528x128xf32, #tpu.memory_space<vmem>>, %arg2: memref<2x2528x128xf32, #tpu.memory_space<vmem>>, %arg3: memref<1x128xf32, #tpu.memory_space<vmem>>, %arg4: memref<128x128xf32, #tpu.memory_space<vmem>>, %arg5: memref<1x128xf32, #tpu.memory_space<vmem>>, %arg6: memref<128x128xf32, #tpu.memory_space<vmem>>, %arg7: memref<1x128xf32, #tpu.memory_space<vmem>>, %arg8: memref<1x128xf32, #tpu.memory_space<vmem>>, %arg9: memref<1x128xf32, #tpu.memory_space<vmem>>) attributes {dimension_semantics = [#tpu.dimension_semantics<arbitrary>], iteration_bounds = array<i64: 4>, scalar_prefetch = 0 : i64, scratch_operands = 1 : i64, tpu.core_type = #tpu.core_type<tc>, window_params = [{transform_indices = @transform_0, window_bounds = array<i64: 2, 2528, 128>}, {transform_indices = @transform_1, window_bounds = array<i64: 2, 2528, 128>}, {pipeline_mode = #tpu.pipeline_mode<synchronous>, transform_indices = @transform_2, window_bounds = array<i64: 1, 128>}, {pipeline_mode = #tpu.pipeline_mode<synchronous>, transform_indices = @transform_3, window_bounds = array<i64: 128, 128>}, {pipeline_mode = #tpu.pipeline_mode<synchronous>, transform_indices = @transform_4, window_bounds = array<i64: 1, 128>}, {pipeline_mode = #tpu.pipeline_mode<synchronous>, transform_indices = @transform_5, window_bounds = array<i64: 128, 128>}, {pipeline_mode = #tpu.pipeline_mode<synchronous>, transform_indices = @transform_6, window_bounds = array<i64: 1, 128>}, {pipeline_mode = #tpu.pipeline_mode<synchronous>, transform_indices = @transform_7, window_bounds = array<i64: 1, 128>}]} {
    %get3A = arith.constant 0 : index
    %get3A_0 = arith.constant 0 : index
    %get3A_1 = arith.constant 0 : index
    %get3A_2 = vector.load %arg2[%get3A, %get3A_0, %get3A_1] : memref<2x2528x128xf32, #tpu.memory_space<vmem>>, vector<2x2528x128xf32>
    %slice3A = vector.extract_strided_slice %get3A_2 {offsets = [1, 0, 0], sizes = [1, 2528, 128], strides = [1, 1, 1]} : vector<2x2528x128xf32> to vector<1x2528x128xf32>
    %squeeze3A = vector.shape_cast %slice3A : vector<1x2528x128xf32> to vector<2528x128xf32>
    %reduce_sum3A = arith.constant dense<0.000000e+00> : vector<2528xf32>
    %reduce_sum3A_3 = vector.multi_reduction <add>, %squeeze3A, %reduce_sum3A [1] : vector<2528x128xf32> to vector<2528xf32>
    %mul3A = arith.constant 7.812500e-03 : f32
    %mul3A_4 = vector.broadcast %mul3A : f32 to vector<2528xf32>
    %mul3A_5 = arith.mulf %reduce_sum3A_3, %mul3A_4 : vector<2528xf32>
    %max3A = arith.constant 1.000000e+00 : f32
    %max3A_6 = vector.broadcast %max3A : f32 to vector<2528xf32>
    %max3A_7 = arith.maximumf %mul3A_5, %max3A_6 : vector<2528xf32>
    %rsqrt3A = math.rsqrt %max3A_7 : vector<2528xf32>
    %broadcast_in_dim3A = vector.shape_cast %rsqrt3A : vector<2528xf32> to vector<2528x1xf32>
    %get3A_8 = arith.constant 0 : index
    %get3A_9 = arith.constant 0 : index
    %get3A_10 = arith.constant 0 : index
    %get3A_11 = vector.load %arg1[%get3A_8, %get3A_9, %get3A_10] : memref<2x2528x128xf32, #tpu.memory_space<vmem>>, vector<1x2528x128xf32>
    %get3A_12 = vector.shape_cast %get3A_11 : vector<1x2528x128xf32> to vector<2528x128xf32>
    %get3A_13 = arith.constant 1 : index
    %get3A_14 = arith.constant 0 : index
    %get3A_15 = arith.constant 0 : index
    %get3A_16 = vector.load %arg1[%get3A_13, %get3A_14, %get3A_15] : memref<2x2528x128xf32, #tpu.memory_space<vmem>>, vector<1x2528x128xf32>
    %get3A_17 = vector.shape_cast %get3A_16 : vector<1x2528x128xf32> to vector<2528x128xf32>
    %add3A = arith.addf %get3A_12, %get3A_17 : vector<2528x128xf32>
    %mul3A_18 = vector.broadcast %broadcast_in_dim3A : vector<2528x1xf32> to vector<2528x128xf32>
    %mul3A_19 = arith.mulf %mul3A_18, %add3A : vector<2528x128xf32>
    %get3A_20 = arith.constant 0 : index
    %get3A_21 = arith.constant 0 : index
    %get3A_22 = vector.load %arg3[%get3A_20, %get3A_21] : memref<1x128xf32, #tpu.memory_space<vmem>>, vector<1x128xf32>
    %add3A_23 = vector.broadcast %get3A_22 : vector<1x128xf32> to vector<2528x128xf32>
    %add3A_24 = arith.addf %mul3A_19, %add3A_23 : vector<2528x128xf32>
    %max3A_25 = arith.constant 0.000000e+00 : f32
    %max3A_26 = vector.broadcast %max3A_25 : f32 to vector<2528x128xf32>
    %max3A_27 = arith.maximumf %add3A_24, %max3A_26 : vector<2528x128xf32>
    %iota3A = tpu.iota {dimensions = array<i32: 0>} : vector<2528x1xi32>
    %mul3A_28 = arith.constant 2528 : i32
    %mul3A_29 = arith.muli %arg0, %mul3A_28 : i32
    %add3A_30 = vector.broadcast %mul3A_29 : i32 to vector<2528x1xi32>
    %add3A_31 = arith.addi %iota3A, %add3A_30 : vector<2528x1xi32>
    %lt3A = arith.constant 10000 : i32
    %lt3A_32 = vector.broadcast %lt3A : i32 to vector<2528x1xi32>
    %lt3A_33 = arith.cmpi slt, %add3A_31, %lt3A_32 : vector<2528x1xi32>
    %jit3A = arith.constant 0.000000e+00 : f32
    %broadcast_in_dim3A_34 = vector.shape_cast %lt3A_33 : vector<2528x1xi1> to vector<2528x1xi1>
    %broadcast_in_dim3A_35 = vector.broadcast %broadcast_in_dim3A_34 : vector<2528x1xi1> to vector<2528x128xi1>
    %broadcast_in_dim3A_36 = vector.broadcast %jit3A : f32 to vector<2528x128xf32>
    %select_n3A = arith.select %broadcast_in_dim3A_35, %max3A_27, %broadcast_in_dim3A_36 : vector<2528x128xi1>, vector<2528x128xf32>
    %reduce_sum3A_37 = arith.constant dense<0.000000e+00> : vector<128xf32>
    %reduce_sum3A_38 = vector.multi_reduction <add>, %select_n3A, %reduce_sum3A_37 [0] : vector<2528x128xf32> to vector<128xf32>
    %broadcast_in_dim3A_39 = vector.shape_cast %reduce_sum3A_38 : vector<128xf32> to vector<1x128xf32>
    %eq3A = arith.constant 0 : i32
    %eq3A_40 = arith.cmpi eq, %arg0, %eq3A : i32
    %convert_element_type3A = arith.extui %eq3A_40 : i1 to i32
    %cond3A = arith.constant 0 : i32
    %cond3A_41 = arith.cmpi ne, %convert_element_type3A, %cond3A : i32
    scf.if %cond3A_41 {
      %swap3A = arith.constant 0 : index
      %swap3A_51 = arith.constant 0 : index
      %swap3A_52 = vector.load %arg9[%swap3A, %swap3A_51] : memref<1x128xf32, #tpu.memory_space<vmem>>, vector<1x128xf32>
      tpu.vector_store %arg9[%swap3A, %swap3A_51], %broadcast_in_dim3A_39 {strides = array<i32>} : memref<1x128xf32, #tpu.memory_space<vmem>>, vector<1x128xf32>,
    } else {
    }
    %gt3A = arith.constant 0 : i32
    %gt3A_42 = arith.cmpi sgt, %arg0, %gt3A : i32
    %convert_element_type3A_43 = arith.extui %gt3A_42 : i1 to i32
    %cond3A_44 = arith.constant 0 : i32
    %cond3A_45 = arith.cmpi ne, %convert_element_type3A_43, %cond3A_44 : i32
    scf.if %cond3A_45 {
      %get3A_51 = arith.constant 0 : index
      %get3A_52 = arith.constant 0 : index
      %get3A_53 = vector.load %arg9[%get3A_51, %get3A_52] : memref<1x128xf32, #tpu.memory_space<vmem>>, vector<1x128xf32>
      %add3A_54 = arith.addf %get3A_53, %broadcast_in_dim3A_39 : vector<1x128xf32>
      %swap3A = arith.constant 0 : index
      %swap3A_55 = arith.constant 0 : index
      %swap3A_56 = vector.load %arg9[%swap3A, %swap3A_55] : memref<1x128xf32, #tpu.memory_space<vmem>>, vector<1x128xf32>
      tpu.vector_store %arg9[%swap3A, %swap3A_55], %add3A_54 {strides = array<i32>} : memref<1x128xf32, #tpu.memory_space<vmem>>, vector<1x128xf32>,
    } else {
    }
    %eq3A_46 = arith.constant 3 : i32
    %eq3A_47 = arith.cmpi eq, %arg0, %eq3A_46 : i32
    %convert_element_type3A_48 = arith.extui %eq3A_47 : i1 to i32
    %cond3A_49 = arith.constant 0 : i32
    %cond3A_50 = arith.cmpi ne, %convert_element_type3A_48, %cond3A_49 : i32
    scf.if %cond3A_50 {
      %get3A_51 = arith.constant 0 : index
      %get3A_52 = arith.constant 0 : index
      %get3A_53 = vector.load %arg9[%get3A_51, %get3A_52] : memref<1x128xf32, #tpu.memory_space<vmem>>, vector<1x128xf32>
      %mul3A_54 = arith.constant 9.99999974E-5 : f32
      %mul3A_55 = vector.broadcast %mul3A_54 : f32 to vector<1x128xf32>
      %mul3A_56 = arith.mulf %get3A_53, %mul3A_55 : vector<1x128xf32>
      %get3A_57 = arith.constant 0 : index
      %get3A_58 = arith.constant 0 : index
      %get3A_59 = vector.load %arg4[%get3A_57, %get3A_58] : memref<128x128xf32, #tpu.memory_space<vmem>>, vector<128x128xf32>
      %dot_general3A = arith.constant dense<0.000000e+00> : vector<1x128xf32>
      %dot_general3A_60 = tpu.matmul %mul3A_56, %get3A_59, %dot_general3A {dimension_numbers = #tpu.dot_dimension_numbers<[1], [0], [0], [1], [0, 0, 1, 1], [], []>, transpose_lhs_hint = false} : vector<1x128xf32>, vector<128x128xf32>, vector<1x128xf32> -> vector<1x128xf32>
      %get3A_61 = arith.constant 0 : index
      %get3A_62 = arith.constant 0 : index
      %get3A_63 = vector.load %arg5[%get3A_61, %get3A_62] : memref<1x128xf32, #tpu.memory_space<vmem>>, vector<1x128xf32>
      %add3A_64 = arith.addf %dot_general3A_60, %get3A_63 : vector<1x128xf32>
      %max3A_65 = arith.constant 0.000000e+00 : f32
      %max3A_66 = vector.broadcast %max3A_65 : f32 to vector<1x128xf32>
      %max3A_67 = arith.maximumf %add3A_64, %max3A_66 : vector<1x128xf32>
      %get3A_68 = arith.constant 0 : index
      %get3A_69 = arith.constant 0 : index
      %get3A_70 = vector.load %arg6[%get3A_68, %get3A_69] : memref<128x128xf32, #tpu.memory_space<vmem>>, vector<128x128xf32>
      %dot_general3A_71 = arith.constant dense<0.000000e+00> : vector<1x128xf32>
      %dot_general3A_72 = tpu.matmul %max3A_67, %get3A_70, %dot_general3A_71 {dimension_numbers = #tpu.dot_dimension_numbers<[1], [0], [0], [1], [0, 0, 1, 1], [], []>, transpose_lhs_hint = false} : vector<1x128xf32>, vector<128x128xf32>, vector<1x128xf32> -> vector<1x128xf32>
      %get3A_73 = arith.constant 0 : index
      %get3A_74 = arith.constant 0 : index
      %get3A_75 = vector.load %arg7[%get3A_73, %get3A_74] : memref<1x128xf32, #tpu.memory_space<vmem>>, vector<1x128xf32>
      %add3A_76 = arith.addf %dot_general3A_72, %get3A_75 : vector<1x128xf32>
      %iota3A_77 = tpu.iota {dimensions = array<i32: 1>} : vector<1x128xi32>
      %lt3A_78 = arith.constant 10 : i32
      %lt3A_79 = vector.broadcast %lt3A_78 : i32 to vector<1x128xi32>
      %lt3A_80 = arith.cmpi slt, %iota3A_77, %lt3A_79 : vector<1x128xi32>
      %jit3A_81 = arith.constant -1.000000e+30 : f32
      %broadcast_in_dim3A_82 = vector.broadcast %jit3A_81 : f32 to vector<1x128xf32>
      %select_n3A_83 = arith.select %lt3A_80, %add3A_76, %broadcast_in_dim3A_82 : vector<1x128xi1>, vector<1x128xf32>
      %reduce_max3A = arith.constant dense<0xFF800000> : vector<1xf32>
      %reduce_max3A_84 = vector.multi_reduction <maximumf>, %select_n3A_83, %reduce_max3A [1] : vector<1x128xf32> to vector<1xf32>
      %broadcast_in_dim3A_85 = vector.shape_cast %reduce_max3A_84 : vector<1xf32> to vector<1x1xf32>
      %sub3A = vector.broadcast %broadcast_in_dim3A_85 : vector<1x1xf32> to vector<1x128xf32>
      %sub3A_86 = arith.subf %select_n3A_83, %sub3A : vector<1x128xf32>
      %exp3A = math.exp %sub3A_86 : vector<1x128xf32>
      %reduce_sum3A_87 = arith.constant dense<0.000000e+00> : vector<1xf32>
      %reduce_sum3A_88 = vector.multi_reduction <add>, %exp3A, %reduce_sum3A_87 [1] : vector<1x128xf32> to vector<1xf32>
      %broadcast_in_dim3A_89 = vector.shape_cast %reduce_sum3A_88 : vector<1xf32> to vector<1x1xf32>
      %div3A = vector.broadcast %broadcast_in_dim3A_89 : vector<1x1xf32> to vector<1x128xf32>
      %div3A_90 = arith.divf %exp3A, %div3A : vector<1x128xf32>
      %swap3A = arith.constant 0 : index
      %swap3A_91 = arith.constant 0 : index
      %swap3A_92 = vector.load %arg8[%swap3A, %swap3A_91] : memref<1x128xf32, #tpu.memory_space<vmem>>, vector<1x128xf32>
      tpu.vector_store %arg8[%swap3A, %swap3A_91], %div3A_90 {strides = array<i32>} : memref<1x128xf32, #tpu.memory_space<vmem>>, vector<1x128xf32>,
    } else {
    }
    return
  }
  func.func @transform_0(%arg0: i32) -> (i32, i32, i32) {
    %c0_i32 = arith.constant 0 : i32
    %c0_i32_0 = arith.constant 0 : i32
    %c0_i32_1 = arith.constant 0 : i32
    return %c0_i32, %arg0, %c0_i32_0 : i32, i32, i32
  }
  func.func @transform_1(%arg0: i32) -> (i32, i32, i32) {
    %c0_i32 = arith.constant 0 : i32
    %c0_i32_0 = arith.constant 0 : i32
    %c0_i32_1 = arith.constant 0 : i32
    return %c0_i32, %arg0, %c0_i32_0 : i32, i32, i32
  }
  func.func @transform_2(%arg0: i32) -> (i32, i32) {
    %c0_i32 = arith.constant 0 : i32
    %c0_i32_0 = arith.constant 0 : i32
    %c0_i32_1 = arith.constant 0 : i32
    return %c0_i32, %c0_i32_0 : i32, i32
  }
  func.func @transform_3(%arg0: i32) -> (i32, i32) {
    %c0_i32 = arith.constant 0 : i32
    %c0_i32_0 = arith.constant 0 : i32
    %c0_i32_1 = arith.constant 0 : i32
    return %c0_i32, %c0_i32_0 : i32, i32
  }
  func.func @transform_4(%arg0: i32) -> (i32, i32) {
    %c0_i32 = arith.constant 0 : i32
    %c0_i32_0 = arith.constant 0 : i32
    %c0_i32_1 = arith.constant 0 : i32
    return %c0_i32, %c0_i32_0 : i32, i32
  }
  func.func @transform_5(%arg0: i32) -> (i32, i32) {
    %c0_i32 = arith.constant 0 : i32
    %c0_i32_0 = arith.constant 0 : i32
    %c0_i32_1 = arith.constant 0 : i32
    return %c0_i32, %c0_i32_0 : i32, i32
  }
  func.func @transform_6(%arg0: i32) -> (i32, i32) {
    %c0_i32 = arith.constant 0 : i32
    %c0_i32_0 = arith.constant 0 : i32
    %c0_i32_1 = arith.constant 0 : i32
    return %c0_i32, %c0_i32_0 : i32, i32
  }
  func.func @transform_7(%arg0: i32) -> (i32, i32) {
    %c0_i32 = arith.constant 0 : i32
    %c0_i32_0 = arith.constant 0 : i32
    %c0_i32_1 = arith.constant 0 : i32
    return %c0_i32, %c0_i32_0 : i32, i32
  }
}

</mosaic_0001>

<sc_bundles>
// kernel: kernel.12.cloned.1.call-start
scs
__scs_entry_jumppad:
0x0: {  	(pc) =	sbr.rel $0x88, $3  }
0x1: {  	(tag) =	ssettag $0x0;
	lr =	simm.s32 $0x1  }
0x2: {  	[smem:$0x3F97] =	sst lr;
	_ =	strace $0xD0000000  }
0x3: {  	_ = 	snop  }
0x4: {  	_ = 	snop  }
0x5: {  	_ = 	snop  }
0x6: {  	_ = 	snop  }
0x7: {  	_ = 	snop  }
__scs_overlays_trampoline_lowered:
0x8: {  	[smem:$0x3FA6] =	sst s0  }
0x9: {  	[smem:$0x3FA7] =	sst s1  }
0xa: {  	[smem:$0x3FA8] =	sst s2  }
0xb: {  	[smem:$0x3FA9] =	sst s3  }
0xc: {  	[smem:$0x3FAA] =	sst s4  }
0xd: {  	[smem:$0x3FAB] =	sst s5  }
0xe: {  	[smem:$0x3FAC] =	sst s6  }
0xf: {  	[smem:$0x3FAD] =	sst s7  }
0x10: {  	[smem:$0x3FAE] =	sst s8  }
0x11: {  	[smem:$0x3FAF] =	sst s9;
	s0 =	simm.s32 @!p0 $0x0  }
0x12: {  	s1 =	sld [smem:$0x3F95];
	s0 =	simm.s32 @p0 $0x1  }
0x13: {  	[smem:$0x3FB0] =	sst s0;
	s0 =	simm.s32 @!p1 $0x0  }
0x14: {  	s2 =	sld [smem:$0x3F94];
	s0 =	simm.s32 @p1 $0x1  }
0x15: {  	[smem:$0x3FB1] =	sst s0;
	s0 =	simm.s32 @!p2 $0x0  }
0x16: {  	s3 =	sld [smem:$0x3FDB];
	s0 =	simm.s32 @p2 $0x1  }
0x17: {  	s4 =	simm.s32 $0x1BF5;
	[smem:$0x3FB3] =	sst s0  }
0x18: {  	s0 =	sld [smem:$0x3F96];
	_ =	swait.ge [sflag:s4], $0x0  }
0x19: {  	s7 =	sld [smem:$0x3F97]  }
0x1a: {  	s8 =	sadd.s32 $0xFFFFE003, lr  }
0x1b: {  	s9 =	sadd.s32 $0xFFFFFEF7, lr;
	s5 =	simm.s32 $0xFFFFFFFF;
	p2 =	slt.u32 s8, $0xFFFFF086  }
0x1c: {  	p1 =	slt.u32 s9, $0xF7A;
	s5 =	simm.s32 @!p2 $0x0  }
0x1d: {  	s5 =	simm.s32 @p1 $0x1;
	p0 =	seq.s32 s7, s2  }
0x1e: {  	s7 =	smul.u32 @!p0 $0xF7A, s2;
	p2 =	seq.s32 @!p0 s5, $0x0  }
0x1f: {  	s9 =	smul.u32 $0xF7A, s1;
	s8 =	simm.s32 @!p0 $0x1BF5;
	p2 =	por !p2, p0  }
0x20: {  	[sflag:s8] =	ssyncset.s32 @!p0 $0xFFFFF086;
	s6 =	sadd.s32 @!p0 s3, s7;
	s7 =	simm.s32 @!p0 $0x108  }
0x21: {  	s3 =	sadd.s32 s3, s9;
	s6 =	sadd.s32 @!p0 $0x88, s6;
	s7 =	simm.s32 @p2 $0x1082  }
0x22: {  	[simem:s7], [sflag:s8] =	dma.local @!p0 [hbm:s6], $0xF7A  }
0x23: {  	s9 =	sor.u32 $0xD0000000, s2;
	s6 =	simm.s32 $0x108;
	_ =	swait.ge @!p0 [sflag:s8], $0x0  }
0x24: {  	s3 =	sadd.s32 $0x88, s3;
	s6 =	simm.s32 @!p1 $0x1082;
	[sflag:s4] =	ssyncset.s32 $0xFFFFF086  }
0x25: {  	[simem:s6], [sflag:s4] =	dma.local [hbm:s3], $0xF7A  }
0x26: {  	[smem:$0x3F97] =	sst s1;
	(tag) =	ssettag s2;
	_ =	strace s9  }
0x27: {  	s1 =	sld [smem:$0x3FA7]  }
0x28: {  	s2 =	sld [smem:$0x3FA8]  }
0x29: {  	s4 =	sld [smem:$0x3FAA]  }
0x2a: {  	p0 =	seq.s32 s5, $0x0;
	s5 =	sld [smem:$0x3FAB]  }
0x2b: {  	s6 =	sld [smem:$0x3FAC]  }
0x2c: {  	s7 =	sld [smem:$0x3FAD]  }
0x2d: {  	s3 =	simm.s32 $0x108;
	s8 =	sld [smem:$0x3FAE]  }
0x2e: {  	s3 =	simm.s32 @!p0 $0x1082;
	s9 =	sld [smem:$0x3FAF]  }
0x2f: {  	lr =	sadd.s32 s0, s3;
	s0 =	sld [smem:$0x3FA6]  }
0x30: {  	s3 =	sld [smem:$0x3FA9]  }
0x31: {  	[smem:$0x3FB2] =	sst s10  }
0x32: {  	s10 =	sld [smem:$0x3FB0];
	_ =	sdelay $0x3  }
0x33: {  	p0 =	seq.s32 s10, $0x1;
	s10 =	sld [smem:$0x3FB2];
	_ =	sdelay $0x3  }
0x34: {  	[smem:$0x3FB2] =	sst s10  }
0x35: {  	s10 =	sld [smem:$0x3FB1];
	_ =	sdelay $0x3  }
0x36: {  	p1 =	seq.s32 s10, $0x1;
	s10 =	sld [smem:$0x3FB2];
	_ =	sdelay $0x3  }
0x37: {  	[smem:$0x3FB2] =	sst s10  }
0x38: {  	s10 =	sld [smem:$0x3FB3]  }
0x39: {  	_ = 	snop;
	(pc) =	sbr.ind lr, $3  }
0x3a: {  	_ = 	snop  }
0x3b: {  	_ = 	snop  }
0x3c: {  	p2 =	seq.s32 s10, $0x1;
	s10 =	sld [smem:$0x3FB2]  }
0x3d: {  	_ =	shalt  }
0x3e: {  	_ =	shalt  }
0x3f: {  	_ =	shalt  }
0x40: {  	_ =	shalt  }
0x41: {  	_ =	shalt  }
0x42: {  	_ =	shalt  }
0x43: {  	_ =	shalt  }
0x44: {  	_ =	shalt  }
0x45: {  	_ =	shalt  }
0x46: {  	_ =	shalt  }
0x47: {  	_ =	shalt  }
0x48: {  	_ =	shalt  }
0x49: {  	_ =	shalt  }
0x4a: {  	_ =	shalt  }
0x4b: {  	_ =	shalt  }
0x4c: {  	_ =	shalt  }
0x4d: {  	_ =	shalt  }
0x4e: {  	_ =	shalt  }
0x4f: {  	_ =	shalt  }
0x50: {  	_ =	shalt  }
0x51: {  	_ =	shalt  }
0x52: {  	_ =	shalt  }
0x53: {  	_ =	shalt  }
0x54: {  	_ =	shalt  }
0x55: {  	_ =	shalt  }
0x56: {  	_ =	shalt  }
0x57: {  	_ =	shalt  }
0x58: {  	_ =	shalt  }
0x59: {  	_ =	shalt  }
0x5a: {  	_ =	shalt  }
0x5b: {  	_ =	shalt  }
0x5c: {  	_ =	shalt  }
0x5d: {  	_ =	shalt  }
0x5e: {  	_ =	shalt  }
0x5f: {  	_ =	shalt  }
0x60: {  	_ =	shalt  }
0x61: {  	_ =	shalt  }
0x62: {  	_ =	shalt  }
0x63: {  	_ =	shalt  }
0x64: {  	_ =	shalt  }
0x65: {  	_ =	shalt  }
0x66: {  	_ =	shalt  }
0x67: {  	_ =	shalt  }
0x68: {  	_ =	shalt  }
0x69: {  	_ =	shalt  }
0x6a: {  	_ =	shalt  }
0x6b: {  	_ =	shalt  }
0x6c: {  	_ =	shalt  }
0x6d: {  	_ =	shalt  }
0x6e: {  	_ =	shalt  }
0x6f: {  	_ =	shalt  }
0x70: {  	_ =	shalt  }
0x71: {  	_ =	shalt  }
0x72: {  	_ =	shalt  }
0x73: {  	_ =	shalt  }
0x74: {  	_ =	shalt  }
0x75: {  	_ =	shalt  }
0x76: {  	_ =	shalt  }
0x77: {  	_ =	shalt  }
0x78: {  	_ =	shalt  }
0x79: {  	_ =	shalt  }
0x7a: {  	_ =	shalt  }
0x7b: {  	_ =	shalt  }
0x7c: {  	_ =	shalt  }
0x7d: {  	_ =	shalt  }
0x7e: {  	_ =	shalt  }
0x7f: {  	_ =	shalt  }
0x80: {  	_ =	shalt  }
0x81: {  	_ =	shalt  }
0x82: {  	_ =	shalt  }
0x83: {  	_ =	shalt  }
0x84: {  	_ =	shalt  }
0x85: {  	_ =	shalt  }
0x86: {  	_ =	shalt  }
0x87: {  	_ =	shalt  }
.Lfunc_end0:
.L_simem_size_0:
called_computation.1_lowered:
.L_overlay_start_0:
0x88: {  	s2 =	sld [smem:$0x3FD9]  }
0x89: {  	s3 =	sld [smem:$0x3FFE];
	_ =	sdelay $0x1  }
0x8a: {  	s1 =	srdreg.scid  }
0x8b: {  	s0 =	sand.u32 $0x1, s1  }
0x8c: {  	s16 =	sshll.u32 s0, $0xA;
	s2 =	sadd.s32 s3, s2  }
0x8d: {  	s2 =	sadd.s32 s2, s16  }
0x8e: {  	[smem:$0x3FBE] =	sst s2  }
0x8f: {  	_ = 	snop  }
0x90: {  	(tm) =	ssettm $0x1  }
0x91: {  	s17 =	sld [smem:$0x3FFB];
	_ =	sdelay $0x3  }
0x92: {  	_ =	strace s17  }
0x93: {  	s2 =	sld [smem:$0x3FFC];
	_ =	sdelay $0x3  }
0x94: {  	_ =	strace s2  }
0x95: {  	s2 =	sld [smem:$0x3FFD];
	_ =	sdelay $0x3  }
0x96: {  	_ =	strace s2  }
0x97: {  	_ =	strace $0x8FFFFFFF  }
0x98: {  	s18 =	sld [smem:$0x3FDB];
	_ =	sdelay $0x1  }
0x99: {  	s19 =	simm.s32 $_scs_section_size  }
0x9a: {  	s4 =	simm.s32 $_size__tile_overlayer_lowered;
	s5 =	simm.s32 $_tile_overlayer_lowered  }
0x9b: {  	s22 =	simm.s32 $0x1BFF;
	s21 =	sshll.u32 s5, $0x1;
	s2 =	sadd.s32 s19, s18  }
0x9c: {  	s6 =	simm.s32 $0x0;
	s20 =	sshll.u32 s4, $0x1;
	s4 =	sadd.s32 s21, s2  }
0x9d: {  	[timem:s6], [sflag:s22] =	dma.local [hbm:s4], s20  }
0x9e: {  	_ =	swait.ge [sflag:s22], s20  }
0x9f: {  	s3 =	ssub.s32 $0x0, s20;
	[sflag:s22] =	ssyncset.done $0x0  }
0xa0: {  	[sflag:s22] =	ssyncadd.s32 s3;
	_ =	sdelay $0x1  }
0xa1: {  	s23 =	simm.s32 $0x1B8B  }
0xa2: {  	_ =	swait.ge [sflag:s23], $0x1  }
0xa3: {  	[sflag:s23] =	ssyncset.done $0x0  }
0xa4: {  	s25 =	simm.s32 $0x1B8E;
	s24 =	sld [smem:$0x3FFE];
	[sflag:s23] =	ssyncadd.s32 $0xFFFFFFFF  }
0xa5: {  	s26 =	simm.s32 $execute0_lowered;
	[smem:$0x3FD2] =	sst s25  }
0xa6: {  	s4 =	sshll.u32 s26, $0x1;
	_ =	strace $0x80000049;
	[dreg:$0x1] =	wrdreg $0xFFFFFFFF  }
0xa7: {  	s28 =	simm.s32 $_size_execute0_lowered;
	s2 =	sadd.s32 s2, s4;
	[dreg:$0x0] =	wrdreg $0x0  }
0xa8: {  	s4 =	sshll.u32 s28, $0x1;
	[dreg:$0x2] =	wrdreg s2  }
0xa9: {  	[dreg:$0x3] =	wrdreg s4  }
0xaa: {  	[dreg:$0x4] =	wrdreg $0xC0  }
0xab: {  	_ =	task [dreg:s6], $0x5FFFF  }
0xac: {  	[dreg:$0x1] =	wrdreg $0xFFFFFFFF  }
0xad: {  	[dreg:$0x0] =	wrdreg $0x60  }
0xae: {  	[dreg:$0x2] =	wrdreg s24  }
0xaf: {  	[dreg:$0x3] =	wrdreg $0x0  }
0xb0: {  	[dreg:$0x4] =	wrdreg $0x9  }
0xb1: {  	_ =	task.clear_ibuf [dreg:s6], $0x5FFFF;
	_ =	strace $0x90000049  }
0xb2: {  	s29 =	simm.s32 $0x9;
	_ =	strace $0x8000004B  }
0xb3: {  	_ =	swait.ge [sflag:s29], $0x1  }
0xb4: {  	[sflag:s29] =	ssyncadd.s32 $0xFFFFFFFF  }
0xb5: {  	_ =	strace $0x9000004B  }
0xb6: {  	_ =	sfence  }
0xb7: {  	s30 =	sld [smem:$0x0];
	_ =	sdelay $0x2  }
0xb8: {  	s31 =	sshll.u32 s1, $0xD;
	s1 =	sshrl.u32 s1, $0x2  }
0xb9: {  	s3 =	sand.u32 $0x4000, s31;
	s1 =	sadd.s32 s1, s30  }
0xba: {  	s0 =	sor.u32 s3, s0;
	s1 =	sshll.u32 s1, $0x11  }
0xbb: {  	s0 =	sor.u32 s1, s0  }
0xbc: {  	s0 =	sadd.s32 $0x8F2B, s0  }
0xbd: {  	[sflag:s0] =	ssyncadd.remote.s32 $0x1  }
0xbe: {  	_ =	sfence.sel $0xFFFF  }
0xbf: {  	[dreg:$0x0] =	wrdreg $0xFFFFFFFF;
	(pc) =	sbr.abs _section_cstart, $3  }
0xc0: {  	[dreg:$0x1] =	wrdreg $0xFFFFFFFF  }
0xc1: {  	_ =	task.clear_ibuf [dreg:s6], $0x2FFFF;
	_ =	strace $0x9FFFFFFF  }
0xc2: {  	(tm) =	ssettm $0x7FFFFFFF  }
0xc3: {  	_ =	shalt  }
tec
execute0_lowered:
.L_overlay_start_1:
0x0: {  	(tag) =	ssettag $0x1  }
0x1: {  	s0 =	rddreg [dreg:$0x0]  }
0x2: {  	s1 =	rddreg [dreg:$0x1]  }
0x3: {  	s2 =	srdreg.scid;
	s3 =	simm.s32 $0x0;
	s28 =	simm.s32 $0x1  }
0x4: {  	s29 =	simm.s32 $0x3;
	s30 =	simm.s32 $0x2;
	s10 =	sand.u32 $0x1, s2  }
0x5: {  	s31 =	simm.s32 $0x4;
	s2 =	stileid.u32;
	s5 =	smul.u32 $0x13C000, s10  }
0x6: {  	[smem:$0x7FF] =	sst s3;
	s4 =	sadd.s32 $0x7A400, s0;
	s6 =	smul.u32 $0x13C00, s2  }
0x7: {  	s11 =	sadd.s32 $0xD400, s0;
	s12 =	sadd.s32 $0x3400, s0;
	s17 =	smul.u32 $0x4F000, s2  }
0x8: {  	_ =	strace $0x8000004A;
	s7 =	ssub.s32 $0x2, s10;
	s13 =	smul.u32 $0x600, s2  }
0x9: {  	s15 =	smul.u32 $0x3000, s2;
	p0 =	seq.s32 s10, $0x1;
	s22 =	sshll.u32 s2, $0xA  }
0xa: {  	s19 =	sshrl.u32 s7, $0x1;
	s24 =	sadd.s32 $0x6000, s22;
	s26 =	sadd.s32 $0x6200, s22  }
0xb: {  	s22 =	simm.s32 $0x13C00;
	s5 =	sadd.s32 s6, s5;
	s18 =	sshrl.u32 s17, $0x2  }
0xc: {  	s14 =	ssub.s32 s7, s19;
	s20 =	sadd.s32 s11, s13;
	s21 =	sshrl.u32 s15, $0x3  }
0xd: {  	s13 =	sadd.s32 s12, s13;
	s25 =	sadd.s32 s11, s24;
	[dreg:$0x3] =	wrdreg s20  }
0xe: {  	s17 =	sadd.s32 s12, s26;
	s15 =	simm.s32 $0x16A80;
	[dreg:$0x4] =	wrdreg s13  }
0xf: {  	s5 =	sshrl.u32 s5, $0x3;
	s10 =	sadd.s32 $0x300, s21;
	[dreg:$0x7] =	wrdreg s25  }
0x10: {  	s19 =	smax.u32 s14, $0x1;
	s20 =	simm.s32 $0x16C00;
	s21 =	simm.s32 $0x5  }
0x11: {  	s25 =	simm.s32 $0x13C80;
	s13 =	simm.s32 $0x16A00;
	s14 =	simm.s32 $0x15300  }
0x12: {  	s0 =	sadd.s32 s5, s0;
	s5 =	sadd.s32 s18, s1;
	s23 =	sadd.s32 s11, s10  }
0x13: {  	s10 =	sadd.s32 s12, s10;
	s11 =	sadd.s32 s11, s26;
	s26 =	simm.s32 $0x1AC00  }
.Ltmp0:
0x14: {  	s6 =	sadd.s32 $0x4000, s5;
	[dreg:$0x5] =	wrdreg s23;
	(pc) =	sbr.rel .LBB2_1-.Ltmp0, $4  }
0x15: {  	s7 =	sadd.s32 $0x8000, s5;
	s8 =	sadd.s32 $0xC000, s5;
	[dreg:$0x6] =	wrdreg s10  }
0x16: {  	s9 =	sadd.s32 $0x10000, s5;
	s10 =	sadd.s32 s12, s24;
	[dreg:$0x9] =	wrdreg s11  }
0x17: {  	s18 =	sadd.s32 $0xA1C00, s0;
	s23 =	simm.s32 $0x15400;
	s24 =	simm.s32 $0x80  }
0x18: {  	v0 =	vimm.f32 $0.0e+00;
	s12 =	simm.s32 $0x14B80;
	s0 =	simm.s32 $0x15380;
	[dreg:$0x8] =	wrdreg s10  }
.LBB2_8:
0x19: {  	[tilespmem:s26], [sflag:$0x2] =	stream.indirect.gather [hbm4b:s4+s24], $0x80, s16, s24, $0xb8;
	[tilespmem:$0x1EC00] =	vst v63  }
0x1a: {  	_ =	swait.ge [sflag:s28], $0x4000  }
0x1b: {  	[sflag:s28] =	ssyncset.done $0x0  }
0x1c: {  	[sflag:s28] =	ssyncadd.s32 $0xFFFFC000  }
0x1d: {  	[spmem:s1] =	stream.indirect.scatter.add.f32 [tilespmem:s20], [sflag:$0x3], $0x80, s13, s24, $0xb8;
	[tilespmem:$0x1EC00] =	vst v63  }
0x1e: {  	_ =	swait.ge [sflag:s29], $0x4000  }
0x1f: {  	[sflag:s29] =	ssyncset.done $0x0  }
0x20: {  	[sflag:s29] =	ssyncadd.s32 $0xFFFFC000  }
0x21: {  	[tilespmem:s20], [sflag:$0x1] =	stream.indirect.gather [hbm4b:s4+s24], $0x80, s14, s24, $0xb8;
	[tilespmem:$0x1EC00] =	vst v63  }
0x22: {  	_ =	swait.ge [sflag:s30], $0x4000  }
0x23: {  	[sflag:s30] =	ssyncset.done $0x0  }
0x24: {  	[sflag:s30] =	ssyncadd.s32 $0xFFFFC000  }
0x25: {  	[spmem:s1] =	stream.indirect.scatter.add.f32 [tilespmem:s26], [sflag:$0x4], $0x80, s15, s24, $0xb8;
	[tilespmem:$0x1EC00] =	vst v63  }
0x26: {  	_ =	swait.ge [sflag:s31], $0x4000  }
0x27: {  	s10 =	simm.s32 $0x15380;
	[sflag:s31] =	ssyncset.done $0x0  }
0x28: {  	s16 =	simm.s32 $0x16B80;
	s11 =	simm.s32 $0x16B00;
	[sflag:s31] =	ssyncadd.s32 $0xFFFFC000  }
0x29: {  	[tilespmem:s26], [sflag:$0x2] =	stream.indirect.gather [hbm4b:s4+s24], $0x80, s10, s24, $0xb8;
	[tilespmem:$0x1EC00] =	vst v63  }
.LBB2_14:
0x2a: {  	_ =	swait.ge [sflag:s28], $0x4000  }
0x2b: {  	[sflag:s28] =	ssyncset.done $0x0  }
0x2c: {  	[sflag:s28] =	ssyncadd.s32 $0xFFFFC000  }
0x2d: {  	[spmem:s1] =	stream.indirect.scatter.add.f32 [tilespmem:s20], [sflag:$0x3], $0x80, s11, s24, $0xb8;
	[tilespmem:$0x1EC00] =	vst v63  }
0x2e: {  	_ =	swait.ge [sflag:s29], $0x4000  }
0x2f: {  	[sflag:s29] =	ssyncset.done $0x0  }
0x30: {  	[sflag:s29] =	ssyncadd.s32 $0xFFFFC000  }
0x31: {  	[tilespmem:s20], [sflag:$0x1] =	stream.indirect.gather [hbm4b:s4+s24], $0x80, s10, s24, $0xb8;
	[tilespmem:$0x1EC00] =	vst v63  }
0x32: {  	_ =	swait.ge [sflag:s30], $0x4000  }
0x33: {  	[sflag:s30] =	ssyncset.done $0x0  }
0x34: {  	[sflag:s30] =	ssyncadd.s32 $0xFFFFC000  }
0x35: {  	[spmem:s1] =	stream.indirect.scatter.add.f32 [tilespmem:s26], [sflag:$0x4], $0x80, s16, s24, $0xb8;
	[tilespmem:$0x1EC00] =	vst v63  }
0x36: {  	_ =	swait.ge [sflag:s31], $0x4000  }
0x37: {  	[sflag:s31] =	ssyncset.done $0x0  }
0x38: {  	[sflag:s31] =	ssyncadd.s32 $0xFFFFC000  }
0x39: {  	[tilespmem:s26], [sflag:$0x2] =	stream.indirect.gather [hbm4b:s4+s24], $0x80, s10, s24, $0xb8;
	[tilespmem:$0x1EC00] =	vst v63  }
0x3a: {  	_ =	swait.ge [sflag:s28], $0x4000  }
0x3b: {  	[sflag:s28] =	ssyncset.done $0x0  }
0x3c: {  	[sflag:s28] =	ssyncadd.s32 $0xFFFFC000  }
0x3d: {  	s3 =	sadd.s32 $0x1, s3;
	_ =	swait.ge [sflag:s30], $0x4000  }
0x3e: {  	p1 =	sne.s32 s3, s19;
	[sflag:s30] =	ssyncset.done $0x0  }
0x3f: {  	s11 =	sshll.u32 s2, $0x6;
	s16 =	sshrl.u32 s5, $0x3;
	[sflag:s30] =	ssyncadd.s32 $0xFFFFC000  }
.Ltmp1:
0x40: {  	s10 =	sor.u32 $0x1C05, s11;
	[bflag:$0x0] =	sbarrier.arrive $0xFFFF;
	(pc) =	sbr.rel @!p1 .LBB2_15-.Ltmp1, $4  }
0x41: {  	[hbm:s18], [sflag:s10] =	dma.local [spmem:s16], $0x2780  }
0x42: {  	_ =	swait.ge [sflag:s21], $0x2780  }
0x43: {  	[sflag:s21] =	ssyncset.done $0x0  }
0x44: {  	[sflag:s21] =	ssyncadd.s32 $0xFFFFD880  }
.LBB2_1:
0x45: {  	s10 =	simm.s32 $0x0;
	s16 =	simm.s32 $0x200  }
.LBB2_2:
0x46: {  	p1 =	sne.s32 s16, $0xFE00;
	[tilespmem:s10+$0x16C70] =	vst v0  }
0x47: {  	[tilespmem:s10+$0x16C00] =	vst v0  }
0x48: {  	[tilespmem:s10+$0x16C10] =	vst v0  }
.Ltmp2:
0x49: {  	[tilespmem:s10+$0x16C20] =	vst v0;
	(pc) =	sbr.rel @p1 .LBB2_2-.Ltmp2, $4  }
0x4a: {  	[tilespmem:s10+$0x16C30] =	vst v0  }
0x4b: {  	[tilespmem:s10+$0x16C40] =	vst v0  }
0x4c: {  	[tilespmem:s10+$0x16C50] =	vst v0  }
0x4d: {  	[tilespmem:s10+$0x16C60] =	vst v0;
	s10 =	sshra.s32 s16, $0x2;
	s16 =	sadd.s32 $0x200, s16  }
0x4e: {  	[tilespmem:s10+$0x16C70] =	vst v0  }
0x4f: {  	[tilespmem:s10+$0x16C00] =	vst v0  }
0x50: {  	[tilespmem:s10+$0x16C10] =	vst v0  }
0x51: {  	[tilespmem:s10+$0x16C20] =	vst v0  }
0x52: {  	[tilespmem:s10+$0x16C30] =	vst v0  }
0x53: {  	[tilespmem:s10+$0x16C40] =	vst v0  }
0x54: {  	[tilespmem:s10+$0x16C50] =	vst v0  }
0x55: {  	[tilespmem:s10+$0x16C60] =	vst v0  }
0x56: {  	[spmem:s5] =	stream.linear.scatter [tilespmem:s20], [sflag:$0x5], $0x4000, $0x38;
	[tilespmem:$0x1EC00] =	vst v63  }
0x57: {  	_ =	swait.ge [sflag:s21], $0x4000  }
0x58: {  	[sflag:s21] =	ssyncset.done $0x0  }
0x59: {  	[sflag:s21] =	ssyncadd.s32 $0xFFFFC000  }
0x5a: {  	[spmem:s6] =	stream.linear.scatter [tilespmem:s20], [sflag:$0x5], $0x4000, $0x38;
	[tilespmem:$0x1EC00] =	vst v63  }
0x5b: {  	_ =	swait.ge [sflag:s21], $0x4000  }
0x5c: {  	[sflag:s21] =	ssyncset.done $0x0  }
0x5d: {  	[sflag:s21] =	ssyncadd.s32 $0xFFFFC000  }
0x5e: {  	[spmem:s7] =	stream.linear.scatter [tilespmem:s20], [sflag:$0x5], $0x4000, $0x38;
	[tilespmem:$0x1EC00] =	vst v63  }
0x5f: {  	_ =	swait.ge [sflag:s21], $0x4000  }
0x60: {  	[sflag:s21] =	ssyncset.done $0x0  }
0x61: {  	[sflag:s21] =	ssyncadd.s32 $0xFFFFC000  }
0x62: {  	[spmem:s8] =	stream.linear.scatter [tilespmem:s20], [sflag:$0x5], $0x4000, $0x38;
	[tilespmem:$0x1EC00] =	vst v63  }
0x63: {  	_ =	swait.ge [sflag:s21], $0x4000  }
0x64: {  	[sflag:s21] =	ssyncset.done $0x0  }
0x65: {  	[sflag:s21] =	ssyncadd.s32 $0xFFFFC000  }
0x66: {  	[spmem:s9] =	stream.linear.scatter [tilespmem:s20], [sflag:$0x5], $0x3C00, $0x38;
	[tilespmem:$0x1EC00] =	vst v63  }
.Ltmp3:
0x67: {  	_ =	swait.ge [sflag:s21], $0x3C00;
	(pc) =	sbr.rel @!p0 .LBB2_4-.Ltmp3, $4  }
0x68: {  	[sflag:s21] =	ssyncset.done $0x0  }
0x69: {  	[sflag:s21] =	ssyncadd.s32 $0xFFFFC400  }
0x6a: {  	[bflag:$0x0] =	sbarrier.arrive $0xFFFF  }
0x6b: {  	s10 =	simm.s32 $0x0  }
0x6c: {  	s11 =	rddreg [dreg:$0x7]  }
0x6d: {  	[tilespmem:s22], [sflag:$0x5] =	stream.linear.gather [hbm4b:s11+s10], $0x1000, $0x38;
	[tilespmem:$0x1EC00] =	vst v63  }
0x6e: {  	_ =	swait.ge [sflag:s21], $0x1000  }
0x6f: {  	[sflag:s21] =	ssyncset.done $0x0  }
0x70: {  	s16 =	rddreg [dreg:$0x8];
	[sflag:s21] =	ssyncadd.s32 $0xFFFFF000  }
0x71: {  	[tilespmem:s23], [sflag:$0x5] =	stream.linear.gather [hbm4b:s16+s10], $0x1000, $0x38;
	[tilespmem:$0x1EC00] =	vst v63  }
0x72: {  	_ =	swait.ge [sflag:s21], $0x1000  }
0x73: {  	[sflag:s21] =	ssyncset.done $0x0  }
0x74: {  	[sflag:s21] =	ssyncadd.s32 $0xFFFFF000  }
0x75: {  	[tilespmem:s20], [sflag:$0x1] =	stream.indirect.gather [hbm4b:s4+s24], $0x80, s22, s24, $0xb8;
	[tilespmem:$0x1EC00] =	vst v63  }
0x76: {  	_ = 	snop  }
0x77: {  	[tilespmem:s26], [sflag:$0x2] =	stream.indirect.gather [hbm4b:s4+s24], $0x80, s25, s24, $0xb8;
	[tilespmem:$0x1EC00] =	vst v63  }
0x78: {  	_ =	swait.ge [sflag:s28], $0x4000  }
0x79: {  	[sflag:s28] =	ssyncset.done $0x0  }
0x7a: {  	s16 =	simm.s32 $0x15400;
	[sflag:s28] =	ssyncadd.s32 $0xFFFFC000  }
0x7b: {  	[spmem:s1] =	stream.indirect.scatter.add.f32 [tilespmem:s20], [sflag:$0x3], $0x80, s16, s24, $0xb8;
	[tilespmem:$0x1EC00] =	vst v63  }
0x7c: {  	_ =	swait.ge [sflag:s29], $0x4000  }
0x7d: {  	[sflag:s29] =	ssyncset.done $0x0  }
0x7e: {  	s11 =	simm.s32 $0x13D00;
	[sflag:s29] =	ssyncadd.s32 $0xFFFFC000  }
0x7f: {  	[tilespmem:s20], [sflag:$0x1] =	stream.indirect.gather [hbm4b:s4+s24], $0x80, s11, s24, $0xb8;
	[tilespmem:$0x1EC00] =	vst v63  }
0x80: {  	_ =	swait.ge [sflag:s30], $0x4000  }
0x81: {  	[sflag:s30] =	ssyncset.done $0x0  }
0x82: {  	s16 =	simm.s32 $0x15480;
	[sflag:s30] =	ssyncadd.s32 $0xFFFFC000  }
0x83: {  	[spmem:s1] =	stream.indirect.scatter.add.f32 [tilespmem:s26], [sflag:$0x4], $0x80, s16, s24, $0xb8;
	[tilespmem:$0x1EC00] =	vst v63  }
0x84: {  	_ =	swait.ge [sflag:s31], $0x4000  }
0x85: {  	[sflag:s31] =	ssyncset.done $0x0  }
0x86: {  	s10 =	simm.s32 $0x400;
	s16 =	simm.s32 $0x13D80;
	[sflag:s31] =	ssyncadd.s32 $0xFFFFC000  }
.LBB2_10:
0x87: {  	[tilespmem:s26], [sflag:$0x2] =	stream.indirect.gather [hbm4b:s4+s24], $0x80, s16, s24, $0xb8;
	[tilespmem:$0x1EC00] =	vst v63  }
0x88: {  	s11 =	smov.u32 s10  }
0x89: {  	p1 =	sne.s32 s10, $0x3400;
	s10 =	sadd.s32 $0x400, s10;
	_ =	swait.ge [sflag:s28], $0x4000  }
0x8a: {  	s11 =	sshra.s32 s11, $0x2;
	[sflag:s28] =	ssyncset.done $0x0  }
0x8b: {  	s16 =	sadd.s32 $0x15400, s11;
	[sflag:s28] =	ssyncadd.s32 $0xFFFFC000  }
0x8c: {  	[spmem:s1] =	stream.indirect.scatter.add.f32 [tilespmem:s20], [sflag:$0x3], $0x80, s16, s24, $0xb8;
	[tilespmem:$0x1EC00] =	vst v63  }
0x8d: {  	_ =	swait.ge [sflag:s29], $0x4000  }
0x8e: {  	[sflag:s29] =	ssyncset.done $0x0  }
0x8f: {  	s16 =	sadd.s32 $0x13D00, s11;
	[sflag:s29] =	ssyncadd.s32 $0xFFFFC000  }
0x90: {  	[tilespmem:s20], [sflag:$0x1] =	stream.indirect.gather [hbm4b:s4+s24], $0x80, s16, s24, $0xb8;
	[tilespmem:$0x1EC00] =	vst v63  }
0x91: {  	_ =	swait.ge [sflag:s30], $0x4000  }
0x92: {  	[sflag:s30] =	ssyncset.done $0x0  }
.Ltmp4:
0x93: {  	s16 =	sadd.s32 $0x15480, s11;
	[sflag:s30] =	ssyncadd.s32 $0xFFFFC000;
	(pc) =	sbr.rel @p1 .LBB2_10-.Ltmp4, $4  }
0x94: {  	[spmem:s1] =	stream.indirect.scatter.add.f32 [tilespmem:s26], [sflag:$0x4], $0x80, s16, s24, $0xb8;
	[tilespmem:$0x1EC00] =	vst v63  }
0x95: {  	_ =	swait.ge [sflag:s31], $0x4000  }
0x96: {  	[sflag:s31] =	ssyncset.done $0x0  }
0x97: {  	s16 =	sadd.s32 $0x13D80, s11;
	[sflag:s31] =	ssyncadd.s32 $0xFFFFC000  }
0x98: {  	[tilespmem:s26], [sflag:$0x2] =	stream.indirect.gather [hbm4b:s4+s24], $0x80, s16, s24, $0xb8;
	[tilespmem:$0x1EC00] =	vst v63  }
0x99: {  	_ =	swait.ge [sflag:s28], $0x4000  }
0x9a: {  	[sflag:s28] =	ssyncset.done $0x0  }
0x9b: {  	s10 =	simm.s32 $0x16200;
	[sflag:s28] =	ssyncadd.s32 $0xFFFFC000  }
0x9c: {  	[spmem:s1] =	stream.indirect.scatter.add.f32 [tilespmem:s20], [sflag:$0x3], $0x80, s10, s24, $0xb8;
	[tilespmem:$0x1EC00] =	vst v63  }
0x9d: {  	_ =	swait.ge [sflag:s29], $0x4000  }
0x9e: {  	[sflag:s29] =	ssyncset.done $0x0  }
0x9f: {  	s16 =	simm.s32 $0x14B00;
	[sflag:s29] =	ssyncadd.s32 $0xFFFFC000  }
0xa0: {  	[tilespmem:s20], [sflag:$0x1] =	stream.indirect.gather [hbm4b:s4+s24], $0x80, s16, s24, $0xb8;
	[tilespmem:$0x1EC00] =	vst v63  }
0xa1: {  	_ =	swait.ge [sflag:s30], $0x4000  }
0xa2: {  	[sflag:s30] =	ssyncset.done $0x0  }
0xa3: {  	s11 =	simm.s32 $0x16280;
	[sflag:s30] =	ssyncadd.s32 $0xFFFFC000  }
0xa4: {  	[spmem:s1] =	stream.indirect.scatter.add.f32 [tilespmem:s26], [sflag:$0x4], $0x80, s11, s24, $0xb8;
	[tilespmem:$0x1EC00] =	vst v63  }
0xa5: {  	_ =	swait.ge [sflag:s31], $0x4000  }
0xa6: {  	[sflag:s31] =	ssyncset.done $0x0  }
0xa7: {  	[sflag:s31] =	ssyncadd.s32 $0xFFFFC000  }
0xa8: {  	[tilespmem:s26], [sflag:$0x2] =	stream.indirect.gather [hbm4b:s4+s24], $0x80, s12, s24, $0xb8;
	[tilespmem:$0x1EC00] =	vst v63  }
0xa9: {  	_ =	swait.ge [sflag:s28], $0x4000  }
0xaa: {  	[sflag:s28] =	ssyncset.done $0x0  }
0xab: {  	s16 =	simm.s32 $0x16300;
	[sflag:s28] =	ssyncadd.s32 $0xFFFFC000  }
0xac: {  	[spmem:s1] =	stream.indirect.scatter.add.f32 [tilespmem:s20], [sflag:$0x3], $0x80, s16, s24, $0xb8;
	[tilespmem:$0x1EC00] =	vst v63  }
0xad: {  	_ =	swait.ge [sflag:s29], $0x4000  }
0xae: {  	[sflag:s29] =	ssyncset.done $0x0  }
0xaf: {  	[sflag:s29] =	ssyncadd.s32 $0xFFFFC000  }
0xb0: {  	[tilespmem:s20], [sflag:$0x1] =	stream.indirect.gather [hbm4b:s4+s24], $0x80, s12, s24, $0xb8;
	[tilespmem:$0x1EC00] =	vst v63  }
0xb1: {  	_ =	swait.ge [sflag:s30], $0x4000  }
0xb2: {  	[sflag:s30] =	ssyncset.done $0x0  }
0xb3: {  	s11 =	simm.s32 $0x16380;
	[sflag:s30] =	ssyncadd.s32 $0xFFFFC000  }
0xb4: {  	[spmem:s1] =	stream.indirect.scatter.add.f32 [tilespmem:s26], [sflag:$0x4], $0x80, s11, s24, $0xb8;
	[tilespmem:$0x1EC00] =	vst v63  }
0xb5: {  	_ =	swait.ge [sflag:s31], $0x4000  }
0xb6: {  	[sflag:s31] =	ssyncset.done $0x0  }
0xb7: {  	[sflag:s31] =	ssyncadd.s32 $0xFFFFC000  }
0xb8: {  	[tilespmem:s26], [sflag:$0x2] =	stream.indirect.gather [hbm4b:s4+s24], $0x80, s12, s24, $0xb8;
	[tilespmem:$0x1EC00] =	vst v63  }
0xb9: {  	_ =	swait.ge [sflag:s28], $0x4000  }
0xba: {  	[sflag:s28] =	ssyncset.done $0x0  }
0xbb: {  	[sflag:s28] =	ssyncadd.s32 $0xFFFFC000  }
0xbc: {  	_ =	swait.ge [sflag:s30], $0x4000  }
0xbd: {  	[sflag:s30] =	ssyncset.done $0x0  }
0xbe: {  	s16 =	simm.s32 $0x0;
	s11 =	rddreg [dreg:$0x9];
	[sflag:s30] =	ssyncadd.s32 $0xFFFFC000  }
0xbf: {  	[tilespmem:s22], [sflag:$0x5] =	stream.linear.gather [hbm4b:s11+s16], $0x1000, $0x38;
	[tilespmem:$0x1EC00] =	vst v63  }
0xc0: {  	_ =	swait.ge [sflag:s21], $0x1000  }
0xc1: {  	[sflag:s21] =	ssyncset.done $0x0  }
0xc2: {  	[sflag:s21] =	ssyncadd.s32 $0xFFFFF000  }
0xc3: {  	[tilespmem:s23], [sflag:$0x5] =	stream.linear.gather [hbm4b:s17+s16], $0x1000, $0x38;
	[tilespmem:$0x1EC00] =	vst v63  }
0xc4: {  	_ =	swait.ge [sflag:s21], $0x1000  }
0xc5: {  	[sflag:s21] =	ssyncset.done $0x0  }
0xc6: {  	[sflag:s21] =	ssyncadd.s32 $0xFFFFF000  }
0xc7: {  	[tilespmem:s20], [sflag:$0x1] =	stream.indirect.gather [hbm4b:s4+s24], $0x80, s22, s24, $0xb8;
	[tilespmem:$0x1EC00] =	vst v63  }
0xc8: {  	_ = 	snop  }
0xc9: {  	[tilespmem:s26], [sflag:$0x2] =	stream.indirect.gather [hbm4b:s4+s24], $0x80, s25, s24, $0xb8;
	[tilespmem:$0x1EC00] =	vst v63  }
0xca: {  	_ =	swait.ge [sflag:s28], $0x4000  }
0xcb: {  	[sflag:s28] =	ssyncset.done $0x0  }
0xcc: {  	s16 =	simm.s32 $0x15400;
	[sflag:s28] =	ssyncadd.s32 $0xFFFFC000  }
0xcd: {  	[spmem:s1] =	stream.indirect.scatter.add.f32 [tilespmem:s20], [sflag:$0x3], $0x80, s16, s24, $0xb8;
	[tilespmem:$0x1EC00] =	vst v63  }
0xce: {  	_ =	swait.ge [sflag:s29], $0x4000  }
0xcf: {  	[sflag:s29] =	ssyncset.done $0x0  }
0xd0: {  	s11 =	simm.s32 $0x13D00;
	[sflag:s29] =	ssyncadd.s32 $0xFFFFC000  }
0xd1: {  	[tilespmem:s20], [sflag:$0x1] =	stream.indirect.gather [hbm4b:s4+s24], $0x80, s11, s24, $0xb8;
	[tilespmem:$0x1EC00] =	vst v63  }
0xd2: {  	_ =	swait.ge [sflag:s30], $0x4000  }
0xd3: {  	[sflag:s30] =	ssyncset.done $0x0  }
0xd4: {  	s16 =	simm.s32 $0x15480;
	[sflag:s30] =	ssyncadd.s32 $0xFFFFC000  }
0xd5: {  	[spmem:s1] =	stream.indirect.scatter.add.f32 [tilespmem:s26], [sflag:$0x4], $0x80, s16, s24, $0xb8;
	[tilespmem:$0x1EC00] =	vst v63  }
0xd6: {  	_ =	swait.ge [sflag:s31], $0x4000  }
0xd7: {  	[sflag:s31] =	ssyncset.done $0x0  }
0xd8: {  	s10 =	simm.s32 $0x400;
	s16 =	simm.s32 $0x13D80;
	[sflag:s31] =	ssyncadd.s32 $0xFFFFC000  }
.LBB2_12:
0xd9: {  	[tilespmem:s26], [sflag:$0x2] =	stream.indirect.gather [hbm4b:s4+s24], $0x80, s16, s24, $0xb8;
	[tilespmem:$0x1EC00] =	vst v63  }
0xda: {  	s11 =	smov.u32 s10  }
0xdb: {  	p1 =	sne.s32 s10, $0x3400;
	s10 =	sadd.s32 $0x400, s10;
	_ =	swait.ge [sflag:s28], $0x4000  }
0xdc: {  	s11 =	sshra.s32 s11, $0x2;
	[sflag:s28] =	ssyncset.done $0x0  }
0xdd: {  	s16 =	sadd.s32 $0x15400, s11;
	[sflag:s28] =	ssyncadd.s32 $0xFFFFC000  }
0xde: {  	[spmem:s1] =	stream.indirect.scatter.add.f32 [tilespmem:s20], [sflag:$0x3], $0x80, s16, s24, $0xb8;
	[tilespmem:$0x1EC00] =	vst v63  }
0xdf: {  	_ =	swait.ge [sflag:s29], $0x4000  }
0xe0: {  	[sflag:s29] =	ssyncset.done $0x0  }
0xe1: {  	s16 =	sadd.s32 $0x13D00, s11;
	[sflag:s29] =	ssyncadd.s32 $0xFFFFC000  }
0xe2: {  	[tilespmem:s20], [sflag:$0x1] =	stream.indirect.gather [hbm4b:s4+s24], $0x80, s16, s24, $0xb8;
	[tilespmem:$0x1EC00] =	vst v63  }
0xe3: {  	_ =	swait.ge [sflag:s30], $0x4000  }
0xe4: {  	[sflag:s30] =	ssyncset.done $0x0  }
.Ltmp5:
0xe5: {  	s16 =	sadd.s32 $0x15480, s11;
	[sflag:s30] =	ssyncadd.s32 $0xFFFFC000;
	(pc) =	sbr.rel @p1 .LBB2_12-.Ltmp5, $4  }
0xe6: {  	[spmem:s1] =	stream.indirect.scatter.add.f32 [tilespmem:s26], [sflag:$0x4], $0x80, s16, s24, $0xb8;
	[tilespmem:$0x1EC00] =	vst v63  }
0xe7: {  	_ =	swait.ge [sflag:s31], $0x4000  }
0xe8: {  	[sflag:s31] =	ssyncset.done $0x0  }
0xe9: {  	s16 =	sadd.s32 $0x13D80, s11;
	[sflag:s31] =	ssyncadd.s32 $0xFFFFC000  }
0xea: {  	[tilespmem:s26], [sflag:$0x2] =	stream.indirect.gather [hbm4b:s4+s24], $0x80, s16, s24, $0xb8;
	[tilespmem:$0x1EC00] =	vst v63  }
0xeb: {  	_ =	swait.ge [sflag:s28], $0x4000  }
0xec: {  	[sflag:s28] =	ssyncset.done $0x0  }
0xed: {  	s10 =	simm.s32 $0x16200;
	[sflag:s28] =	ssyncadd.s32 $0xFFFFC000  }
0xee: {  	[spmem:s1] =	stream.indirect.scatter.add.f32 [tilespmem:s20], [sflag:$0x3], $0x80, s10, s24, $0xb8;
	[tilespmem:$0x1EC00] =	vst v63  }
0xef: {  	_ =	swait.ge [sflag:s29], $0x4000  }
0xf0: {  	[sflag:s29] =	ssyncset.done $0x0  }
0xf1: {  	s11 =	simm.s32 $0x14B00;
	[sflag:s29] =	ssyncadd.s32 $0xFFFFC000  }
0xf2: {  	[tilespmem:s20], [sflag:$0x1] =	stream.indirect.gather [hbm4b:s4+s24], $0x80, s11, s24, $0xb8;
	[tilespmem:$0x1EC00] =	vst v63  }
0xf3: {  	_ =	swait.ge [sflag:s30], $0x4000  }
0xf4: {  	[sflag:s30] =	ssyncset.done $0x0  }
0xf5: {  	s16 =	simm.s32 $0x16280;
	[sflag:s30] =	ssyncadd.s32 $0xFFFFC000  }
0xf6: {  	[spmem:s1] =	stream.indirect.scatter.add.f32 [tilespmem:s26], [sflag:$0x4], $0x80, s16, s24, $0xb8;
	[tilespmem:$0x1EC00] =	vst v63  }
.Ltmp6:
0xf7: {  	_ = 	snop;
	(pc) =	sbr.rel .LBB2_14-.Ltmp6, $4  }
0xf8: {  	_ =	swait.ge [sflag:s31], $0x4000  }
0xf9: {  	s10 =	simm.s32 $0x14B80;
	[sflag:s31] =	ssyncset.done $0x0  }
0xfa: {  	s11 =	simm.s32 $0x16300;
	s16 =	simm.s32 $0x16380;
	[sflag:s31] =	ssyncadd.s32 $0xFFFFC000  }
0xfb: {  	[tilespmem:s26], [sflag:$0x2] =	stream.indirect.gather [hbm4b:s4+s24], $0x80, s10, s24, $0xb8;
	[tilespmem:$0x1EC00] =	vst v63  }
.LBB2_4:
0xfc: {  	s11 =	rddreg [dreg:$0x3]  }
0xfd: {  	[tilespmem:s22], [sflag:$0x5] =	stream.linear.gather [hbm4b:s11+s10], $0x1800, $0x38;
	[tilespmem:$0x1EC00] =	vst v63  }
0xfe: {  	_ =	swait.ge [sflag:s21], $0x1800  }
0xff: {  	[sflag:s21] =	ssyncset.done $0x0  }
0x100: {  	s16 =	rddreg [dreg:$0x4];
	[sflag:s21] =	ssyncadd.s32 $0xFFFFE800  }
0x101: {  	[tilespmem:s23], [sflag:$0x5] =	stream.linear.gather [hbm4b:s16+s10], $0x1800, $0x38;
	[tilespmem:$0x1EC00] =	vst v63  }
0x102: {  	_ =	swait.ge [sflag:s21], $0x1800  }
0x103: {  	[sflag:s21] =	ssyncset.done $0x0  }
0x104: {  	[sflag:s21] =	ssyncadd.s32 $0xFFFFE800  }
0x105: {  	[tilespmem:s20], [sflag:$0x1] =	stream.indirect.gather [hbm4b:s4+s24], $0x80, s22, s24, $0xb8;
	[tilespmem:$0x1EC00] =	vst v63  }
0x106: {  	_ = 	snop  }
0x107: {  	[tilespmem:s26], [sflag:$0x2] =	stream.indirect.gather [hbm4b:s4+s24], $0x80, s25, s24, $0xb8;
	[tilespmem:$0x1EC00] =	vst v63  }
0x108: {  	_ =	swait.ge [sflag:s28], $0x4000  }
0x109: {  	[sflag:s28] =	ssyncset.done $0x0  }
0x10a: {  	s16 =	simm.s32 $0x15400;
	[sflag:s28] =	ssyncadd.s32 $0xFFFFC000  }
0x10b: {  	[spmem:s1] =	stream.indirect.scatter.add.f32 [tilespmem:s20], [sflag:$0x3], $0x80, s16, s24, $0xb8;
	[tilespmem:$0x1EC00] =	vst v63  }
0x10c: {  	_ =	swait.ge [sflag:s29], $0x4000  }
0x10d: {  	[sflag:s29] =	ssyncset.done $0x0  }
0x10e: {  	s11 =	simm.s32 $0x13D00;
	[sflag:s29] =	ssyncadd.s32 $0xFFFFC000  }
0x10f: {  	[tilespmem:s20], [sflag:$0x1] =	stream.indirect.gather [hbm4b:s4+s24], $0x80, s11, s24, $0xb8;
	[tilespmem:$0x1EC00] =	vst v63  }
0x110: {  	_ =	swait.ge [sflag:s30], $0x4000  }
0x111: {  	[sflag:s30] =	ssyncset.done $0x0  }
0x112: {  	s16 =	simm.s32 $0x15480;
	[sflag:s30] =	ssyncadd.s32 $0xFFFFC000  }
0x113: {  	[spmem:s1] =	stream.indirect.scatter.add.f32 [tilespmem:s26], [sflag:$0x4], $0x80, s16, s24, $0xb8;
	[tilespmem:$0x1EC00] =	vst v63  }
0x114: {  	_ =	swait.ge [sflag:s31], $0x4000  }
0x115: {  	[sflag:s31] =	ssyncset.done $0x0  }
0x116: {  	s10 =	simm.s32 $0x400;
	s16 =	simm.s32 $0x13D80;
	[sflag:s31] =	ssyncadd.s32 $0xFFFFC000  }
.LBB2_5:
0x117: {  	[tilespmem:s26], [sflag:$0x2] =	stream.indirect.gather [hbm4b:s4+s24], $0x80, s16, s24, $0xb8;
	[tilespmem:$0x1EC00] =	vst v63  }
0x118: {  	s11 =	smov.u32 s10  }
0x119: {  	p1 =	sne.s32 s10, $0x5400;
	s10 =	sadd.s32 $0x400, s10;
	_ =	swait.ge [sflag:s28], $0x4000  }
0x11a: {  	s11 =	sshra.s32 s11, $0x2;
	[sflag:s28] =	ssyncset.done $0x0  }
0x11b: {  	s16 =	sadd.s32 $0x15400, s11;
	[sflag:s28] =	ssyncadd.s32 $0xFFFFC000  }
0x11c: {  	[spmem:s1] =	stream.indirect.scatter.add.f32 [tilespmem:s20], [sflag:$0x3], $0x80, s16, s24, $0xb8;
	[tilespmem:$0x1EC00] =	vst v63  }
0x11d: {  	_ =	swait.ge [sflag:s29], $0x4000  }
0x11e: {  	[sflag:s29] =	ssyncset.done $0x0  }
0x11f: {  	s16 =	sadd.s32 $0x13D00, s11;
	[sflag:s29] =	ssyncadd.s32 $0xFFFFC000  }
0x120: {  	[tilespmem:s20], [sflag:$0x1] =	stream.indirect.gather [hbm4b:s4+s24], $0x80, s16, s24, $0xb8;
	[tilespmem:$0x1EC00] =	vst v63  }
0x121: {  	_ =	swait.ge [sflag:s30], $0x4000  }
0x122: {  	[sflag:s30] =	ssyncset.done $0x0  }
.Ltmp7:
0x123: {  	s16 =	sadd.s32 $0x15480, s11;
	[sflag:s30] =	ssyncadd.s32 $0xFFFFC000;
	(pc) =	sbr.rel @p1 .LBB2_5-.Ltmp7, $4  }
0x124: {  	[spmem:s1] =	stream.indirect.scatter.add.f32 [tilespmem:s26], [sflag:$0x4], $0x80, s16, s24, $0xb8;
	[tilespmem:$0x1EC00] =	vst v63  }
0x125: {  	_ =	swait.ge [sflag:s31], $0x4000  }
0x126: {  	[sflag:s31] =	ssyncset.done $0x0  }
0x127: {  	s16 =	sadd.s32 $0x13D80, s11;
	[sflag:s31] =	ssyncadd.s32 $0xFFFFC000  }
0x128: {  	[tilespmem:s26], [sflag:$0x2] =	stream.indirect.gather [hbm4b:s4+s24], $0x80, s16, s24, $0xb8;
	[tilespmem:$0x1EC00] =	vst v63  }
0x129: {  	_ =	swait.ge [sflag:s28], $0x4000  }
0x12a: {  	[sflag:s28] =	ssyncset.done $0x0  }
0x12b: {  	[sflag:s28] =	ssyncadd.s32 $0xFFFFC000  }
0x12c: {  	[spmem:s1] =	stream.indirect.scatter.add.f32 [tilespmem:s20], [sflag:$0x3], $0x80, s13, s24, $0xb8;
	[tilespmem:$0x1EC00] =	vst v63  }
0x12d: {  	_ =	swait.ge [sflag:s29], $0x4000  }
0x12e: {  	[sflag:s29] =	ssyncset.done $0x0  }
0x12f: {  	[sflag:s29] =	ssyncadd.s32 $0xFFFFC000  }
0x130: {  	[tilespmem:s20], [sflag:$0x1] =	stream.indirect.gather [hbm4b:s4+s24], $0x80, s14, s24, $0xb8;
	[tilespmem:$0x1EC00] =	vst v63  }
0x131: {  	_ =	swait.ge [sflag:s30], $0x4000  }
0x132: {  	[sflag:s30] =	ssyncset.done $0x0  }
0x133: {  	[sflag:s30] =	ssyncadd.s32 $0xFFFFC000  }
0x134: {  	[spmem:s1] =	stream.indirect.scatter.add.f32 [tilespmem:s26], [sflag:$0x4], $0x80, s15, s24, $0xb8;
	[tilespmem:$0x1EC00] =	vst v63  }
0x135: {  	_ =	swait.ge [sflag:s31], $0x4000  }
0x136: {  	[sflag:s31] =	ssyncset.done $0x0  }
0x137: {  	[sflag:s31] =	ssyncadd.s32 $0xFFFFC000  }
0x138: {  	[tilespmem:s26], [sflag:$0x2] =	stream.indirect.gather [hbm4b:s4+s24], $0x80, s0, s24, $0xb8;
	[tilespmem:$0x1EC00] =	vst v63  }
0x139: {  	_ =	swait.ge [sflag:s28], $0x4000  }
0x13a: {  	[sflag:s28] =	ssyncset.done $0x0  }
0x13b: {  	s10 =	simm.s32 $0x16B00;
	[sflag:s28] =	ssyncadd.s32 $0xFFFFC000  }
0x13c: {  	[spmem:s1] =	stream.indirect.scatter.add.f32 [tilespmem:s20], [sflag:$0x3], $0x80, s10, s24, $0xb8;
	[tilespmem:$0x1EC00] =	vst v63  }
0x13d: {  	_ =	swait.ge [sflag:s29], $0x4000  }
0x13e: {  	[sflag:s29] =	ssyncset.done $0x0  }
0x13f: {  	[sflag:s29] =	ssyncadd.s32 $0xFFFFC000  }
0x140: {  	[tilespmem:s20], [sflag:$0x1] =	stream.indirect.gather [hbm4b:s4+s24], $0x80, s0, s24, $0xb8;
	[tilespmem:$0x1EC00] =	vst v63  }
0x141: {  	_ =	swait.ge [sflag:s30], $0x4000  }
0x142: {  	[sflag:s30] =	ssyncset.done $0x0  }
0x143: {  	s11 =	simm.s32 $0x16B80;
	[sflag:s30] =	ssyncadd.s32 $0xFFFFC000  }
0x144: {  	[spmem:s1] =	stream.indirect.scatter.add.f32 [tilespmem:s26], [sflag:$0x4], $0x80, s11, s24, $0xb8;
	[tilespmem:$0x1EC00] =	vst v63  }
0x145: {  	_ =	swait.ge [sflag:s31], $0x4000  }
0x146: {  	[sflag:s31] =	ssyncset.done $0x0  }
0x147: {  	[sflag:s31] =	ssyncadd.s32 $0xFFFFC000  }
0x148: {  	[tilespmem:s26], [sflag:$0x2] =	stream.indirect.gather [hbm4b:s4+s24], $0x80, s0, s24, $0xb8;
	[tilespmem:$0x1EC00] =	vst v63  }
0x149: {  	_ =	swait.ge [sflag:s28], $0x4000  }
0x14a: {  	[sflag:s28] =	ssyncset.done $0x0  }
0x14b: {  	[sflag:s28] =	ssyncadd.s32 $0xFFFFC000  }
0x14c: {  	_ =	swait.ge [sflag:s30], $0x4000  }
0x14d: {  	[sflag:s30] =	ssyncset.done $0x0  }
0x14e: {  	s10 =	simm.s32 $0x0;
	s11 =	rddreg [dreg:$0x5];
	[sflag:s30] =	ssyncadd.s32 $0xFFFFC000  }
0x14f: {  	[tilespmem:s22], [sflag:$0x5] =	stream.linear.gather [hbm4b:s11+s10], $0x1800, $0x38;
	[tilespmem:$0x1EC00] =	vst v63  }
0x150: {  	_ =	swait.ge [sflag:s21], $0x1800  }
0x151: {  	[sflag:s21] =	ssyncset.done $0x0  }
0x152: {  	s16 =	rddreg [dreg:$0x6];
	[sflag:s21] =	ssyncadd.s32 $0xFFFFE800  }
0x153: {  	[tilespmem:s23], [sflag:$0x5] =	stream.linear.gather [hbm4b:s16+s10], $0x1800, $0x38;
	[tilespmem:$0x1EC00] =	vst v63  }
0x154: {  	_ =	swait.ge [sflag:s21], $0x1800  }
0x155: {  	[sflag:s21] =	ssyncset.done $0x0  }
0x156: {  	[sflag:s21] =	ssyncadd.s32 $0xFFFFE800  }
0x157: {  	[tilespmem:s20], [sflag:$0x1] =	stream.indirect.gather [hbm4b:s4+s24], $0x80, s22, s24, $0xb8;
	[tilespmem:$0x1EC00] =	vst v63  }
0x158: {  	_ = 	snop  }
0x159: {  	[tilespmem:s26], [sflag:$0x2] =	stream.indirect.gather [hbm4b:s4+s24], $0x80, s25, s24, $0xb8;
	[tilespmem:$0x1EC00] =	vst v63  }
0x15a: {  	_ =	swait.ge [sflag:s28], $0x4000  }
0x15b: {  	[sflag:s28] =	ssyncset.done $0x0  }
0x15c: {  	s16 =	simm.s32 $0x15400;
	[sflag:s28] =	ssyncadd.s32 $0xFFFFC000  }
0x15d: {  	[spmem:s1] =	stream.indirect.scatter.add.f32 [tilespmem:s20], [sflag:$0x3], $0x80, s16, s24, $0xb8;
	[tilespmem:$0x1EC00] =	vst v63  }
0x15e: {  	_ =	swait.ge [sflag:s29], $0x4000  }
0x15f: {  	[sflag:s29] =	ssyncset.done $0x0  }
0x160: {  	s11 =	simm.s32 $0x13D00;
	[sflag:s29] =	ssyncadd.s32 $0xFFFFC000  }
0x161: {  	[tilespmem:s20], [sflag:$0x1] =	stream.indirect.gather [hbm4b:s4+s24], $0x80, s11, s24, $0xb8;
	[tilespmem:$0x1EC00] =	vst v63  }
0x162: {  	_ =	swait.ge [sflag:s30], $0x4000  }
0x163: {  	[sflag:s30] =	ssyncset.done $0x0  }
0x164: {  	s16 =	simm.s32 $0x15480;
	[sflag:s30] =	ssyncadd.s32 $0xFFFFC000  }
0x165: {  	[spmem:s1] =	stream.indirect.scatter.add.f32 [tilespmem:s26], [sflag:$0x4], $0x80, s16, s24, $0xb8;
	[tilespmem:$0x1EC00] =	vst v63  }
0x166: {  	_ =	swait.ge [sflag:s31], $0x4000  }
0x167: {  	[sflag:s31] =	ssyncset.done $0x0  }
0x168: {  	s10 =	simm.s32 $0x400;
	s16 =	simm.s32 $0x13D80;
	[sflag:s31] =	ssyncadd.s32 $0xFFFFC000  }
.LBB2_7:
0x169: {  	[tilespmem:s26], [sflag:$0x2] =	stream.indirect.gather [hbm4b:s4+s24], $0x80, s16, s24, $0xb8;
	[tilespmem:$0x1EC00] =	vst v63  }
0x16a: {  	s11 =	smov.u32 s10  }
0x16b: {  	p1 =	seq.s32 s10, $0x5400;
	s10 =	sadd.s32 $0x400, s10;
	_ =	swait.ge [sflag:s28], $0x4000  }
0x16c: {  	s11 =	sshra.s32 s11, $0x2;
	[sflag:s28] =	ssyncset.done $0x0  }
0x16d: {  	s16 =	sadd.s32 $0x15400, s11;
	[sflag:s28] =	ssyncadd.s32 $0xFFFFC000  }
0x16e: {  	[spmem:s1] =	stream.indirect.scatter.add.f32 [tilespmem:s20], [sflag:$0x3], $0x80, s16, s24, $0xb8;
	[tilespmem:$0x1EC00] =	vst v63  }
0x16f: {  	_ =	swait.ge [sflag:s29], $0x4000  }
0x170: {  	[sflag:s29] =	ssyncset.done $0x0  }
0x171: {  	s16 =	sadd.s32 $0x13D00, s11;
	[sflag:s29] =	ssyncadd.s32 $0xFFFFC000  }
0x172: {  	[tilespmem:s20], [sflag:$0x1] =	stream.indirect.gather [hbm4b:s4+s24], $0x80, s16, s24, $0xb8;
	[tilespmem:$0x1EC00] =	vst v63  }
0x173: {  	_ =	swait.ge [sflag:s30], $0x4000  }
0x174: {  	[sflag:s30] =	ssyncset.done $0x0  }
.Ltmp8:
0x175: {  	s16 =	sadd.s32 $0x15480, s11;
	[sflag:s30] =	ssyncadd.s32 $0xFFFFC000;
	(pc) =	sbr.rel @!p1 .LBB2_7-.Ltmp8, $4  }
0x176: {  	[spmem:s1] =	stream.indirect.scatter.add.f32 [tilespmem:s26], [sflag:$0x4], $0x80, s16, s24, $0xb8;
	[tilespmem:$0x1EC00] =	vst v63  }
0x177: {  	_ =	swait.ge [sflag:s31], $0x4000  }
0x178: {  	[sflag:s31] =	ssyncset.done $0x0  }
0x179: {  	s16 =	sadd.s32 $0x13D80, s11;
	[sflag:s31] =	ssyncadd.s32 $0xFFFFC000  }
.Ltmp9:
0x17a: {  	_ = 	snop;
	(pc) =	sbr.rel .LBB2_8-.Ltmp9, $1  }
0x17b: {  	_ =	sdelay $0x3  }
.LBB2_15:
0x17c: {  	_ =	sfence.sel $0x180000  }
0x17d: {  	[bflag:$0x0] =	sbarrier.arrive $0xFFFF  }
0x17e: {  	_ =	strace $0x9000004A  }
0x17f: {  	[bflag:$0x2] =	sbarrier.arrive $0xFFFF  }
0x180: {  	p0 =	sne.s32 s2, $0x0;
	s0 =	rddreg [dreg:$0x2]  }
0x181: {  	s0 =	sadd.s32 @!p0 $0x100000, s0  }
0x182: {  	[sflag:s0] =	ssyncadd.tile.s32 @!p0 $0x1;
	_ =	shalt  }
.Lfunc_end2:
_tile_overlayer_lowered:
.L_overlay_start_2:
0x183: {  	(tag) =	ssettag $0x2  }
0x184: {  	s0 =	rddreg [dreg:$0x0];
	s2 =	stileid.u32  }
0x185: {  	s1 =	rddreg [dreg:$0x1];
	p0 =	sne.s32 s2, $0x0  }
0x186: {  	s3 =	rddreg [dreg:$0x2];
	[bflag:$0x3] =	sbarrier.arrive $0xFFFF;
	s2 =	simm.s32 @!p0 $0x1C05  }
0x187: {  	[timem:s3], [sflag:s2] =	dma.local @!p0 [hbm:s0], s1  }
0x188: {  	s0 =	simm.s32 @!p0 $0x5  }
0x189: {  	_ =	swait.ge @!p0 [sflag:s0], s1  }
0x18a: {  	s1 =	ssub.s32 @!p0 $0x0, s1;
	[sflag:s0] =	ssyncset.done @!p0 $0x0  }
0x18b: {  	[sflag:s0] =	ssyncadd.s32 @!p0 s1  }
0x18c: {  	[bflag:$0x3] =	sbarrier.arrive $0xFFFF  }
0x18d: {  	_ =	shalt  }

// kernel: kernel.15.cloned.1.call-start
scs
__scs_entry_jumppad:
0x0: {  	(pc) =	sbr.rel $0x88, $3  }
0x1: {  	(tag) =	ssettag $0x0;
	lr =	simm.s32 $0x1  }
0x2: {  	[smem:$0x3F97] =	sst lr;
	_ =	strace $0xD0000000  }
0x3: {  	_ = 	snop  }
0x4: {  	_ = 	snop  }
0x5: {  	_ = 	snop  }
0x6: {  	_ = 	snop  }
0x7: {  	_ = 	snop  }
__scs_overlays_trampoline_lowered:
0x8: {  	[smem:$0x3FA6] =	sst s0  }
0x9: {  	[smem:$0x3FA7] =	sst s1  }
0xa: {  	[smem:$0x3FA8] =	sst s2  }
0xb: {  	[smem:$0x3FA9] =	sst s3  }
0xc: {  	[smem:$0x3FAA] =	sst s4  }
0xd: {  	[smem:$0x3FAB] =	sst s5  }
0xe: {  	[smem:$0x3FAC] =	sst s6  }
0xf: {  	[smem:$0x3FAD] =	sst s7  }
0x10: {  	[smem:$0x3FAE] =	sst s8  }
0x11: {  	[smem:$0x3FAF] =	sst s9;
	s0 =	simm.s32 @!p0 $0x0  }
0x12: {  	s1 =	sld [smem:$0x3F95];
	s0 =	simm.s32 @p0 $0x1  }
0x13: {  	[smem:$0x3FB0] =	sst s0;
	s0 =	simm.s32 @!p1 $0x0  }
0x14: {  	s2 =	sld [smem:$0x3F94];
	s0 =	simm.s32 @p1 $0x1  }
0x15: {  	[smem:$0x3FB1] =	sst s0;
	s0 =	simm.s32 @!p2 $0x0  }
0x16: {  	s3 =	sld [smem:$0x3FDB];
	s0 =	simm.s32 @p2 $0x1  }
0x17: {  	s4 =	simm.s32 $0x1BF5;
	[smem:$0x3FB3] =	sst s0  }
0x18: {  	s0 =	sld [smem:$0x3F96];
	_ =	swait.ge [sflag:s4], $0x0  }
0x19: {  	s7 =	sld [smem:$0x3F97]  }
0x1a: {  	s8 =	sadd.s32 $0xFFFFE003, lr  }
0x1b: {  	s9 =	sadd.s32 $0xFFFFFEF7, lr;
	s5 =	simm.s32 $0xFFFFFFFF;
	p2 =	slt.u32 s8, $0xFFFFF086  }
0x1c: {  	p1 =	slt.u32 s9, $0xF7A;
	s5 =	simm.s32 @!p2 $0x0  }
0x1d: {  	s5 =	simm.s32 @p1 $0x1;
	p0 =	seq.s32 s7, s2  }
0x1e: {  	s7 =	smul.u32 @!p0 $0xF7A, s2;
	p2 =	seq.s32 @!p0 s5, $0x0  }
0x1f: {  	s9 =	smul.u32 $0xF7A, s1;
	s8 =	simm.s32 @!p0 $0x1BF5;
	p2 =	por !p2, p0  }
0x20: {  	[sflag:s8] =	ssyncset.s32 @!p0 $0xFFFFF086;
	s6 =	sadd.s32 @!p0 s3, s7;
	s7 =	simm.s32 @!p0 $0x108  }
0x21: {  	s3 =	sadd.s32 s3, s9;
	s6 =	sadd.s32 @!p0 $0x88, s6;
	s7 =	simm.s32 @p2 $0x1082  }
0x22: {  	[simem:s7], [sflag:s8] =	dma.local @!p0 [hbm:s6], $0xF7A  }
0x23: {  	s9 =	sor.u32 $0xD0000000, s2;
	s6 =	simm.s32 $0x108;
	_ =	swait.ge @!p0 [sflag:s8], $0x0  }
0x24: {  	s3 =	sadd.s32 $0x88, s3;
	s6 =	simm.s32 @!p1 $0x1082;
	[sflag:s4] =	ssyncset.s32 $0xFFFFF086  }
0x25: {  	[simem:s6], [sflag:s4] =	dma.local [hbm:s3], $0xF7A  }
0x26: {  	[smem:$0x3F97] =	sst s1;
	(tag) =	ssettag s2;
	_ =	strace s9  }
0x27: {  	s1 =	sld [smem:$0x3FA7]  }
0x28: {  	s2 =	sld [smem:$0x3FA8]  }
0x29: {  	s4 =	sld [smem:$0x3FAA]  }
0x2a: {  	p0 =	seq.s32 s5, $0x0;
	s5 =	sld [smem:$0x3FAB]  }
0x2b: {  	s6 =	sld [smem:$0x3FAC]  }
0x2c: {  	s7 =	sld [smem:$0x3FAD]  }
0x2d: {  	s3 =	simm.s32 $0x108;
	s8 =	sld [smem:$0x3FAE]  }
0x2e: {  	s3 =	simm.s32 @!p0 $0x1082;
	s9 =	sld [smem:$0x3FAF]  }
0x2f: {  	lr =	sadd.s32 s0, s3;
	s0 =	sld [smem:$0x3FA6]  }
0x30: {  	s3 =	sld [smem:$0x3FA9]  }
0x31: {  	[smem:$0x3FB2] =	sst s10  }
0x32: {  	s10 =	sld [smem:$0x3FB0];
	_ =	sdelay $0x3  }
0x33: {  	p0 =	seq.s32 s10, $0x1;
	s10 =	sld [smem:$0x3FB2];
	_ =	sdelay $0x3  }
0x34: {  	[smem:$0x3FB2] =	sst s10  }
0x35: {  	s10 =	sld [smem:$0x3FB1];
	_ =	sdelay $0x3  }
0x36: {  	p1 =	seq.s32 s10, $0x1;
	s10 =	sld [smem:$0x3FB2];
	_ =	sdelay $0x3  }
0x37: {  	[smem:$0x3FB2] =	sst s10  }
0x38: {  	s10 =	sld [smem:$0x3FB3]  }
0x39: {  	_ = 	snop;
	(pc) =	sbr.ind lr, $3  }
0x3a: {  	_ = 	snop  }
0x3b: {  	_ = 	snop  }
0x3c: {  	p2 =	seq.s32 s10, $0x1;
	s10 =	sld [smem:$0x3FB2]  }
0x3d: {  	_ =	shalt  }
0x3e: {  	_ =	shalt  }
0x3f: {  	_ =	shalt  }
0x40: {  	_ =	shalt  }
0x41: {  	_ =	shalt  }
0x42: {  	_ =	shalt  }
0x43: {  	_ =	shalt  }
0x44: {  	_ =	shalt  }
0x45: {  	_ =	shalt  }
0x46: {  	_ =	shalt  }
0x47: {  	_ =	shalt  }
0x48: {  	_ =	shalt  }
0x49: {  	_ =	shalt  }
0x4a: {  	_ =	shalt  }
0x4b: {  	_ =	shalt  }
0x4c: {  	_ =	shalt  }
0x4d: {  	_ =	shalt  }
0x4e: {  	_ =	shalt  }
0x4f: {  	_ =	shalt  }
0x50: {  	_ =	shalt  }
0x51: {  	_ =	shalt  }
0x52: {  	_ =	shalt  }
0x53: {  	_ =	shalt  }
0x54: {  	_ =	shalt  }
0x55: {  	_ =	shalt  }
0x56: {  	_ =	shalt  }
0x57: {  	_ =	shalt  }
0x58: {  	_ =	shalt  }
0x59: {  	_ =	shalt  }
0x5a: {  	_ =	shalt  }
0x5b: {  	_ =	shalt  }
0x5c: {  	_ =	shalt  }
0x5d: {  	_ =	shalt  }
0x5e: {  	_ =	shalt  }
0x5f: {  	_ =	shalt  }
0x60: {  	_ =	shalt  }
0x61: {  	_ =	shalt  }
0x62: {  	_ =	shalt  }
0x63: {  	_ =	shalt  }
0x64: {  	_ =	shalt  }
0x65: {  	_ =	shalt  }
0x66: {  	_ =	shalt  }
0x67: {  	_ =	shalt  }
0x68: {  	_ =	shalt  }
0x69: {  	_ =	shalt  }
0x6a: {  	_ =	shalt  }
0x6b: {  	_ =	shalt  }
0x6c: {  	_ =	shalt  }
0x6d: {  	_ =	shalt  }
0x6e: {  	_ =	shalt  }
0x6f: {  	_ =	shalt  }
0x70: {  	_ =	shalt  }
0x71: {  	_ =	shalt  }
0x72: {  	_ =	shalt  }
0x73: {  	_ =	shalt  }
0x74: {  	_ =	shalt  }
0x75: {  	_ =	shalt  }
0x76: {  	_ =	shalt  }
0x77: {  	_ =	shalt  }
0x78: {  	_ =	shalt  }
0x79: {  	_ =	shalt  }
0x7a: {  	_ =	shalt  }
0x7b: {  	_ =	shalt  }
0x7c: {  	_ =	shalt  }
0x7d: {  	_ =	shalt  }
0x7e: {  	_ =	shalt  }
0x7f: {  	_ =	shalt  }
0x80: {  	_ =	shalt  }
0x81: {  	_ =	shalt  }
0x82: {  	_ =	shalt  }
0x83: {  	_ =	shalt  }
0x84: {  	_ =	shalt  }
0x85: {  	_ =	shalt  }
0x86: {  	_ =	shalt  }
0x87: {  	_ =	shalt  }
.Lfunc_end0:
.L_simem_size_0:
called_computation.2_lowered:
.L_overlay_start_0:
0x88: {  	s2 =	sld [smem:$0x3FD9]  }
0x89: {  	s3 =	sld [smem:$0x3FFE];
	_ =	sdelay $0x1  }
0x8a: {  	s1 =	srdreg.scid  }
0x8b: {  	s0 =	sand.u32 $0x1, s1  }
0x8c: {  	s16 =	sshll.u32 s0, $0xA;
	s2 =	sadd.s32 s3, s2  }
0x8d: {  	s2 =	sadd.s32 s2, s16  }
0x8e: {  	[smem:$0x3FBE] =	sst s2  }
0x8f: {  	_ = 	snop  }
0x90: {  	(tm) =	ssettm $0x1  }
0x91: {  	s17 =	sld [smem:$0x3FFB];
	_ =	sdelay $0x3  }
0x92: {  	_ =	strace s17  }
0x93: {  	s2 =	sld [smem:$0x3FFC];
	_ =	sdelay $0x3  }
0x94: {  	_ =	strace s2  }
0x95: {  	s2 =	sld [smem:$0x3FFD];
	_ =	sdelay $0x3  }
0x96: {  	_ =	strace s2  }
0x97: {  	_ =	strace $0x8FFFFFFF  }
0x98: {  	s18 =	sld [smem:$0x3FDB];
	_ =	sdelay $0x1  }
0x99: {  	s19 =	simm.s32 $_scs_section_size  }
0x9a: {  	s4 =	simm.s32 $_size__tile_overlayer_lowered;
	s5 =	simm.s32 $_tile_overlayer_lowered  }
0x9b: {  	s22 =	simm.s32 $0x1BFF;
	s21 =	sshll.u32 s5, $0x1;
	s2 =	sadd.s32 s19, s18  }
0x9c: {  	s6 =	simm.s32 $0x0;
	s20 =	sshll.u32 s4, $0x1;
	s4 =	sadd.s32 s21, s2  }
0x9d: {  	[timem:s6], [sflag:s22] =	dma.local [hbm:s4], s20  }
0x9e: {  	_ =	swait.ge [sflag:s22], s20  }
0x9f: {  	s3 =	ssub.s32 $0x0, s20;
	[sflag:s22] =	ssyncset.done $0x0  }
0xa0: {  	[sflag:s22] =	ssyncadd.s32 s3;
	_ =	sdelay $0x1  }
0xa1: {  	s23 =	simm.s32 $0x1B8B  }
0xa2: {  	_ =	swait.ge [sflag:s23], $0x1  }
0xa3: {  	[sflag:s23] =	ssyncset.done $0x0  }
0xa4: {  	s25 =	simm.s32 $0x1B8E;
	s24 =	sld [smem:$0x3FFE];
	[sflag:s23] =	ssyncadd.s32 $0xFFFFFFFF  }
0xa5: {  	s26 =	simm.s32 $execute0_lowered;
	[smem:$0x3FD2] =	sst s25  }
0xa6: {  	s4 =	sshll.u32 s26, $0x1;
	_ =	strace $0x8000004C;
	[dreg:$0x1] =	wrdreg $0xFFFFFFFF  }
0xa7: {  	s28 =	simm.s32 $_size_execute0_lowered;
	s2 =	sadd.s32 s2, s4;
	[dreg:$0x0] =	wrdreg $0x0  }
0xa8: {  	s4 =	sshll.u32 s28, $0x1;
	[dreg:$0x2] =	wrdreg s2  }
0xa9: {  	[dreg:$0x3] =	wrdreg s4  }
0xaa: {  	[dreg:$0x4] =	wrdreg $0xC0  }
0xab: {  	_ =	task [dreg:s6], $0x5FFFF  }
0xac: {  	[dreg:$0x1] =	wrdreg $0xFFFFFFFF  }
0xad: {  	[dreg:$0x0] =	wrdreg $0x60  }
0xae: {  	[dreg:$0x2] =	wrdreg s24  }
0xaf: {  	[dreg:$0x3] =	wrdreg $0x0  }
0xb0: {  	[dreg:$0x4] =	wrdreg $0x9  }
0xb1: {  	_ =	task.clear_ibuf [dreg:s6], $0x5FFFF;
	_ =	strace $0x9000004C  }
0xb2: {  	s29 =	simm.s32 $0x9;
	_ =	strace $0x8000004E  }
0xb3: {  	_ =	swait.ge [sflag:s29], $0x1  }
0xb4: {  	[sflag:s29] =	ssyncadd.s32 $0xFFFFFFFF  }
0xb5: {  	_ =	strace $0x9000004E  }
0xb6: {  	_ =	sfence  }
0xb7: {  	s30 =	sld [smem:$0x0];
	_ =	sdelay $0x2  }
0xb8: {  	s31 =	sshll.u32 s1, $0xD;
	s1 =	sshrl.u32 s1, $0x2  }
0xb9: {  	s3 =	sand.u32 $0x4000, s31;
	s1 =	sadd.s32 s1, s30  }
0xba: {  	s0 =	sor.u32 s3, s0;
	s1 =	sshll.u32 s1, $0x11  }
0xbb: {  	s0 =	sor.u32 s1, s0  }
0xbc: {  	s0 =	sadd.s32 $0x8F2B, s0  }
0xbd: {  	[sflag:s0] =	ssyncadd.remote.s32 $0x1  }
0xbe: {  	_ =	sfence.sel $0xFFFF  }
0xbf: {  	[dreg:$0x0] =	wrdreg $0xFFFFFFFF;
	(pc) =	sbr.abs _section_cstart, $3  }
0xc0: {  	[dreg:$0x1] =	wrdreg $0xFFFFFFFF  }
0xc1: {  	_ =	task.clear_ibuf [dreg:s6], $0x2FFFF;
	_ =	strace $0x9FFFFFFF  }
0xc2: {  	(tm) =	ssettm $0x7FFFFFFF  }
0xc3: {  	_ =	shalt  }
tec
execute0_lowered:
.L_overlay_start_1:
0x0: {  	(tag) =	ssettag $0x1  }
0x1: {  	s0 =	rddreg [dreg:$0x0]  }
0x2: {  	s1 =	rddreg [dreg:$0x1]  }
0x3: {  	s2 =	srdreg.scid;
	s3 =	simm.s32 $0x0;
	s28 =	simm.s32 $0x1  }
0x4: {  	s29 =	simm.s32 $0x3;
	s30 =	simm.s32 $0x2;
	s10 =	sand.u32 $0x1, s2  }
0x5: {  	s31 =	simm.s32 $0x4;
	s2 =	stileid.u32;
	s5 =	smul.u32 $0x13C000, s10  }
0x6: {  	[smem:$0x7FF] =	sst s3;
	s4 =	sadd.s32 $0x7A400, s0;
	s6 =	smul.u32 $0x13C00, s2  }
0x7: {  	s11 =	sadd.s32 $0xD400, s0;
	s12 =	sadd.s32 $0x3400, s0;
	s17 =	smul.u32 $0x4F000, s2  }
0x8: {  	_ =	strace $0x8000004D;
	s7 =	ssub.s32 $0x2, s10;
	s13 =	smul.u32 $0x600, s2  }
0x9: {  	s15 =	smul.u32 $0x3000, s2;
	p0 =	seq.s32 s10, $0x1;
	s22 =	sshll.u32 s2, $0xA  }
0xa: {  	s19 =	sshrl.u32 s7, $0x1;
	s24 =	sadd.s32 $0x6000, s22;
	s26 =	sadd.s32 $0x6200, s22  }
0xb: {  	s22 =	simm.s32 $0x13C00;
	s5 =	sadd.s32 s6, s5;
	s18 =	sshrl.u32 s17, $0x2  }
0xc: {  	s14 =	ssub.s32 s7, s19;
	s20 =	sadd.s32 s11, s13;
	s21 =	sshrl.u32 s15, $0x3  }
0xd: {  	s13 =	sadd.s32 s12, s13;
	s25 =	sadd.s32 s11, s24;
	[dreg:$0x3] =	wrdreg s20  }
0xe: {  	s17 =	sadd.s32 s12, s26;
	s15 =	simm.s32 $0x16A80;
	[dreg:$0x4] =	wrdreg s13  }
0xf: {  	s5 =	sshrl.u32 s5, $0x3;
	s10 =	sadd.s32 $0x300, s21;
	[dreg:$0x7] =	wrdreg s25  }
0x10: {  	s19 =	smax.u32 s14, $0x1;
	s20 =	simm.s32 $0x16C00;
	s21 =	simm.s32 $0x5  }
0x11: {  	s25 =	simm.s32 $0x13C80;
	s13 =	simm.s32 $0x16A00;
	s14 =	simm.s32 $0x15300  }
0x12: {  	s0 =	sadd.s32 s5, s0;
	s5 =	sadd.s32 s18, s1;
	s23 =	sadd.s32 s11, s10  }
0x13: {  	s10 =	sadd.s32 s12, s10;
	s11 =	sadd.s32 s11, s26;
	s26 =	simm.s32 $0x1AC00  }
.Ltmp0:
0x14: {  	s6 =	sadd.s32 $0x4000, s5;
	[dreg:$0x5] =	wrdreg s23;
	(pc) =	sbr.rel .LBB2_1-.Ltmp0, $4  }
0x15: {  	s7 =	sadd.s32 $0x8000, s5;
	s8 =	sadd.s32 $0xC000, s5;
	[dreg:$0x6] =	wrdreg s10  }
0x16: {  	s9 =	sadd.s32 $0x10000, s5;
	s10 =	sadd.s32 s12, s24;
	[dreg:$0x9] =	wrdreg s11  }
0x17: {  	s18 =	sadd.s32 $0xA1C00, s0;
	s23 =	simm.s32 $0x15400;
	s24 =	simm.s32 $0x80  }
0x18: {  	v0 =	vimm.f32 $0.0e+00;
	s12 =	simm.s32 $0x14B80;
	s0 =	simm.s32 $0x15380;
	[dreg:$0x8] =	wrdreg s10  }
.LBB2_8:
0x19: {  	[tilespmem:s26], [sflag:$0x2] =	stream.indirect.gather [hbm4b:s4+s24], $0x80, s16, s24, $0xb8;
	[tilespmem:$0x1EC00] =	vst v63  }
0x1a: {  	_ =	swait.ge [sflag:s28], $0x4000  }
0x1b: {  	[sflag:s28] =	ssyncset.done $0x0  }
0x1c: {  	[sflag:s28] =	ssyncadd.s32 $0xFFFFC000  }
0x1d: {  	[spmem:s1] =	stream.indirect.scatter.add.f32 [tilespmem:s20], [sflag:$0x3], $0x80, s13, s24, $0xb8;
	[tilespmem:$0x1EC00] =	vst v63  }
0x1e: {  	_ =	swait.ge [sflag:s29], $0x4000  }
0x1f: {  	[sflag:s29] =	ssyncset.done $0x0  }
0x20: {  	[sflag:s29] =	ssyncadd.s32 $0xFFFFC000  }
0x21: {  	[tilespmem:s20], [sflag:$0x1] =	stream.indirect.gather [hbm4b:s4+s24], $0x80, s14, s24, $0xb8;
	[tilespmem:$0x1EC00] =	vst v63  }
0x22: {  	_ =	swait.ge [sflag:s30], $0x4000  }
0x23: {  	[sflag:s30] =	ssyncset.done $0x0  }
0x24: {  	[sflag:s30] =	ssyncadd.s32 $0xFFFFC000  }
0x25: {  	[spmem:s1] =	stream.indirect.scatter.add.f32 [tilespmem:s26], [sflag:$0x4], $0x80, s15, s24, $0xb8;
	[tilespmem:$0x1EC00] =	vst v63  }
0x26: {  	_ =	swait.ge [sflag:s31], $0x4000  }
0x27: {  	s10 =	simm.s32 $0x15380;
	[sflag:s31] =	ssyncset.done $0x0  }
0x28: {  	s16 =	simm.s32 $0x16B80;
	s11 =	simm.s32 $0x16B00;
	[sflag:s31] =	ssyncadd.s32 $0xFFFFC000  }
0x29: {  	[tilespmem:s26], [sflag:$0x2] =	stream.indirect.gather [hbm4b:s4+s24], $0x80, s10, s24, $0xb8;
	[tilespmem:$0x1EC00] =	vst v63  }
.LBB2_14:
0x2a: {  	_ =	swait.ge [sflag:s28], $0x4000  }
0x2b: {  	[sflag:s28] =	ssyncset.done $0x0  }
0x2c: {  	[sflag:s28] =	ssyncadd.s32 $0xFFFFC000  }
0x2d: {  	[spmem:s1] =	stream.indirect.scatter.add.f32 [tilespmem:s20], [sflag:$0x3], $0x80, s11, s24, $0xb8;
	[tilespmem:$0x1EC00] =	vst v63  }
0x2e: {  	_ =	swait.ge [sflag:s29], $0x4000  }
0x2f: {  	[sflag:s29] =	ssyncset.done $0x0  }
0x30: {  	[sflag:s29] =	ssyncadd.s32 $0xFFFFC000  }
0x31: {  	[tilespmem:s20], [sflag:$0x1] =	stream.indirect.gather [hbm4b:s4+s24], $0x80, s10, s24, $0xb8;
	[tilespmem:$0x1EC00] =	vst v63  }
0x32: {  	_ =	swait.ge [sflag:s30], $0x4000  }
0x33: {  	[sflag:s30] =	ssyncset.done $0x0  }
0x34: {  	[sflag:s30] =	ssyncadd.s32 $0xFFFFC000  }
0x35: {  	[spmem:s1] =	stream.indirect.scatter.add.f32 [tilespmem:s26], [sflag:$0x4], $0x80, s16, s24, $0xb8;
	[tilespmem:$0x1EC00] =	vst v63  }
0x36: {  	_ =	swait.ge [sflag:s31], $0x4000  }
0x37: {  	[sflag:s31] =	ssyncset.done $0x0  }
0x38: {  	[sflag:s31] =	ssyncadd.s32 $0xFFFFC000  }
0x39: {  	[tilespmem:s26], [sflag:$0x2] =	stream.indirect.gather [hbm4b:s4+s24], $0x80, s10, s24, $0xb8;
	[tilespmem:$0x1EC00] =	vst v63  }
0x3a: {  	_ =	swait.ge [sflag:s28], $0x4000  }
0x3b: {  	[sflag:s28] =	ssyncset.done $0x0  }
0x3c: {  	[sflag:s28] =	ssyncadd.s32 $0xFFFFC000  }
0x3d: {  	s3 =	sadd.s32 $0x1, s3;
	_ =	swait.ge [sflag:s30], $0x4000  }
0x3e: {  	p1 =	sne.s32 s3, s19;
	[sflag:s30] =	ssyncset.done $0x0  }
0x3f: {  	s11 =	sshll.u32 s2, $0x6;
	s16 =	sshrl.u32 s5, $0x3;
	[sflag:s30] =	ssyncadd.s32 $0xFFFFC000  }
.Ltmp1:
0x40: {  	s10 =	sor.u32 $0x1C05, s11;
	[bflag:$0x0] =	sbarrier.arrive $0xFFFF;
	(pc) =	sbr.rel @!p1 .LBB2_15-.Ltmp1, $4  }
0x41: {  	[hbm:s18], [sflag:s10] =	dma.local [spmem:s16], $0x2780  }
0x42: {  	_ =	swait.ge [sflag:s21], $0x2780  }
0x43: {  	[sflag:s21] =	ssyncset.done $0x0  }
0x44: {  	[sflag:s21] =	ssyncadd.s32 $0xFFFFD880  }
.LBB2_1:
0x45: {  	s10 =	simm.s32 $0x0;
	s16 =	simm.s32 $0x200  }
.LBB2_2:
0x46: {  	p1 =	sne.s32 s16, $0xFE00;
	[tilespmem:s10+$0x16C70] =	vst v0  }
0x47: {  	[tilespmem:s10+$0x16C00] =	vst v0  }
0x48: {  	[tilespmem:s10+$0x16C10] =	vst v0  }
.Ltmp2:
0x49: {  	[tilespmem:s10+$0x16C20] =	vst v0;
	(pc) =	sbr.rel @p1 .LBB2_2-.Ltmp2, $4  }
0x4a: {  	[tilespmem:s10+$0x16C30] =	vst v0  }
0x4b: {  	[tilespmem:s10+$0x16C40] =	vst v0  }
0x4c: {  	[tilespmem:s10+$0x16C50] =	vst v0  }
0x4d: {  	[tilespmem:s10+$0x16C60] =	vst v0;
	s10 =	sshra.s32 s16, $0x2;
	s16 =	sadd.s32 $0x200, s16  }
0x4e: {  	[tilespmem:s10+$0x16C70] =	vst v0  }
0x4f: {  	[tilespmem:s10+$0x16C00] =	vst v0  }
0x50: {  	[tilespmem:s10+$0x16C10] =	vst v0  }
0x51: {  	[tilespmem:s10+$0x16C20] =	vst v0  }
0x52: {  	[tilespmem:s10+$0x16C30] =	vst v0  }
0x53: {  	[tilespmem:s10+$0x16C40] =	vst v0  }
0x54: {  	[tilespmem:s10+$0x16C50] =	vst v0  }
0x55: {  	[tilespmem:s10+$0x16C60] =	vst v0  }
0x56: {  	[spmem:s5] =	stream.linear.scatter [tilespmem:s20], [sflag:$0x5], $0x4000, $0x38;
	[tilespmem:$0x1EC00] =	vst v63  }
0x57: {  	_ =	swait.ge [sflag:s21], $0x4000  }
0x58: {  	[sflag:s21] =	ssyncset.done $0x0  }
0x59: {  	[sflag:s21] =	ssyncadd.s32 $0xFFFFC000  }
0x5a: {  	[spmem:s6] =	stream.linear.scatter [tilespmem:s20], [sflag:$0x5], $0x4000, $0x38;
	[tilespmem:$0x1EC00] =	vst v63  }
0x5b: {  	_ =	swait.ge [sflag:s21], $0x4000  }
0x5c: {  	[sflag:s21] =	ssyncset.done $0x0  }
0x5d: {  	[sflag:s21] =	ssyncadd.s32 $0xFFFFC000  }
0x5e: {  	[spmem:s7] =	stream.linear.scatter [tilespmem:s20], [sflag:$0x5], $0x4000, $0x38;
	[tilespmem:$0x1EC00] =	vst v63  }
0x5f: {  	_ =	swait.ge [sflag:s21], $0x4000  }
0x60: {  	[sflag:s21] =	ssyncset.done $0x0  }
0x61: {  	[sflag:s21] =	ssyncadd.s32 $0xFFFFC000  }
0x62: {  	[spmem:s8] =	stream.linear.scatter [tilespmem:s20], [sflag:$0x5], $0x4000, $0x38;
	[tilespmem:$0x1EC00] =	vst v63  }
0x63: {  	_ =	swait.ge [sflag:s21], $0x4000  }
0x64: {  	[sflag:s21] =	ssyncset.done $0x0  }
0x65: {  	[sflag:s21] =	ssyncadd.s32 $0xFFFFC000  }
0x66: {  	[spmem:s9] =	stream.linear.scatter [tilespmem:s20], [sflag:$0x5], $0x3C00, $0x38;
	[tilespmem:$0x1EC00] =	vst v63  }
.Ltmp3:
0x67: {  	_ =	swait.ge [sflag:s21], $0x3C00;
	(pc) =	sbr.rel @!p0 .LBB2_4-.Ltmp3, $4  }
0x68: {  	[sflag:s21] =	ssyncset.done $0x0  }
0x69: {  	[sflag:s21] =	ssyncadd.s32 $0xFFFFC400  }
0x6a: {  	[bflag:$0x0] =	sbarrier.arrive $0xFFFF  }
0x6b: {  	s10 =	simm.s32 $0x0  }
0x6c: {  	s11 =	rddreg [dreg:$0x7]  }
0x6d: {  	[tilespmem:s22], [sflag:$0x5] =	stream.linear.gather [hbm4b:s11+s10], $0x1000, $0x38;
	[tilespmem:$0x1EC00] =	vst v63  }
0x6e: {  	_ =	swait.ge [sflag:s21], $0x1000  }
0x6f: {  	[sflag:s21] =	ssyncset.done $0x0  }
0x70: {  	s16 =	rddreg [dreg:$0x8];
	[sflag:s21] =	ssyncadd.s32 $0xFFFFF000  }
0x71: {  	[tilespmem:s23], [sflag:$0x5] =	stream.linear.gather [hbm4b:s16+s10], $0x1000, $0x38;
	[tilespmem:$0x1EC00] =	vst v63  }
0x72: {  	_ =	swait.ge [sflag:s21], $0x1000  }
0x73: {  	[sflag:s21] =	ssyncset.done $0x0  }
0x74: {  	[sflag:s21] =	ssyncadd.s32 $0xFFFFF000  }
0x75: {  	[tilespmem:s20], [sflag:$0x1] =	stream.indirect.gather [hbm4b:s4+s24], $0x80, s22, s24, $0xb8;
	[tilespmem:$0x1EC00] =	vst v63  }
0x76: {  	_ = 	snop  }
0x77: {  	[tilespmem:s26], [sflag:$0x2] =	stream.indirect.gather [hbm4b:s4+s24], $0x80, s25, s24, $0xb8;
	[tilespmem:$0x1EC00] =	vst v63  }
0x78: {  	_ =	swait.ge [sflag:s28], $0x4000  }
0x79: {  	[sflag:s28] =	ssyncset.done $0x0  }
0x7a: {  	s16 =	simm.s32 $0x15400;
	[sflag:s28] =	ssyncadd.s32 $0xFFFFC000  }
0x7b: {  	[spmem:s1] =	stream.indirect.scatter.add.f32 [tilespmem:s20], [sflag:$0x3], $0x80, s16, s24, $0xb8;
	[tilespmem:$0x1EC00] =	vst v63  }
0x7c: {  	_ =	swait.ge [sflag:s29], $0x4000  }
0x7d: {  	[sflag:s29] =	ssyncset.done $0x0  }
0x7e: {  	s11 =	simm.s32 $0x13D00;
	[sflag:s29] =	ssyncadd.s32 $0xFFFFC000  }
0x7f: {  	[tilespmem:s20], [sflag:$0x1] =	stream.indirect.gather [hbm4b:s4+s24], $0x80, s11, s24, $0xb8;
	[tilespmem:$0x1EC00] =	vst v63  }
0x80: {  	_ =	swait.ge [sflag:s30], $0x4000  }
0x81: {  	[sflag:s30] =	ssyncset.done $0x0  }
0x82: {  	s16 =	simm.s32 $0x15480;
	[sflag:s30] =	ssyncadd.s32 $0xFFFFC000  }
0x83: {  	[spmem:s1] =	stream.indirect.scatter.add.f32 [tilespmem:s26], [sflag:$0x4], $0x80, s16, s24, $0xb8;
	[tilespmem:$0x1EC00] =	vst v63  }
0x84: {  	_ =	swait.ge [sflag:s31], $0x4000  }
0x85: {  	[sflag:s31] =	ssyncset.done $0x0  }
0x86: {  	s10 =	simm.s32 $0x400;
	s16 =	simm.s32 $0x13D80;
	[sflag:s31] =	ssyncadd.s32 $0xFFFFC000  }
.LBB2_10:
0x87: {  	[tilespmem:s26], [sflag:$0x2] =	stream.indirect.gather [hbm4b:s4+s24], $0x80, s16, s24, $0xb8;
	[tilespmem:$0x1EC00] =	vst v63  }
0x88: {  	s11 =	smov.u32 s10  }
0x89: {  	p1 =	sne.s32 s10, $0x3400;
	s10 =	sadd.s32 $0x400, s10;
	_ =	swait.ge [sflag:s28], $0x4000  }
0x8a: {  	s11 =	sshra.s32 s11, $0x2;
	[sflag:s28] =	ssyncset.done $0x0  }
0x8b: {  	s16 =	sadd.s32 $0x15400, s11;
	[sflag:s28] =	ssyncadd.s32 $0xFFFFC000  }
0x8c: {  	[spmem:s1] =	stream.indirect.scatter.add.f32 [tilespmem:s20], [sflag:$0x3], $0x80, s16, s24, $0xb8;
	[tilespmem:$0x1EC00] =	vst v63  }
0x8d: {  	_ =	swait.ge [sflag:s29], $0x4000  }
0x8e: {  	[sflag:s29] =	ssyncset.done $0x0  }
0x8f: {  	s16 =	sadd.s32 $0x13D00, s11;
	[sflag:s29] =	ssyncadd.s32 $0xFFFFC000  }
0x90: {  	[tilespmem:s20], [sflag:$0x1] =	stream.indirect.gather [hbm4b:s4+s24], $0x80, s16, s24, $0xb8;
	[tilespmem:$0x1EC00] =	vst v63  }
0x91: {  	_ =	swait.ge [sflag:s30], $0x4000  }
0x92: {  	[sflag:s30] =	ssyncset.done $0x0  }
.Ltmp4:
0x93: {  	s16 =	sadd.s32 $0x15480, s11;
	[sflag:s30] =	ssyncadd.s32 $0xFFFFC000;
	(pc) =	sbr.rel @p1 .LBB2_10-.Ltmp4, $4  }
0x94: {  	[spmem:s1] =	stream.indirect.scatter.add.f32 [tilespmem:s26], [sflag:$0x4], $0x80, s16, s24, $0xb8;
	[tilespmem:$0x1EC00] =	vst v63  }
0x95: {  	_ =	swait.ge [sflag:s31], $0x4000  }
0x96: {  	[sflag:s31] =	ssyncset.done $0x0  }
0x97: {  	s16 =	sadd.s32 $0x13D80, s11;
	[sflag:s31] =	ssyncadd.s32 $0xFFFFC000  }
0x98: {  	[tilespmem:s26], [sflag:$0x2] =	stream.indirect.gather [hbm4b:s4+s24], $0x80, s16, s24, $0xb8;
	[tilespmem:$0x1EC00] =	vst v63  }
0x99: {  	_ =	swait.ge [sflag:s28], $0x4000  }
0x9a: {  	[sflag:s28] =	ssyncset.done $0x0  }
0x9b: {  	s10 =	simm.s32 $0x16200;
	[sflag:s28] =	ssyncadd.s32 $0xFFFFC000  }
0x9c: {  	[spmem:s1] =	stream.indirect.scatter.add.f32 [tilespmem:s20], [sflag:$0x3], $0x80, s10, s24, $0xb8;
	[tilespmem:$0x1EC00] =	vst v63  }
0x9d: {  	_ =	swait.ge [sflag:s29], $0x4000  }
0x9e: {  	[sflag:s29] =	ssyncset.done $0x0  }
0x9f: {  	s16 =	simm.s32 $0x14B00;
	[sflag:s29] =	ssyncadd.s32 $0xFFFFC000  }
0xa0: {  	[tilespmem:s20], [sflag:$0x1] =	stream.indirect.gather [hbm4b:s4+s24], $0x80, s16, s24, $0xb8;
	[tilespmem:$0x1EC00] =	vst v63  }
0xa1: {  	_ =	swait.ge [sflag:s30], $0x4000  }
0xa2: {  	[sflag:s30] =	ssyncset.done $0x0  }
0xa3: {  	s11 =	simm.s32 $0x16280;
	[sflag:s30] =	ssyncadd.s32 $0xFFFFC000  }
0xa4: {  	[spmem:s1] =	stream.indirect.scatter.add.f32 [tilespmem:s26], [sflag:$0x4], $0x80, s11, s24, $0xb8;
	[tilespmem:$0x1EC00] =	vst v63  }
0xa5: {  	_ =	swait.ge [sflag:s31], $0x4000  }
0xa6: {  	[sflag:s31] =	ssyncset.done $0x0  }
0xa7: {  	[sflag:s31] =	ssyncadd.s32 $0xFFFFC000  }
0xa8: {  	[tilespmem:s26], [sflag:$0x2] =	stream.indirect.gather [hbm4b:s4+s24], $0x80, s12, s24, $0xb8;
	[tilespmem:$0x1EC00] =	vst v63  }
0xa9: {  	_ =	swait.ge [sflag:s28], $0x4000  }
0xaa: {  	[sflag:s28] =	ssyncset.done $0x0  }
0xab: {  	s16 =	simm.s32 $0x16300;
	[sflag:s28] =	ssyncadd.s32 $0xFFFFC000  }
0xac: {  	[spmem:s1] =	stream.indirect.scatter.add.f32 [tilespmem:s20], [sflag:$0x3], $0x80, s16, s24, $0xb8;
	[tilespmem:$0x1EC00] =	vst v63  }
0xad: {  	_ =	swait.ge [sflag:s29], $0x4000  }
0xae: {  	[sflag:s29] =	ssyncset.done $0x0  }
0xaf: {  	[sflag:s29] =	ssyncadd.s32 $0xFFFFC000  }
0xb0: {  	[tilespmem:s20], [sflag:$0x1] =	stream.indirect.gather [hbm4b:s4+s24], $0x80, s12, s24, $0xb8;
	[tilespmem:$0x1EC00] =	vst v63  }
0xb1: {  	_ =	swait.ge [sflag:s30], $0x4000  }
0xb2: {  	[sflag:s30] =	ssyncset.done $0x0  }
0xb3: {  	s11 =	simm.s32 $0x16380;
	[sflag:s30] =	ssyncadd.s32 $0xFFFFC000  }
0xb4: {  	[spmem:s1] =	stream.indirect.scatter.add.f32 [tilespmem:s26], [sflag:$0x4], $0x80, s11, s24, $0xb8;
	[tilespmem:$0x1EC00] =	vst v63  }
0xb5: {  	_ =	swait.ge [sflag:s31], $0x4000  }
0xb6: {  	[sflag:s31] =	ssyncset.done $0x0  }
0xb7: {  	[sflag:s31] =	ssyncadd.s32 $0xFFFFC000  }
0xb8: {  	[tilespmem:s26], [sflag:$0x2] =	stream.indirect.gather [hbm4b:s4+s24], $0x80, s12, s24, $0xb8;
	[tilespmem:$0x1EC00] =	vst v63  }
0xb9: {  	_ =	swait.ge [sflag:s28], $0x4000  }
0xba: {  	[sflag:s28] =	ssyncset.done $0x0  }
0xbb: {  	[sflag:s28] =	ssyncadd.s32 $0xFFFFC000  }
0xbc: {  	_ =	swait.ge [sflag:s30], $0x4000  }
0xbd: {  	[sflag:s30] =	ssyncset.done $0x0  }
0xbe: {  	s16 =	simm.s32 $0x0;
	s11 =	rddreg [dreg:$0x9];
	[sflag:s30] =	ssyncadd.s32 $0xFFFFC000  }
0xbf: {  	[tilespmem:s22], [sflag:$0x5] =	stream.linear.gather [hbm4b:s11+s16], $0x1000, $0x38;
	[tilespmem:$0x1EC00] =	vst v63  }
0xc0: {  	_ =	swait.ge [sflag:s21], $0x1000  }
0xc1: {  	[sflag:s21] =	ssyncset.done $0x0  }
0xc2: {  	[sflag:s21] =	ssyncadd.s32 $0xFFFFF000  }
0xc3: {  	[tilespmem:s23], [sflag:$0x5] =	stream.linear.gather [hbm4b:s17+s16], $0x1000, $0x38;
	[tilespmem:$0x1EC00] =	vst v63  }
0xc4: {  	_ =	swait.ge [sflag:s21], $0x1000  }
0xc5: {  	[sflag:s21] =	ssyncset.done $0x0  }
0xc6: {  	[sflag:s21] =	ssyncadd.s32 $0xFFFFF000  }
0xc7: {  	[tilespmem:s20], [sflag:$0x1] =	stream.indirect.gather [hbm4b:s4+s24], $0x80, s22, s24, $0xb8;
	[tilespmem:$0x1EC00] =	vst v63  }
0xc8: {  	_ = 	snop  }
0xc9: {  	[tilespmem:s26], [sflag:$0x2] =	stream.indirect.gather [hbm4b:s4+s24], $0x80, s25, s24, $0xb8;
	[tilespmem:$0x1EC00] =	vst v63  }
0xca: {  	_ =	swait.ge [sflag:s28], $0x4000  }
0xcb: {  	[sflag:s28] =	ssyncset.done $0x0  }
0xcc: {  	s16 =	simm.s32 $0x15400;
	[sflag:s28] =	ssyncadd.s32 $0xFFFFC000  }
0xcd: {  	[spmem:s1] =	stream.indirect.scatter.add.f32 [tilespmem:s20], [sflag:$0x3], $0x80, s16, s24, $0xb8;
	[tilespmem:$0x1EC00] =	vst v63  }
0xce: {  	_ =	swait.ge [sflag:s29], $0x4000  }
0xcf: {  	[sflag:s29] =	ssyncset.done $0x0  }
0xd0: {  	s11 =	simm.s32 $0x13D00;
	[sflag:s29] =	ssyncadd.s32 $0xFFFFC000  }
0xd1: {  	[tilespmem:s20], [sflag:$0x1] =	stream.indirect.gather [hbm4b:s4+s24], $0x80, s11, s24, $0xb8;
	[tilespmem:$0x1EC00] =	vst v63  }
0xd2: {  	_ =	swait.ge [sflag:s30], $0x4000  }
0xd3: {  	[sflag:s30] =	ssyncset.done $0x0  }
0xd4: {  	s16 =	simm.s32 $0x15480;
	[sflag:s30] =	ssyncadd.s32 $0xFFFFC000  }
0xd5: {  	[spmem:s1] =	stream.indirect.scatter.add.f32 [tilespmem:s26], [sflag:$0x4], $0x80, s16, s24, $0xb8;
	[tilespmem:$0x1EC00] =	vst v63  }
0xd6: {  	_ =	swait.ge [sflag:s31], $0x4000  }
0xd7: {  	[sflag:s31] =	ssyncset.done $0x0  }
0xd8: {  	s10 =	simm.s32 $0x400;
	s16 =	simm.s32 $0x13D80;
	[sflag:s31] =	ssyncadd.s32 $0xFFFFC000  }
.LBB2_12:
0xd9: {  	[tilespmem:s26], [sflag:$0x2] =	stream.indirect.gather [hbm4b:s4+s24], $0x80, s16, s24, $0xb8;
	[tilespmem:$0x1EC00] =	vst v63  }
0xda: {  	s11 =	smov.u32 s10  }
0xdb: {  	p1 =	sne.s32 s10, $0x3400;
	s10 =	sadd.s32 $0x400, s10;
	_ =	swait.ge [sflag:s28], $0x4000  }
0xdc: {  	s11 =	sshra.s32 s11, $0x2;
	[sflag:s28] =	ssyncset.done $0x0  }
0xdd: {  	s16 =	sadd.s32 $0x15400, s11;
	[sflag:s28] =	ssyncadd.s32 $0xFFFFC000  }
0xde: {  	[spmem:s1] =	stream.indirect.scatter.add.f32 [tilespmem:s20], [sflag:$0x3], $0x80, s16, s24, $0xb8;
	[tilespmem:$0x1EC00] =	vst v63  }
0xdf: {  	_ =	swait.ge [sflag:s29], $0x4000  }
0xe0: {  	[sflag:s29] =	ssyncset.done $0x0  }
0xe1: {  	s16 =	sadd.s32 $0x13D00, s11;
	[sflag:s29] =	ssyncadd.s32 $0xFFFFC000  }
0xe2: {  	[tilespmem:s20], [sflag:$0x1] =	stream.indirect.gather [hbm4b:s4+s24], $0x80, s16, s24, $0xb8;
	[tilespmem:$0x1EC00] =	vst v63  }
0xe3: {  	_ =	swait.ge [sflag:s30], $0x4000  }
0xe4: {  	[sflag:s30] =	ssyncset.done $0x0  }
.Ltmp5:
0xe5: {  	s16 =	sadd.s32 $0x15480, s11;
	[sflag:s30] =	ssyncadd.s32 $0xFFFFC000;
	(pc) =	sbr.rel @p1 .LBB2_12-.Ltmp5, $4  }
0xe6: {  	[spmem:s1] =	stream.indirect.scatter.add.f32 [tilespmem:s26], [sflag:$0x4], $0x80, s16, s24, $0xb8;
	[tilespmem:$0x1EC00] =	vst v63  }
0xe7: {  	_ =	swait.ge [sflag:s31], $0x4000  }
0xe8: {  	[sflag:s31] =	ssyncset.done $0x0  }
0xe9: {  	s16 =	sadd.s32 $0x13D80, s11;
	[sflag:s31] =	ssyncadd.s32 $0xFFFFC000  }
0xea: {  	[tilespmem:s26], [sflag:$0x2] =	stream.indirect.gather [hbm4b:s4+s24], $0x80, s16, s24, $0xb8;
	[tilespmem:$0x1EC00] =	vst v63  }
0xeb: {  	_ =	swait.ge [sflag:s28], $0x4000  }
0xec: {  	[sflag:s28] =	ssyncset.done $0x0  }
0xed: {  	s10 =	simm.s32 $0x16200;
	[sflag:s28] =	ssyncadd.s32 $0xFFFFC000  }
0xee: {  	[spmem:s1] =	stream.indirect.scatter.add.f32 [tilespmem:s20], [sflag:$0x3], $0x80, s10, s24, $0xb8;
	[tilespmem:$0x1EC00] =	vst v63  }
0xef: {  	_ =	swait.ge [sflag:s29], $0x4000  }
0xf0: {  	[sflag:s29] =	ssyncset.done $0x0  }
0xf1: {  	s11 =	simm.s32 $0x14B00;
	[sflag:s29] =	ssyncadd.s32 $0xFFFFC000  }
0xf2: {  	[tilespmem:s20], [sflag:$0x1] =	stream.indirect.gather [hbm4b:s4+s24], $0x80, s11, s24, $0xb8;
	[tilespmem:$0x1EC00] =	vst v63  }
0xf3: {  	_ =	swait.ge [sflag:s30], $0x4000  }
0xf4: {  	[sflag:s30] =	ssyncset.done $0x0  }
0xf5: {  	s16 =	simm.s32 $0x16280;
	[sflag:s30] =	ssyncadd.s32 $0xFFFFC000  }
0xf6: {  	[spmem:s1] =	stream.indirect.scatter.add.f32 [tilespmem:s26], [sflag:$0x4], $0x80, s16, s24, $0xb8;
	[tilespmem:$0x1EC00] =	vst v63  }
.Ltmp6:
0xf7: {  	_ = 	snop;
	(pc) =	sbr.rel .LBB2_14-.Ltmp6, $4  }
0xf8: {  	_ =	swait.ge [sflag:s31], $0x4000  }
0xf9: {  	s10 =	simm.s32 $0x14B80;
	[sflag:s31] =	ssyncset.done $0x0  }
0xfa: {  	s11 =	simm.s32 $0x16300;
	s16 =	simm.s32 $0x16380;
	[sflag:s31] =	ssyncadd.s32 $0xFFFFC000  }
0xfb: {  	[tilespmem:s26], [sflag:$0x2] =	stream.indirect.gather [hbm4b:s4+s24], $0x80, s10, s24, $0xb8;
	[tilespmem:$0x1EC00] =	vst v63  }
.LBB2_4:
0xfc: {  	s11 =	rddreg [dreg:$0x3]  }
0xfd: {  	[tilespmem:s22], [sflag:$0x5] =	stream.linear.gather [hbm4b:s11+s10], $0x1800, $0x38;
	[tilespmem:$0x1EC00] =	vst v63  }
0xfe: {  	_ =	swait.ge [sflag:s21], $0x1800  }
0xff: {  	[sflag:s21] =	ssyncset.done $0x0  }
0x100: {  	s16 =	rddreg [dreg:$0x4];
	[sflag:s21] =	ssyncadd.s32 $0xFFFFE800  }
0x101: {  	[tilespmem:s23], [sflag:$0x5] =	stream.linear.gather [hbm4b:s16+s10], $0x1800, $0x38;
	[tilespmem:$0x1EC00] =	vst v63  }
0x102: {  	_ =	swait.ge [sflag:s21], $0x1800  }
0x103: {  	[sflag:s21] =	ssyncset.done $0x0  }
0x104: {  	[sflag:s21] =	ssyncadd.s32 $0xFFFFE800  }
0x105: {  	[tilespmem:s20], [sflag:$0x1] =	stream.indirect.gather [hbm4b:s4+s24], $0x80, s22, s24, $0xb8;
	[tilespmem:$0x1EC00] =	vst v63  }
0x106: {  	_ = 	snop  }
0x107: {  	[tilespmem:s26], [sflag:$0x2] =	stream.indirect.gather [hbm4b:s4+s24], $0x80, s25, s24, $0xb8;
	[tilespmem:$0x1EC00] =	vst v63  }
0x108: {  	_ =	swait.ge [sflag:s28], $0x4000  }
0x109: {  	[sflag:s28] =	ssyncset.done $0x0  }
0x10a: {  	s16 =	simm.s32 $0x15400;
	[sflag:s28] =	ssyncadd.s32 $0xFFFFC000  }
0x10b: {  	[spmem:s1] =	stream.indirect.scatter.add.f32 [tilespmem:s20], [sflag:$0x3], $0x80, s16, s24, $0xb8;
	[tilespmem:$0x1EC00] =	vst v63  }
0x10c: {  	_ =	swait.ge [sflag:s29], $0x4000  }
0x10d: {  	[sflag:s29] =	ssyncset.done $0x0  }
0x10e: {  	s11 =	simm.s32 $0x13D00;
	[sflag:s29] =	ssyncadd.s32 $0xFFFFC000  }
0x10f: {  	[tilespmem:s20], [sflag:$0x1] =	stream.indirect.gather [hbm4b:s4+s24], $0x80, s11, s24, $0xb8;
	[tilespmem:$0x1EC00] =	vst v63  }
0x110: {  	_ =	swait.ge [sflag:s30], $0x4000  }
0x111: {  	[sflag:s30] =	ssyncset.done $0x0  }
0x112: {  	s16 =	simm.s32 $0x15480;
	[sflag:s30] =	ssyncadd.s32 $0xFFFFC000  }
0x113: {  	[spmem:s1] =	stream.indirect.scatter.add.f32 [tilespmem:s26], [sflag:$0x4], $0x80, s16, s24, $0xb8;
	[tilespmem:$0x1EC00] =	vst v63  }
0x114: {  	_ =	swait.ge [sflag:s31], $0x4000  }
0x115: {  	[sflag:s31] =	ssyncset.done $0x0  }
0x116: {  	s10 =	simm.s32 $0x400;
	s16 =	simm.s32 $0x13D80;
	[sflag:s31] =	ssyncadd.s32 $0xFFFFC000  }
.LBB2_5:
0x117: {  	[tilespmem:s26], [sflag:$0x2] =	stream.indirect.gather [hbm4b:s4+s24], $0x80, s16, s24, $0xb8;
	[tilespmem:$0x1EC00] =	vst v63  }
0x118: {  	s11 =	smov.u32 s10  }
0x119: {  	p1 =	sne.s32 s10, $0x5400;
	s10 =	sadd.s32 $0x400, s10;
	_ =	swait.ge [sflag:s28], $0x4000  }
0x11a: {  	s11 =	sshra.s32 s11, $0x2;
	[sflag:s28] =	ssyncset.done $0x0  }
0x11b: {  	s16 =	sadd.s32 $0x15400, s11;
	[sflag:s28] =	ssyncadd.s32 $0xFFFFC000  }
0x11c: {  	[spmem:s1] =	stream.indirect.scatter.add.f32 [tilespmem:s20], [sflag:$0x3], $0x80, s16, s24, $0xb8;
	[tilespmem:$0x1EC00] =	vst v63  }
0x11d: {  	_ =	swait.ge [sflag:s29], $0x4000  }
0x11e: {  	[sflag:s29] =	ssyncset.done $0x0  }
0x11f: {  	s16 =	sadd.s32 $0x13D00, s11;
	[sflag:s29] =	ssyncadd.s32 $0xFFFFC000  }
0x120: {  	[tilespmem:s20], [sflag:$0x1] =	stream.indirect.gather [hbm4b:s4+s24], $0x80, s16, s24, $0xb8;
	[tilespmem:$0x1EC00] =	vst v63  }
0x121: {  	_ =	swait.ge [sflag:s30], $0x4000  }
0x122: {  	[sflag:s30] =	ssyncset.done $0x0  }
.Ltmp7:
0x123: {  	s16 =	sadd.s32 $0x15480, s11;
	[sflag:s30] =	ssyncadd.s32 $0xFFFFC000;
	(pc) =	sbr.rel @p1 .LBB2_5-.Ltmp7, $4  }
0x124: {  	[spmem:s1] =	stream.indirect.scatter.add.f32 [tilespmem:s26], [sflag:$0x4], $0x80, s16, s24, $0xb8;
	[tilespmem:$0x1EC00] =	vst v63  }
0x125: {  	_ =	swait.ge [sflag:s31], $0x4000  }
0x126: {  	[sflag:s31] =	ssyncset.done $0x0  }
0x127: {  	s16 =	sadd.s32 $0x13D80, s11;
	[sflag:s31] =	ssyncadd.s32 $0xFFFFC000  }
0x128: {  	[tilespmem:s26], [sflag:$0x2] =	stream.indirect.gather [hbm4b:s4+s24], $0x80, s16, s24, $0xb8;
	[tilespmem:$0x1EC00] =	vst v63  }
0x129: {  	_ =	swait.ge [sflag:s28], $0x4000  }
0x12a: {  	[sflag:s28] =	ssyncset.done $0x0  }
0x12b: {  	[sflag:s28] =	ssyncadd.s32 $0xFFFFC000  }
0x12c: {  	[spmem:s1] =	stream.indirect.scatter.add.f32 [tilespmem:s20], [sflag:$0x3], $0x80, s13, s24, $0xb8;
	[tilespmem:$0x1EC00] =	vst v63  }
0x12d: {  	_ =	swait.ge [sflag:s29], $0x4000  }
0x12e: {  	[sflag:s29] =	ssyncset.done $0x0  }
0x12f: {  	[sflag:s29] =	ssyncadd.s32 $0xFFFFC000  }
0x130: {  	[tilespmem:s20], [sflag:$0x1] =	stream.indirect.gather [hbm4b:s4+s24], $0x80, s14, s24, $0xb8;
	[tilespmem:$0x1EC00] =	vst v63  }
0x131: {  	_ =	swait.ge [sflag:s30], $0x4000  }
0x132: {  	[sflag:s30] =	ssyncset.done $0x0  }
0x133: {  	[sflag:s30] =	ssyncadd.s32 $0xFFFFC000  }
0x134: {  	[spmem:s1] =	stream.indirect.scatter.add.f32 [tilespmem:s26], [sflag:$0x4], $0x80, s15, s24, $0xb8;
	[tilespmem:$0x1EC00] =	vst v63  }
0x135: {  	_ =	swait.ge [sflag:s31], $0x4000  }
0x136: {  	[sflag:s31] =	ssyncset.done $0x0  }
0x137: {  	[sflag:s31] =	ssyncadd.s32 $0xFFFFC000  }
0x138: {  	[tilespmem:s26], [sflag:$0x2] =	stream.indirect.gather [hbm4b:s4+s24], $0x80, s0, s24, $0xb8;
	[tilespmem:$0x1EC00] =	vst v63  }
0x139: {  	_ =	swait.ge [sflag:s28], $0x4000  }
0x13a: {  	[sflag:s28] =	ssyncset.done $0x0  }
0x13b: {  	s10 =	simm.s32 $0x16B00;
	[sflag:s28] =	ssyncadd.s32 $0xFFFFC000  }
0x13c: {  	[spmem:s1] =	stream.indirect.scatter.add.f32 [tilespmem:s20], [sflag:$0x3], $0x80, s10, s24, $0xb8;
	[tilespmem:$0x1EC00] =	vst v63  }
0x13d: {  	_ =	swait.ge [sflag:s29], $0x4000  }
0x13e: {  	[sflag:s29] =	ssyncset.done $0x0  }
0x13f: {  	[sflag:s29] =	ssyncadd.s32 $0xFFFFC000  }
0x140: {  	[tilespmem:s20], [sflag:$0x1] =	stream.indirect.gather [hbm4b:s4+s24], $0x80, s0, s24, $0xb8;
	[tilespmem:$0x1EC00] =	vst v63  }
0x141: {  	_ =	swait.ge [sflag:s30], $0x4000  }
0x142: {  	[sflag:s30] =	ssyncset.done $0x0  }
0x143: {  	s11 =	simm.s32 $0x16B80;
	[sflag:s30] =	ssyncadd.s32 $0xFFFFC000  }
0x144: {  	[spmem:s1] =	stream.indirect.scatter.add.f32 [tilespmem:s26], [sflag:$0x4], $0x80, s11, s24, $0xb8;
	[tilespmem:$0x1EC00] =	vst v63  }
0x145: {  	_ =	swait.ge [sflag:s31], $0x4000  }
0x146: {  	[sflag:s31] =	ssyncset.done $0x0  }
0x147: {  	[sflag:s31] =	ssyncadd.s32 $0xFFFFC000  }
0x148: {  	[tilespmem:s26], [sflag:$0x2] =	stream.indirect.gather [hbm4b:s4+s24], $0x80, s0, s24, $0xb8;
	[tilespmem:$0x1EC00] =	vst v63  }
0x149: {  	_ =	swait.ge [sflag:s28], $0x4000  }
0x14a: {  	[sflag:s28] =	ssyncset.done $0x0  }
0x14b: {  	[sflag:s28] =	ssyncadd.s32 $0xFFFFC000  }
0x14c: {  	_ =	swait.ge [sflag:s30], $0x4000  }
0x14d: {  	[sflag:s30] =	ssyncset.done $0x0  }
0x14e: {  	s10 =	simm.s32 $0x0;
	s11 =	rddreg [dreg:$0x5];
	[sflag:s30] =	ssyncadd.s32 $0xFFFFC000  }
0x14f: {  	[tilespmem:s22], [sflag:$0x5] =	stream.linear.gather [hbm4b:s11+s10], $0x1800, $0x38;
	[tilespmem:$0x1EC00] =	vst v63  }
0x150: {  	_ =	swait.ge [sflag:s21], $0x1800  }
0x151: {  	[sflag:s21] =	ssyncset.done $0x0  }
0x152: {  	s16 =	rddreg [dreg:$0x6];
	[sflag:s21] =	ssyncadd.s32 $0xFFFFE800  }
0x153: {  	[tilespmem:s23], [sflag:$0x5] =	stream.linear.gather [hbm4b:s16+s10], $0x1800, $0x38;
	[tilespmem:$0x1EC00] =	vst v63  }
0x154: {  	_ =	swait.ge [sflag:s21], $0x1800  }
0x155: {  	[sflag:s21] =	ssyncset.done $0x0  }
0x156: {  	[sflag:s21] =	ssyncadd.s32 $0xFFFFE800  }
0x157: {  	[tilespmem:s20], [sflag:$0x1] =	stream.indirect.gather [hbm4b:s4+s24], $0x80, s22, s24, $0xb8;
	[tilespmem:$0x1EC00] =	vst v63  }
0x158: {  	_ = 	snop  }
0x159: {  	[tilespmem:s26], [sflag:$0x2] =	stream.indirect.gather [hbm4b:s4+s24], $0x80, s25, s24, $0xb8;
	[tilespmem:$0x1EC00] =	vst v63  }
0x15a: {  	_ =	swait.ge [sflag:s28], $0x4000  }
0x15b: {  	[sflag:s28] =	ssyncset.done $0x0  }
0x15c: {  	s16 =	simm.s32 $0x15400;
	[sflag:s28] =	ssyncadd.s32 $0xFFFFC000  }
0x15d: {  	[spmem:s1] =	stream.indirect.scatter.add.f32 [tilespmem:s20], [sflag:$0x3], $0x80, s16, s24, $0xb8;
	[tilespmem:$0x1EC00] =	vst v63  }
0x15e: {  	_ =	swait.ge [sflag:s29], $0x4000  }
0x15f: {  	[sflag:s29] =	ssyncset.done $0x0  }
0x160: {  	s11 =	simm.s32 $0x13D00;
	[sflag:s29] =	ssyncadd.s32 $0xFFFFC000  }
0x161: {  	[tilespmem:s20], [sflag:$0x1] =	stream.indirect.gather [hbm4b:s4+s24], $0x80, s11, s24, $0xb8;
	[tilespmem:$0x1EC00] =	vst v63  }
0x162: {  	_ =	swait.ge [sflag:s30], $0x4000  }
0x163: {  	[sflag:s30] =	ssyncset.done $0x0  }
0x164: {  	s16 =	simm.s32 $0x15480;
	[sflag:s30] =	ssyncadd.s32 $0xFFFFC000  }
0x165: {  	[spmem:s1] =	stream.indirect.scatter.add.f32 [tilespmem:s26], [sflag:$0x4], $0x80, s16, s24, $0xb8;
	[tilespmem:$0x1EC00] =	vst v63  }
0x166: {  	_ =	swait.ge [sflag:s31], $0x4000  }
0x167: {  	[sflag:s31] =	ssyncset.done $0x0  }
0x168: {  	s10 =	simm.s32 $0x400;
	s16 =	simm.s32 $0x13D80;
	[sflag:s31] =	ssyncadd.s32 $0xFFFFC000  }
.LBB2_7:
0x169: {  	[tilespmem:s26], [sflag:$0x2] =	stream.indirect.gather [hbm4b:s4+s24], $0x80, s16, s24, $0xb8;
	[tilespmem:$0x1EC00] =	vst v63  }
0x16a: {  	s11 =	smov.u32 s10  }
0x16b: {  	p1 =	seq.s32 s10, $0x5400;
	s10 =	sadd.s32 $0x400, s10;
	_ =	swait.ge [sflag:s28], $0x4000  }
0x16c: {  	s11 =	sshra.s32 s11, $0x2;
	[sflag:s28] =	ssyncset.done $0x0  }
0x16d: {  	s16 =	sadd.s32 $0x15400, s11;
	[sflag:s28] =	ssyncadd.s32 $0xFFFFC000  }
0x16e: {  	[spmem:s1] =	stream.indirect.scatter.add.f32 [tilespmem:s20], [sflag:$0x3], $0x80, s16, s24, $0xb8;
	[tilespmem:$0x1EC00] =	vst v63  }
0x16f: {  	_ =	swait.ge [sflag:s29], $0x4000  }
0x170: {  	[sflag:s29] =	ssyncset.done $0x0  }
0x171: {  	s16 =	sadd.s32 $0x13D00, s11;
	[sflag:s29] =	ssyncadd.s32 $0xFFFFC000  }
0x172: {  	[tilespmem:s20], [sflag:$0x1] =	stream.indirect.gather [hbm4b:s4+s24], $0x80, s16, s24, $0xb8;
	[tilespmem:$0x1EC00] =	vst v63  }
0x173: {  	_ =	swait.ge [sflag:s30], $0x4000  }
0x174: {  	[sflag:s30] =	ssyncset.done $0x0  }
.Ltmp8:
0x175: {  	s16 =	sadd.s32 $0x15480, s11;
	[sflag:s30] =	ssyncadd.s32 $0xFFFFC000;
	(pc) =	sbr.rel @!p1 .LBB2_7-.Ltmp8, $4  }
0x176: {  	[spmem:s1] =	stream.indirect.scatter.add.f32 [tilespmem:s26], [sflag:$0x4], $0x80, s16, s24, $0xb8;
	[tilespmem:$0x1EC00] =	vst v63  }
0x177: {  	_ =	swait.ge [sflag:s31], $0x4000  }
0x178: {  	[sflag:s31] =	ssyncset.done $0x0  }
0x179: {  	s16 =	sadd.s32 $0x13D80, s11;
	[sflag:s31] =	ssyncadd.s32 $0xFFFFC000  }
.Ltmp9:
0x17a: {  	_ = 	snop;
	(pc) =	sbr.rel .LBB2_8-.Ltmp9, $1  }
0x17b: {  	_ =	sdelay $0x3  }
.LBB2_15:
0x17c: {  	_ =	sfence.sel $0x180000  }
0x17d: {  	[bflag:$0x0] =	sbarrier.arrive $0xFFFF  }
0x17e: {  	_ =	strace $0x9000004D  }
0x17f: {  	[bflag:$0x2] =	sbarrier.arrive $0xFFFF  }
0x180: {  	p0 =	sne.s32 s2, $0x0;
	s0 =	rddreg [dreg:$0x2]  }
0x181: {  	s0 =	sadd.s32 @!p0 $0x100000, s0  }
0x182: {  	[sflag:s0] =	ssyncadd.tile.s32 @!p0 $0x1;
	_ =	shalt  }
.Lfunc_end2:
_tile_overlayer_lowered:
.L_overlay_start_2:
0x183: {  	(tag) =	ssettag $0x2  }
0x184: {  	s0 =	rddreg [dreg:$0x0];
	s2 =	stileid.u32  }
0x185: {  	s1 =	rddreg [dreg:$0x1];
	p0 =	sne.s32 s2, $0x0  }
0x186: {  	s3 =	rddreg [dreg:$0x2];
	[bflag:$0x3] =	sbarrier.arrive $0xFFFF;
	s2 =	simm.s32 @!p0 $0x1C05  }
0x187: {  	[timem:s3], [sflag:s2] =	dma.local @!p0 [hbm:s0], s1  }
0x188: {  	s0 =	simm.s32 @!p0 $0x5  }
0x189: {  	_ =	swait.ge @!p0 [sflag:s0], s1  }
0x18a: {  	s1 =	ssub.s32 @!p0 $0x0, s1;
	[sflag:s0] =	ssyncset.done @!p0 $0x0  }
0x18b: {  	[sflag:s0] =	ssyncadd.s32 @!p0 s1  }
0x18c: {  	[bflag:$0x3] =	sbarrier.arrive $0xFFFF  }
0x18d: {  	_ =	shalt  }

// kernel: kernel.9.cloned.1.call-start
scs
__scs_entry_jumppad:
0x0: {  	(pc) =	sbr.rel $0x88, $3  }
0x1: {  	(tag) =	ssettag $0x0;
	lr =	simm.s32 $0x1  }
0x2: {  	[smem:$0x3F97] =	sst lr;
	_ =	strace $0xD0000000  }
0x3: {  	_ = 	snop  }
0x4: {  	_ = 	snop  }
0x5: {  	_ = 	snop  }
0x6: {  	_ = 	snop  }
0x7: {  	_ = 	snop  }
__scs_overlays_trampoline_lowered:
0x8: {  	[smem:$0x3FA6] =	sst s0  }
0x9: {  	[smem:$0x3FA7] =	sst s1  }
0xa: {  	[smem:$0x3FA8] =	sst s2  }
0xb: {  	[smem:$0x3FA9] =	sst s3  }
0xc: {  	[smem:$0x3FAA] =	sst s4  }
0xd: {  	[smem:$0x3FAB] =	sst s5  }
0xe: {  	[smem:$0x3FAC] =	sst s6  }
0xf: {  	[smem:$0x3FAD] =	sst s7  }
0x10: {  	[smem:$0x3FAE] =	sst s8  }
0x11: {  	[smem:$0x3FAF] =	sst s9;
	s0 =	simm.s32 @!p0 $0x0  }
0x12: {  	s1 =	sld [smem:$0x3F95];
	s0 =	simm.s32 @p0 $0x1  }
0x13: {  	[smem:$0x3FB0] =	sst s0;
	s0 =	simm.s32 @!p1 $0x0  }
0x14: {  	s2 =	sld [smem:$0x3F94];
	s0 =	simm.s32 @p1 $0x1  }
0x15: {  	[smem:$0x3FB1] =	sst s0;
	s0 =	simm.s32 @!p2 $0x0  }
0x16: {  	s3 =	sld [smem:$0x3FDB];
	s0 =	simm.s32 @p2 $0x1  }
0x17: {  	s4 =	simm.s32 $0x1BF5;
	[smem:$0x3FB3] =	sst s0  }
0x18: {  	s0 =	sld [smem:$0x3F96];
	_ =	swait.ge [sflag:s4], $0x0  }
0x19: {  	s7 =	sld [smem:$0x3F97]  }
0x1a: {  	s8 =	sadd.s32 $0xFFFFE003, lr  }
0x1b: {  	s9 =	sadd.s32 $0xFFFFFEF7, lr;
	s5 =	simm.s32 $0xFFFFFFFF;
	p2 =	slt.u32 s8, $0xFFFFF086  }
0x1c: {  	p1 =	slt.u32 s9, $0xF7A;
	s5 =	simm.s32 @!p2 $0x0  }
0x1d: {  	s5 =	simm.s32 @p1 $0x1;
	p0 =	seq.s32 s7, s2  }
0x1e: {  	s7 =	smul.u32 @!p0 $0xF7A, s2;
	p2 =	seq.s32 @!p0 s5, $0x0  }
0x1f: {  	s9 =	smul.u32 $0xF7A, s1;
	s8 =	simm.s32 @!p0 $0x1BF5;
	p2 =	por !p2, p0  }
0x20: {  	[sflag:s8] =	ssyncset.s32 @!p0 $0xFFFFF086;
	s6 =	sadd.s32 @!p0 s3, s7;
	s7 =	simm.s32 @!p0 $0x108  }
0x21: {  	s3 =	sadd.s32 s3, s9;
	s6 =	sadd.s32 @!p0 $0x88, s6;
	s7 =	simm.s32 @p2 $0x1082  }
0x22: {  	[simem:s7], [sflag:s8] =	dma.local @!p0 [hbm:s6], $0xF7A  }
0x23: {  	s9 =	sor.u32 $0xD0000000, s2;
	s6 =	simm.s32 $0x108;
	_ =	swait.ge @!p0 [sflag:s8], $0x0  }
0x24: {  	s3 =	sadd.s32 $0x88, s3;
	s6 =	simm.s32 @!p1 $0x1082;
	[sflag:s4] =	ssyncset.s32 $0xFFFFF086  }
0x25: {  	[simem:s6], [sflag:s4] =	dma.local [hbm:s3], $0xF7A  }
0x26: {  	[smem:$0x3F97] =	sst s1;
	(tag) =	ssettag s2;
	_ =	strace s9  }
0x27: {  	s1 =	sld [smem:$0x3FA7]  }
0x28: {  	s2 =	sld [smem:$0x3FA8]  }
0x29: {  	s4 =	sld [smem:$0x3FAA]  }
0x2a: {  	p0 =	seq.s32 s5, $0x0;
	s5 =	sld [smem:$0x3FAB]  }
0x2b: {  	s6 =	sld [smem:$0x3FAC]  }
0x2c: {  	s7 =	sld [smem:$0x3FAD]  }
0x2d: {  	s3 =	simm.s32 $0x108;
	s8 =	sld [smem:$0x3FAE]  }
0x2e: {  	s3 =	simm.s32 @!p0 $0x1082;
	s9 =	sld [smem:$0x3FAF]  }
0x2f: {  	lr =	sadd.s32 s0, s3;
	s0 =	sld [smem:$0x3FA6]  }
0x30: {  	s3 =	sld [smem:$0x3FA9]  }
0x31: {  	[smem:$0x3FB2] =	sst s10  }
0x32: {  	s10 =	sld [smem:$0x3FB0];
	_ =	sdelay $0x3  }
0x33: {  	p0 =	seq.s32 s10, $0x1;
	s10 =	sld [smem:$0x3FB2];
	_ =	sdelay $0x3  }
0x34: {  	[smem:$0x3FB2] =	sst s10  }
0x35: {  	s10 =	sld [smem:$0x3FB1];
	_ =	sdelay $0x3  }
0x36: {  	p1 =	seq.s32 s10, $0x1;
	s10 =	sld [smem:$0x3FB2];
	_ =	sdelay $0x3  }
0x37: {  	[smem:$0x3FB2] =	sst s10  }
0x38: {  	s10 =	sld [smem:$0x3FB3]  }
0x39: {  	_ = 	snop;
	(pc) =	sbr.ind lr, $3  }
0x3a: {  	_ = 	snop  }
0x3b: {  	_ = 	snop  }
0x3c: {  	p2 =	seq.s32 s10, $0x1;
	s10 =	sld [smem:$0x3FB2]  }
0x3d: {  	_ =	shalt  }
0x3e: {  	_ =	shalt  }
0x3f: {  	_ =	shalt  }
0x40: {  	_ =	shalt  }
0x41: {  	_ =	shalt  }
0x42: {  	_ =	shalt  }
0x43: {  	_ =	shalt  }
0x44: {  	_ =	shalt  }
0x45: {  	_ =	shalt  }
0x46: {  	_ =	shalt  }
0x47: {  	_ =	shalt  }
0x48: {  	_ =	shalt  }
0x49: {  	_ =	shalt  }
0x4a: {  	_ =	shalt  }
0x4b: {  	_ =	shalt  }
0x4c: {  	_ =	shalt  }
0x4d: {  	_ =	shalt  }
0x4e: {  	_ =	shalt  }
0x4f: {  	_ =	shalt  }
0x50: {  	_ =	shalt  }
0x51: {  	_ =	shalt  }
0x52: {  	_ =	shalt  }
0x53: {  	_ =	shalt  }
0x54: {  	_ =	shalt  }
0x55: {  	_ =	shalt  }
0x56: {  	_ =	shalt  }
0x57: {  	_ =	shalt  }
0x58: {  	_ =	shalt  }
0x59: {  	_ =	shalt  }
0x5a: {  	_ =	shalt  }
0x5b: {  	_ =	shalt  }
0x5c: {  	_ =	shalt  }
0x5d: {  	_ =	shalt  }
0x5e: {  	_ =	shalt  }
0x5f: {  	_ =	shalt  }
0x60: {  	_ =	shalt  }
0x61: {  	_ =	shalt  }
0x62: {  	_ =	shalt  }
0x63: {  	_ =	shalt  }
0x64: {  	_ =	shalt  }
0x65: {  	_ =	shalt  }
0x66: {  	_ =	shalt  }
0x67: {  	_ =	shalt  }
0x68: {  	_ =	shalt  }
0x69: {  	_ =	shalt  }
0x6a: {  	_ =	shalt  }
0x6b: {  	_ =	shalt  }
0x6c: {  	_ =	shalt  }
0x6d: {  	_ =	shalt  }
0x6e: {  	_ =	shalt  }
0x6f: {  	_ =	shalt  }
0x70: {  	_ =	shalt  }
0x71: {  	_ =	shalt  }
0x72: {  	_ =	shalt  }
0x73: {  	_ =	shalt  }
0x74: {  	_ =	shalt  }
0x75: {  	_ =	shalt  }
0x76: {  	_ =	shalt  }
0x77: {  	_ =	shalt  }
0x78: {  	_ =	shalt  }
0x79: {  	_ =	shalt  }
0x7a: {  	_ =	shalt  }
0x7b: {  	_ =	shalt  }
0x7c: {  	_ =	shalt  }
0x7d: {  	_ =	shalt  }
0x7e: {  	_ =	shalt  }
0x7f: {  	_ =	shalt  }
0x80: {  	_ =	shalt  }
0x81: {  	_ =	shalt  }
0x82: {  	_ =	shalt  }
0x83: {  	_ =	shalt  }
0x84: {  	_ =	shalt  }
0x85: {  	_ =	shalt  }
0x86: {  	_ =	shalt  }
0x87: {  	_ =	shalt  }
.Lfunc_end0:
.L_simem_size_0:
called_computation_lowered:
.L_overlay_start_0:
0x88: {  	s2 =	sld [smem:$0x3FD9]  }
0x89: {  	s3 =	sld [smem:$0x3FFE];
	_ =	sdelay $0x1  }
0x8a: {  	s1 =	srdreg.scid  }
0x8b: {  	s0 =	sand.u32 $0x1, s1  }
0x8c: {  	s16 =	sshll.u32 s0, $0xA;
	s2 =	sadd.s32 s3, s2  }
0x8d: {  	s2 =	sadd.s32 s2, s16  }
0x8e: {  	[smem:$0x3FBE] =	sst s2  }
0x8f: {  	_ = 	snop  }
0x90: {  	(tm) =	ssettm $0x1  }
0x91: {  	s17 =	sld [smem:$0x3FFB];
	_ =	sdelay $0x3  }
0x92: {  	_ =	strace s17  }
0x93: {  	s2 =	sld [smem:$0x3FFC];
	_ =	sdelay $0x3  }
0x94: {  	_ =	strace s2  }
0x95: {  	s2 =	sld [smem:$0x3FFD];
	_ =	sdelay $0x3  }
0x96: {  	_ =	strace s2  }
0x97: {  	_ =	strace $0x8FFFFFFF  }
0x98: {  	s18 =	sld [smem:$0x3FDB];
	_ =	sdelay $0x1  }
0x99: {  	s19 =	simm.s32 $_scs_section_size  }
0x9a: {  	s4 =	simm.s32 $_size__tile_overlayer_lowered;
	s5 =	simm.s32 $_tile_overlayer_lowered  }
0x9b: {  	s22 =	simm.s32 $0x1BFF;
	s21 =	sshll.u32 s5, $0x1;
	s2 =	sadd.s32 s19, s18  }
0x9c: {  	s6 =	simm.s32 $0x0;
	s20 =	sshll.u32 s4, $0x1;
	s4 =	sadd.s32 s21, s2  }
0x9d: {  	[timem:s6], [sflag:s22] =	dma.local [hbm:s4], s20  }
0x9e: {  	_ =	swait.ge [sflag:s22], s20  }
0x9f: {  	s3 =	ssub.s32 $0x0, s20;
	[sflag:s22] =	ssyncset.done $0x0  }
0xa0: {  	[sflag:s22] =	ssyncadd.s32 s3;
	_ =	sdelay $0x1  }
0xa1: {  	s23 =	simm.s32 $0x1B8B  }
0xa2: {  	_ =	swait.ge [sflag:s23], $0x1  }
0xa3: {  	[sflag:s23] =	ssyncset.done $0x0  }
0xa4: {  	s25 =	simm.s32 $0x1B8E;
	s24 =	sld [smem:$0x3FFE];
	[sflag:s23] =	ssyncadd.s32 $0xFFFFFFFF  }
0xa5: {  	s26 =	simm.s32 $execute0_lowered;
	[smem:$0x3FD2] =	sst s25  }
0xa6: {  	s4 =	sshll.u32 s26, $0x1;
	_ =	strace $0x80000046;
	[dreg:$0x1] =	wrdreg $0xFFFFFFFF  }
0xa7: {  	s28 =	simm.s32 $_size_execute0_lowered;
	s2 =	sadd.s32 s2, s4;
	[dreg:$0x0] =	wrdreg $0x0  }
0xa8: {  	s4 =	sshll.u32 s28, $0x1;
	[dreg:$0x2] =	wrdreg s2  }
0xa9: {  	[dreg:$0x3] =	wrdreg s4  }
0xaa: {  	[dreg:$0x4] =	wrdreg $0xC0  }
0xab: {  	_ =	task [dreg:s6], $0x5FFFF  }
0xac: {  	[dreg:$0x1] =	wrdreg $0xFFFFFFFF  }
0xad: {  	[dreg:$0x0] =	wrdreg $0x60  }
0xae: {  	[dreg:$0x2] =	wrdreg s24  }
0xaf: {  	[dreg:$0x3] =	wrdreg $0x0  }
0xb0: {  	[dreg:$0x4] =	wrdreg $0x9  }
0xb1: {  	_ =	task.clear_ibuf [dreg:s6], $0x5FFFF;
	_ =	strace $0x90000046  }
0xb2: {  	s29 =	simm.s32 $0x9;
	_ =	strace $0x80000048  }
0xb3: {  	_ =	swait.ge [sflag:s29], $0x1  }
0xb4: {  	[sflag:s29] =	ssyncadd.s32 $0xFFFFFFFF  }
0xb5: {  	_ =	strace $0x90000048  }
0xb6: {  	_ =	sfence  }
0xb7: {  	s30 =	sld [smem:$0x0];
	_ =	sdelay $0x2  }
0xb8: {  	s31 =	sshll.u32 s1, $0xD;
	s1 =	sshrl.u32 s1, $0x2  }
0xb9: {  	s3 =	sand.u32 $0x4000, s31;
	s1 =	sadd.s32 s1, s30  }
0xba: {  	s0 =	sor.u32 s3, s0;
	s1 =	sshll.u32 s1, $0x11  }
0xbb: {  	s0 =	sor.u32 s1, s0  }
0xbc: {  	s0 =	sadd.s32 $0x8F2B, s0  }
0xbd: {  	[sflag:s0] =	ssyncadd.remote.s32 $0x1  }
0xbe: {  	_ =	sfence.sel $0xFFFF  }
0xbf: {  	[dreg:$0x0] =	wrdreg $0xFFFFFFFF;
	(pc) =	sbr.abs _section_cstart, $3  }
0xc0: {  	[dreg:$0x1] =	wrdreg $0xFFFFFFFF  }
0xc1: {  	_ =	task.clear_ibuf [dreg:s6], $0x2FFFF;
	_ =	strace $0x9FFFFFFF  }
0xc2: {  	(tm) =	ssettm $0x7FFFFFFF  }
0xc3: {  	_ =	shalt  }
tec
execute0_lowered:
.L_overlay_start_1:
0x0: {  	(tag) =	ssettag $0x1  }
0x1: {  	s6 =	rddreg [dreg:$0x0]  }
0x2: {  	s2 =	rddreg [dreg:$0x1]  }
0x3: {  	s0 =	srdreg.scid;
	s1 =	rddreg [dreg:$0x2]  }
0x4: {  	s3 =	simm.s32 $0x0;
	s13 =	simm.s32 $0x2;
	s14 =	simm.s32 $0x13C00  }
0x5: {  	s15 =	simm.s32 $0x80;
	s16 =	simm.s32 $0x13C80;
	s4 =	sand.u32 $0x1, s0  }
0x6: {  	s17 =	simm.s32 $0x13D00;
	s0 =	stileid.u32;
	s5 =	smul.u32 $0xA000, s4  }
0x7: {  	s18 =	simm.s32 $0x13D80;
	s19 =	simm.s32 $0x13E00;
	s7 =	smul.u32 $0xA00, s0  }
0x8: {  	s20 =	simm.s32 $0x13E80;
	s21 =	simm.s32 $0x13F00;
	s8 =	smul.u32 $0x2780, s0  }
0x9: {  	s22 =	simm.s32 $0x13F80;
	s23 =	simm.s32 $0x1;
	s9 =	smul.u32 $0x27800, s4  }
0xa: {  	[smem:$0x7FF] =	sst s3;
	s26 =	smul.u32 $0x4F000, s0;
	s29 =	ssub.s32 $0x2, s4  }
0xb: {  	s24 =	simm.s32 $0x0;
	_ =	strace $0x80000047;
	s31 =	sshrl.u32 s29, $0x1  }
0xc: {  	s5 =	sadd.s32 s7, s5;
	s28 =	sadd.s32 s8, s9;
	s30 =	sshrl.u32 s26, $0x2  }
0xd: {  	s12 =	ssub.s32 s29, s31;
	s10 =	sadd.s32 s5, s6;
	s4 =	sadd.s32 s30, s2  }
0xe: {  	s11 =	sadd.s32 s28, s6;
	s5 =	sadd.s32 $0x4000, s4;
	s6 =	sadd.s32 $0x8000, s4  }
0xf: {  	s7 =	sadd.s32 $0xC000, s4;
	s8 =	sadd.s32 $0x10000, s4;
	s9 =	sadd.s32 $0x17400, s10  }
0x10: {  	v0 =	vimm.f32 $0.0e+00;
	v1 =	vimm.f32 $1.000000000e+00;
	s10 =	sadd.s32 $0x2B400, s11;
	s11 =	smax.u32 s12, $0x1;
	s12 =	simm.s32 $0x18C00  }
.LBB2_1:
0x11: {  	s25 =	simm.s32 $0x0;
	s26 =	simm.s32 $0x200  }
.LBB2_2:
0x12: {  	p0 =	sne.s32 s26, $0xFE00;
	[tilespmem:s25+$0x18C70] =	vst v0  }
0x13: {  	[tilespmem:s25+$0x18C00] =	vst v0  }
0x14: {  	[tilespmem:s25+$0x18C10] =	vst v0  }
.Ltmp0:
0x15: {  	[tilespmem:s25+$0x18C20] =	vst v0;
	(pc) =	sbr.rel @p0 .LBB2_2-.Ltmp0, $4  }
0x16: {  	[tilespmem:s25+$0x18C30] =	vst v0  }
0x17: {  	[tilespmem:s25+$0x18C40] =	vst v0  }
0x18: {  	[tilespmem:s25+$0x18C50] =	vst v0  }
0x19: {  	[tilespmem:s25+$0x18C60] =	vst v0;
	s25 =	sshra.s32 s26, $0x2;
	s26 =	sadd.s32 $0x200, s26  }
0x1a: {  	[tilespmem:s25+$0x18C70] =	vst v0  }
0x1b: {  	[tilespmem:s25+$0x18C00] =	vst v0  }
0x1c: {  	[tilespmem:s25+$0x18C10] =	vst v0  }
0x1d: {  	[tilespmem:s25+$0x18C20] =	vst v0  }
0x1e: {  	[tilespmem:s25+$0x18C30] =	vst v0  }
0x1f: {  	[tilespmem:s25+$0x18C40] =	vst v0  }
0x20: {  	[tilespmem:s25+$0x18C50] =	vst v0  }
0x21: {  	[tilespmem:s25+$0x18C60] =	vst v0  }
0x22: {  	[spmem:s4] =	stream.linear.scatter [tilespmem:s12], [sflag:$0x2], $0x4000, $0x38;
	[tilespmem:$0x1CC00] =	vst v63  }
0x23: {  	_ =	swait.ge [sflag:s13], $0x4000  }
0x24: {  	[sflag:s13] =	ssyncset.done $0x0  }
0x25: {  	[sflag:s13] =	ssyncadd.s32 $0xFFFFC000  }
0x26: {  	[spmem:s5] =	stream.linear.scatter [tilespmem:s12], [sflag:$0x2], $0x4000, $0x38;
	[tilespmem:$0x1CC00] =	vst v63  }
0x27: {  	_ =	swait.ge [sflag:s13], $0x4000  }
0x28: {  	[sflag:s13] =	ssyncset.done $0x0  }
0x29: {  	[sflag:s13] =	ssyncadd.s32 $0xFFFFC000  }
0x2a: {  	[spmem:s6] =	stream.linear.scatter [tilespmem:s12], [sflag:$0x2], $0x4000, $0x38;
	[tilespmem:$0x1CC00] =	vst v63  }
0x2b: {  	_ =	swait.ge [sflag:s13], $0x4000  }
0x2c: {  	[sflag:s13] =	ssyncset.done $0x0  }
0x2d: {  	[sflag:s13] =	ssyncadd.s32 $0xFFFFC000  }
0x2e: {  	[spmem:s7] =	stream.linear.scatter [tilespmem:s12], [sflag:$0x2], $0x4000, $0x38;
	[tilespmem:$0x1CC00] =	vst v63  }
0x2f: {  	_ =	swait.ge [sflag:s13], $0x4000  }
0x30: {  	[sflag:s13] =	ssyncset.done $0x0  }
0x31: {  	[sflag:s13] =	ssyncadd.s32 $0xFFFFC000  }
0x32: {  	[spmem:s8] =	stream.linear.scatter [tilespmem:s12], [sflag:$0x2], $0x3C00, $0x38;
	[tilespmem:$0x1CC00] =	vst v63  }
0x33: {  	_ =	swait.ge [sflag:s13], $0x3C00  }
0x34: {  	[sflag:s13] =	ssyncset.done $0x0  }
0x35: {  	s25 =	simm.s32 $0x0;
	s26 =	simm.s32 $0x200;
	[sflag:s13] =	ssyncadd.s32 $0xFFFFC400  }
.LBB2_4:
0x36: {  	p0 =	sne.s32 s26, $0xFE00;
	[tilespmem:s25+$0x18C70] =	vst v1  }
0x37: {  	[tilespmem:s25+$0x18C00] =	vst v1  }
0x38: {  	[tilespmem:s25+$0x18C10] =	vst v1  }
.Ltmp1:
0x39: {  	[tilespmem:s25+$0x18C20] =	vst v1;
	(pc) =	sbr.rel @p0 .LBB2_4-.Ltmp1, $4  }
0x3a: {  	[tilespmem:s25+$0x18C30] =	vst v1  }
0x3b: {  	[tilespmem:s25+$0x18C40] =	vst v1  }
0x3c: {  	[tilespmem:s25+$0x18C50] =	vst v1  }
0x3d: {  	[tilespmem:s25+$0x18C60] =	vst v1;
	s25 =	sshra.s32 s26, $0x2;
	s26 =	sadd.s32 $0x200, s26  }
0x3e: {  	[tilespmem:s25+$0x18C70] =	vst v1  }
0x3f: {  	[tilespmem:s25+$0x18C00] =	vst v1  }
0x40: {  	[tilespmem:s25+$0x18C10] =	vst v1  }
0x41: {  	[tilespmem:s25+$0x18C20] =	vst v1  }
0x42: {  	[tilespmem:s25+$0x18C30] =	vst v1  }
0x43: {  	[tilespmem:s25+$0x18C40] =	vst v1  }
0x44: {  	[tilespmem:s25+$0x18C50] =	vst v1  }
0x45: {  	[tilespmem:s25+$0x18C60] =	vst v1  }
0x46: {  	[tilespmem:s14], [sflag:$0x2] =	stream.linear.gather [hbm4b:s9+s3], $0x5000, $0x38;
	[tilespmem:$0x1CC00] =	vst v63  }
0x47: {  	_ =	swait.ge [sflag:s13], $0x5000  }
0x48: {  	[sflag:s13] =	ssyncset.done $0x0  }
0x49: {  	[sflag:s13] =	ssyncadd.s32 $0xFFFFB000  }
0x4a: {  	[bflag:$0x0] =	sbarrier.arrive $0xFFFF  }
0x4b: {  	[spmem:s2] =	stream.indirect.scatter.add.f32 [tilespmem:s12], [sflag:$0x1], $0x80, s14, s15, $0xb8;
	[tilespmem:$0x1CC00] =	vst v63  }
0x4c: {  	_ = 	snop  }
0x4d: {  	[spmem:s2] =	stream.indirect.scatter.add.f32 [tilespmem:s12], [sflag:$0x1], $0x80, s16, s15, $0xb8;
	[tilespmem:$0x1CC00] =	vst v63  }
0x4e: {  	_ = 	snop  }
0x4f: {  	[spmem:s2] =	stream.indirect.scatter.add.f32 [tilespmem:s12], [sflag:$0x1], $0x80, s17, s15, $0xb8;
	[tilespmem:$0x1CC00] =	vst v63  }
0x50: {  	_ = 	snop  }
0x51: {  	[spmem:s2] =	stream.indirect.scatter.add.f32 [tilespmem:s12], [sflag:$0x1], $0x80, s18, s15, $0xb8;
	[tilespmem:$0x1CC00] =	vst v63  }
0x52: {  	_ = 	snop  }
0x53: {  	[spmem:s2] =	stream.indirect.scatter.add.f32 [tilespmem:s12], [sflag:$0x1], $0x80, s19, s15, $0xb8;
	[tilespmem:$0x1CC00] =	vst v63  }
0x54: {  	_ = 	snop  }
0x55: {  	[spmem:s2] =	stream.indirect.scatter.add.f32 [tilespmem:s12], [sflag:$0x1], $0x80, s20, s15, $0xb8;
	[tilespmem:$0x1CC00] =	vst v63  }
0x56: {  	_ = 	snop  }
0x57: {  	[spmem:s2] =	stream.indirect.scatter.add.f32 [tilespmem:s12], [sflag:$0x1], $0x80, s21, s15, $0xb8;
	[tilespmem:$0x1CC00] =	vst v63  }
0x58: {  	_ = 	snop  }
0x59: {  	[spmem:s2] =	stream.indirect.scatter.add.f32 [tilespmem:s12], [sflag:$0x1], $0x80, s22, s15, $0xb8;
	[tilespmem:$0x1CC00] =	vst v63  }
0x5a: {  	_ =	swait.ge [sflag:s23], $0x4000  }
0x5b: {  	[sflag:s23] =	ssyncset.done $0x0  }
0x5c: {  	s25 =	simm.s32 $0x1200;
	s26 =	simm.s32 $0x14000;
	[sflag:s23] =	ssyncadd.s32 $0xFFFFC000  }
.LBB2_6:
0x5d: {  	[spmem:s2] =	stream.indirect.scatter.add.f32 [tilespmem:s12], [sflag:$0x1], $0x80, s26, s15, $0xb8;
	[tilespmem:$0x1CC00] =	vst v63  }
0x5e: {  	s26 =	smov.u32 s25;
	p0 =	sne.s32 s25, $0x13E00  }
.Ltmp2:
0x5f: {  	s25 =	sadd.s32 $0x200, s25;
	(pc) =	sbr.rel @p0 .LBB2_6-.Ltmp2, $4  }
0x60: {  	_ = 	snop  }
0x61: {  	_ =	swait.ge [sflag:s23], $0x4000  }
0x62: {  	s26 =	sshra.s32 s26, $0x2;
	[sflag:s23] =	ssyncset.done $0x0  }
0x63: {  	s26 =	sadd.s32 $0x13C00, s26;
	[sflag:s23] =	ssyncadd.s32 $0xFFFFC000  }
0x64: {  	[spmem:s2] =	stream.indirect.scatter.add.f32 [tilespmem:s12], [sflag:$0x1], $0x80, s26, s15, $0xb8;
	[tilespmem:$0x1CC00] =	vst v63  }
0x65: {  	_ =	swait.ge [sflag:s23], $0x4000  }
0x66: {  	[sflag:s23] =	ssyncset.done $0x0  }
0x67: {  	[sflag:s23] =	ssyncadd.s32 $0xFFFFC000  }
0x68: {  	_ =	swait.ge [sflag:s23], $0x4000  }
0x69: {  	[sflag:s23] =	ssyncset.done $0x0  }
0x6a: {  	[sflag:s23] =	ssyncadd.s32 $0xFFFFC000  }
0x6b: {  	_ =	swait.ge [sflag:s23], $0x4000  }
0x6c: {  	[sflag:s23] =	ssyncset.done $0x0  }
0x6d: {  	[sflag:s23] =	ssyncadd.s32 $0xFFFFC000  }
0x6e: {  	_ =	swait.ge [sflag:s23], $0x4000  }
0x6f: {  	[sflag:s23] =	ssyncset.done $0x0  }
0x70: {  	[sflag:s23] =	ssyncadd.s32 $0xFFFFC000  }
0x71: {  	_ =	swait.ge [sflag:s23], $0x4000  }
0x72: {  	[sflag:s23] =	ssyncset.done $0x0  }
0x73: {  	[sflag:s23] =	ssyncadd.s32 $0xFFFFC000  }
0x74: {  	_ =	swait.ge [sflag:s23], $0x4000  }
0x75: {  	[sflag:s23] =	ssyncset.done $0x0  }
0x76: {  	[sflag:s23] =	ssyncadd.s32 $0xFFFFC000  }
0x77: {  	_ =	swait.ge [sflag:s23], $0x4000  }
0x78: {  	[sflag:s23] =	ssyncset.done $0x0  }
0x79: {  	[sflag:s23] =	ssyncadd.s32 $0xFFFFC000  }
0x7a: {  	_ =	swait.ge [sflag:s23], $0x4000  }
0x7b: {  	s25 =	sshll.u32 s0, $0x6;
	s24 =	sadd.s32 $0x1, s24;
	[sflag:s23] =	ssyncset.done $0x0  }
0x7c: {  	s31 =	sshrl.u32 s4, $0x3;
	p0 =	sne.s32 s24, s11;
	[sflag:s23] =	ssyncadd.s32 $0xFFFFC000  }
.Ltmp3:
0x7d: {  	s25 =	sor.u32 $0x1C02, s25;
	[bflag:$0x0] =	sbarrier.arrive $0xFFFF;
	(pc) =	sbr.rel @p0 .LBB2_1-.Ltmp3, $4  }
0x7e: {  	[hbm:s10], [sflag:s25] =	dma.local [spmem:s31], $0x2780  }
0x7f: {  	_ =	swait.ge [sflag:s13], $0x2780  }
0x80: {  	[sflag:s13] =	ssyncset.done $0x0  }
0x81: {  	[sflag:s13] =	ssyncadd.s32 $0xFFFFD880  }
0x82: {  	_ =	sfence.sel $0x180000  }
0x83: {  	[bflag:$0x0] =	sbarrier.arrive $0xFFFF  }
0x84: {  	p0 =	sne.s32 s0, $0x0;
	_ =	strace $0x90000047  }
0x85: {  	s0 =	sadd.s32 @!p0 $0x100000, s1;
	[bflag:$0x2] =	sbarrier.arrive $0xFFFF  }
0x86: {  	[sflag:s0] =	ssyncadd.tile.s32 @!p0 $0x1;
	_ =	shalt  }
.Lfunc_end2:
_tile_overlayer_lowered:
.L_overlay_start_2:
0x87: {  	(tag) =	ssettag $0x2  }
0x88: {  	s0 =	rddreg [dreg:$0x0];
	s2 =	stileid.u32  }
0x89: {  	s1 =	rddreg [dreg:$0x1];
	p0 =	sne.s32 s2, $0x0  }
0x8a: {  	s3 =	rddreg [dreg:$0x2];
	[bflag:$0x3] =	sbarrier.arrive $0xFFFF;
	s2 =	simm.s32 @!p0 $0x1C02  }
0x8b: {  	[timem:s3], [sflag:s2] =	dma.local @!p0 [hbm:s0], s1  }
0x8c: {  	s0 =	simm.s32 @!p0 $0x2  }
0x8d: {  	_ =	swait.ge @!p0 [sflag:s0], s1  }
0x8e: {  	s1 =	ssub.s32 @!p0 $0x0, s1;
	[sflag:s0] =	ssyncset.done @!p0 $0x0  }
0x8f: {  	[sflag:s0] =	ssyncadd.s32 @!p0 s1  }
0x90: {  	[bflag:$0x3] =	sbarrier.arrive $0xFFFF  }
0x91: {  	_ =	shalt  }

</sc_bundles>
